<compile_context>
chip_gen: v7x
topology: tpu7x:2x2x1
jax: 0.10.2.dev20260603
libtpu: 0.0.44.dev20260713+nightly
codegen_flags: <defaults>
</compile_context>

<pallas_src>
import functools

import jax
import jax.numpy as jnp
from jax import lax
from jax.experimental import pallas as pl
from jax.experimental.pallas import tpu as pltpu
from jax.experimental.pallas import tpu_sc as plsc

N = 10000
E = 320000
C = 128
NC, NS = 2, 16
NW = NC * NS
CHUNK = 120
CPT = 84
EPT = E // NW
PADT = CPT * CHUNK - EPT
E_PAD = NW * CPT * CHUNK
NP = N + 8
U = 12
NACH = NP // CHUNK
AZTAIL = NP - NACH * CHUNK
WTAIL = N - NACH * CHUNK
NCC = NP // 128
CZTAIL = NP - NCC * 128


def _proj_body(x_ref, t_ref, wl_ref, bl_ref, wt_ref, bt_ref, av_ref, tv_ref,
               y_ref, w_ref):
    xt = jnp.dot(x_ref[...], wl_ref[...],
                 preferred_element_type=jnp.float32) + bl_ref[...]
    tp = jnp.dot(t_ref[...], wt_ref[...],
                 preferred_element_type=jnp.float32) + bt_ref[...]
    a = (jnp.dot(xt, av_ref[...], preferred_element_type=jnp.float32)
         + jnp.dot(tp, tv_ref[...], preferred_element_type=jnp.float32))
    l = jnp.where(a >= 0.0, a, 0.2 * a)
    w = jnp.exp(l - jnp.max(l))
    y_ref[pl.ds(0, N), :] = xt * w
    y_ref[pl.ds(N, NP - N), :] = jnp.zeros((NP - N, C), jnp.float32)
    w_ref[...] = w


_proj = pl.pallas_call(
    _proj_body,
    out_shape=[jax.ShapeDtypeStruct((NP, C), jnp.float32),
               jax.ShapeDtypeStruct((N, 1), jnp.float32)],
)


def _scatter_body(rowp_hbm, colp_hbm, y_hbm, out0, out1, cnt0, cnt1,
                  colb, rowb, rows_v, ones_v, zc_v, acc_s, cnt_s,
                  gsem0, gsem1, gsem2, ssem0, ssem1, ssem2, csem0, csem1,
                  isem):
    c = lax.axis_index("c")
    s = lax.axis_index("s")
    wid = s * NC + c
    gsem = (gsem0, gsem1, gsem2)
    ssem = (ssem0, ssem1, ssem2)
    csem = (csem0, csem1)
    tbase = wid * CPT

    def _idx_issue(j):
        off = pl.multiple_of((tbase + j) * CHUNK, 8)
        pltpu.async_copy(colp_hbm.at[pl.ds(off, CHUNK)], colb.at[j % 4], isem)
        pltpu.async_copy(rowp_hbm.at[pl.ds(off, CHUNK)], rowb.at[j % 4], isem)

    def _idx_wait(j):
        off = pl.multiple_of((tbase + j) * CHUNK, 8)
        pltpu.make_async_copy(colp_hbm.at[pl.ds(off, CHUNK)],
                              colb.at[j % 4], isem).wait()
        pltpu.make_async_copy(rowp_hbm.at[pl.ds(off, CHUNK)],
                              rowb.at[j % 4], isem).wait()

    def _zrow(r, _):
        for j in range(C // 16):
            rows_v[0, r, pl.ds(j * 16, 16)] = jnp.zeros((16,), jnp.float32)
        return 0
    lax.fori_loop(0, CHUNK, _zrow, 0)

    def _zc(i, _):
        zc_v[pl.ds(i * 16, 16)] = jnp.zeros((16,), jnp.float32)
        return 0
    lax.fori_loop(0, 128 // 16, _zc, 0)

    def _ones(i, _):
        ones_v[pl.ds(i * 16, 16)] = jnp.ones((16,), jnp.float32)
        return 0
    lax.fori_loop(0, 128 // 16, _ones, 0)

    for j in range(3):
        _idx_issue(j)

    def _zacc(i, _):
        off = pl.multiple_of((i * NS + s) * CHUNK, 8)
        pltpu.sync_copy(rows_v.at[0], acc_s.at[pl.ds(off, CHUNK)])
        return 0
    lax.fori_loop(0, (NACH - s + NS - 1) // NS, _zacc, 0)

    @pl.when(s == 0)
    def _():
        pltpu.sync_copy(rows_v.at[0, pl.ds(0, AZTAIL)],
                        acc_s.at[pl.ds(NACH * CHUNK, AZTAIL)])

    def _zcnt(i, _):
        off = pl.multiple_of((i * NS + s) * 128, 8)
        pltpu.sync_copy(zc_v, cnt_s.at[pl.ds(off, 128)])
        return 0
    lax.fori_loop(0, (NCC - s + NS - 1) // NS, _zcnt, 0)

    @pl.when(s == 1)
    def _():
        pltpu.sync_copy(zc_v.at[pl.ds(0, CZTAIL)],
                        cnt_s.at[pl.ds(NCC * 128, CZTAIL)])

    plsc.subcore_barrier()

    _idx_wait(0)
    _idx_wait(1)
    pltpu.async_copy(y_hbm.at[colb.at[0]], rows_v.at[0], gsem[0])
    pltpu.async_copy(y_hbm.at[colb.at[1]], rows_v.at[1], gsem[1])

    def _chunk(j, k):
        b3, b4 = k % 3, k % 4
        bm3, bm4 = (k - 1) % 3, (k - 1) % 4
        bn3, bn4 = (k + 2) % 3, (k + 2) % 4
        bp4 = (k + 3) % 4
        pltpu.make_async_copy(y_hbm.at[colb.at[b4]], rows_v.at[b3],
                              gsem[b3]).wait()
        pltpu.async_copy(rows_v.at[b3], acc_s.at[rowb.at[b4]], ssem[b3],
                         add=True)
        @pl.when(j >= 1)
        def _():
            pltpu.make_async_copy(rows_v.at[bm3], acc_s.at[rowb.at[bm4]],
                                  ssem[bm3]).wait()
        @pl.when(j + 2 < CPT)
        def _():
            off = pl.multiple_of((tbase + j + 2) * CHUNK, 8)
            pltpu.make_async_copy(colp_hbm.at[pl.ds(off, CHUNK)],
                                  colb.at[bn4], isem).wait()
            pltpu.make_async_copy(rowp_hbm.at[pl.ds(off, CHUNK)],
                                  rowb.at[bn4], isem).wait()
            pltpu.async_copy(y_hbm.at[colb.at[bn4]], rows_v.at[bn3],
                             gsem[bn3])
        pltpu.async_copy(ones_v.at[pl.ds(0, CHUNK)], cnt_s.at[colb.at[b4]],
                         csem[k % 2], add=True)

        @pl.when(j >= 1)
        def _():
            pltpu.make_async_copy(ones_v.at[pl.ds(0, CHUNK)],
                                  cnt_s.at[colb.at[bm4]],
                                  csem[(k - 1) % 2]).wait()
        @pl.when(j + 3 < CPT)
        def _():
            off = pl.multiple_of((tbase + j + 3) * CHUNK, 8)
            pltpu.async_copy(colp_hbm.at[pl.ds(off, CHUNK)], colb.at[bp4],
                             isem)
            pltpu.async_copy(rowp_hbm.at[pl.ds(off, CHUNK)], rowb.at[bp4],
                             isem)

    def _block(g, _):
        for k in range(U):
            _chunk(g * U + k, k)
        return 0
    lax.fori_loop(0, CPT // U, _block, 0)

    pltpu.make_async_copy(rows_v.at[(CPT - 1) % 3],
                          acc_s.at[rowb.at[(CPT - 1) % 4]],
                          ssem[(CPT - 1) % 3]).wait()
    pltpu.make_async_copy(ones_v.at[pl.ds(0, CHUNK)],
                          cnt_s.at[colb.at[(CPT - 1) % 4]],
                          csem[(CPT - 1) % 2]).wait()

    plsc.subcore_barrier()

    def _wb(out_hbm, cnt_hbm):
        def _w(i, _):
            off = pl.multiple_of((i * NS + s) * CHUNK, 8)
            pltpu.sync_copy(acc_s.at[pl.ds(off, CHUNK)],
                            out_hbm.at[pl.ds(off, CHUNK)])
            return 0
        lax.fori_loop(0, (NACH - s + NS - 1) // NS, _w, 0)

        @pl.when(s == 0)
        def _():
            pltpu.sync_copy(acc_s.at[pl.ds(NACH * CHUNK, WTAIL)],
                            out_hbm.at[pl.ds(NACH * CHUNK, WTAIL)])

        @pl.when(s == 1)
        def _():
            pltpu.sync_copy(cnt_s, cnt_hbm)

    @pl.when(c == 0)
    def _():
        _wb(out0, cnt0)

    @pl.when(c == 1)
    def _():
        _wb(out1, cnt1)


@functools.lru_cache(maxsize=1)
def _get_scatter():
    mesh = plsc.VectorSubcoreMesh(core_axis_name="c", subcore_axis_name="s",
                                  num_cores=NC, num_subcores=NS)
    return pl.kernel(
        _scatter_body,
        out_type=[jax.ShapeDtypeStruct((N, C), jnp.float32),
                  jax.ShapeDtypeStruct((N, C), jnp.float32),
                  jax.ShapeDtypeStruct((NP,), jnp.float32),
                  jax.ShapeDtypeStruct((NP,), jnp.float32)],
        mesh=mesh,
        scratch_types=[
            pltpu.VMEM((4, CHUNK), jnp.int32),
            pltpu.VMEM((4, CHUNK), jnp.int32),
            pltpu.VMEM((3, CHUNK, C), jnp.float32),
            pltpu.VMEM((128,), jnp.float32),
            pltpu.VMEM((128,), jnp.float32),
            pltpu.VMEM_SHARED((NP, C), jnp.float32),
            pltpu.VMEM_SHARED((NP,), jnp.float32),
            pltpu.SemaphoreType.DMA,
            pltpu.SemaphoreType.DMA,
            pltpu.SemaphoreType.DMA,
            pltpu.SemaphoreType.DMA,
            pltpu.SemaphoreType.DMA,
            pltpu.SemaphoreType.DMA,
            pltpu.SemaphoreType.DMA,
            pltpu.SemaphoreType.DMA,
            pltpu.SemaphoreType.DMA,
        ],
    )


def _combine_body(p0_ref, p1_ref, c0_ref, c1_ref, w_ref, b_ref, out_ref):
    z = jnp.dot(c0_ref[...] + c1_ref[...], w_ref[...],
                preferred_element_type=jnp.float32)
    out_ref[...] = (p0_ref[...] + p1_ref[...]) * (1.0 / z) + b_ref[...]


_combine = pl.pallas_call(
    _combine_body,
    out_shape=jax.ShapeDtypeStruct((N, C), jnp.float32),
)


def kernel(x, edge_index, topology_features, W_lin, b_lin, W_topo, b_topo,
           att_node, att_topology, bias):
    y, w = _proj(x[0], topology_features[0], W_lin, b_lin.reshape(1, -1),
                 W_topo, b_topo.reshape(1, -1), att_node.reshape(-1, 1),
                 att_topology.reshape(-1, 1))
    padv = jnp.tile(N + (jnp.arange(PADT, dtype=jnp.int32) % 8)[None],
                    (NW, 1))
    rowp = jnp.concatenate(
        [edge_index[0].reshape(NW, EPT), padv], axis=1).reshape(-1)
    colp = jnp.concatenate(
        [edge_index[1].reshape(NW, EPT), padv], axis=1).reshape(-1)
    p0, p1, c0, c1 = _get_scatter()(rowp, colp, y)
    out = _combine(p0, p1, c0[:N].reshape(1, -1), c1[:N].reshape(1, -1), w,
                   bias.reshape(1, -1))
    return out.reshape(1, N, -1), topology_features

# --- scband reference (transcript-rebuilt; emitter-appended) ---
"""Pipeline reference for scband-gcalayer-32839319945344 (READ-ONLY COPY).

The authoritative reference and input builder live on the scoring server;
editing this copy changes nothing except your own understanding.
"""

import jax, jax.numpy as jnp
import numpy as np

B, N, E = 1, 10000, 320000
CIN, CT, H, CO = 128, 128, 1, 128


def setup_inputs(seed: int = 0) -> dict:
    key = jax.random.key(seed)
    ks = jax.random.split(key, 10)
    x = jax.random.normal(ks[0], (B, N, CIN), dtype=jnp.float32)
    topology_features = jax.random.normal(ks[1], (B, N, CT), dtype=jnp.float32)
    edge_index = jax.random.randint(ks[2], (2, E), 0, N, dtype=jnp.int32)
    W_lin = jax.random.normal(ks[3], (CIN, H * CO), dtype=jnp.float32) / jnp.sqrt(CIN)
    b_lin = jnp.zeros((H * CO,), dtype=jnp.float32)
    W_topo = jax.random.normal(ks[4], (CT, H * CO), dtype=jnp.float32) / jnp.sqrt(CT)
    b_topo = jnp.zeros((H * CO,), dtype=jnp.float32)
    att_node = jax.random.normal(ks[5], (1, H, CO), dtype=jnp.float32) / jnp.sqrt(CO)
    att_topology = jax.random.normal(ks[6], (1, H, CO), dtype=jnp.float32) / jnp.sqrt(CO)
    bias = jnp.zeros((H * CO,), dtype=jnp.float32)
    return {"x": x, "edge_index": edge_index, "topology_features": topology_features,
            "W_lin": W_lin, "b_lin": b_lin, "W_topo": W_topo, "b_topo": b_topo,
            "att_node": att_node, "att_topology": att_topology, "bias": bias}


def reference(x, edge_index, topology_features, W_lin, b_lin, W_topo, b_topo, att_node, att_topology, bias):
    Bb, Nn, _ = x.shape
    Hh, Cout = att_node.shape[1], att_node.shape[2]
    row, col = edge_index[0], edge_index[1]
    # lin projection
    xt = (x @ W_lin + b_lin).reshape(Bb, Nn, Hh, Cout)
    x_j = xt[:, col]  # [B, E, H, Co]
    # topology projection
    topo = (topology_features @ W_topo + b_topo).reshape(Bb, Nn, Hh, Cout)
    topo_j = topo[:, col]  # [B, E, H, Co]
    # attention logits (att_* broadcast [1,H,Co] -> [1,1,H,Co])
    alpha_node = (x_j * att_node).sum(axis=-1)          # [B, E, H]
    alpha_topology = (topo_j * att_topology).sum(axis=-1)  # [B, E, H]
    alpha = jax.nn.leaky_relu(alpha_node + alpha_topology, negative_slope=0.2)
    alpha = jax.nn.softmax(alpha, axis=1)  # softmax over edges (dim=1), as in torch code
    # dropout p=0.0 -> no-op
    msgs = x_j * alpha[..., None]  # [B, E, H, Co]
    out = jnp.zeros((Bb, Nn, Hh, Cout), dtype=x.dtype).at[:, row].add(msgs)
    out = out.reshape(Bb, Nn, Hh * Cout)  # concat=True
    out = out + bias
    return (out, topology_features)

if __name__ == "__main__":
    import jax
    _d = setup_inputs()
    print(jax.jit(kernel)(*tuple(_d.values())))

</pallas_src>

<mosaic_0001>
#map = affine_map<(d0, d1) -> (0)>
#map1 = affine_map<(d0, d1) -> (0, 0)>
module attributes {stable_mosaic.version = 14 : i64} {
  func.func @_scatter_body(%arg0: i32, %arg1: i32, %arg2: memref<322560xi32, #tpu.memory_space<hbm>>, %arg3: memref<322560xi32, #tpu.memory_space<hbm>>, %arg4: memref<10008x128xf32, #tpu.memory_space<hbm>>, %arg5: memref<10000x128xf32, #tpu.memory_space<hbm>>, %arg6: memref<10000x128xf32, #tpu.memory_space<hbm>>, %arg7: memref<10008xf32, #tpu.memory_space<hbm>>, %arg8: memref<10008xf32, #tpu.memory_space<hbm>>, %arg9: memref<4x120xi32, #tpu.memory_space<vmem>>, %arg10: memref<4x120xi32, #tpu.memory_space<vmem>>, %arg11: memref<3x120x128xf32, #tpu.memory_space<vmem>>, %arg12: memref<128xf32, #tpu.memory_space<vmem>>, %arg13: memref<128xf32, #tpu.memory_space<vmem>>, %arg14: memref<10008x128xf32, #tpu.memory_space<vmem_shared>>, %arg15: memref<10008xf32, #tpu.memory_space<vmem_shared>>, %arg16: memref<!tpu.dma_semaphore, #tpu.memory_space<semaphore_mem>>, %arg17: memref<!tpu.dma_semaphore, #tpu.memory_space<semaphore_mem>>, %arg18: memref<!tpu.dma_semaphore, #tpu.memory_space<semaphore_mem>>, %arg19: memref<!tpu.dma_semaphore, #tpu.memory_space<semaphore_mem>>, %arg20: memref<!tpu.dma_semaphore, #tpu.memory_space<semaphore_mem>>, %arg21: memref<!tpu.dma_semaphore, #tpu.memory_space<semaphore_mem>>, %arg22: memref<!tpu.dma_semaphore, #tpu.memory_space<semaphore_mem>>, %arg23: memref<!tpu.dma_semaphore, #tpu.memory_space<semaphore_mem>>, %arg24: memref<!tpu.dma_semaphore, #tpu.memory_space<semaphore_mem>>) attributes {dimension_semantics = [#tpu.dimension_semantics<core_parallel>, #tpu.dimension_semantics<subcore_parallel>], iteration_bounds = array<i64: 2, 16>, scalar_prefetch = 0 : i64, scratch_operands = 16 : i64, tpu.core_type = #tpu.core_type<sc_vector_subcore>, window_params = [{transform_indices = #map}, {transform_indices = #map}, {transform_indices = #map1}, {transform_indices = #map1}, {transform_indices = #map1}, {transform_indices = #map}, {transform_indices = #map}]} {
    %mul3A = arith.constant 2 : i32
    %mul3A_0 = arith.muli %arg1, %mul3A : i32
    %add3A = arith.addi %mul3A_0, %arg0 : i32
    %mul3A_1 = arith.constant 84 : i32
    %mul3A_2 = arith.muli %add3A, %mul3A_1 : i32
    %scan3A = arith.constant 0 : i32
    %scan3A_3 = arith.constant 0 : i32
    %scan3A_4 = arith.constant 120 : i32
    %scan3A_5 = arith.addi %scan3A_3, %scan3A_4 : i32
    %scan3A_6 = arith.constant 1 : i32
    %scan3A_7 = scf.for %scan3A_279 = %scan3A_3 to %scan3A_5 step %scan3A_6 iter_args(%scan3A_280 = %scan3A) -> (i32)  : i32 {
      %broadcast_in_dim3A = arith.constant 0.000000e+00 : f32
      %broadcast_in_dim3A_281 = vector.broadcast %broadcast_in_dim3A : f32 to vector<16xf32>
      %swap3A = arith.constant 0 : i32
      %swap3A_282 = arith.index_cast %swap3A : i32 to index
      %swap3A_283 = arith.index_cast %scan3A_279 : i32 to index
      %swap3A_284 = arith.constant 0 : index
      %swap3A_285 = tpu.vector_load %arg11[%swap3A_282, %swap3A_283, %swap3A_284] {strides = array<i32>} : memref<3x120x128xf32, #tpu.memory_space<vmem>>, vector<1x1x16xf32>,
      %swap3A_286 = vector.shape_cast %swap3A_285 : vector<1x1x16xf32> to vector<16xf32>
      %swap3A_287 = vector.shape_cast %broadcast_in_dim3A_281 : vector<16xf32> to vector<1x1x16xf32>
      tpu.vector_store %arg11[%swap3A_282, %swap3A_283, %swap3A_284], %swap3A_287 {strides = array<i32>} : memref<3x120x128xf32, #tpu.memory_space<vmem>>, vector<1x1x16xf32>,
      %broadcast_in_dim3A_288 = arith.constant 0.000000e+00 : f32
      %broadcast_in_dim3A_289 = vector.broadcast %broadcast_in_dim3A_288 : f32 to vector<16xf32>
      %swap3A_290 = arith.constant 0 : i32
      %swap3A_291 = arith.index_cast %swap3A_290 : i32 to index
      %swap3A_292 = arith.index_cast %scan3A_279 : i32 to index
      %swap3A_293 = arith.constant 16 : index
      %swap3A_294 = tpu.vector_load %arg11[%swap3A_291, %swap3A_292, %swap3A_293] {strides = array<i32>} : memref<3x120x128xf32, #tpu.memory_space<vmem>>, vector<1x1x16xf32>,
      %swap3A_295 = vector.shape_cast %swap3A_294 : vector<1x1x16xf32> to vector<16xf32>
      %swap3A_296 = vector.shape_cast %broadcast_in_dim3A_289 : vector<16xf32> to vector<1x1x16xf32>
      tpu.vector_store %arg11[%swap3A_291, %swap3A_292, %swap3A_293], %swap3A_296 {strides = array<i32>} : memref<3x120x128xf32, #tpu.memory_space<vmem>>, vector<1x1x16xf32>,
      %broadcast_in_dim3A_297 = arith.constant 0.000000e+00 : f32
      %broadcast_in_dim3A_298 = vector.broadcast %broadcast_in_dim3A_297 : f32 to vector<16xf32>
      %swap3A_299 = arith.constant 0 : i32
      %swap3A_300 = arith.index_cast %swap3A_299 : i32 to index
      %swap3A_301 = arith.index_cast %scan3A_279 : i32 to index
      %swap3A_302 = arith.constant 32 : index
      %swap3A_303 = tpu.vector_load %arg11[%swap3A_300, %swap3A_301, %swap3A_302] {strides = array<i32>} : memref<3x120x128xf32, #tpu.memory_space<vmem>>, vector<1x1x16xf32>,
      %swap3A_304 = vector.shape_cast %swap3A_303 : vector<1x1x16xf32> to vector<16xf32>
      %swap3A_305 = vector.shape_cast %broadcast_in_dim3A_298 : vector<16xf32> to vector<1x1x16xf32>
      tpu.vector_store %arg11[%swap3A_300, %swap3A_301, %swap3A_302], %swap3A_305 {strides = array<i32>} : memref<3x120x128xf32, #tpu.memory_space<vmem>>, vector<1x1x16xf32>,
      %broadcast_in_dim3A_306 = arith.constant 0.000000e+00 : f32
      %broadcast_in_dim3A_307 = vector.broadcast %broadcast_in_dim3A_306 : f32 to vector<16xf32>
      %swap3A_308 = arith.constant 0 : i32
      %swap3A_309 = arith.index_cast %swap3A_308 : i32 to index
      %swap3A_310 = arith.index_cast %scan3A_279 : i32 to index
      %swap3A_311 = arith.constant 48 : index
      %swap3A_312 = tpu.vector_load %arg11[%swap3A_309, %swap3A_310, %swap3A_311] {strides = array<i32>} : memref<3x120x128xf32, #tpu.memory_space<vmem>>, vector<1x1x16xf32>,
      %swap3A_313 = vector.shape_cast %swap3A_312 : vector<1x1x16xf32> to vector<16xf32>
      %swap3A_314 = vector.shape_cast %broadcast_in_dim3A_307 : vector<16xf32> to vector<1x1x16xf32>
      tpu.vector_store %arg11[%swap3A_309, %swap3A_310, %swap3A_311], %swap3A_314 {strides = array<i32>} : memref<3x120x128xf32, #tpu.memory_space<vmem>>, vector<1x1x16xf32>,
      %broadcast_in_dim3A_315 = arith.constant 0.000000e+00 : f32
      %broadcast_in_dim3A_316 = vector.broadcast %broadcast_in_dim3A_315 : f32 to vector<16xf32>
      %swap3A_317 = arith.constant 0 : i32
      %swap3A_318 = arith.index_cast %swap3A_317 : i32 to index
      %swap3A_319 = arith.index_cast %scan3A_279 : i32 to index
      %swap3A_320 = arith.constant 64 : index
      %swap3A_321 = tpu.vector_load %arg11[%swap3A_318, %swap3A_319, %swap3A_320] {strides = array<i32>} : memref<3x120x128xf32, #tpu.memory_space<vmem>>, vector<1x1x16xf32>,
      %swap3A_322 = vector.shape_cast %swap3A_321 : vector<1x1x16xf32> to vector<16xf32>
      %swap3A_323 = vector.shape_cast %broadcast_in_dim3A_316 : vector<16xf32> to vector<1x1x16xf32>
      tpu.vector_store %arg11[%swap3A_318, %swap3A_319, %swap3A_320], %swap3A_323 {strides = array<i32>} : memref<3x120x128xf32, #tpu.memory_space<vmem>>, vector<1x1x16xf32>,
      %broadcast_in_dim3A_324 = arith.constant 0.000000e+00 : f32
      %broadcast_in_dim3A_325 = vector.broadcast %broadcast_in_dim3A_324 : f32 to vector<16xf32>
      %swap3A_326 = arith.constant 0 : i32
      %swap3A_327 = arith.index_cast %swap3A_326 : i32 to index
      %swap3A_328 = arith.index_cast %scan3A_279 : i32 to index
      %swap3A_329 = arith.constant 80 : index
      %swap3A_330 = tpu.vector_load %arg11[%swap3A_327, %swap3A_328, %swap3A_329] {strides = array<i32>} : memref<3x120x128xf32, #tpu.memory_space<vmem>>, vector<1x1x16xf32>,
      %swap3A_331 = vector.shape_cast %swap3A_330 : vector<1x1x16xf32> to vector<16xf32>
      %swap3A_332 = vector.shape_cast %broadcast_in_dim3A_325 : vector<16xf32> to vector<1x1x16xf32>
      tpu.vector_store %arg11[%swap3A_327, %swap3A_328, %swap3A_329], %swap3A_332 {strides = array<i32>} : memref<3x120x128xf32, #tpu.memory_space<vmem>>, vector<1x1x16xf32>,
      %broadcast_in_dim3A_333 = arith.constant 0.000000e+00 : f32
      %broadcast_in_dim3A_334 = vector.broadcast %broadcast_in_dim3A_333 : f32 to vector<16xf32>
      %swap3A_335 = arith.constant 0 : i32
      %swap3A_336 = arith.index_cast %swap3A_335 : i32 to index
      %swap3A_337 = arith.index_cast %scan3A_279 : i32 to index
      %swap3A_338 = arith.constant 96 : index
      %swap3A_339 = tpu.vector_load %arg11[%swap3A_336, %swap3A_337, %swap3A_338] {strides = array<i32>} : memref<3x120x128xf32, #tpu.memory_space<vmem>>, vector<1x1x16xf32>,
      %swap3A_340 = vector.shape_cast %swap3A_339 : vector<1x1x16xf32> to vector<16xf32>
      %swap3A_341 = vector.shape_cast %broadcast_in_dim3A_334 : vector<16xf32> to vector<1x1x16xf32>
      tpu.vector_store %arg11[%swap3A_336, %swap3A_337, %swap3A_338], %swap3A_341 {strides = array<i32>} : memref<3x120x128xf32, #tpu.memory_space<vmem>>, vector<1x1x16xf32>,
      %broadcast_in_dim3A_342 = arith.constant 0.000000e+00 : f32
      %broadcast_in_dim3A_343 = vector.broadcast %broadcast_in_dim3A_342 : f32 to vector<16xf32>
      %swap3A_344 = arith.constant 0 : i32
      %swap3A_345 = arith.index_cast %swap3A_344 : i32 to index
      %swap3A_346 = arith.index_cast %scan3A_279 : i32 to index
      %swap3A_347 = arith.constant 112 : index
      %swap3A_348 = tpu.vector_load %arg11[%swap3A_345, %swap3A_346, %swap3A_347] {strides = array<i32>} : memref<3x120x128xf32, #tpu.memory_space<vmem>>, vector<1x1x16xf32>,
      %swap3A_349 = vector.shape_cast %swap3A_348 : vector<1x1x16xf32> to vector<16xf32>
      %swap3A_350 = vector.shape_cast %broadcast_in_dim3A_343 : vector<16xf32> to vector<1x1x16xf32>
      tpu.vector_store %arg11[%swap3A_345, %swap3A_346, %swap3A_347], %swap3A_350 {strides = array<i32>} : memref<3x120x128xf32, #tpu.memory_space<vmem>>, vector<1x1x16xf32>,
      %scan3A_351 = arith.constant 0 : i32
      scf.yield %scan3A_351 : i32
    }
    %scan3A_8 = arith.constant 120 : i32
    %scan3A_9 = arith.constant 0 : i32
    %scan3A_10 = arith.constant 0 : i32
    %scan3A_11 = arith.constant 8 : i32
    %scan3A_12 = arith.addi %scan3A_10, %scan3A_11 : i32
    %scan3A_13 = arith.constant 1 : i32
    %scan3A_14 = scf.for %scan3A_279 = %scan3A_10 to %scan3A_12 step %scan3A_13 iter_args(%scan3A_280 = %scan3A_9) -> (i32)  : i32 {
      %broadcast_in_dim3A = arith.constant 0.000000e+00 : f32
      %broadcast_in_dim3A_281 = vector.broadcast %broadcast_in_dim3A : f32 to vector<16xf32>
      %mul3A_282 = arith.constant 16 : i32
      %mul3A_283 = arith.muli %scan3A_279, %mul3A_282 : i32
      %swap3A = arith.index_cast %mul3A_283 : i32 to index
      %swap3A_284 = tpu.vector_load %arg13[%swap3A] {strides = array<i32>} : memref<128xf32, #tpu.memory_space<vmem>>, vector<16xf32>,
      %swap3A_285 = vector.shape_cast %swap3A_284 : vector<16xf32> to vector<16xf32>
      %swap3A_286 = vector.shape_cast %broadcast_in_dim3A_281 : vector<16xf32> to vector<16xf32>
      tpu.vector_store %arg13[%swap3A], %swap3A_286 {strides = array<i32>} : memref<128xf32, #tpu.memory_space<vmem>>, vector<16xf32>,
      %scan3A_287 = arith.constant 0 : i32
      scf.yield %scan3A_287 : i32
    }
    %scan3A_15 = arith.constant 8 : i32
    %scan3A_16 = arith.constant 0 : i32
    %scan3A_17 = arith.constant 0 : i32
    %scan3A_18 = arith.constant 8 : i32
    %scan3A_19 = arith.addi %scan3A_17, %scan3A_18 : i32
    %scan3A_20 = arith.constant 1 : i32
    %scan3A_21 = scf.for %scan3A_279 = %scan3A_17 to %scan3A_19 step %scan3A_20 iter_args(%scan3A_280 = %scan3A_16) -> (i32)  : i32 {
      %broadcast_in_dim3A = arith.constant 1.000000e+00 : f32
      %broadcast_in_dim3A_281 = vector.broadcast %broadcast_in_dim3A : f32 to vector<16xf32>
      %mul3A_282 = arith.constant 16 : i32
      %mul3A_283 = arith.muli %scan3A_279, %mul3A_282 : i32
      %swap3A = arith.index_cast %mul3A_283 : i32 to index
      %swap3A_284 = tpu.vector_load %arg12[%swap3A] {strides = array<i32>} : memref<128xf32, #tpu.memory_space<vmem>>, vector<16xf32>,
      %swap3A_285 = vector.shape_cast %swap3A_284 : vector<16xf32> to vector<16xf32>
      %swap3A_286 = vector.shape_cast %broadcast_in_dim3A_281 : vector<16xf32> to vector<16xf32>
      tpu.vector_store %arg12[%swap3A], %swap3A_286 {strides = array<i32>} : memref<128xf32, #tpu.memory_space<vmem>>, vector<16xf32>,
      %scan3A_287 = arith.constant 0 : i32
      scf.yield %scan3A_287 : i32
    }
    %scan3A_22 = arith.constant 8 : i32
    %add3A_23 = arith.constant 0 : i32
    %add3A_24 = arith.addi %mul3A_2, %add3A_23 : i32
    %mul3A_25 = arith.constant 120 : i32
    %mul3A_26 = arith.muli %add3A_24, %mul3A_25 : i32
    %multiple_of3A = tpu.assume_multiple %mul3A_26, 8 : i32
    %dma_start3A = arith.constant 0 : i32
    %dma_start3A_27 = arith.constant 0 : i32
    %dma_start3A_28 = tpu.memref_slice %arg9[%dma_start3A, %dma_start3A_27] : memref<4x120xi32, #tpu.memory_space<vmem>> -> memref<1x120xi32, #tpu.memory_space<vmem>>
    %dma_start3A_29 = tpu.memref_squeeze %dma_start3A_28 : memref<1x120xi32, #tpu.memory_space<vmem>> -> memref<120xi32, #tpu.memory_space<vmem>>
    %dma_start3A_30 = tpu.memref_slice %arg3[%multiple_of3A] : memref<322560xi32, #tpu.memory_space<hbm>> -> memref<120xi32, #tpu.memory_space<hbm>>
    %dma_start3A_31 = arith.constant 0 : i32
    %dma_start3A_32 = tpu.memref_slice %arg9[%dma_start3A, %dma_start3A_31] : memref<4x120xi32, #tpu.memory_space<vmem>> -> memref<1x120xi32, #tpu.memory_space<vmem>>
    %dma_start3A_33 = tpu.memref_squeeze %dma_start3A_32 : memref<1x120xi32, #tpu.memory_space<vmem>> -> memref<120xi32, #tpu.memory_space<vmem>>
    %dma_start3A_34 = tpu.memref_slice %arg3[%multiple_of3A] : memref<322560xi32, #tpu.memory_space<hbm>> -> memref<120xi32, #tpu.memory_space<hbm>>
    tpu.enqueue_dma source(%dma_start3A_34 : memref<120xi32, #tpu.memory_space<hbm>>) target(%dma_start3A_33 : memref<120xi32, #tpu.memory_space<vmem>>) target_semaphore(%arg24 : memref<!tpu.dma_semaphore, #tpu.memory_space<semaphore_mem>>)
    %dma_start3A_35 = arith.constant 0 : i32
    %dma_start3A_36 = arith.constant 0 : i32
    %dma_start3A_37 = tpu.memref_slice %arg10[%dma_start3A_35, %dma_start3A_36] : memref<4x120xi32, #tpu.memory_space<vmem>> -> memref<1x120xi32, #tpu.memory_space<vmem>>
    %dma_start3A_38 = tpu.memref_squeeze %dma_start3A_37 : memref<1x120xi32, #tpu.memory_space<vmem>> -> memref<120xi32, #tpu.memory_space<vmem>>
    %dma_start3A_39 = tpu.memref_slice %arg2[%multiple_of3A] : memref<322560xi32, #tpu.memory_space<hbm>> -> memref<120xi32, #tpu.memory_space<hbm>>
    %dma_start3A_40 = arith.constant 0 : i32
    %dma_start3A_41 = tpu.memref_slice %arg10[%dma_start3A_35, %dma_start3A_40] : memref<4x120xi32, #tpu.memory_space<vmem>> -> memref<1x120xi32, #tpu.memory_space<vmem>>
    %dma_start3A_42 = tpu.memref_squeeze %dma_start3A_41 : memref<1x120xi32, #tpu.memory_space<vmem>> -> memref<120xi32, #tpu.memory_space<vmem>>
    %dma_start3A_43 = tpu.memref_slice %arg2[%multiple_of3A] : memref<322560xi32, #tpu.memory_space<hbm>> -> memref<120xi32, #tpu.memory_space<hbm>>
    tpu.enqueue_dma source(%dma_start3A_43 : memref<120xi32, #tpu.memory_space<hbm>>) target(%dma_start3A_42 : memref<120xi32, #tpu.memory_space<vmem>>) target_semaphore(%arg24 : memref<!tpu.dma_semaphore, #tpu.memory_space<semaphore_mem>>)
    %add3A_44 = arith.constant 1 : i32
    %add3A_45 = arith.addi %mul3A_2, %add3A_44 : i32
    %mul3A_46 = arith.constant 120 : i32
    %mul3A_47 = arith.muli %add3A_45, %mul3A_46 : i32
    %multiple_of3A_48 = tpu.assume_multiple %mul3A_47, 8 : i32
    %dma_start3A_49 = arith.constant 1 : i32
    %dma_start3A_50 = arith.constant 0 : i32
    %dma_start3A_51 = tpu.memref_slice %arg9[%dma_start3A_49, %dma_start3A_50] : memref<4x120xi32, #tpu.memory_space<vmem>> -> memref<1x120xi32, #tpu.memory_space<vmem>>
    %dma_start3A_52 = tpu.memref_squeeze %dma_start3A_51 : memref<1x120xi32, #tpu.memory_space<vmem>> -> memref<120xi32, #tpu.memory_space<vmem>>
    %dma_start3A_53 = tpu.memref_slice %arg3[%multiple_of3A_48] : memref<322560xi32, #tpu.memory_space<hbm>> -> memref<120xi32, #tpu.memory_space<hbm>>
    %dma_start3A_54 = arith.constant 0 : i32
    %dma_start3A_55 = tpu.memref_slice %arg9[%dma_start3A_49, %dma_start3A_54] : memref<4x120xi32, #tpu.memory_space<vmem>> -> memref<1x120xi32, #tpu.memory_space<vmem>>
    %dma_start3A_56 = tpu.memref_squeeze %dma_start3A_55 : memref<1x120xi32, #tpu.memory_space<vmem>> -> memref<120xi32, #tpu.memory_space<vmem>>
    %dma_start3A_57 = tpu.memref_slice %arg3[%multiple_of3A_48] : memref<322560xi32, #tpu.memory_space<hbm>> -> memref<120xi32, #tpu.memory_space<hbm>>
    tpu.enqueue_dma source(%dma_start3A_57 : memref<120xi32, #tpu.memory_space<hbm>>) target(%dma_start3A_56 : memref<120xi32, #tpu.memory_space<vmem>>) target_semaphore(%arg24 : memref<!tpu.dma_semaphore, #tpu.memory_space<semaphore_mem>>)
    %dma_start3A_58 = arith.constant 1 : i32
    %dma_start3A_59 = arith.constant 0 : i32
    %dma_start3A_60 = tpu.memref_slice %arg10[%dma_start3A_58, %dma_start3A_59] : memref<4x120xi32, #tpu.memory_space<vmem>> -> memref<1x120xi32, #tpu.memory_space<vmem>>
    %dma_start3A_61 = tpu.memref_squeeze %dma_start3A_60 : memref<1x120xi32, #tpu.memory_space<vmem>> -> memref<120xi32, #tpu.memory_space<vmem>>
    %dma_start3A_62 = tpu.memref_slice %arg2[%multiple_of3A_48] : memref<322560xi32, #tpu.memory_space<hbm>> -> memref<120xi32, #tpu.memory_space<hbm>>
    %dma_start3A_63 = arith.constant 0 : i32
    %dma_start3A_64 = tpu.memref_slice %arg10[%dma_start3A_58, %dma_start3A_63] : memref<4x120xi32, #tpu.memory_space<vmem>> -> memref<1x120xi32, #tpu.memory_space<vmem>>
    %dma_start3A_65 = tpu.memref_squeeze %dma_start3A_64 : memref<1x120xi32, #tpu.memory_space<vmem>> -> memref<120xi32, #tpu.memory_space<vmem>>
    %dma_start3A_66 = tpu.memref_slice %arg2[%multiple_of3A_48] : memref<322560xi32, #tpu.memory_space<hbm>> -> memref<120xi32, #tpu.memory_space<hbm>>
    tpu.enqueue_dma source(%dma_start3A_66 : memref<120xi32, #tpu.memory_space<hbm>>) target(%dma_start3A_65 : memref<120xi32, #tpu.memory_space<vmem>>) target_semaphore(%arg24 : memref<!tpu.dma_semaphore, #tpu.memory_space<semaphore_mem>>)
    %add3A_67 = arith.constant 2 : i32
    %add3A_68 = arith.addi %mul3A_2, %add3A_67 : i32
    %mul3A_69 = arith.constant 120 : i32
    %mul3A_70 = arith.muli %add3A_68, %mul3A_69 : i32
    %multiple_of3A_71 = tpu.assume_multiple %mul3A_70, 8 : i32
    %dma_start3A_72 = arith.constant 2 : i32
    %dma_start3A_73 = arith.constant 0 : i32
    %dma_start3A_74 = tpu.memref_slice %arg9[%dma_start3A_72, %dma_start3A_73] : memref<4x120xi32, #tpu.memory_space<vmem>> -> memref<1x120xi32, #tpu.memory_space<vmem>>
    %dma_start3A_75 = tpu.memref_squeeze %dma_start3A_74 : memref<1x120xi32, #tpu.memory_space<vmem>> -> memref<120xi32, #tpu.memory_space<vmem>>
    %dma_start3A_76 = tpu.memref_slice %arg3[%multiple_of3A_71] : memref<322560xi32, #tpu.memory_space<hbm>> -> memref<120xi32, #tpu.memory_space<hbm>>
    %dma_start3A_77 = arith.constant 0 : i32
    %dma_start3A_78 = tpu.memref_slice %arg9[%dma_start3A_72, %dma_start3A_77] : memref<4x120xi32, #tpu.memory_space<vmem>> -> memref<1x120xi32, #tpu.memory_space<vmem>>
    %dma_start3A_79 = tpu.memref_squeeze %dma_start3A_78 : memref<1x120xi32, #tpu.memory_space<vmem>> -> memref<120xi32, #tpu.memory_space<vmem>>
    %dma_start3A_80 = tpu.memref_slice %arg3[%multiple_of3A_71] : memref<322560xi32, #tpu.memory_space<hbm>> -> memref<120xi32, #tpu.memory_space<hbm>>
    tpu.enqueue_dma source(%dma_start3A_80 : memref<120xi32, #tpu.memory_space<hbm>>) target(%dma_start3A_79 : memref<120xi32, #tpu.memory_space<vmem>>) target_semaphore(%arg24 : memref<!tpu.dma_semaphore, #tpu.memory_space<semaphore_mem>>)
    %dma_start3A_81 = arith.constant 2 : i32
    %dma_start3A_82 = arith.constant 0 : i32
    %dma_start3A_83 = tpu.memref_slice %arg10[%dma_start3A_81, %dma_start3A_82] : memref<4x120xi32, #tpu.memory_space<vmem>> -> memref<1x120xi32, #tpu.memory_space<vmem>>
    %dma_start3A_84 = tpu.memref_squeeze %dma_start3A_83 : memref<1x120xi32, #tpu.memory_space<vmem>> -> memref<120xi32, #tpu.memory_space<vmem>>
    %dma_start3A_85 = tpu.memref_slice %arg2[%multiple_of3A_71] : memref<322560xi32, #tpu.memory_space<hbm>> -> memref<120xi32, #tpu.memory_space<hbm>>
    %dma_start3A_86 = arith.constant 0 : i32
    %dma_start3A_87 = tpu.memref_slice %arg10[%dma_start3A_81, %dma_start3A_86] : memref<4x120xi32, #tpu.memory_space<vmem>> -> memref<1x120xi32, #tpu.memory_space<vmem>>
    %dma_start3A_88 = tpu.memref_squeeze %dma_start3A_87 : memref<1x120xi32, #tpu.memory_space<vmem>> -> memref<120xi32, #tpu.memory_space<vmem>>
    %dma_start3A_89 = tpu.memref_slice %arg2[%multiple_of3A_71] : memref<322560xi32, #tpu.memory_space<hbm>> -> memref<120xi32, #tpu.memory_space<hbm>>
    tpu.enqueue_dma source(%dma_start3A_89 : memref<120xi32, #tpu.memory_space<hbm>>) target(%dma_start3A_88 : memref<120xi32, #tpu.memory_space<vmem>>) target_semaphore(%arg24 : memref<!tpu.dma_semaphore, #tpu.memory_space<semaphore_mem>>)
    %sub3A = arith.constant 83 : i32
    %sub3A_90 = arith.subi %sub3A, %arg1 : i32
    %add3A_91 = arith.constant 16 : i32
    %add3A_92 = arith.addi %sub3A_90, %add3A_91 : i32
    %sub3A_93 = arith.constant 1 : i32
    %sub3A_94 = arith.subi %add3A_92, %sub3A_93 : i32
    %jit3A = arith.constant 16 : i32
    %div3A = arith.divsi %sub3A_94, %jit3A : i32
    %sign3A = arith.constant 0 : i32
    %sign3A_95 = arith.cmpi sgt, %sub3A_94, %sign3A : i32
    %sign3A_96 = arith.extui %sign3A_95 : i1 to i32
    %sign3A_97 = arith.constant 0 : i32
    %sign3A_98 = arith.cmpi slt, %sub3A_94, %sign3A_97 : i32
    %sign3A_99 = arith.extui %sign3A_98 : i1 to i32
    %sign3A_100 = arith.subi %sign3A_96, %sign3A_99 : i32
    %sign3A_101 = arith.constant 0 : i32
    %sign3A_102 = arith.cmpi sgt, %jit3A, %sign3A_101 : i32
    %sign3A_103 = arith.extui %sign3A_102 : i1 to i32
    %sign3A_104 = arith.constant 0 : i32
    %sign3A_105 = arith.cmpi slt, %jit3A, %sign3A_104 : i32
    %sign3A_106 = arith.extui %sign3A_105 : i1 to i32
    %sign3A_107 = arith.subi %sign3A_103, %sign3A_106 : i32
    %ne3A = arith.cmpi ne, %sign3A_100, %sign3A_107 : i32
    %rem3A = arith.remsi %sub3A_94, %jit3A : i32
    %ne3A_108 = arith.constant 0 : i32
    %ne3A_109 = arith.cmpi ne, %rem3A, %ne3A_108 : i32
    %and3A = arith.andi %ne3A, %ne3A_109 : i1
    %sub3A_110 = arith.constant 1 : i32
    %sub3A_111 = arith.subi %div3A, %sub3A_110 : i32
    %select_n3A = arith.select %and3A, %sub3A_111, %div3A : i32
    %while3A = arith.constant 0 : i32
    %while3A_112 = arith.constant 0 : i32
    %while3A_113 = arith.subi %select_n3A, %while3A : i32
    %while3A_114 = arith.addi %while3A, %while3A_113 : i32
    %while3A_115 = arith.constant 1 : i32
    %while3A_116 = arith.divsi %while3A_113, %while3A_115 : i32
    %while3A_117 = arith.muli %while3A_116, %while3A_115 : i32
    %while3A_118 = arith.addi %while3A, %while3A_117 : i32
    %while3A_119 = arith.constant 1 : i32
    %while3A_120 = scf.for %while3A_279 = %while3A to %while3A_118 step %while3A_119 iter_args(%while3A_280 = %while3A_112) -> (i32)  : i32 {
      %mul3A_281 = arith.constant 16 : i32
      %mul3A_282 = arith.muli %while3A_279, %mul3A_281 : i32
      %add3A_283 = arith.addi %mul3A_282, %arg1 : i32
      %mul3A_284 = arith.constant 120 : i32
      %mul3A_285 = arith.muli %add3A_283, %mul3A_284 : i32
      %multiple_of3A_286 = tpu.assume_multiple %mul3A_285, 8 : i32
      %run_scoped3A = arith.constant 0 : i32
      "tpu.region"() ({
        %run_scoped3A_288 = tpu.sem_alloc : memref<!tpu.dma_semaphore, #tpu.memory_space<semaphore_mem>>
        %dma_start3A_289 = arith.constant 0 : i32
        %dma_start3A_290 = arith.constant 0 : i32
        %dma_start3A_291 = tpu.memref_slice %arg11[%run_scoped3A, %dma_start3A_289, %dma_start3A_290] : memref<3x120x128xf32, #tpu.memory_space<vmem>> -> memref<1x120x128xf32, #tpu.memory_space<vmem>>
        %dma_start3A_292 = tpu.memref_squeeze %dma_start3A_291 : memref<1x120x128xf32, #tpu.memory_space<vmem>> -> memref<120x128xf32, #tpu.memory_space<vmem>>
        %dma_start3A_293 = arith.constant 0 : i32
        %dma_start3A_294 = tpu.memref_slice %arg14[%multiple_of3A_286, %dma_start3A_293] : memref<10008x128xf32, #tpu.memory_space<vmem_shared>> -> memref<120x128xf32, #tpu.memory_space<vmem_shared>>
        %dma_start3A_295 = arith.constant 0 : i32
        %dma_start3A_296 = tpu.memref_slice %arg14[%multiple_of3A_286, %dma_start3A_295] : memref<10008x128xf32, #tpu.memory_space<vmem_shared>> -> memref<120x128xf32, #tpu.memory_space<vmem_shared>>
        %dma_start3A_297 = arith.constant 0 : i32
        %dma_start3A_298 = arith.constant 0 : i32
        %dma_start3A_299 = tpu.memref_slice %arg11[%run_scoped3A, %dma_start3A_297, %dma_start3A_298] : memref<3x120x128xf32, #tpu.memory_space<vmem>> -> memref<1x120x128xf32, #tpu.memory_space<vmem>>
        %dma_start3A_300 = tpu.memref_squeeze %dma_start3A_299 : memref<1x120x128xf32, #tpu.memory_space<vmem>> -> memref<120x128xf32, #tpu.memory_space<vmem>>
        tpu.enqueue_dma source(%dma_start3A_300 : memref<120x128xf32, #tpu.memory_space<vmem>>) target(%dma_start3A_296 : memref<120x128xf32, #tpu.memory_space<vmem_shared>>) target_semaphore(%run_scoped3A_288 : memref<!tpu.dma_semaphore, #tpu.memory_space<semaphore_mem>>)
        %dma_wait3A_301 = arith.constant 0 : i32
        %dma_wait3A_302 = arith.constant 0 : i32
        %dma_wait3A_303 = tpu.memref_slice %arg11[%run_scoped3A, %dma_wait3A_301, %dma_wait3A_302] : memref<3x120x128xf32, #tpu.memory_space<vmem>> -> memref<1x120x128xf32, #tpu.memory_space<vmem>>
        %dma_wait3A_304 = tpu.memref_squeeze %dma_wait3A_303 : memref<1x120x128xf32, #tpu.memory_space<vmem>> -> memref<120x128xf32, #tpu.memory_space<vmem>>
        %dma_wait3A_305 = arith.constant 0 : i32
        %dma_wait3A_306 = tpu.memref_slice %arg14[%multiple_of3A_286, %dma_wait3A_305] : memref<10008x128xf32, #tpu.memory_space<vmem_shared>> -> memref<120x128xf32, #tpu.memory_space<vmem_shared>>
        %dma_wait3A_307 = arith.constant 0 : i32
        %dma_wait3A_308 = tpu.memref_slice %arg14[%multiple_of3A_286, %dma_wait3A_307] : memref<10008x128xf32, #tpu.memory_space<vmem_shared>> -> memref<120x128xf32, #tpu.memory_space<vmem_shared>>
        %dma_wait3A_309 = arith.constant 0 : i32
        %dma_wait3A_310 = arith.constant 0 : i32
        %dma_wait3A_311 = tpu.memref_slice %arg11[%run_scoped3A, %dma_wait3A_309, %dma_wait3A_310] : memref<3x120x128xf32, #tpu.memory_space<vmem>> -> memref<1x120x128xf32, #tpu.memory_space<vmem>>
        %dma_wait3A_312 = tpu.memref_squeeze %dma_wait3A_311 : memref<1x120x128xf32, #tpu.memory_space<vmem>> -> memref<120x128xf32, #tpu.memory_space<vmem>>
        tpu.wait_dma2 semaphore(%run_scoped3A_288 : memref<!tpu.dma_semaphore, #tpu.memory_space<semaphore_mem>>) src(%dma_wait3A_312 : memref<120x128xf32, #tpu.memory_space<vmem>>) dst(%dma_wait3A_308 : memref<120x128xf32, #tpu.memory_space<vmem_shared>>)
        tpu.yield
      }) : () -> ()
      %while3A_287 = arith.constant 0 : i32
      scf.yield %while3A_287 : i32
    }
    %while3A_121 = arith.constant 1 : i32
    %while3A_122 = scf.for %while3A_279 = %while3A_118 to %while3A_114 step %while3A_121 iter_args(%while3A_280 = %while3A_120) -> (i32)  : i32 {
      %mul3A_281 = arith.constant 16 : i32
      %mul3A_282 = arith.muli %while3A_279, %mul3A_281 : i32
      %add3A_283 = arith.addi %mul3A_282, %arg1 : i32
      %mul3A_284 = arith.constant 120 : i32
      %mul3A_285 = arith.muli %add3A_283, %mul3A_284 : i32
      %multiple_of3A_286 = tpu.assume_multiple %mul3A_285, 8 : i32
      %run_scoped3A = arith.constant 0 : i32
      "tpu.region"() ({
        %run_scoped3A_288 = tpu.sem_alloc : memref<!tpu.dma_semaphore, #tpu.memory_space<semaphore_mem>>
        %dma_start3A_289 = arith.constant 0 : i32
        %dma_start3A_290 = arith.constant 0 : i32
        %dma_start3A_291 = tpu.memref_slice %arg11[%run_scoped3A, %dma_start3A_289, %dma_start3A_290] : memref<3x120x128xf32, #tpu.memory_space<vmem>> -> memref<1x120x128xf32, #tpu.memory_space<vmem>>
        %dma_start3A_292 = tpu.memref_squeeze %dma_start3A_291 : memref<1x120x128xf32, #tpu.memory_space<vmem>> -> memref<120x128xf32, #tpu.memory_space<vmem>>
        %dma_start3A_293 = arith.constant 0 : i32
        %dma_start3A_294 = tpu.memref_slice %arg14[%multiple_of3A_286, %dma_start3A_293] : memref<10008x128xf32, #tpu.memory_space<vmem_shared>> -> memref<120x128xf32, #tpu.memory_space<vmem_shared>>
        %dma_start3A_295 = arith.constant 0 : i32
        %dma_start3A_296 = tpu.memref_slice %arg14[%multiple_of3A_286, %dma_start3A_295] : memref<10008x128xf32, #tpu.memory_space<vmem_shared>> -> memref<120x128xf32, #tpu.memory_space<vmem_shared>>
        %dma_start3A_297 = arith.constant 0 : i32
        %dma_start3A_298 = arith.constant 0 : i32
        %dma_start3A_299 = tpu.memref_slice %arg11[%run_scoped3A, %dma_start3A_297, %dma_start3A_298] : memref<3x120x128xf32, #tpu.memory_space<vmem>> -> memref<1x120x128xf32, #tpu.memory_space<vmem>>
        %dma_start3A_300 = tpu.memref_squeeze %dma_start3A_299 : memref<1x120x128xf32, #tpu.memory_space<vmem>> -> memref<120x128xf32, #tpu.memory_space<vmem>>
        tpu.enqueue_dma source(%dma_start3A_300 : memref<120x128xf32, #tpu.memory_space<vmem>>) target(%dma_start3A_296 : memref<120x128xf32, #tpu.memory_space<vmem_shared>>) target_semaphore(%run_scoped3A_288 : memref<!tpu.dma_semaphore, #tpu.memory_space<semaphore_mem>>)
        %dma_wait3A_301 = arith.constant 0 : i32
        %dma_wait3A_302 = arith.constant 0 : i32
        %dma_wait3A_303 = tpu.memref_slice %arg11[%run_scoped3A, %dma_wait3A_301, %dma_wait3A_302] : memref<3x120x128xf32, #tpu.memory_space<vmem>> -> memref<1x120x128xf32, #tpu.memory_space<vmem>>
        %dma_wait3A_304 = tpu.memref_squeeze %dma_wait3A_303 : memref<1x120x128xf32, #tpu.memory_space<vmem>> -> memref<120x128xf32, #tpu.memory_space<vmem>>
        %dma_wait3A_305 = arith.constant 0 : i32
        %dma_wait3A_306 = tpu.memref_slice %arg14[%multiple_of3A_286, %dma_wait3A_305] : memref<10008x128xf32, #tpu.memory_space<vmem_shared>> -> memref<120x128xf32, #tpu.memory_space<vmem_shared>>
        %dma_wait3A_307 = arith.constant 0 : i32
        %dma_wait3A_308 = tpu.memref_slice %arg14[%multiple_of3A_286, %dma_wait3A_307] : memref<10008x128xf32, #tpu.memory_space<vmem_shared>> -> memref<120x128xf32, #tpu.memory_space<vmem_shared>>
        %dma_wait3A_309 = arith.constant 0 : i32
        %dma_wait3A_310 = arith.constant 0 : i32
        %dma_wait3A_311 = tpu.memref_slice %arg11[%run_scoped3A, %dma_wait3A_309, %dma_wait3A_310] : memref<3x120x128xf32, #tpu.memory_space<vmem>> -> memref<1x120x128xf32, #tpu.memory_space<vmem>>
        %dma_wait3A_312 = tpu.memref_squeeze %dma_wait3A_311 : memref<1x120x128xf32, #tpu.memory_space<vmem>> -> memref<120x128xf32, #tpu.memory_space<vmem>>
        tpu.wait_dma2 semaphore(%run_scoped3A_288 : memref<!tpu.dma_semaphore, #tpu.memory_space<semaphore_mem>>) src(%dma_wait3A_312 : memref<120x128xf32, #tpu.memory_space<vmem>>) dst(%dma_wait3A_308 : memref<120x128xf32, #tpu.memory_space<vmem_shared>>)
        tpu.yield
      }) : () -> ()
      %while3A_287 = arith.constant 0 : i32
      scf.yield %while3A_287 : i32
    }
    %eq3A = arith.constant 0 : i32
    %eq3A_123 = arith.cmpi eq, %arg1, %eq3A : i32
    %convert_element_type3A = arith.extui %eq3A_123 : i1 to i32
    %cond3A = arith.constant 0 : i32
    %cond3A_124 = arith.cmpi ne, %convert_element_type3A, %cond3A : i32
    scf.if %cond3A_124 {
      %run_scoped3A = arith.constant 0 : i32
      "tpu.region"() ({
        %run_scoped3A_279 = tpu.sem_alloc : memref<!tpu.dma_semaphore, #tpu.memory_space<semaphore_mem>>
        %dma_start3A_280 = arith.constant 0 : i32
        %dma_start3A_281 = arith.constant 0 : i32
        %dma_start3A_282 = tpu.memref_slice %arg11[%run_scoped3A, %dma_start3A_280, %dma_start3A_281] : memref<3x120x128xf32, #tpu.memory_space<vmem>> -> memref<1x48x128xf32, #tpu.memory_space<vmem>>
        %dma_start3A_283 = tpu.memref_squeeze %dma_start3A_282 : memref<1x48x128xf32, #tpu.memory_space<vmem>> -> memref<48x128xf32, #tpu.memory_space<vmem>>
        %dma_start3A_284 = arith.constant 9960 : i32
        %dma_start3A_285 = arith.constant 0 : i32
        %dma_start3A_286 = tpu.memref_slice %arg14[%dma_start3A_284, %dma_start3A_285] : memref<10008x128xf32, #tpu.memory_space<vmem_shared>> -> memref<48x128xf32, #tpu.memory_space<vmem_shared>>
        %dma_start3A_287 = arith.constant 9960 : i32
        %dma_start3A_288 = arith.constant 0 : i32
        %dma_start3A_289 = tpu.memref_slice %arg14[%dma_start3A_287, %dma_start3A_288] : memref<10008x128xf32, #tpu.memory_space<vmem_shared>> -> memref<48x128xf32, #tpu.memory_space<vmem_shared>>
        %dma_start3A_290 = arith.constant 0 : i32
        %dma_start3A_291 = arith.constant 0 : i32
        %dma_start3A_292 = tpu.memref_slice %arg11[%run_scoped3A, %dma_start3A_290, %dma_start3A_291] : memref<3x120x128xf32, #tpu.memory_space<vmem>> -> memref<1x48x128xf32, #tpu.memory_space<vmem>>
        %dma_start3A_293 = tpu.memref_squeeze %dma_start3A_292 : memref<1x48x128xf32, #tpu.memory_space<vmem>> -> memref<48x128xf32, #tpu.memory_space<vmem>>
        tpu.enqueue_dma source(%dma_start3A_293 : memref<48x128xf32, #tpu.memory_space<vmem>>) target(%dma_start3A_289 : memref<48x128xf32, #tpu.memory_space<vmem_shared>>) target_semaphore(%run_scoped3A_279 : memref<!tpu.dma_semaphore, #tpu.memory_space<semaphore_mem>>)
        %dma_wait3A_294 = arith.constant 0 : i32
        %dma_wait3A_295 = arith.constant 0 : i32
        %dma_wait3A_296 = tpu.memref_slice %arg11[%run_scoped3A, %dma_wait3A_294, %dma_wait3A_295] : memref<3x120x128xf32, #tpu.memory_space<vmem>> -> memref<1x48x128xf32, #tpu.memory_space<vmem>>
        %dma_wait3A_297 = tpu.memref_squeeze %dma_wait3A_296 : memref<1x48x128xf32, #tpu.memory_space<vmem>> -> memref<48x128xf32, #tpu.memory_space<vmem>>
        %dma_wait3A_298 = arith.constant 9960 : i32
        %dma_wait3A_299 = arith.constant 0 : i32
        %dma_wait3A_300 = tpu.memref_slice %arg14[%dma_wait3A_298, %dma_wait3A_299] : memref<10008x128xf32, #tpu.memory_space<vmem_shared>> -> memref<48x128xf32, #tpu.memory_space<vmem_shared>>
        %dma_wait3A_301 = arith.constant 9960 : i32
        %dma_wait3A_302 = arith.constant 0 : i32
        %dma_wait3A_303 = tpu.memref_slice %arg14[%dma_wait3A_301, %dma_wait3A_302] : memref<10008x128xf32, #tpu.memory_space<vmem_shared>> -> memref<48x128xf32, #tpu.memory_space<vmem_shared>>
        %dma_wait3A_304 = arith.constant 0 : i32
        %dma_wait3A_305 = arith.constant 0 : i32
        %dma_wait3A_306 = tpu.memref_slice %arg11[%run_scoped3A, %dma_wait3A_304, %dma_wait3A_305] : memref<3x120x128xf32, #tpu.memory_space<vmem>> -> memref<1x48x128xf32, #tpu.memory_space<vmem>>
        %dma_wait3A_307 = tpu.memref_squeeze %dma_wait3A_306 : memref<1x48x128xf32, #tpu.memory_space<vmem>> -> memref<48x128xf32, #tpu.memory_space<vmem>>
        tpu.wait_dma2 semaphore(%run_scoped3A_279 : memref<!tpu.dma_semaphore, #tpu.memory_space<semaphore_mem>>) src(%dma_wait3A_307 : memref<48x128xf32, #tpu.memory_space<vmem>>) dst(%dma_wait3A_303 : memref<48x128xf32, #tpu.memory_space<vmem_shared>>)
        tpu.yield
      }) : () -> ()
    } else {
    }
    %sub3A_125 = arith.constant 78 : i32
    %sub3A_126 = arith.subi %sub3A_125, %arg1 : i32
    %add3A_127 = arith.constant 16 : i32
    %add3A_128 = arith.addi %sub3A_126, %add3A_127 : i32
    %sub3A_129 = arith.constant 1 : i32
    %sub3A_130 = arith.subi %add3A_128, %sub3A_129 : i32
    %jit3A_131 = arith.constant 16 : i32
    %div3A_132 = arith.divsi %sub3A_130, %jit3A_131 : i32
    %sign3A_133 = arith.constant 0 : i32
    %sign3A_134 = arith.cmpi sgt, %sub3A_130, %sign3A_133 : i32
    %sign3A_135 = arith.extui %sign3A_134 : i1 to i32
    %sign3A_136 = arith.constant 0 : i32
    %sign3A_137 = arith.cmpi slt, %sub3A_130, %sign3A_136 : i32
    %sign3A_138 = arith.extui %sign3A_137 : i1 to i32
    %sign3A_139 = arith.subi %sign3A_135, %sign3A_138 : i32
    %sign3A_140 = arith.constant 0 : i32
    %sign3A_141 = arith.cmpi sgt, %jit3A_131, %sign3A_140 : i32
    %sign3A_142 = arith.extui %sign3A_141 : i1 to i32
    %sign3A_143 = arith.constant 0 : i32
    %sign3A_144 = arith.cmpi slt, %jit3A_131, %sign3A_143 : i32
    %sign3A_145 = arith.extui %sign3A_144 : i1 to i32
    %sign3A_146 = arith.subi %sign3A_142, %sign3A_145 : i32
    %ne3A_147 = arith.cmpi ne, %sign3A_139, %sign3A_146 : i32
    %rem3A_148 = arith.remsi %sub3A_130, %jit3A_131 : i32
    %ne3A_149 = arith.constant 0 : i32
    %ne3A_150 = arith.cmpi ne, %rem3A_148, %ne3A_149 : i32
    %and3A_151 = arith.andi %ne3A_147, %ne3A_150 : i1
    %sub3A_152 = arith.constant 1 : i32
    %sub3A_153 = arith.subi %div3A_132, %sub3A_152 : i32
    %select_n3A_154 = arith.select %and3A_151, %sub3A_153, %div3A_132 : i32
    %while3A_155 = arith.constant 0 : i32
    %while3A_156 = arith.constant 0 : i32
    %while3A_157 = arith.subi %select_n3A_154, %while3A_155 : i32
    %while3A_158 = arith.addi %while3A_155, %while3A_157 : i32
    %while3A_159 = arith.constant 1 : i32
    %while3A_160 = arith.divsi %while3A_157, %while3A_159 : i32
    %while3A_161 = arith.muli %while3A_160, %while3A_159 : i32
    %while3A_162 = arith.addi %while3A_155, %while3A_161 : i32
    %while3A_163 = arith.constant 1 : i32
    %while3A_164 = scf.for %while3A_279 = %while3A_155 to %while3A_162 step %while3A_163 iter_args(%while3A_280 = %while3A_156) -> (i32)  : i32 {
      %mul3A_281 = arith.constant 16 : i32
      %mul3A_282 = arith.muli %while3A_279, %mul3A_281 : i32
      %add3A_283 = arith.addi %mul3A_282, %arg1 : i32
      %mul3A_284 = arith.constant 128 : i32
      %mul3A_285 = arith.muli %add3A_283, %mul3A_284 : i32
      %multiple_of3A_286 = tpu.assume_multiple %mul3A_285, 8 : i32
      "tpu.region"() ({
        %run_scoped3A = tpu.sem_alloc : memref<!tpu.dma_semaphore, #tpu.memory_space<semaphore_mem>>
        %dma_start3A_288 = tpu.memref_slice %arg15[%multiple_of3A_286] : memref<10008xf32, #tpu.memory_space<vmem_shared>> -> memref<128xf32, #tpu.memory_space<vmem_shared>>
        %dma_start3A_289 = tpu.memref_slice %arg15[%multiple_of3A_286] : memref<10008xf32, #tpu.memory_space<vmem_shared>> -> memref<128xf32, #tpu.memory_space<vmem_shared>>
        tpu.enqueue_dma source(%arg13 : memref<128xf32, #tpu.memory_space<vmem>>) target(%dma_start3A_289 : memref<128xf32, #tpu.memory_space<vmem_shared>>) target_semaphore(%run_scoped3A : memref<!tpu.dma_semaphore, #tpu.memory_space<semaphore_mem>>)
        %dma_wait3A_290 = tpu.memref_slice %arg15[%multiple_of3A_286] : memref<10008xf32, #tpu.memory_space<vmem_shared>> -> memref<128xf32, #tpu.memory_space<vmem_shared>>
        %dma_wait3A_291 = tpu.memref_slice %arg15[%multiple_of3A_286] : memref<10008xf32, #tpu.memory_space<vmem_shared>> -> memref<128xf32, #tpu.memory_space<vmem_shared>>
        tpu.wait_dma2 semaphore(%run_scoped3A : memref<!tpu.dma_semaphore, #tpu.memory_space<semaphore_mem>>) src(%arg13 : memref<128xf32, #tpu.memory_space<vmem>>) dst(%dma_wait3A_291 : memref<128xf32, #tpu.memory_space<vmem_shared>>)
        tpu.yield
      }) : () -> ()
      %while3A_287 = arith.constant 0 : i32
      scf.yield %while3A_287 : i32
    }
    %while3A_165 = arith.constant 1 : i32
    %while3A_166 = scf.for %while3A_279 = %while3A_162 to %while3A_158 step %while3A_165 iter_args(%while3A_280 = %while3A_164) -> (i32)  : i32 {
      %mul3A_281 = arith.constant 16 : i32
      %mul3A_282 = arith.muli %while3A_279, %mul3A_281 : i32
      %add3A_283 = arith.addi %mul3A_282, %arg1 : i32
      %mul3A_284 = arith.constant 128 : i32
      %mul3A_285 = arith.muli %add3A_283, %mul3A_284 : i32
      %multiple_of3A_286 = tpu.assume_multiple %mul3A_285, 8 : i32
      "tpu.region"() ({
        %run_scoped3A = tpu.sem_alloc : memref<!tpu.dma_semaphore, #tpu.memory_space<semaphore_mem>>
        %dma_start3A_288 = tpu.memref_slice %arg15[%multiple_of3A_286] : memref<10008xf32, #tpu.memory_space<vmem_shared>> -> memref<128xf32, #tpu.memory_space<vmem_shared>>
        %dma_start3A_289 = tpu.memref_slice %arg15[%multiple_of3A_286] : memref<10008xf32, #tpu.memory_space<vmem_shared>> -> memref<128xf32, #tpu.memory_space<vmem_shared>>
        tpu.enqueue_dma source(%arg13 : memref<128xf32, #tpu.memory_space<vmem>>) target(%dma_start3A_289 : memref<128xf32, #tpu.memory_space<vmem_shared>>) target_semaphore(%run_scoped3A : memref<!tpu.dma_semaphore, #tpu.memory_space<semaphore_mem>>)
        %dma_wait3A_290 = tpu.memref_slice %arg15[%multiple_of3A_286] : memref<10008xf32, #tpu.memory_space<vmem_shared>> -> memref<128xf32, #tpu.memory_space<vmem_shared>>
        %dma_wait3A_291 = tpu.memref_slice %arg15[%multiple_of3A_286] : memref<10008xf32, #tpu.memory_space<vmem_shared>> -> memref<128xf32, #tpu.memory_space<vmem_shared>>
        tpu.wait_dma2 semaphore(%run_scoped3A : memref<!tpu.dma_semaphore, #tpu.memory_space<semaphore_mem>>) src(%arg13 : memref<128xf32, #tpu.memory_space<vmem>>) dst(%dma_wait3A_291 : memref<128xf32, #tpu.memory_space<vmem_shared>>)
        tpu.yield
      }) : () -> ()
      %while3A_287 = arith.constant 0 : i32
      scf.yield %while3A_287 : i32
    }
    %eq3A_167 = arith.constant 1 : i32
    %eq3A_168 = arith.cmpi eq, %arg1, %eq3A_167 : i32
    %convert_element_type3A_169 = arith.extui %eq3A_168 : i1 to i32
    %cond3A_170 = arith.constant 0 : i32
    %cond3A_171 = arith.cmpi ne, %convert_element_type3A_169, %cond3A_170 : i32
    scf.if %cond3A_171 {
      "tpu.region"() ({
        %run_scoped3A = tpu.sem_alloc : memref<!tpu.dma_semaphore, #tpu.memory_space<semaphore_mem>>
        %dma_start3A_279 = arith.constant 0 : i32
        %dma_start3A_280 = tpu.memref_slice %arg13[%dma_start3A_279] : memref<128xf32, #tpu.memory_space<vmem>> -> memref<24xf32, #tpu.memory_space<vmem>>
        %dma_start3A_281 = arith.constant 9984 : i32
        %dma_start3A_282 = tpu.memref_slice %arg15[%dma_start3A_281] : memref<10008xf32, #tpu.memory_space<vmem_shared>> -> memref<24xf32, #tpu.memory_space<vmem_shared>>
        %dma_start3A_283 = arith.constant 9984 : i32
        %dma_start3A_284 = tpu.memref_slice %arg15[%dma_start3A_283] : memref<10008xf32, #tpu.memory_space<vmem_shared>> -> memref<24xf32, #tpu.memory_space<vmem_shared>>
        %dma_start3A_285 = arith.constant 0 : i32
        %dma_start3A_286 = tpu.memref_slice %arg13[%dma_start3A_285] : memref<128xf32, #tpu.memory_space<vmem>> -> memref<24xf32, #tpu.memory_space<vmem>>
        tpu.enqueue_dma source(%dma_start3A_286 : memref<24xf32, #tpu.memory_space<vmem>>) target(%dma_start3A_284 : memref<24xf32, #tpu.memory_space<vmem_shared>>) target_semaphore(%run_scoped3A : memref<!tpu.dma_semaphore, #tpu.memory_space<semaphore_mem>>)
        %dma_wait3A_287 = arith.constant 0 : i32
        %dma_wait3A_288 = tpu.memref_slice %arg13[%dma_wait3A_287] : memref<128xf32, #tpu.memory_space<vmem>> -> memref<24xf32, #tpu.memory_space<vmem>>
        %dma_wait3A_289 = arith.constant 9984 : i32
        %dma_wait3A_290 = tpu.memref_slice %arg15[%dma_wait3A_289] : memref<10008xf32, #tpu.memory_space<vmem_shared>> -> memref<24xf32, #tpu.memory_space<vmem_shared>>
        %dma_wait3A_291 = arith.constant 9984 : i32
        %dma_wait3A_292 = tpu.memref_slice %arg15[%dma_wait3A_291] : memref<10008xf32, #tpu.memory_space<vmem_shared>> -> memref<24xf32, #tpu.memory_space<vmem_shared>>
        %dma_wait3A_293 = arith.constant 0 : i32
        %dma_wait3A_294 = tpu.memref_slice %arg13[%dma_wait3A_293] : memref<128xf32, #tpu.memory_space<vmem>> -> memref<24xf32, #tpu.memory_space<vmem>>
        tpu.wait_dma2 semaphore(%run_scoped3A : memref<!tpu.dma_semaphore, #tpu.memory_space<semaphore_mem>>) src(%dma_wait3A_294 : memref<24xf32, #tpu.memory_space<vmem>>) dst(%dma_wait3A_292 : memref<24xf32, #tpu.memory_space<vmem_shared>>)
        tpu.yield
      }) : () -> ()
    } else {
    }
    %barrier3A = arith.constant 0 : index
    tpu.barrier barrier_id(%barrier3A)
    %add3A_172 = arith.constant 0 : i32
    %add3A_173 = arith.addi %mul3A_2, %add3A_172 : i32
    %mul3A_174 = arith.constant 120 : i32
    %mul3A_175 = arith.muli %add3A_173, %mul3A_174 : i32
    %multiple_of3A_176 = tpu.assume_multiple %mul3A_175, 8 : i32
    %dma_wait3A = arith.constant 0 : i32
    %dma_wait3A_177 = arith.constant 0 : i32
    %dma_wait3A_178 = tpu.memref_slice %arg9[%dma_wait3A, %dma_wait3A_177] : memref<4x120xi32, #tpu.memory_space<vmem>> -> memref<1x120xi32, #tpu.memory_space<vmem>>
    %dma_wait3A_179 = tpu.memref_squeeze %dma_wait3A_178 : memref<1x120xi32, #tpu.memory_space<vmem>> -> memref<120xi32, #tpu.memory_space<vmem>>
    %dma_wait3A_180 = tpu.memref_slice %arg3[%multiple_of3A_176] : memref<322560xi32, #tpu.memory_space<hbm>> -> memref<120xi32, #tpu.memory_space<hbm>>
    %dma_wait3A_181 = arith.constant 0 : i32
    %dma_wait3A_182 = tpu.memref_slice %arg9[%dma_wait3A, %dma_wait3A_181] : memref<4x120xi32, #tpu.memory_space<vmem>> -> memref<1x120xi32, #tpu.memory_space<vmem>>
    %dma_wait3A_183 = tpu.memref_squeeze %dma_wait3A_182 : memref<1x120xi32, #tpu.memory_space<vmem>> -> memref<120xi32, #tpu.memory_space<vmem>>
    %dma_wait3A_184 = tpu.memref_slice %arg3[%multiple_of3A_176] : memref<322560xi32, #tpu.memory_space<hbm>> -> memref<120xi32, #tpu.memory_space<hbm>>
    tpu.wait_dma2 semaphore(%arg24 : memref<!tpu.dma_semaphore, #tpu.memory_space<semaphore_mem>>) src(%dma_wait3A_184 : memref<120xi32, #tpu.memory_space<hbm>>) dst(%dma_wait3A_183 : memref<120xi32, #tpu.memory_space<vmem>>)
    %dma_wait3A_185 = arith.constant 0 : i32
    %dma_wait3A_186 = arith.constant 0 : i32
    %dma_wait3A_187 = tpu.memref_slice %arg10[%dma_wait3A_185, %dma_wait3A_186] : memref<4x120xi32, #tpu.memory_space<vmem>> -> memref<1x120xi32, #tpu.memory_space<vmem>>
    %dma_wait3A_188 = tpu.memref_squeeze %dma_wait3A_187 : memref<1x120xi32, #tpu.memory_space<vmem>> -> memref<120xi32, #tpu.memory_space<vmem>>
    %dma_wait3A_189 = tpu.memref_slice %arg2[%multiple_of3A_176] : memref<322560xi32, #tpu.memory_space<hbm>> -> memref<120xi32, #tpu.memory_space<hbm>>
    %dma_wait3A_190 = arith.constant 0 : i32
    %dma_wait3A_191 = tpu.memref_slice %arg10[%dma_wait3A_185, %dma_wait3A_190] : memref<4x120xi32, #tpu.memory_space<vmem>> -> memref<1x120xi32, #tpu.memory_space<vmem>>
    %dma_wait3A_192 = tpu.memref_squeeze %dma_wait3A_191 : memref<1x120xi32, #tpu.memory_space<vmem>> -> memref<120xi32, #tpu.memory_space<vmem>>
    %dma_wait3A_193 = tpu.memref_slice %arg2[%multiple_of3A_176] : memref<322560xi32, #tpu.memory_space<hbm>> -> memref<120xi32, #tpu.memory_space<hbm>>
    tpu.wait_dma2 semaphore(%arg24 : memref<!tpu.dma_semaphore, #tpu.memory_space<semaphore_mem>>) src(%dma_wait3A_193 : memref<120xi32, #tpu.memory_space<hbm>>) dst(%dma_wait3A_192 : memref<120xi32, #tpu.memory_space<vmem>>)
    %add3A_194 = arith.constant 1 : i32
    %add3A_195 = arith.addi %mul3A_2, %add3A_194 : i32
    %mul3A_196 = arith.constant 120 : i32
    %mul3A_197 = arith.muli %add3A_195, %mul3A_196 : i32
    %multiple_of3A_198 = tpu.assume_multiple %mul3A_197, 8 : i32
    %dma_wait3A_199 = arith.constant 1 : i32
    %dma_wait3A_200 = arith.constant 0 : i32
    %dma_wait3A_201 = tpu.memref_slice %arg9[%dma_wait3A_199, %dma_wait3A_200] : memref<4x120xi32, #tpu.memory_space<vmem>> -> memref<1x120xi32, #tpu.memory_space<vmem>>
    %dma_wait3A_202 = tpu.memref_squeeze %dma_wait3A_201 : memref<1x120xi32, #tpu.memory_space<vmem>> -> memref<120xi32, #tpu.memory_space<vmem>>
    %dma_wait3A_203 = tpu.memref_slice %arg3[%multiple_of3A_198] : memref<322560xi32, #tpu.memory_space<hbm>> -> memref<120xi32, #tpu.memory_space<hbm>>
    %dma_wait3A_204 = arith.constant 0 : i32
    %dma_wait3A_205 = tpu.memref_slice %arg9[%dma_wait3A_199, %dma_wait3A_204] : memref<4x120xi32, #tpu.memory_space<vmem>> -> memref<1x120xi32, #tpu.memory_space<vmem>>
    %dma_wait3A_206 = tpu.memref_squeeze %dma_wait3A_205 : memref<1x120xi32, #tpu.memory_space<vmem>> -> memref<120xi32, #tpu.memory_space<vmem>>
    %dma_wait3A_207 = tpu.memref_slice %arg3[%multiple_of3A_198] : memref<322560xi32, #tpu.memory_space<hbm>> -> memref<120xi32, #tpu.memory_space<hbm>>
    tpu.wait_dma2 semaphore(%arg24 : memref<!tpu.dma_semaphore, #tpu.memory_space<semaphore_mem>>) src(%dma_wait3A_207 : memref<120xi32, #tpu.memory_space<hbm>>) dst(%dma_wait3A_206 : memref<120xi32, #tpu.memory_space<vmem>>)
    %dma_wait3A_208 = arith.constant 1 : i32
    %dma_wait3A_209 = arith.constant 0 : i32
    %dma_wait3A_210 = tpu.memref_slice %arg10[%dma_wait3A_208, %dma_wait3A_209] : memref<4x120xi32, #tpu.memory_space<vmem>> -> memref<1x120xi32, #tpu.memory_space<vmem>>
    %dma_wait3A_211 = tpu.memref_squeeze %dma_wait3A_210 : memref<1x120xi32, #tpu.memory_space<vmem>> -> memref<120xi32, #tpu.memory_space<vmem>>
    %dma_wait3A_212 = tpu.memref_slice %arg2[%multiple_of3A_198] : memref<322560xi32, #tpu.memory_space<hbm>> -> memref<120xi32, #tpu.memory_space<hbm>>
    %dma_wait3A_213 = arith.constant 0 : i32
    %dma_wait3A_214 = tpu.memref_slice %arg10[%dma_wait3A_208, %dma_wait3A_213] : memref<4x120xi32, #tpu.memory_space<vmem>> -> memref<1x120xi32, #tpu.memory_space<vmem>>
    %dma_wait3A_215 = tpu.memref_squeeze %dma_wait3A_214 : memref<1x120xi32, #tpu.memory_space<vmem>> -> memref<120xi32, #tpu.memory_space<vmem>>
    %dma_wait3A_216 = tpu.memref_slice %arg2[%multiple_of3A_198] : memref<322560xi32, #tpu.memory_space<hbm>> -> memref<120xi32, #tpu.memory_space<hbm>>
    tpu.wait_dma2 semaphore(%arg24 : memref<!tpu.dma_semaphore, #tpu.memory_space<semaphore_mem>>) src(%dma_wait3A_216 : memref<120xi32, #tpu.memory_space<hbm>>) dst(%dma_wait3A_215 : memref<120xi32, #tpu.memory_space<vmem>>)
    %dma_start3A_217 = arith.constant 0 : i32
    %dma_start3A_218 = arith.constant 0 : i32
    %dma_start3A_219 = arith.constant 0 : i32
    %dma_start3A_220 = arith.constant 0 : i32
    %dma_start3A_221 = tpu.memref_slice %arg11[%dma_start3A_218, %dma_start3A_219, %dma_start3A_220] : memref<3x120x128xf32, #tpu.memory_space<vmem>> -> memref<1x120x128xf32, #tpu.memory_space<vmem>>
    %dma_start3A_222 = tpu.memref_squeeze %dma_start3A_221 : memref<1x120x128xf32, #tpu.memory_space<vmem>> -> memref<120x128xf32, #tpu.memory_space<vmem>>
    %dma_start3A_223 = arith.constant 0 : i32
    %dma_start3A_224 = tpu.memref_slice %arg9[%dma_start3A_217, %dma_start3A_223] : memref<4x120xi32, #tpu.memory_space<vmem>> -> memref<1x120xi32, #tpu.memory_space<vmem>>
    %dma_start3A_225 = tpu.memref_squeeze %dma_start3A_224 : memref<1x120xi32, #tpu.memory_space<vmem>> -> memref<120xi32, #tpu.memory_space<vmem>>
    %dma_start3A_226 = arith.constant 0 : i32
    %dma_start3A_227 = arith.constant 0 : i32
    %dma_start3A_228 = tpu.memref_slice %arg4[%dma_start3A_226, %dma_start3A_227] : memref<10008x128xf32, #tpu.memory_space<hbm>> -> memref<10008x128xf32, #tpu.memory_space<hbm>>
    tpu.enqueue_indirect_dma source(%dma_start3A_228 : memref<10008x128xf32, #tpu.memory_space<hbm>>) target(%dma_start3A_222 : memref<120x128xf32, #tpu.memory_space<vmem>>) offsets(%dma_start3A_225 : memref<120xi32, #tpu.memory_space<vmem>>) semaphore(%arg16 : memref<!tpu.dma_semaphore, #tpu.memory_space<semaphore_mem>>)
    %dma_start3A_229 = arith.constant 1 : i32
    %dma_start3A_230 = arith.constant 1 : i32
    %dma_start3A_231 = arith.constant 0 : i32
    %dma_start3A_232 = arith.constant 0 : i32
    %dma_start3A_233 = tpu.memref_slice %arg11[%dma_start3A_230, %dma_start3A_231, %dma_start3A_232] : memref<3x120x128xf32, #tpu.memory_space<vmem>> -> memref<1x120x128xf32, #tpu.memory_space<vmem>>
    %dma_start3A_234 = tpu.memref_squeeze %dma_start3A_233 : memref<1x120x128xf32, #tpu.memory_space<vmem>> -> memref<120x128xf32, #tpu.memory_space<vmem>>
    %dma_start3A_235 = arith.constant 0 : i32
    %dma_start3A_236 = tpu.memref_slice %arg9[%dma_start3A_229, %dma_start3A_235] : memref<4x120xi32, #tpu.memory_space<vmem>> -> memref<1x120xi32, #tpu.memory_space<vmem>>
    %dma_start3A_237 = tpu.memref_squeeze %dma_start3A_236 : memref<1x120xi32, #tpu.memory_space<vmem>> -> memref<120xi32, #tpu.memory_space<vmem>>
    %dma_start3A_238 = arith.constant 0 : i32
    %dma_start3A_239 = arith.constant 0 : i32
    %dma_start3A_240 = tpu.memref_slice %arg4[%dma_start3A_238, %dma_start3A_239] : memref<10008x128xf32, #tpu.memory_space<hbm>> -> memref<10008x128xf32, #tpu.memory_space<hbm>>
    tpu.enqueue_indirect_dma source(%dma_start3A_240 : memref<10008x128xf32, #tpu.memory_space<hbm>>) target(%dma_start3A_234 : memref<120x128xf32, #tpu.memory_space<vmem>>) offsets(%dma_start3A_237 : memref<120xi32, #tpu.memory_space<vmem>>) semaphore(%arg17 : memref<!tpu.dma_semaphore, #tpu.memory_space<semaphore_mem>>)
    %scan3A_241 = arith.constant 0 : i32
    %scan3A_242 = arith.constant 0 : i32
    %scan3A_243 = arith.constant 7 : i32
    %scan3A_244 = arith.addi %scan3A_242, %scan3A_243 : i32
    %scan3A_245 = arith.constant 1 : i32
    %scan3A_246 = scf.for %scan3A_279 = %scan3A_242 to %scan3A_244 step %scan3A_245 iter_args(%scan3A_280 = %scan3A_241) -> (i32)  : i32 {
      %mul3A_281 = arith.constant 12 : i32
      %mul3A_282 = arith.muli %scan3A_279, %mul3A_281 : i32
      %add3A_283 = arith.constant 0 : i32
      %add3A_284 = arith.addi %mul3A_282, %add3A_283 : i32
      %dma_wait3A_285 = arith.constant 0 : i32
      %dma_wait3A_286 = arith.constant 0 : i32
      %dma_wait3A_287 = arith.constant 0 : i32
      %dma_wait3A_288 = arith.constant 0 : i32
      %dma_wait3A_289 = tpu.memref_slice %arg11[%dma_wait3A_286, %dma_wait3A_287, %dma_wait3A_288] : memref<3x120x128xf32, #tpu.memory_space<vmem>> -> memref<1x120x128xf32, #tpu.memory_space<vmem>>
      %dma_wait3A_290 = tpu.memref_squeeze %dma_wait3A_289 : memref<1x120x128xf32, #tpu.memory_space<vmem>> -> memref<120x128xf32, #tpu.memory_space<vmem>>
      %dma_wait3A_291 = arith.constant 0 : i32
      %dma_wait3A_292 = tpu.memref_slice %arg9[%dma_wait3A_285, %dma_wait3A_291] : memref<4x120xi32, #tpu.memory_space<vmem>> -> memref<1x120xi32, #tpu.memory_space<vmem>>
      %dma_wait3A_293 = tpu.memref_squeeze %dma_wait3A_292 : memref<1x120xi32, #tpu.memory_space<vmem>> -> memref<120xi32, #tpu.memory_space<vmem>>
      %dma_wait3A_294 = arith.constant 0 : i32
      %dma_wait3A_295 = arith.constant 0 : i32
      %dma_wait3A_296 = tpu.memref_slice %arg4[%dma_wait3A_294, %dma_wait3A_295] : memref<10008x128xf32, #tpu.memory_space<hbm>> -> memref<10008x128xf32, #tpu.memory_space<hbm>>
      tpu.wait_indirect_dma semaphore(%arg16 : memref<!tpu.dma_semaphore, #tpu.memory_space<semaphore_mem>>) src(%dma_wait3A_296 : memref<10008x128xf32, #tpu.memory_space<hbm>>) dst(%dma_wait3A_290 : memref<120x128xf32, #tpu.memory_space<vmem>>)
      %dma_start3A_297 = arith.constant 0 : i32
      %dma_start3A_298 = arith.constant 0 : i32
      %dma_start3A_299 = arith.constant 0 : i32
      %dma_start3A_300 = arith.constant 0 : i32
      %dma_start3A_301 = tpu.memref_slice %arg11[%dma_start3A_297, %dma_start3A_299, %dma_start3A_300] : memref<3x120x128xf32, #tpu.memory_space<vmem>> -> memref<1x120x128xf32, #tpu.memory_space<vmem>>
      %dma_start3A_302 = tpu.memref_squeeze %dma_start3A_301 : memref<1x120x128xf32, #tpu.memory_space<vmem>> -> memref<120x128xf32, #tpu.memory_space<vmem>>
      %dma_start3A_303 = arith.constant 0 : i32
      %dma_start3A_304 = tpu.memref_slice %arg10[%dma_start3A_298, %dma_start3A_303] : memref<4x120xi32, #tpu.memory_space<vmem>> -> memref<1x120xi32, #tpu.memory_space<vmem>>
      %dma_start3A_305 = tpu.memref_squeeze %dma_start3A_304 : memref<1x120xi32, #tpu.memory_space<vmem>> -> memref<120xi32, #tpu.memory_space<vmem>>
      %dma_start3A_306 = arith.constant 0 : i32
      %dma_start3A_307 = arith.constant 0 : i32
      %dma_start3A_308 = tpu.memref_slice %arg14[%dma_start3A_306, %dma_start3A_307] : memref<10008x128xf32, #tpu.memory_space<vmem_shared>> -> memref<10008x128xf32, #tpu.memory_space<vmem_shared>>
      tpu.enqueue_indirect_dma source(%dma_start3A_302 : memref<120x128xf32, #tpu.memory_space<vmem>>) target(%dma_start3A_308 : memref<10008x128xf32, #tpu.memory_space<vmem_shared>>) offsets(%dma_start3A_305 : memref<120xi32, #tpu.memory_space<vmem>>) semaphore(%arg19 : memref<!tpu.dma_semaphore, #tpu.memory_space<semaphore_mem>>) {add = true}
      %ge3A = arith.constant 1 : i32
      %ge3A_309 = arith.cmpi sge, %add3A_284, %ge3A : i32
      %convert_element_type3A_310 = arith.extui %ge3A_309 : i1 to i32
      %cond3A_311 = arith.constant 0 : i32
      %cond3A_312 = arith.cmpi ne, %convert_element_type3A_310, %cond3A_311 : i32
      scf.if %cond3A_312 {
        %dma_wait3A_1000 = arith.constant 2 : i32
        %dma_wait3A_1001 = arith.constant 3 : i32
        %dma_wait3A_1002 = arith.constant 0 : i32
        %dma_wait3A_1003 = arith.constant 0 : i32
        %dma_wait3A_1004 = tpu.memref_slice %arg11[%dma_wait3A_1000, %dma_wait3A_1002, %dma_wait3A_1003] : memref<3x120x128xf32, #tpu.memory_space<vmem>> -> memref<1x120x128xf32, #tpu.memory_space<vmem>>
        %dma_wait3A_1005 = tpu.memref_squeeze %dma_wait3A_1004 : memref<1x120x128xf32, #tpu.memory_space<vmem>> -> memref<120x128xf32, #tpu.memory_space<vmem>>
        %dma_wait3A_1006 = arith.constant 0 : i32
        %dma_wait3A_1007 = tpu.memref_slice %arg10[%dma_wait3A_1001, %dma_wait3A_1006] : memref<4x120xi32, #tpu.memory_space<vmem>> -> memref<1x120xi32, #tpu.memory_space<vmem>>
        %dma_wait3A_1008 = tpu.memref_squeeze %dma_wait3A_1007 : memref<1x120xi32, #tpu.memory_space<vmem>> -> memref<120xi32, #tpu.memory_space<vmem>>
        %dma_wait3A_1009 = arith.constant 0 : i32
        %dma_wait3A_1010 = arith.constant 0 : i32
        %dma_wait3A_1011 = tpu.memref_slice %arg14[%dma_wait3A_1009, %dma_wait3A_1010] : memref<10008x128xf32, #tpu.memory_space<vmem_shared>> -> memref<10008x128xf32, #tpu.memory_space<vmem_shared>>
        tpu.wait_indirect_dma semaphore(%arg21 : memref<!tpu.dma_semaphore, #tpu.memory_space<semaphore_mem>>) src(%dma_wait3A_1005 : memref<120x128xf32, #tpu.memory_space<vmem>>) dst(%dma_wait3A_1011 : memref<10008x128xf32, #tpu.memory_space<vmem_shared>>)
      } else {
      }
      %add3A_313 = arith.constant 2 : i32
      %add3A_314 = arith.addi %add3A_284, %add3A_313 : i32
      %lt3A = arith.constant 84 : i32
      %lt3A_315 = arith.cmpi slt, %add3A_314, %lt3A : i32
      %convert_element_type3A_316 = arith.extui %lt3A_315 : i1 to i32
      %cond3A_317 = arith.constant 0 : i32
      %cond3A_318 = arith.cmpi ne, %convert_element_type3A_316, %cond3A_317 : i32
      scf.if %cond3A_318 {
        %add3A_1000 = arith.addi %mul3A_2, %add3A_284 : i32
        %add3A_1001 = arith.constant 2 : i32
        %add3A_1002 = arith.addi %add3A_1000, %add3A_1001 : i32
        %mul3A_1003 = arith.constant 120 : i32
        %mul3A_1004 = arith.muli %add3A_1002, %mul3A_1003 : i32
        %multiple_of3A_1005 = tpu.assume_multiple %mul3A_1004, 8 : i32
        %dma_wait3A_1006 = arith.constant 2 : i32
        %dma_wait3A_1007 = arith.constant 0 : i32
        %dma_wait3A_1008 = tpu.memref_slice %arg9[%dma_wait3A_1006, %dma_wait3A_1007] : memref<4x120xi32, #tpu.memory_space<vmem>> -> memref<1x120xi32, #tpu.memory_space<vmem>>
        %dma_wait3A_1009 = tpu.memref_squeeze %dma_wait3A_1008 : memref<1x120xi32, #tpu.memory_space<vmem>> -> memref<120xi32, #tpu.memory_space<vmem>>
        %dma_wait3A_1010 = tpu.memref_slice %arg3[%multiple_of3A_1005] : memref<322560xi32, #tpu.memory_space<hbm>> -> memref<120xi32, #tpu.memory_space<hbm>>
        %dma_wait3A_1011 = arith.constant 0 : i32
        %dma_wait3A_1012 = tpu.memref_slice %arg9[%dma_wait3A_1006, %dma_wait3A_1011] : memref<4x120xi32, #tpu.memory_space<vmem>> -> memref<1x120xi32, #tpu.memory_space<vmem>>
        %dma_wait3A_1013 = tpu.memref_squeeze %dma_wait3A_1012 : memref<1x120xi32, #tpu.memory_space<vmem>> -> memref<120xi32, #tpu.memory_space<vmem>>
        %dma_wait3A_1014 = tpu.memref_slice %arg3[%multiple_of3A_1005] : memref<322560xi32, #tpu.memory_space<hbm>> -> memref<120xi32, #tpu.memory_space<hbm>>
        tpu.wait_dma2 semaphore(%arg24 : memref<!tpu.dma_semaphore, #tpu.memory_space<semaphore_mem>>) src(%dma_wait3A_1014 : memref<120xi32, #tpu.memory_space<hbm>>) dst(%dma_wait3A_1013 : memref<120xi32, #tpu.memory_space<vmem>>)
        %dma_wait3A_1015 = arith.constant 2 : i32
        %dma_wait3A_1016 = arith.constant 0 : i32
        %dma_wait3A_1017 = tpu.memref_slice %arg10[%dma_wait3A_1015, %dma_wait3A_1016] : memref<4x120xi32, #tpu.memory_space<vmem>> -> memref<1x120xi32, #tpu.memory_space<vmem>>
        %dma_wait3A_1018 = tpu.memref_squeeze %dma_wait3A_1017 : memref<1x120xi32, #tpu.memory_space<vmem>> -> memref<120xi32, #tpu.memory_space<vmem>>
        %dma_wait3A_1019 = tpu.memref_slice %arg2[%multiple_of3A_1005] : memref<322560xi32, #tpu.memory_space<hbm>> -> memref<120xi32, #tpu.memory_space<hbm>>
        %dma_wait3A_1020 = arith.constant 0 : i32
        %dma_wait3A_1021 = tpu.memref_slice %arg10[%dma_wait3A_1015, %dma_wait3A_1020] : memref<4x120xi32, #tpu.memory_space<vmem>> -> memref<1x120xi32, #tpu.memory_space<vmem>>
        %dma_wait3A_1022 = tpu.memref_squeeze %dma_wait3A_1021 : memref<1x120xi32, #tpu.memory_space<vmem>> -> memref<120xi32, #tpu.memory_space<vmem>>
        %dma_wait3A_1023 = tpu.memref_slice %arg2[%multiple_of3A_1005] : memref<322560xi32, #tpu.memory_space<hbm>> -> memref<120xi32, #tpu.memory_space<hbm>>
        tpu.wait_dma2 semaphore(%arg24 : memref<!tpu.dma_semaphore, #tpu.memory_space<semaphore_mem>>) src(%dma_wait3A_1023 : memref<120xi32, #tpu.memory_space<hbm>>) dst(%dma_wait3A_1022 : memref<120xi32, #tpu.memory_space<vmem>>)
        %dma_start3A_1024 = arith.constant 2 : i32
        %dma_start3A_1025 = arith.constant 2 : i32
        %dma_start3A_1026 = arith.constant 0 : i32
        %dma_start3A_1027 = arith.constant 0 : i32
        %dma_start3A_1028 = tpu.memref_slice %arg11[%dma_start3A_1025, %dma_start3A_1026, %dma_start3A_1027] : memref<3x120x128xf32, #tpu.memory_space<vmem>> -> memref<1x120x128xf32, #tpu.memory_space<vmem>>
        %dma_start3A_1029 = tpu.memref_squeeze %dma_start3A_1028 : memref<1x120x128xf32, #tpu.memory_space<vmem>> -> memref<120x128xf32, #tpu.memory_space<vmem>>
        %dma_start3A_1030 = arith.constant 0 : i32
        %dma_start3A_1031 = tpu.memref_slice %arg9[%dma_start3A_1024, %dma_start3A_1030] : memref<4x120xi32, #tpu.memory_space<vmem>> -> memref<1x120xi32, #tpu.memory_space<vmem>>
        %dma_start3A_1032 = tpu.memref_squeeze %dma_start3A_1031 : memref<1x120xi32, #tpu.memory_space<vmem>> -> memref<120xi32, #tpu.memory_space<vmem>>
        %dma_start3A_1033 = arith.constant 0 : i32
        %dma_start3A_1034 = arith.constant 0 : i32
        %dma_start3A_1035 = tpu.memref_slice %arg4[%dma_start3A_1033, %dma_start3A_1034] : memref<10008x128xf32, #tpu.memory_space<hbm>> -> memref<10008x128xf32, #tpu.memory_space<hbm>>
        tpu.enqueue_indirect_dma source(%dma_start3A_1035 : memref<10008x128xf32, #tpu.memory_space<hbm>>) target(%dma_start3A_1029 : memref<120x128xf32, #tpu.memory_space<vmem>>) offsets(%dma_start3A_1032 : memref<120xi32, #tpu.memory_space<vmem>>) semaphore(%arg18 : memref<!tpu.dma_semaphore, #tpu.memory_space<semaphore_mem>>)
      } else {
      }
      %dma_start3A_319 = arith.constant 0 : i32
      %dma_start3A_320 = arith.constant 0 : i32
      %dma_start3A_321 = tpu.memref_slice %arg12[%dma_start3A_320] : memref<128xf32, #tpu.memory_space<vmem>> -> memref<120xf32, #tpu.memory_space<vmem>>
      %dma_start3A_322 = arith.constant 0 : i32
      %dma_start3A_323 = tpu.memref_slice %arg9[%dma_start3A_319, %dma_start3A_322] : memref<4x120xi32, #tpu.memory_space<vmem>> -> memref<1x120xi32, #tpu.memory_space<vmem>>
      %dma_start3A_324 = tpu.memref_squeeze %dma_start3A_323 : memref<1x120xi32, #tpu.memory_space<vmem>> -> memref<120xi32, #tpu.memory_space<vmem>>
      %dma_start3A_325 = arith.constant 0 : i32
      %dma_start3A_326 = tpu.memref_slice %arg15[%dma_start3A_325] : memref<10008xf32, #tpu.memory_space<vmem_shared>> -> memref<10008xf32, #tpu.memory_space<vmem_shared>>
      tpu.enqueue_indirect_dma source(%dma_start3A_321 : memref<120xf32, #tpu.memory_space<vmem>>) target(%dma_start3A_326 : memref<10008xf32, #tpu.memory_space<vmem_shared>>) offsets(%dma_start3A_324 : memref<120xi32, #tpu.memory_space<vmem>>) semaphore(%arg22 : memref<!tpu.dma_semaphore, #tpu.memory_space<semaphore_mem>>) {add = true}
      %ge3A_327 = arith.constant 1 : i32
      %ge3A_328 = arith.cmpi sge, %add3A_284, %ge3A_327 : i32
      %convert_element_type3A_329 = arith.extui %ge3A_328 : i1 to i32
      %cond3A_330 = arith.constant 0 : i32
      %cond3A_331 = arith.cmpi ne, %convert_element_type3A_329, %cond3A_330 : i32
      scf.if %cond3A_331 {
        %dma_wait3A_1000 = arith.constant 3 : i32
        %dma_wait3A_1001 = arith.constant 0 : i32
        %dma_wait3A_1002 = tpu.memref_slice %arg12[%dma_wait3A_1001] : memref<128xf32, #tpu.memory_space<vmem>> -> memref<120xf32, #tpu.memory_space<vmem>>
        %dma_wait3A_1003 = arith.constant 0 : i32
        %dma_wait3A_1004 = tpu.memref_slice %arg9[%dma_wait3A_1000, %dma_wait3A_1003] : memref<4x120xi32, #tpu.memory_space<vmem>> -> memref<1x120xi32, #tpu.memory_space<vmem>>
        %dma_wait3A_1005 = tpu.memref_squeeze %dma_wait3A_1004 : memref<1x120xi32, #tpu.memory_space<vmem>> -> memref<120xi32, #tpu.memory_space<vmem>>
        %dma_wait3A_1006 = arith.constant 0 : i32
        %dma_wait3A_1007 = tpu.memref_slice %arg15[%dma_wait3A_1006] : memref<10008xf32, #tpu.memory_space<vmem_shared>> -> memref<10008xf32, #tpu.memory_space<vmem_shared>>
        tpu.wait_indirect_dma semaphore(%arg23 : memref<!tpu.dma_semaphore, #tpu.memory_space<semaphore_mem>>) src(%dma_wait3A_1002 : memref<120xf32, #tpu.memory_space<vmem>>) dst(%dma_wait3A_1007 : memref<10008xf32, #tpu.memory_space<vmem_shared>>)
      } else {
      }
      %add3A_332 = arith.constant 3 : i32
      %add3A_333 = arith.addi %add3A_284, %add3A_332 : i32
      %lt3A_334 = arith.constant 84 : i32
      %lt3A_335 = arith.cmpi slt, %add3A_333, %lt3A_334 : i32
      %convert_element_type3A_336 = arith.extui %lt3A_335 : i1 to i32
      %cond3A_337 = arith.constant 0 : i32
      %cond3A_338 = arith.cmpi ne, %convert_element_type3A_336, %cond3A_337 : i32
      scf.if %cond3A_338 {
        %add3A_1000 = arith.addi %mul3A_2, %add3A_284 : i32
        %add3A_1001 = arith.constant 3 : i32
        %add3A_1002 = arith.addi %add3A_1000, %add3A_1001 : i32
        %mul3A_1003 = arith.constant 120 : i32
        %mul3A_1004 = arith.muli %add3A_1002, %mul3A_1003 : i32
        %multiple_of3A_1005 = tpu.assume_multiple %mul3A_1004, 8 : i32
        %dma_start3A_1006 = arith.constant 3 : i32
        %dma_start3A_1007 = arith.constant 0 : i32
        %dma_start3A_1008 = tpu.memref_slice %arg9[%dma_start3A_1006, %dma_start3A_1007] : memref<4x120xi32, #tpu.memory_space<vmem>> -> memref<1x120xi32, #tpu.memory_space<vmem>>
        %dma_start3A_1009 = tpu.memref_squeeze %dma_start3A_1008 : memref<1x120xi32, #tpu.memory_space<vmem>> -> memref<120xi32, #tpu.memory_space<vmem>>
        %dma_start3A_1010 = tpu.memref_slice %arg3[%multiple_of3A_1005] : memref<322560xi32, #tpu.memory_space<hbm>> -> memref<120xi32, #tpu.memory_space<hbm>>
        %dma_start3A_1011 = arith.constant 0 : i32
        %dma_start3A_1012 = tpu.memref_slice %arg9[%dma_start3A_1006, %dma_start3A_1011] : memref<4x120xi32, #tpu.memory_space<vmem>> -> memref<1x120xi32, #tpu.memory_space<vmem>>
        %dma_start3A_1013 = tpu.memref_squeeze %dma_start3A_1012 : memref<1x120xi32, #tpu.memory_space<vmem>> -> memref<120xi32, #tpu.memory_space<vmem>>
        %dma_start3A_1014 = tpu.memref_slice %arg3[%multiple_of3A_1005] : memref<322560xi32, #tpu.memory_space<hbm>> -> memref<120xi32, #tpu.memory_space<hbm>>
        tpu.enqueue_dma source(%dma_start3A_1014 : memref<120xi32, #tpu.memory_space<hbm>>) target(%dma_start3A_1013 : memref<120xi32, #tpu.memory_space<vmem>>) target_semaphore(%arg24 : memref<!tpu.dma_semaphore, #tpu.memory_space<semaphore_mem>>)
        %dma_start3A_1015 = arith.constant 3 : i32
        %dma_start3A_1016 = arith.constant 0 : i32
        %dma_start3A_1017 = tpu.memref_slice %arg10[%dma_start3A_1015, %dma_start3A_1016] : memref<4x120xi32, #tpu.memory_space<vmem>> -> memref<1x120xi32, #tpu.memory_space<vmem>>
        %dma_start3A_1018 = tpu.memref_squeeze %dma_start3A_1017 : memref<1x120xi32, #tpu.memory_space<vmem>> -> memref<120xi32, #tpu.memory_space<vmem>>
        %dma_start3A_1019 = tpu.memref_slice %arg2[%multiple_of3A_1005] : memref<322560xi32, #tpu.memory_space<hbm>> -> memref<120xi32, #tpu.memory_space<hbm>>
        %dma_start3A_1020 = arith.constant 0 : i32
        %dma_start3A_1021 = tpu.memref_slice %arg10[%dma_start3A_1015, %dma_start3A_1020] : memref<4x120xi32, #tpu.memory_space<vmem>> -> memref<1x120xi32, #tpu.memory_space<vmem>>
        %dma_start3A_1022 = tpu.memref_squeeze %dma_start3A_1021 : memref<1x120xi32, #tpu.memory_space<vmem>> -> memref<120xi32, #tpu.memory_space<vmem>>
        %dma_start3A_1023 = tpu.memref_slice %arg2[%multiple_of3A_1005] : memref<322560xi32, #tpu.memory_space<hbm>> -> memref<120xi32, #tpu.memory_space<hbm>>
        tpu.enqueue_dma source(%dma_start3A_1023 : memref<120xi32, #tpu.memory_space<hbm>>) target(%dma_start3A_1022 : memref<120xi32, #tpu.memory_space<vmem>>) target_semaphore(%arg24 : memref<!tpu.dma_semaphore, #tpu.memory_space<semaphore_mem>>)
      } else {
      }
      %mul3A_339 = arith.constant 12 : i32
      %mul3A_340 = arith.muli %scan3A_279, %mul3A_339 : i32
      %add3A_341 = arith.constant 1 : i32
      %add3A_342 = arith.addi %mul3A_340, %add3A_341 : i32
      %dma_wait3A_343 = arith.constant 1 : i32
      %dma_wait3A_344 = arith.constant 1 : i32
      %dma_wait3A_345 = arith.constant 0 : i32
      %dma_wait3A_346 = arith.constant 0 : i32
      %dma_wait3A_347 = tpu.memref_slice %arg11[%dma_wait3A_344, %dma_wait3A_345, %dma_wait3A_346] : memref<3x120x128xf32, #tpu.memory_space<vmem>> -> memref<1x120x128xf32, #tpu.memory_space<vmem>>
      %dma_wait3A_348 = tpu.memref_squeeze %dma_wait3A_347 : memref<1x120x128xf32, #tpu.memory_space<vmem>> -> memref<120x128xf32, #tpu.memory_space<vmem>>
      %dma_wait3A_349 = arith.constant 0 : i32
      %dma_wait3A_350 = tpu.memref_slice %arg9[%dma_wait3A_343, %dma_wait3A_349] : memref<4x120xi32, #tpu.memory_space<vmem>> -> memref<1x120xi32, #tpu.memory_space<vmem>>
      %dma_wait3A_351 = tpu.memref_squeeze %dma_wait3A_350 : memref<1x120xi32, #tpu.memory_space<vmem>> -> memref<120xi32, #tpu.memory_space<vmem>>
      %dma_wait3A_352 = arith.constant 0 : i32
      %dma_wait3A_353 = arith.constant 0 : i32
      %dma_wait3A_354 = tpu.memref_slice %arg4[%dma_wait3A_352, %dma_wait3A_353] : memref<10008x128xf32, #tpu.memory_space<hbm>> -> memref<10008x128xf32, #tpu.memory_space<hbm>>
      tpu.wait_indirect_dma semaphore(%arg17 : memref<!tpu.dma_semaphore, #tpu.memory_space<semaphore_mem>>) src(%dma_wait3A_354 : memref<10008x128xf32, #tpu.memory_space<hbm>>) dst(%dma_wait3A_348 : memref<120x128xf32, #tpu.memory_space<vmem>>)
      %dma_start3A_355 = arith.constant 1 : i32
      %dma_start3A_356 = arith.constant 1 : i32
      %dma_start3A_357 = arith.constant 0 : i32
      %dma_start3A_358 = arith.constant 0 : i32
      %dma_start3A_359 = tpu.memref_slice %arg11[%dma_start3A_355, %dma_start3A_357, %dma_start3A_358] : memref<3x120x128xf32, #tpu.memory_space<vmem>> -> memref<1x120x128xf32, #tpu.memory_space<vmem>>
      %dma_start3A_360 = tpu.memref_squeeze %dma_start3A_359 : memref<1x120x128xf32, #tpu.memory_space<vmem>> -> memref<120x128xf32, #tpu.memory_space<vmem>>
      %dma_start3A_361 = arith.constant 0 : i32
      %dma_start3A_362 = tpu.memref_slice %arg10[%dma_start3A_356, %dma_start3A_361] : memref<4x120xi32, #tpu.memory_space<vmem>> -> memref<1x120xi32, #tpu.memory_space<vmem>>
      %dma_start3A_363 = tpu.memref_squeeze %dma_start3A_362 : memref<1x120xi32, #tpu.memory_space<vmem>> -> memref<120xi32, #tpu.memory_space<vmem>>
      %dma_start3A_364 = arith.constant 0 : i32
      %dma_start3A_365 = arith.constant 0 : i32
      %dma_start3A_366 = tpu.memref_slice %arg14[%dma_start3A_364, %dma_start3A_365] : memref<10008x128xf32, #tpu.memory_space<vmem_shared>> -> memref<10008x128xf32, #tpu.memory_space<vmem_shared>>
      tpu.enqueue_indirect_dma source(%dma_start3A_360 : memref<120x128xf32, #tpu.memory_space<vmem>>) target(%dma_start3A_366 : memref<10008x128xf32, #tpu.memory_space<vmem_shared>>) offsets(%dma_start3A_363 : memref<120xi32, #tpu.memory_space<vmem>>) semaphore(%arg20 : memref<!tpu.dma_semaphore, #tpu.memory_space<semaphore_mem>>) {add = true}
      %ge3A_367 = arith.constant 1 : i32
      %ge3A_368 = arith.cmpi sge, %add3A_342, %ge3A_367 : i32
      %convert_element_type3A_369 = arith.extui %ge3A_368 : i1 to i32
      %cond3A_370 = arith.constant 0 : i32
      %cond3A_371 = arith.cmpi ne, %convert_element_type3A_369, %cond3A_370 : i32
      scf.if %cond3A_371 {
        %dma_wait3A_1000 = arith.constant 0 : i32
        %dma_wait3A_1001 = arith.constant 0 : i32
        %dma_wait3A_1002 = arith.constant 0 : i32
        %dma_wait3A_1003 = arith.constant 0 : i32
        %dma_wait3A_1004 = tpu.memref_slice %arg11[%dma_wait3A_1000, %dma_wait3A_1002, %dma_wait3A_1003] : memref<3x120x128xf32, #tpu.memory_space<vmem>> -> memref<1x120x128xf32, #tpu.memory_space<vmem>>
        %dma_wait3A_1005 = tpu.memref_squeeze %dma_wait3A_1004 : memref<1x120x128xf32, #tpu.memory_space<vmem>> -> memref<120x128xf32, #tpu.memory_space<vmem>>
        %dma_wait3A_1006 = arith.constant 0 : i32
        %dma_wait3A_1007 = tpu.memref_slice %arg10[%dma_wait3A_1001, %dma_wait3A_1006] : memref<4x120xi32, #tpu.memory_space<vmem>> -> memref<1x120xi32, #tpu.memory_space<vmem>>
        %dma_wait3A_1008 = tpu.memref_squeeze %dma_wait3A_1007 : memref<1x120xi32, #tpu.memory_space<vmem>> -> memref<120xi32, #tpu.memory_space<vmem>>
        %dma_wait3A_1009 = arith.constant 0 : i32
        %dma_wait3A_1010 = arith.constant 0 : i32
        %dma_wait3A_1011 = tpu.memref_slice %arg14[%dma_wait3A_1009, %dma_wait3A_1010] : memref<10008x128xf32, #tpu.memory_space<vmem_shared>> -> memref<10008x128xf32, #tpu.memory_space<vmem_shared>>
        tpu.wait_indirect_dma semaphore(%arg19 : memref<!tpu.dma_semaphore, #tpu.memory_space<semaphore_mem>>) src(%dma_wait3A_1005 : memref<120x128xf32, #tpu.memory_space<vmem>>) dst(%dma_wait3A_1011 : memref<10008x128xf32, #tpu.memory_space<vmem_shared>>)
      } else {
      }
      %add3A_372 = arith.constant 2 : i32
      %add3A_373 = arith.addi %add3A_342, %add3A_372 : i32
      %lt3A_374 = arith.constant 84 : i32
      %lt3A_375 = arith.cmpi slt, %add3A_373, %lt3A_374 : i32
      %convert_element_type3A_376 = arith.extui %lt3A_375 : i1 to i32
      %cond3A_377 = arith.constant 0 : i32
      %cond3A_378 = arith.cmpi ne, %convert_element_type3A_376, %cond3A_377 : i32
      scf.if %cond3A_378 {
        %add3A_1000 = arith.addi %mul3A_2, %add3A_342 : i32
        %add3A_1001 = arith.constant 2 : i32
        %add3A_1002 = arith.addi %add3A_1000, %add3A_1001 : i32
        %mul3A_1003 = arith.constant 120 : i32
        %mul3A_1004 = arith.muli %add3A_1002, %mul3A_1003 : i32
        %multiple_of3A_1005 = tpu.assume_multiple %mul3A_1004, 8 : i32
        %dma_wait3A_1006 = arith.constant 3 : i32
        %dma_wait3A_1007 = arith.constant 0 : i32
        %dma_wait3A_1008 = tpu.memref_slice %arg9[%dma_wait3A_1006, %dma_wait3A_1007] : memref<4x120xi32, #tpu.memory_space<vmem>> -> memref<1x120xi32, #tpu.memory_space<vmem>>
        %dma_wait3A_1009 = tpu.memref_squeeze %dma_wait3A_1008 : memref<1x120xi32, #tpu.memory_space<vmem>> -> memref<120xi32, #tpu.memory_space<vmem>>
        %dma_wait3A_1010 = tpu.memref_slice %arg3[%multiple_of3A_1005] : memref<322560xi32, #tpu.memory_space<hbm>> -> memref<120xi32, #tpu.memory_space<hbm>>
        %dma_wait3A_1011 = arith.constant 0 : i32
        %dma_wait3A_1012 = tpu.memref_slice %arg9[%dma_wait3A_1006, %dma_wait3A_1011] : memref<4x120xi32, #tpu.memory_space<vmem>> -> memref<1x120xi32, #tpu.memory_space<vmem>>
        %dma_wait3A_1013 = tpu.memref_squeeze %dma_wait3A_1012 : memref<1x120xi32, #tpu.memory_space<vmem>> -> memref<120xi32, #tpu.memory_space<vmem>>
        %dma_wait3A_1014 = tpu.memref_slice %arg3[%multiple_of3A_1005] : memref<322560xi32, #tpu.memory_space<hbm>> -> memref<120xi32, #tpu.memory_space<hbm>>
        tpu.wait_dma2 semaphore(%arg24 : memref<!tpu.dma_semaphore, #tpu.memory_space<semaphore_mem>>) src(%dma_wait3A_1014 : memref<120xi32, #tpu.memory_space<hbm>>) dst(%dma_wait3A_1013 : memref<120xi32, #tpu.memory_space<vmem>>)
        %dma_wait3A_1015 = arith.constant 3 : i32
        %dma_wait3A_1016 = arith.constant 0 : i32
        %dma_wait3A_1017 = tpu.memref_slice %arg10[%dma_wait3A_1015, %dma_wait3A_1016] : memref<4x120xi32, #tpu.memory_space<vmem>> -> memref<1x120xi32, #tpu.memory_space<vmem>>
        %dma_wait3A_1018 = tpu.memref_squeeze %dma_wait3A_1017 : memref<1x120xi32, #tpu.memory_space<vmem>> -> memref<120xi32, #tpu.memory_space<vmem>>
        %dma_wait3A_1019 = tpu.memref_slice %arg2[%multiple_of3A_1005] : memref<322560xi32, #tpu.memory_space<hbm>> -> memref<120xi32, #tpu.memory_space<hbm>>
        %dma_wait3A_1020 = arith.constant 0 : i32
        %dma_wait3A_1021 = tpu.memref_slice %arg10[%dma_wait3A_1015, %dma_wait3A_1020] : memref<4x120xi32, #tpu.memory_space<vmem>> -> memref<1x120xi32, #tpu.memory_space<vmem>>
        %dma_wait3A_1022 = tpu.memref_squeeze %dma_wait3A_1021 : memref<1x120xi32, #tpu.memory_space<vmem>> -> memref<120xi32, #tpu.memory_space<vmem>>
        %dma_wait3A_1023 = tpu.memref_slice %arg2[%multiple_of3A_1005] : memref<322560xi32, #tpu.memory_space<hbm>> -> memref<120xi32, #tpu.memory_space<hbm>>
        tpu.wait_dma2 semaphore(%arg24 : memref<!tpu.dma_semaphore, #tpu.memory_space<semaphore_mem>>) src(%dma_wait3A_1023 : memref<120xi32, #tpu.memory_space<hbm>>) dst(%dma_wait3A_1022 : memref<120xi32, #tpu.memory_space<vmem>>)
        %dma_start3A_1024 = arith.constant 3 : i32
        %dma_start3A_1025 = arith.constant 0 : i32
        %dma_start3A_1026 = arith.constant 0 : i32
        %dma_start3A_1027 = arith.constant 0 : i32
        %dma_start3A_1028 = tpu.memref_slice %arg11[%dma_start3A_1025, %dma_start3A_1026, %dma_start3A_1027] : memref<3x120x128xf32, #tpu.memory_space<vmem>> -> memref<1x120x128xf32, #tpu.memory_space<vmem>>
        %dma_start3A_1029 = tpu.memref_squeeze %dma_start3A_1028 : memref<1x120x128xf32, #tpu.memory_space<vmem>> -> memref<120x128xf32, #tpu.memory_space<vmem>>
        %dma_start3A_1030 = arith.constant 0 : i32
        %dma_start3A_1031 = tpu.memref_slice %arg9[%dma_start3A_1024, %dma_start3A_1030] : memref<4x120xi32, #tpu.memory_space<vmem>> -> memref<1x120xi32, #tpu.memory_space<vmem>>
        %dma_start3A_1032 = tpu.memref_squeeze %dma_start3A_1031 : memref<1x120xi32, #tpu.memory_space<vmem>> -> memref<120xi32, #tpu.memory_space<vmem>>
        %dma_start3A_1033 = arith.constant 0 : i32
        %dma_start3A_1034 = arith.constant 0 : i32
        %dma_start3A_1035 = tpu.memref_slice %arg4[%dma_start3A_1033, %dma_start3A_1034] : memref<10008x128xf32, #tpu.memory_space<hbm>> -> memref<10008x128xf32, #tpu.memory_space<hbm>>
        tpu.enqueue_indirect_dma source(%dma_start3A_1035 : memref<10008x128xf32, #tpu.memory_space<hbm>>) target(%dma_start3A_1029 : memref<120x128xf32, #tpu.memory_space<vmem>>) offsets(%dma_start3A_1032 : memref<120xi32, #tpu.memory_space<vmem>>) semaphore(%arg16 : memref<!tpu.dma_semaphore, #tpu.memory_space<semaphore_mem>>)
      } else {
      }
      %dma_start3A_379 = arith.constant 1 : i32
      %dma_start3A_380 = arith.constant 0 : i32
      %dma_start3A_381 = tpu.memref_slice %arg12[%dma_start3A_380] : memref<128xf32, #tpu.memory_space<vmem>> -> memref<120xf32, #tpu.memory_space<vmem>>
      %dma_start3A_382 = arith.constant 0 : i32
      %dma_start3A_383 = tpu.memref_slice %arg9[%dma_start3A_379, %dma_start3A_382] : memref<4x120xi32, #tpu.memory_space<vmem>> -> memref<1x120xi32, #tpu.memory_space<vmem>>
      %dma_start3A_384 = tpu.memref_squeeze %dma_start3A_383 : memref<1x120xi32, #tpu.memory_space<vmem>> -> memref<120xi32, #tpu.memory_space<vmem>>
      %dma_start3A_385 = arith.constant 0 : i32
      %dma_start3A_386 = tpu.memref_slice %arg15[%dma_start3A_385] : memref<10008xf32, #tpu.memory_space<vmem_shared>> -> memref<10008xf32, #tpu.memory_space<vmem_shared>>
      tpu.enqueue_indirect_dma source(%dma_start3A_381 : memref<120xf32, #tpu.memory_space<vmem>>) target(%dma_start3A_386 : memref<10008xf32, #tpu.memory_space<vmem_shared>>) offsets(%dma_start3A_384 : memref<120xi32, #tpu.memory_space<vmem>>) semaphore(%arg23 : memref<!tpu.dma_semaphore, #tpu.memory_space<semaphore_mem>>) {add = true}
      %ge3A_387 = arith.constant 1 : i32
      %ge3A_388 = arith.cmpi sge, %add3A_342, %ge3A_387 : i32
      %convert_element_type3A_389 = arith.extui %ge3A_388 : i1 to i32
      %cond3A_390 = arith.constant 0 : i32
      %cond3A_391 = arith.cmpi ne, %convert_element_type3A_389, %cond3A_390 : i32
      scf.if %cond3A_391 {
        %dma_wait3A_1000 = arith.constant 0 : i32
        %dma_wait3A_1001 = arith.constant 0 : i32
        %dma_wait3A_1002 = tpu.memref_slice %arg12[%dma_wait3A_1001] : memref<128xf32, #tpu.memory_space<vmem>> -> memref<120xf32, #tpu.memory_space<vmem>>
        %dma_wait3A_1003 = arith.constant 0 : i32
        %dma_wait3A_1004 = tpu.memref_slice %arg9[%dma_wait3A_1000, %dma_wait3A_1003] : memref<4x120xi32, #tpu.memory_space<vmem>> -> memref<1x120xi32, #tpu.memory_space<vmem>>
        %dma_wait3A_1005 = tpu.memref_squeeze %dma_wait3A_1004 : memref<1x120xi32, #tpu.memory_space<vmem>> -> memref<120xi32, #tpu.memory_space<vmem>>
        %dma_wait3A_1006 = arith.constant 0 : i32
        %dma_wait3A_1007 = tpu.memref_slice %arg15[%dma_wait3A_1006] : memref<10008xf32, #tpu.memory_space<vmem_shared>> -> memref<10008xf32, #tpu.memory_space<vmem_shared>>
        tpu.wait_indirect_dma semaphore(%arg22 : memref<!tpu.dma_semaphore, #tpu.memory_space<semaphore_mem>>) src(%dma_wait3A_1002 : memref<120xf32, #tpu.memory_space<vmem>>) dst(%dma_wait3A_1007 : memref<10008xf32, #tpu.memory_space<vmem_shared>>)
      } else {
      }
      %add3A_392 = arith.constant 3 : i32
      %add3A_393 = arith.addi %add3A_342, %add3A_392 : i32
      %lt3A_394 = arith.constant 84 : i32
      %lt3A_395 = arith.cmpi slt, %add3A_393, %lt3A_394 : i32
      %convert_element_type3A_396 = arith.extui %lt3A_395 : i1 to i32
      %cond3A_397 = arith.constant 0 : i32
      %cond3A_398 = arith.cmpi ne, %convert_element_type3A_396, %cond3A_397 : i32
      scf.if %cond3A_398 {
        %add3A_1000 = arith.addi %mul3A_2, %add3A_342 : i32
        %add3A_1001 = arith.constant 3 : i32
        %add3A_1002 = arith.addi %add3A_1000, %add3A_1001 : i32
        %mul3A_1003 = arith.constant 120 : i32
        %mul3A_1004 = arith.muli %add3A_1002, %mul3A_1003 : i32
        %multiple_of3A_1005 = tpu.assume_multiple %mul3A_1004, 8 : i32
        %dma_start3A_1006 = arith.constant 0 : i32
        %dma_start3A_1007 = arith.constant 0 : i32
        %dma_start3A_1008 = tpu.memref_slice %arg9[%dma_start3A_1006, %dma_start3A_1007] : memref<4x120xi32, #tpu.memory_space<vmem>> -> memref<1x120xi32, #tpu.memory_space<vmem>>
        %dma_start3A_1009 = tpu.memref_squeeze %dma_start3A_1008 : memref<1x120xi32, #tpu.memory_space<vmem>> -> memref<120xi32, #tpu.memory_space<vmem>>
        %dma_start3A_1010 = tpu.memref_slice %arg3[%multiple_of3A_1005] : memref<322560xi32, #tpu.memory_space<hbm>> -> memref<120xi32, #tpu.memory_space<hbm>>
        %dma_start3A_1011 = arith.constant 0 : i32
        %dma_start3A_1012 = tpu.memref_slice %arg9[%dma_start3A_1006, %dma_start3A_1011] : memref<4x120xi32, #tpu.memory_space<vmem>> -> memref<1x120xi32, #tpu.memory_space<vmem>>
        %dma_start3A_1013 = tpu.memref_squeeze %dma_start3A_1012 : memref<1x120xi32, #tpu.memory_space<vmem>> -> memref<120xi32, #tpu.memory_space<vmem>>
        %dma_start3A_1014 = tpu.memref_slice %arg3[%multiple_of3A_1005] : memref<322560xi32, #tpu.memory_space<hbm>> -> memref<120xi32, #tpu.memory_space<hbm>>
        tpu.enqueue_dma source(%dma_start3A_1014 : memref<120xi32, #tpu.memory_space<hbm>>) target(%dma_start3A_1013 : memref<120xi32, #tpu.memory_space<vmem>>) target_semaphore(%arg24 : memref<!tpu.dma_semaphore, #tpu.memory_space<semaphore_mem>>)
        %dma_start3A_1015 = arith.constant 0 : i32
        %dma_start3A_1016 = arith.constant 0 : i32
        %dma_start3A_1017 = tpu.memref_slice %arg10[%dma_start3A_1015, %dma_start3A_1016] : memref<4x120xi32, #tpu.memory_space<vmem>> -> memref<1x120xi32, #tpu.memory_space<vmem>>
        %dma_start3A_1018 = tpu.memref_squeeze %dma_start3A_1017 : memref<1x120xi32, #tpu.memory_space<vmem>> -> memref<120xi32, #tpu.memory_space<vmem>>
        %dma_start3A_1019 = tpu.memref_slice %arg2[%multiple_of3A_1005] : memref<322560xi32, #tpu.memory_space<hbm>> -> memref<120xi32, #tpu.memory_space<hbm>>
        %dma_start3A_1020 = arith.constant 0 : i32
        %dma_start3A_1021 = tpu.memref_slice %arg10[%dma_start3A_1015, %dma_start3A_1020] : memref<4x120xi32, #tpu.memory_space<vmem>> -> memref<1x120xi32, #tpu.memory_space<vmem>>
        %dma_start3A_1022 = tpu.memref_squeeze %dma_start3A_1021 : memref<1x120xi32, #tpu.memory_space<vmem>> -> memref<120xi32, #tpu.memory_space<vmem>>
        %dma_start3A_1023 = tpu.memref_slice %arg2[%multiple_of3A_1005] : memref<322560xi32, #tpu.memory_space<hbm>> -> memref<120xi32, #tpu.memory_space<hbm>>
        tpu.enqueue_dma source(%dma_start3A_1023 : memref<120xi32, #tpu.memory_space<hbm>>) target(%dma_start3A_1022 : memref<120xi32, #tpu.memory_space<vmem>>) target_semaphore(%arg24 : memref<!tpu.dma_semaphore, #tpu.memory_space<semaphore_mem>>)
      } else {
      }
      %mul3A_399 = arith.constant 12 : i32
      %mul3A_400 = arith.muli %scan3A_279, %mul3A_399 : i32
      %add3A_401 = arith.constant 2 : i32
      %add3A_402 = arith.addi %mul3A_400, %add3A_401 : i32
      %dma_wait3A_403 = arith.constant 2 : i32
      %dma_wait3A_404 = arith.constant 2 : i32
      %dma_wait3A_405 = arith.constant 0 : i32
      %dma_wait3A_406 = arith.constant 0 : i32
      %dma_wait3A_407 = tpu.memref_slice %arg11[%dma_wait3A_404, %dma_wait3A_405, %dma_wait3A_406] : memref<3x120x128xf32, #tpu.memory_space<vmem>> -> memref<1x120x128xf32, #tpu.memory_space<vmem>>
      %dma_wait3A_408 = tpu.memref_squeeze %dma_wait3A_407 : memref<1x120x128xf32, #tpu.memory_space<vmem>> -> memref<120x128xf32, #tpu.memory_space<vmem>>
      %dma_wait3A_409 = arith.constant 0 : i32
      %dma_wait3A_410 = tpu.memref_slice %arg9[%dma_wait3A_403, %dma_wait3A_409] : memref<4x120xi32, #tpu.memory_space<vmem>> -> memref<1x120xi32, #tpu.memory_space<vmem>>
      %dma_wait3A_411 = tpu.memref_squeeze %dma_wait3A_410 : memref<1x120xi32, #tpu.memory_space<vmem>> -> memref<120xi32, #tpu.memory_space<vmem>>
      %dma_wait3A_412 = arith.constant 0 : i32
      %dma_wait3A_413 = arith.constant 0 : i32
      %dma_wait3A_414 = tpu.memref_slice %arg4[%dma_wait3A_412, %dma_wait3A_413] : memref<10008x128xf32, #tpu.memory_space<hbm>> -> memref<10008x128xf32, #tpu.memory_space<hbm>>
      tpu.wait_indirect_dma semaphore(%arg18 : memref<!tpu.dma_semaphore, #tpu.memory_space<semaphore_mem>>) src(%dma_wait3A_414 : memref<10008x128xf32, #tpu.memory_space<hbm>>) dst(%dma_wait3A_408 : memref<120x128xf32, #tpu.memory_space<vmem>>)
      %dma_start3A_415 = arith.constant 2 : i32
      %dma_start3A_416 = arith.constant 2 : i32
      %dma_start3A_417 = arith.constant 0 : i32
      %dma_start3A_418 = arith.constant 0 : i32
      %dma_start3A_419 = tpu.memref_slice %arg11[%dma_start3A_415, %dma_start3A_417, %dma_start3A_418] : memref<3x120x128xf32, #tpu.memory_space<vmem>> -> memref<1x120x128xf32, #tpu.memory_space<vmem>>
      %dma_start3A_420 = tpu.memref_squeeze %dma_start3A_419 : memref<1x120x128xf32, #tpu.memory_space<vmem>> -> memref<120x128xf32, #tpu.memory_space<vmem>>
      %dma_start3A_421 = arith.constant 0 : i32
      %dma_start3A_422 = tpu.memref_slice %arg10[%dma_start3A_416, %dma_start3A_421] : memref<4x120xi32, #tpu.memory_space<vmem>> -> memref<1x120xi32, #tpu.memory_space<vmem>>
      %dma_start3A_423 = tpu.memref_squeeze %dma_start3A_422 : memref<1x120xi32, #tpu.memory_space<vmem>> -> memref<120xi32, #tpu.memory_space<vmem>>
      %dma_start3A_424 = arith.constant 0 : i32
      %dma_start3A_425 = arith.constant 0 : i32
      %dma_start3A_426 = tpu.memref_slice %arg14[%dma_start3A_424, %dma_start3A_425] : memref<10008x128xf32, #tpu.memory_space<vmem_shared>> -> memref<10008x128xf32, #tpu.memory_space<vmem_shared>>
      tpu.enqueue_indirect_dma source(%dma_start3A_420 : memref<120x128xf32, #tpu.memory_space<vmem>>) target(%dma_start3A_426 : memref<10008x128xf32, #tpu.memory_space<vmem_shared>>) offsets(%dma_start3A_423 : memref<120xi32, #tpu.memory_space<vmem>>) semaphore(%arg21 : memref<!tpu.dma_semaphore, #tpu.memory_space<semaphore_mem>>) {add = true}
      %ge3A_427 = arith.constant 1 : i32
      %ge3A_428 = arith.cmpi sge, %add3A_402, %ge3A_427 : i32
      %convert_element_type3A_429 = arith.extui %ge3A_428 : i1 to i32
      %cond3A_430 = arith.constant 0 : i32
      %cond3A_431 = arith.cmpi ne, %convert_element_type3A_429, %cond3A_430 : i32
      scf.if %cond3A_431 {
        %dma_wait3A_1000 = arith.constant 1 : i32
        %dma_wait3A_1001 = arith.constant 1 : i32
        %dma_wait3A_1002 = arith.constant 0 : i32
        %dma_wait3A_1003 = arith.constant 0 : i32
        %dma_wait3A_1004 = tpu.memref_slice %arg11[%dma_wait3A_1000, %dma_wait3A_1002, %dma_wait3A_1003] : memref<3x120x128xf32, #tpu.memory_space<vmem>> -> memref<1x120x128xf32, #tpu.memory_space<vmem>>
        %dma_wait3A_1005 = tpu.memref_squeeze %dma_wait3A_1004 : memref<1x120x128xf32, #tpu.memory_space<vmem>> -> memref<120x128xf32, #tpu.memory_space<vmem>>
        %dma_wait3A_1006 = arith.constant 0 : i32
        %dma_wait3A_1007 = tpu.memref_slice %arg10[%dma_wait3A_1001, %dma_wait3A_1006] : memref<4x120xi32, #tpu.memory_space<vmem>> -> memref<1x120xi32, #tpu.memory_space<vmem>>
        %dma_wait3A_1008 = tpu.memref_squeeze %dma_wait3A_1007 : memref<1x120xi32, #tpu.memory_space<vmem>> -> memref<120xi32, #tpu.memory_space<vmem>>
        %dma_wait3A_1009 = arith.constant 0 : i32
        %dma_wait3A_1010 = arith.constant 0 : i32
        %dma_wait3A_1011 = tpu.memref_slice %arg14[%dma_wait3A_1009, %dma_wait3A_1010] : memref<10008x128xf32, #tpu.memory_space<vmem_shared>> -> memref<10008x128xf32, #tpu.memory_space<vmem_shared>>
        tpu.wait_indirect_dma semaphore(%arg20 : memref<!tpu.dma_semaphore, #tpu.memory_space<semaphore_mem>>) src(%dma_wait3A_1005 : memref<120x128xf32, #tpu.memory_space<vmem>>) dst(%dma_wait3A_1011 : memref<10008x128xf32, #tpu.memory_space<vmem_shared>>)
      } else {
      }
      %add3A_432 = arith.constant 2 : i32
      %add3A_433 = arith.addi %add3A_402, %add3A_432 : i32
      %lt3A_434 = arith.constant 84 : i32
      %lt3A_435 = arith.cmpi slt, %add3A_433, %lt3A_434 : i32
      %convert_element_type3A_436 = arith.extui %lt3A_435 : i1 to i32
      %cond3A_437 = arith.constant 0 : i32
      %cond3A_438 = arith.cmpi ne, %convert_element_type3A_436, %cond3A_437 : i32
      scf.if %cond3A_438 {
        %add3A_1000 = arith.addi %mul3A_2, %add3A_402 : i32
        %add3A_1001 = arith.constant 2 : i32
        %add3A_1002 = arith.addi %add3A_1000, %add3A_1001 : i32
        %mul3A_1003 = arith.constant 120 : i32
        %mul3A_1004 = arith.muli %add3A_1002, %mul3A_1003 : i32
        %multiple_of3A_1005 = tpu.assume_multiple %mul3A_1004, 8 : i32
        %dma_wait3A_1006 = arith.constant 0 : i32
        %dma_wait3A_1007 = arith.constant 0 : i32
        %dma_wait3A_1008 = tpu.memref_slice %arg9[%dma_wait3A_1006, %dma_wait3A_1007] : memref<4x120xi32, #tpu.memory_space<vmem>> -> memref<1x120xi32, #tpu.memory_space<vmem>>
        %dma_wait3A_1009 = tpu.memref_squeeze %dma_wait3A_1008 : memref<1x120xi32, #tpu.memory_space<vmem>> -> memref<120xi32, #tpu.memory_space<vmem>>
        %dma_wait3A_1010 = tpu.memref_slice %arg3[%multiple_of3A_1005] : memref<322560xi32, #tpu.memory_space<hbm>> -> memref<120xi32, #tpu.memory_space<hbm>>
        %dma_wait3A_1011 = arith.constant 0 : i32
        %dma_wait3A_1012 = tpu.memref_slice %arg9[%dma_wait3A_1006, %dma_wait3A_1011] : memref<4x120xi32, #tpu.memory_space<vmem>> -> memref<1x120xi32, #tpu.memory_space<vmem>>
        %dma_wait3A_1013 = tpu.memref_squeeze %dma_wait3A_1012 : memref<1x120xi32, #tpu.memory_space<vmem>> -> memref<120xi32, #tpu.memory_space<vmem>>
        %dma_wait3A_1014 = tpu.memref_slice %arg3[%multiple_of3A_1005] : memref<322560xi32, #tpu.memory_space<hbm>> -> memref<120xi32, #tpu.memory_space<hbm>>
        tpu.wait_dma2 semaphore(%arg24 : memref<!tpu.dma_semaphore, #tpu.memory_space<semaphore_mem>>) src(%dma_wait3A_1014 : memref<120xi32, #tpu.memory_space<hbm>>) dst(%dma_wait3A_1013 : memref<120xi32, #tpu.memory_space<vmem>>)
        %dma_wait3A_1015 = arith.constant 0 : i32
        %dma_wait3A_1016 = arith.constant 0 : i32
        %dma_wait3A_1017 = tpu.memref_slice %arg10[%dma_wait3A_1015, %dma_wait3A_1016] : memref<4x120xi32, #tpu.memory_space<vmem>> -> memref<1x120xi32, #tpu.memory_space<vmem>>
        %dma_wait3A_1018 = tpu.memref_squeeze %dma_wait3A_1017 : memref<1x120xi32, #tpu.memory_space<vmem>> -> memref<120xi32, #tpu.memory_space<vmem>>
        %dma_wait3A_1019 = tpu.memref_slice %arg2[%multiple_of3A_1005] : memref<322560xi32, #tpu.memory_space<hbm>> -> memref<120xi32, #tpu.memory_space<hbm>>
        %dma_wait3A_1020 = arith.constant 0 : i32
        %dma_wait3A_1021 = tpu.memref_slice %arg10[%dma_wait3A_1015, %dma_wait3A_1020] : memref<4x120xi32, #tpu.memory_space<vmem>> -> memref<1x120xi32, #tpu.memory_space<vmem>>
        %dma_wait3A_1022 = tpu.memref_squeeze %dma_wait3A_1021 : memref<1x120xi32, #tpu.memory_space<vmem>> -> memref<120xi32, #tpu.memory_space<vmem>>
        %dma_wait3A_1023 = tpu.memref_slice %arg2[%multiple_of3A_1005] : memref<322560xi32, #tpu.memory_space<hbm>> -> memref<120xi32, #tpu.memory_space<hbm>>
        tpu.wait_dma2 semaphore(%arg24 : memref<!tpu.dma_semaphore, #tpu.memory_space<semaphore_mem>>) src(%dma_wait3A_1023 : memref<120xi32, #tpu.memory_space<hbm>>) dst(%dma_wait3A_1022 : memref<120xi32, #tpu.memory_space<vmem>>)
        %dma_start3A_1024 = arith.constant 0 : i32
        %dma_start3A_1025 = arith.constant 1 : i32
        %dma_start3A_1026 = arith.constant 0 : i32
        %dma_start3A_1027 = arith.constant 0 : i32
        %dma_start3A_1028 = tpu.memref_slice %arg11[%dma_start3A_1025, %dma_start3A_1026, %dma_start3A_1027] : memref<3x120x128xf32, #tpu.memory_space<vmem>> -> memref<1x120x128xf32, #tpu.memory_space<vmem>>
        %dma_start3A_1029 = tpu.memref_squeeze %dma_start3A_1028 : memref<1x120x128xf32, #tpu.memory_space<vmem>> -> memref<120x128xf32, #tpu.memory_space<vmem>>
        %dma_start3A_1030 = arith.constant 0 : i32
        %dma_start3A_1031 = tpu.memref_slice %arg9[%dma_start3A_1024, %dma_start3A_1030] : memref<4x120xi32, #tpu.memory_space<vmem>> -> memref<1x120xi32, #tpu.memory_space<vmem>>
        %dma_start3A_1032 = tpu.memref_squeeze %dma_start3A_1031 : memref<1x120xi32, #tpu.memory_space<vmem>> -> memref<120xi32, #tpu.memory_space<vmem>>
        %dma_start3A_1033 = arith.constant 0 : i32
        %dma_start3A_1034 = arith.constant 0 : i32
        %dma_start3A_1035 = tpu.memref_slice %arg4[%dma_start3A_1033, %dma_start3A_1034] : memref<10008x128xf32, #tpu.memory_space<hbm>> -> memref<10008x128xf32, #tpu.memory_space<hbm>>
        tpu.enqueue_indirect_dma source(%dma_start3A_1035 : memref<10008x128xf32, #tpu.memory_space<hbm>>) target(%dma_start3A_1029 : memref<120x128xf32, #tpu.memory_space<vmem>>) offsets(%dma_start3A_1032 : memref<120xi32, #tpu.memory_space<vmem>>) semaphore(%arg17 : memref<!tpu.dma_semaphore, #tpu.memory_space<semaphore_mem>>)
      } else {
      }
      %dma_start3A_439 = arith.constant 2 : i32
      %dma_start3A_440 = arith.constant 0 : i32
      %dma_start3A_441 = tpu.memref_slice %arg12[%dma_start3A_440] : memref<128xf32, #tpu.memory_space<vmem>> -> memref<120xf32, #tpu.memory_space<vmem>>
      %dma_start3A_442 = arith.constant 0 : i32
      %dma_start3A_443 = tpu.memref_slice %arg9[%dma_start3A_439, %dma_start3A_442] : memref<4x120xi32, #tpu.memory_space<vmem>> -> memref<1x120xi32, #tpu.memory_space<vmem>>
      %dma_start3A_444 = tpu.memref_squeeze %dma_start3A_443 : memref<1x120xi32, #tpu.memory_space<vmem>> -> memref<120xi32, #tpu.memory_space<vmem>>
      %dma_start3A_445 = arith.constant 0 : i32
      %dma_start3A_446 = tpu.memref_slice %arg15[%dma_start3A_445] : memref<10008xf32, #tpu.memory_space<vmem_shared>> -> memref<10008xf32, #tpu.memory_space<vmem_shared>>
      tpu.enqueue_indirect_dma source(%dma_start3A_441 : memref<120xf32, #tpu.memory_space<vmem>>) target(%dma_start3A_446 : memref<10008xf32, #tpu.memory_space<vmem_shared>>) offsets(%dma_start3A_444 : memref<120xi32, #tpu.memory_space<vmem>>) semaphore(%arg22 : memref<!tpu.dma_semaphore, #tpu.memory_space<semaphore_mem>>) {add = true}
      %ge3A_447 = arith.constant 1 : i32
      %ge3A_448 = arith.cmpi sge, %add3A_402, %ge3A_447 : i32
      %convert_element_type3A_449 = arith.extui %ge3A_448 : i1 to i32
      %cond3A_450 = arith.constant 0 : i32
      %cond3A_451 = arith.cmpi ne, %convert_element_type3A_449, %cond3A_450 : i32
      scf.if %cond3A_451 {
        %dma_wait3A_1000 = arith.constant 1 : i32
        %dma_wait3A_1001 = arith.constant 0 : i32
        %dma_wait3A_1002 = tpu.memref_slice %arg12[%dma_wait3A_1001] : memref<128xf32, #tpu.memory_space<vmem>> -> memref<120xf32, #tpu.memory_space<vmem>>
        %dma_wait3A_1003 = arith.constant 0 : i32
        %dma_wait3A_1004 = tpu.memref_slice %arg9[%dma_wait3A_1000, %dma_wait3A_1003] : memref<4x120xi32, #tpu.memory_space<vmem>> -> memref<1x120xi32, #tpu.memory_space<vmem>>
        %dma_wait3A_1005 = tpu.memref_squeeze %dma_wait3A_1004 : memref<1x120xi32, #tpu.memory_space<vmem>> -> memref<120xi32, #tpu.memory_space<vmem>>
        %dma_wait3A_1006 = arith.constant 0 : i32
        %dma_wait3A_1007 = tpu.memref_slice %arg15[%dma_wait3A_1006] : memref<10008xf32, #tpu.memory_space<vmem_shared>> -> memref<10008xf32, #tpu.memory_space<vmem_shared>>
        tpu.wait_indirect_dma semaphore(%arg23 : memref<!tpu.dma_semaphore, #tpu.memory_space<semaphore_mem>>) src(%dma_wait3A_1002 : memref<120xf32, #tpu.memory_space<vmem>>) dst(%dma_wait3A_1007 : memref<10008xf32, #tpu.memory_space<vmem_shared>>)
      } else {
      }
      %add3A_452 = arith.constant 3 : i32
      %add3A_453 = arith.addi %add3A_402, %add3A_452 : i32
      %lt3A_454 = arith.constant 84 : i32
      %lt3A_455 = arith.cmpi slt, %add3A_453, %lt3A_454 : i32
      %convert_element_type3A_456 = arith.extui %lt3A_455 : i1 to i32
      %cond3A_457 = arith.constant 0 : i32
      %cond3A_458 = arith.cmpi ne, %convert_element_type3A_456, %cond3A_457 : i32
      scf.if %cond3A_458 {
        %add3A_1000 = arith.addi %mul3A_2, %add3A_402 : i32
        %add3A_1001 = arith.constant 3 : i32
        %add3A_1002 = arith.addi %add3A_1000, %add3A_1001 : i32
        %mul3A_1003 = arith.constant 120 : i32
        %mul3A_1004 = arith.muli %add3A_1002, %mul3A_1003 : i32
        %multiple_of3A_1005 = tpu.assume_multiple %mul3A_1004, 8 : i32
        %dma_start3A_1006 = arith.constant 1 : i32
        %dma_start3A_1007 = arith.constant 0 : i32
        %dma_start3A_1008 = tpu.memref_slice %arg9[%dma_start3A_1006, %dma_start3A_1007] : memref<4x120xi32, #tpu.memory_space<vmem>> -> memref<1x120xi32, #tpu.memory_space<vmem>>
        %dma_start3A_1009 = tpu.memref_squeeze %dma_start3A_1008 : memref<1x120xi32, #tpu.memory_space<vmem>> -> memref<120xi32, #tpu.memory_space<vmem>>
        %dma_start3A_1010 = tpu.memref_slice %arg3[%multiple_of3A_1005] : memref<322560xi32, #tpu.memory_space<hbm>> -> memref<120xi32, #tpu.memory_space<hbm>>
        %dma_start3A_1011 = arith.constant 0 : i32
        %dma_start3A_1012 = tpu.memref_slice %arg9[%dma_start3A_1006, %dma_start3A_1011] : memref<4x120xi32, #tpu.memory_space<vmem>> -> memref<1x120xi32, #tpu.memory_space<vmem>>
        %dma_start3A_1013 = tpu.memref_squeeze %dma_start3A_1012 : memref<1x120xi32, #tpu.memory_space<vmem>> -> memref<120xi32, #tpu.memory_space<vmem>>
        %dma_start3A_1014 = tpu.memref_slice %arg3[%multiple_of3A_1005] : memref<322560xi32, #tpu.memory_space<hbm>> -> memref<120xi32, #tpu.memory_space<hbm>>
        tpu.enqueue_dma source(%dma_start3A_1014 : memref<120xi32, #tpu.memory_space<hbm>>) target(%dma_start3A_1013 : memref<120xi32, #tpu.memory_space<vmem>>) target_semaphore(%arg24 : memref<!tpu.dma_semaphore, #tpu.memory_space<semaphore_mem>>)
        %dma_start3A_1015 = arith.constant 1 : i32
        %dma_start3A_1016 = arith.constant 0 : i32
        %dma_start3A_1017 = tpu.memref_slice %arg10[%dma_start3A_1015, %dma_start3A_1016] : memref<4x120xi32, #tpu.memory_space<vmem>> -> memref<1x120xi32, #tpu.memory_space<vmem>>
        %dma_start3A_1018 = tpu.memref_squeeze %dma_start3A_1017 : memref<1x120xi32, #tpu.memory_space<vmem>> -> memref<120xi32, #tpu.memory_space<vmem>>
        %dma_start3A_1019 = tpu.memref_slice %arg2[%multiple_of3A_1005] : memref<322560xi32, #tpu.memory_space<hbm>> -> memref<120xi32, #tpu.memory_space<hbm>>
        %dma_start3A_1020 = arith.constant 0 : i32
        %dma_start3A_1021 = tpu.memref_slice %arg10[%dma_start3A_1015, %dma_start3A_1020] : memref<4x120xi32, #tpu.memory_space<vmem>> -> memref<1x120xi32, #tpu.memory_space<vmem>>
        %dma_start3A_1022 = tpu.memref_squeeze %dma_start3A_1021 : memref<1x120xi32, #tpu.memory_space<vmem>> -> memref<120xi32, #tpu.memory_space<vmem>>
        %dma_start3A_1023 = tpu.memref_slice %arg2[%multiple_of3A_1005] : memref<322560xi32, #tpu.memory_space<hbm>> -> memref<120xi32, #tpu.memory_space<hbm>>
        tpu.enqueue_dma source(%dma_start3A_1023 : memref<120xi32, #tpu.memory_space<hbm>>) target(%dma_start3A_1022 : memref<120xi32, #tpu.memory_space<vmem>>) target_semaphore(%arg24 : memref<!tpu.dma_semaphore, #tpu.memory_space<semaphore_mem>>)
      } else {
      }
      %mul3A_459 = arith.constant 12 : i32
      %mul3A_460 = arith.muli %scan3A_279, %mul3A_459 : i32
      %add3A_461 = arith.constant 3 : i32
      %add3A_462 = arith.addi %mul3A_460, %add3A_461 : i32
      %dma_wait3A_463 = arith.constant 3 : i32
      %dma_wait3A_464 = arith.constant 0 : i32
      %dma_wait3A_465 = arith.constant 0 : i32
      %dma_wait3A_466 = arith.constant 0 : i32
      %dma_wait3A_467 = tpu.memref_slice %arg11[%dma_wait3A_464, %dma_wait3A_465, %dma_wait3A_466] : memref<3x120x128xf32, #tpu.memory_space<vmem>> -> memref<1x120x128xf32, #tpu.memory_space<vmem>>
      %dma_wait3A_468 = tpu.memref_squeeze %dma_wait3A_467 : memref<1x120x128xf32, #tpu.memory_space<vmem>> -> memref<120x128xf32, #tpu.memory_space<vmem>>
      %dma_wait3A_469 = arith.constant 0 : i32
      %dma_wait3A_470 = tpu.memref_slice %arg9[%dma_wait3A_463, %dma_wait3A_469] : memref<4x120xi32, #tpu.memory_space<vmem>> -> memref<1x120xi32, #tpu.memory_space<vmem>>
      %dma_wait3A_471 = tpu.memref_squeeze %dma_wait3A_470 : memref<1x120xi32, #tpu.memory_space<vmem>> -> memref<120xi32, #tpu.memory_space<vmem>>
      %dma_wait3A_472 = arith.constant 0 : i32
      %dma_wait3A_473 = arith.constant 0 : i32
      %dma_wait3A_474 = tpu.memref_slice %arg4[%dma_wait3A_472, %dma_wait3A_473] : memref<10008x128xf32, #tpu.memory_space<hbm>> -> memref<10008x128xf32, #tpu.memory_space<hbm>>
      tpu.wait_indirect_dma semaphore(%arg16 : memref<!tpu.dma_semaphore, #tpu.memory_space<semaphore_mem>>) src(%dma_wait3A_474 : memref<10008x128xf32, #tpu.memory_space<hbm>>) dst(%dma_wait3A_468 : memref<120x128xf32, #tpu.memory_space<vmem>>)
      %dma_start3A_475 = arith.constant 0 : i32
      %dma_start3A_476 = arith.constant 3 : i32
      %dma_start3A_477 = arith.constant 0 : i32
      %dma_start3A_478 = arith.constant 0 : i32
      %dma_start3A_479 = tpu.memref_slice %arg11[%dma_start3A_475, %dma_start3A_477, %dma_start3A_478] : memref<3x120x128xf32, #tpu.memory_space<vmem>> -> memref<1x120x128xf32, #tpu.memory_space<vmem>>
      %dma_start3A_480 = tpu.memref_squeeze %dma_start3A_479 : memref<1x120x128xf32, #tpu.memory_space<vmem>> -> memref<120x128xf32, #tpu.memory_space<vmem>>
      %dma_start3A_481 = arith.constant 0 : i32
      %dma_start3A_482 = tpu.memref_slice %arg10[%dma_start3A_476, %dma_start3A_481] : memref<4x120xi32, #tpu.memory_space<vmem>> -> memref<1x120xi32, #tpu.memory_space<vmem>>
      %dma_start3A_483 = tpu.memref_squeeze %dma_start3A_482 : memref<1x120xi32, #tpu.memory_space<vmem>> -> memref<120xi32, #tpu.memory_space<vmem>>
      %dma_start3A_484 = arith.constant 0 : i32
      %dma_start3A_485 = arith.constant 0 : i32
      %dma_start3A_486 = tpu.memref_slice %arg14[%dma_start3A_484, %dma_start3A_485] : memref<10008x128xf32, #tpu.memory_space<vmem_shared>> -> memref<10008x128xf32, #tpu.memory_space<vmem_shared>>
      tpu.enqueue_indirect_dma source(%dma_start3A_480 : memref<120x128xf32, #tpu.memory_space<vmem>>) target(%dma_start3A_486 : memref<10008x128xf32, #tpu.memory_space<vmem_shared>>) offsets(%dma_start3A_483 : memref<120xi32, #tpu.memory_space<vmem>>) semaphore(%arg19 : memref<!tpu.dma_semaphore, #tpu.memory_space<semaphore_mem>>) {add = true}
      %ge3A_487 = arith.constant 1 : i32
      %ge3A_488 = arith.cmpi sge, %add3A_462, %ge3A_487 : i32
      %convert_element_type3A_489 = arith.extui %ge3A_488 : i1 to i32
      %cond3A_490 = arith.constant 0 : i32
      %cond3A_491 = arith.cmpi ne, %convert_element_type3A_489, %cond3A_490 : i32
      scf.if %cond3A_491 {
        %dma_wait3A_1000 = arith.constant 2 : i32
        %dma_wait3A_1001 = arith.constant 2 : i32
        %dma_wait3A_1002 = arith.constant 0 : i32
        %dma_wait3A_1003 = arith.constant 0 : i32
        %dma_wait3A_1004 = tpu.memref_slice %arg11[%dma_wait3A_1000, %dma_wait3A_1002, %dma_wait3A_1003] : memref<3x120x128xf32, #tpu.memory_space<vmem>> -> memref<1x120x128xf32, #tpu.memory_space<vmem>>
        %dma_wait3A_1005 = tpu.memref_squeeze %dma_wait3A_1004 : memref<1x120x128xf32, #tpu.memory_space<vmem>> -> memref<120x128xf32, #tpu.memory_space<vmem>>
        %dma_wait3A_1006 = arith.constant 0 : i32
        %dma_wait3A_1007 = tpu.memref_slice %arg10[%dma_wait3A_1001, %dma_wait3A_1006] : memref<4x120xi32, #tpu.memory_space<vmem>> -> memref<1x120xi32, #tpu.memory_space<vmem>>
        %dma_wait3A_1008 = tpu.memref_squeeze %dma_wait3A_1007 : memref<1x120xi32, #tpu.memory_space<vmem>> -> memref<120xi32, #tpu.memory_space<vmem>>
        %dma_wait3A_1009 = arith.constant 0 : i32
        %dma_wait3A_1010 = arith.constant 0 : i32
        %dma_wait3A_1011 = tpu.memref_slice %arg14[%dma_wait3A_1009, %dma_wait3A_1010] : memref<10008x128xf32, #tpu.memory_space<vmem_shared>> -> memref<10008x128xf32, #tpu.memory_space<vmem_shared>>
        tpu.wait_indirect_dma semaphore(%arg21 : memref<!tpu.dma_semaphore, #tpu.memory_space<semaphore_mem>>) src(%dma_wait3A_1005 : memref<120x128xf32, #tpu.memory_space<vmem>>) dst(%dma_wait3A_1011 : memref<10008x128xf32, #tpu.memory_space<vmem_shared>>)
      } else {
      }
      %add3A_492 = arith.constant 2 : i32
      %add3A_493 = arith.addi %add3A_462, %add3A_492 : i32
      %lt3A_494 = arith.constant 84 : i32
      %lt3A_495 = arith.cmpi slt, %add3A_493, %lt3A_494 : i32
      %convert_element_type3A_496 = arith.extui %lt3A_495 : i1 to i32
      %cond3A_497 = arith.constant 0 : i32
      %cond3A_498 = arith.cmpi ne, %convert_element_type3A_496, %cond3A_497 : i32
      scf.if %cond3A_498 {
        %add3A_1000 = arith.addi %mul3A_2, %add3A_462 : i32
        %add3A_1001 = arith.constant 2 : i32
        %add3A_1002 = arith.addi %add3A_1000, %add3A_1001 : i32
        %mul3A_1003 = arith.constant 120 : i32
        %mul3A_1004 = arith.muli %add3A_1002, %mul3A_1003 : i32
        %multiple_of3A_1005 = tpu.assume_multiple %mul3A_1004, 8 : i32
        %dma_wait3A_1006 = arith.constant 1 : i32
        %dma_wait3A_1007 = arith.constant 0 : i32
        %dma_wait3A_1008 = tpu.memref_slice %arg9[%dma_wait3A_1006, %dma_wait3A_1007] : memref<4x120xi32, #tpu.memory_space<vmem>> -> memref<1x120xi32, #tpu.memory_space<vmem>>
        %dma_wait3A_1009 = tpu.memref_squeeze %dma_wait3A_1008 : memref<1x120xi32, #tpu.memory_space<vmem>> -> memref<120xi32, #tpu.memory_space<vmem>>
        %dma_wait3A_1010 = tpu.memref_slice %arg3[%multiple_of3A_1005] : memref<322560xi32, #tpu.memory_space<hbm>> -> memref<120xi32, #tpu.memory_space<hbm>>
        %dma_wait3A_1011 = arith.constant 0 : i32
        %dma_wait3A_1012 = tpu.memref_slice %arg9[%dma_wait3A_1006, %dma_wait3A_1011] : memref<4x120xi32, #tpu.memory_space<vmem>> -> memref<1x120xi32, #tpu.memory_space<vmem>>
        %dma_wait3A_1013 = tpu.memref_squeeze %dma_wait3A_1012 : memref<1x120xi32, #tpu.memory_space<vmem>> -> memref<120xi32, #tpu.memory_space<vmem>>
        %dma_wait3A_1014 = tpu.memref_slice %arg3[%multiple_of3A_1005] : memref<322560xi32, #tpu.memory_space<hbm>> -> memref<120xi32, #tpu.memory_space<hbm>>
        tpu.wait_dma2 semaphore(%arg24 : memref<!tpu.dma_semaphore, #tpu.memory_space<semaphore_mem>>) src(%dma_wait3A_1014 : memref<120xi32, #tpu.memory_space<hbm>>) dst(%dma_wait3A_1013 : memref<120xi32, #tpu.memory_space<vmem>>)
        %dma_wait3A_1015 = arith.constant 1 : i32
        %dma_wait3A_1016 = arith.constant 0 : i32
        %dma_wait3A_1017 = tpu.memref_slice %arg10[%dma_wait3A_1015, %dma_wait3A_1016] : memref<4x120xi32, #tpu.memory_space<vmem>> -> memref<1x120xi32, #tpu.memory_space<vmem>>
        %dma_wait3A_1018 = tpu.memref_squeeze %dma_wait3A_1017 : memref<1x120xi32, #tpu.memory_space<vmem>> -> memref<120xi32, #tpu.memory_space<vmem>>
        %dma_wait3A_1019 = tpu.memref_slice %arg2[%multiple_of3A_1005] : memref<322560xi32, #tpu.memory_space<hbm>> -> memref<120xi32, #tpu.memory_space<hbm>>
        %dma_wait3A_1020 = arith.constant 0 : i32
        %dma_wait3A_1021 = tpu.memref_slice %arg10[%dma_wait3A_1015, %dma_wait3A_1020] : memref<4x120xi32, #tpu.memory_space<vmem>> -> memref<1x120xi32, #tpu.memory_space<vmem>>
        %dma_wait3A_1022 = tpu.memref_squeeze %dma_wait3A_1021 : memref<1x120xi32, #tpu.memory_space<vmem>> -> memref<120xi32, #tpu.memory_space<vmem>>
        %dma_wait3A_1023 = tpu.memref_slice %arg2[%multiple_of3A_1005] : memref<322560xi32, #tpu.memory_space<hbm>> -> memref<120xi32, #tpu.memory_space<hbm>>
        tpu.wait_dma2 semaphore(%arg24 : memref<!tpu.dma_semaphore, #tpu.memory_space<semaphore_mem>>) src(%dma_wait3A_1023 : memref<120xi32, #tpu.memory_space<hbm>>) dst(%dma_wait3A_1022 : memref<120xi32, #tpu.memory_space<vmem>>)
        %dma_start3A_1024 = arith.constant 1 : i32
        %dma_start3A_1025 = arith.constant 2 : i32
        %dma_start3A_1026 = arith.constant 0 : i32
        %dma_start3A_1027 = arith.constant 0 : i32
        %dma_start3A_1028 = tpu.memref_slice %arg11[%dma_start3A_1025, %dma_start3A_1026, %dma_start3A_1027] : memref<3x120x128xf32, #tpu.memory_space<vmem>> -> memref<1x120x128xf32, #tpu.memory_space<vmem>>
        %dma_start3A_1029 = tpu.memref_squeeze %dma_start3A_1028 : memref<1x120x128xf32, #tpu.memory_space<vmem>> -> memref<120x128xf32, #tpu.memory_space<vmem>>
        %dma_start3A_1030 = arith.constant 0 : i32
        %dma_start3A_1031 = tpu.memref_slice %arg9[%dma_start3A_1024, %dma_start3A_1030] : memref<4x120xi32, #tpu.memory_space<vmem>> -> memref<1x120xi32, #tpu.memory_space<vmem>>
        %dma_start3A_1032 = tpu.memref_squeeze %dma_start3A_1031 : memref<1x120xi32, #tpu.memory_space<vmem>> -> memref<120xi32, #tpu.memory_space<vmem>>
        %dma_start3A_1033 = arith.constant 0 : i32
        %dma_start3A_1034 = arith.constant 0 : i32
        %dma_start3A_1035 = tpu.memref_slice %arg4[%dma_start3A_1033, %dma_start3A_1034] : memref<10008x128xf32, #tpu.memory_space<hbm>> -> memref<10008x128xf32, #tpu.memory_space<hbm>>
        tpu.enqueue_indirect_dma source(%dma_start3A_1035 : memref<10008x128xf32, #tpu.memory_space<hbm>>) target(%dma_start3A_1029 : memref<120x128xf32, #tpu.memory_space<vmem>>) offsets(%dma_start3A_1032 : memref<120xi32, #tpu.memory_space<vmem>>) semaphore(%arg18 : memref<!tpu.dma_semaphore, #tpu.memory_space<semaphore_mem>>)
      } else {
      }
      %dma_start3A_499 = arith.constant 3 : i32
      %dma_start3A_500 = arith.constant 0 : i32
      %dma_start3A_501 = tpu.memref_slice %arg12[%dma_start3A_500] : memref<128xf32, #tpu.memory_space<vmem>> -> memref<120xf32, #tpu.memory_space<vmem>>
      %dma_start3A_502 = arith.constant 0 : i32
      %dma_start3A_503 = tpu.memref_slice %arg9[%dma_start3A_499, %dma_start3A_502] : memref<4x120xi32, #tpu.memory_space<vmem>> -> memref<1x120xi32, #tpu.memory_space<vmem>>
      %dma_start3A_504 = tpu.memref_squeeze %dma_start3A_503 : memref<1x120xi32, #tpu.memory_space<vmem>> -> memref<120xi32, #tpu.memory_space<vmem>>
      %dma_start3A_505 = arith.constant 0 : i32
      %dma_start3A_506 = tpu.memref_slice %arg15[%dma_start3A_505] : memref<10008xf32, #tpu.memory_space<vmem_shared>> -> memref<10008xf32, #tpu.memory_space<vmem_shared>>
      tpu.enqueue_indirect_dma source(%dma_start3A_501 : memref<120xf32, #tpu.memory_space<vmem>>) target(%dma_start3A_506 : memref<10008xf32, #tpu.memory_space<vmem_shared>>) offsets(%dma_start3A_504 : memref<120xi32, #tpu.memory_space<vmem>>) semaphore(%arg23 : memref<!tpu.dma_semaphore, #tpu.memory_space<semaphore_mem>>) {add = true}
      %ge3A_507 = arith.constant 1 : i32
      %ge3A_508 = arith.cmpi sge, %add3A_462, %ge3A_507 : i32
      %convert_element_type3A_509 = arith.extui %ge3A_508 : i1 to i32
      %cond3A_510 = arith.constant 0 : i32
      %cond3A_511 = arith.cmpi ne, %convert_element_type3A_509, %cond3A_510 : i32
      scf.if %cond3A_511 {
        %dma_wait3A_1000 = arith.constant 2 : i32
        %dma_wait3A_1001 = arith.constant 0 : i32
        %dma_wait3A_1002 = tpu.memref_slice %arg12[%dma_wait3A_1001] : memref<128xf32, #tpu.memory_space<vmem>> -> memref<120xf32, #tpu.memory_space<vmem>>
        %dma_wait3A_1003 = arith.constant 0 : i32
        %dma_wait3A_1004 = tpu.memref_slice %arg9[%dma_wait3A_1000, %dma_wait3A_1003] : memref<4x120xi32, #tpu.memory_space<vmem>> -> memref<1x120xi32, #tpu.memory_space<vmem>>
        %dma_wait3A_1005 = tpu.memref_squeeze %dma_wait3A_1004 : memref<1x120xi32, #tpu.memory_space<vmem>> -> memref<120xi32, #tpu.memory_space<vmem>>
        %dma_wait3A_1006 = arith.constant 0 : i32
        %dma_wait3A_1007 = tpu.memref_slice %arg15[%dma_wait3A_1006] : memref<10008xf32, #tpu.memory_space<vmem_shared>> -> memref<10008xf32, #tpu.memory_space<vmem_shared>>
        tpu.wait_indirect_dma semaphore(%arg22 : memref<!tpu.dma_semaphore, #tpu.memory_space<semaphore_mem>>) src(%dma_wait3A_1002 : memref<120xf32, #tpu.memory_space<vmem>>) dst(%dma_wait3A_1007 : memref<10008xf32, #tpu.memory_space<vmem_shared>>)
      } else {
      }
      %add3A_512 = arith.constant 3 : i32
      %add3A_513 = arith.addi %add3A_462, %add3A_512 : i32
      %lt3A_514 = arith.constant 84 : i32
      %lt3A_515 = arith.cmpi slt, %add3A_513, %lt3A_514 : i32
      %convert_element_type3A_516 = arith.extui %lt3A_515 : i1 to i32
      %cond3A_517 = arith.constant 0 : i32
      %cond3A_518 = arith.cmpi ne, %convert_element_type3A_516, %cond3A_517 : i32
      scf.if %cond3A_518 {
        %add3A_1000 = arith.addi %mul3A_2, %add3A_462 : i32
        %add3A_1001 = arith.constant 3 : i32
        %add3A_1002 = arith.addi %add3A_1000, %add3A_1001 : i32
        %mul3A_1003 = arith.constant 120 : i32
        %mul3A_1004 = arith.muli %add3A_1002, %mul3A_1003 : i32
        %multiple_of3A_1005 = tpu.assume_multiple %mul3A_1004, 8 : i32
        %dma_start3A_1006 = arith.constant 2 : i32
        %dma_start3A_1007 = arith.constant 0 : i32
        %dma_start3A_1008 = tpu.memref_slice %arg9[%dma_start3A_1006, %dma_start3A_1007] : memref<4x120xi32, #tpu.memory_space<vmem>> -> memref<1x120xi32, #tpu.memory_space<vmem>>
        %dma_start3A_1009 = tpu.memref_squeeze %dma_start3A_1008 : memref<1x120xi32, #tpu.memory_space<vmem>> -> memref<120xi32, #tpu.memory_space<vmem>>
        %dma_start3A_1010 = tpu.memref_slice %arg3[%multiple_of3A_1005] : memref<322560xi32, #tpu.memory_space<hbm>> -> memref<120xi32, #tpu.memory_space<hbm>>
        %dma_start3A_1011 = arith.constant 0 : i32
        %dma_start3A_1012 = tpu.memref_slice %arg9[%dma_start3A_1006, %dma_start3A_1011] : memref<4x120xi32, #tpu.memory_space<vmem>> -> memref<1x120xi32, #tpu.memory_space<vmem>>
        %dma_start3A_1013 = tpu.memref_squeeze %dma_start3A_1012 : memref<1x120xi32, #tpu.memory_space<vmem>> -> memref<120xi32, #tpu.memory_space<vmem>>
        %dma_start3A_1014 = tpu.memref_slice %arg3[%multiple_of3A_1005] : memref<322560xi32, #tpu.memory_space<hbm>> -> memref<120xi32, #tpu.memory_space<hbm>>
        tpu.enqueue_dma source(%dma_start3A_1014 : memref<120xi32, #tpu.memory_space<hbm>>) target(%dma_start3A_1013 : memref<120xi32, #tpu.memory_space<vmem>>) target_semaphore(%arg24 : memref<!tpu.dma_semaphore, #tpu.memory_space<semaphore_mem>>)
        %dma_start3A_1015 = arith.constant 2 : i32
        %dma_start3A_1016 = arith.constant 0 : i32
        %dma_start3A_1017 = tpu.memref_slice %arg10[%dma_start3A_1015, %dma_start3A_1016] : memref<4x120xi32, #tpu.memory_space<vmem>> -> memref<1x120xi32, #tpu.memory_space<vmem>>
        %dma_start3A_1018 = tpu.memref_squeeze %dma_start3A_1017 : memref<1x120xi32, #tpu.memory_space<vmem>> -> memref<120xi32, #tpu.memory_space<vmem>>
        %dma_start3A_1019 = tpu.memref_slice %arg2[%multiple_of3A_1005] : memref<322560xi32, #tpu.memory_space<hbm>> -> memref<120xi32, #tpu.memory_space<hbm>>
        %dma_start3A_1020 = arith.constant 0 : i32
        %dma_start3A_1021 = tpu.memref_slice %arg10[%dma_start3A_1015, %dma_start3A_1020] : memref<4x120xi32, #tpu.memory_space<vmem>> -> memref<1x120xi32, #tpu.memory_space<vmem>>
        %dma_start3A_1022 = tpu.memref_squeeze %dma_start3A_1021 : memref<1x120xi32, #tpu.memory_space<vmem>> -> memref<120xi32, #tpu.memory_space<vmem>>
        %dma_start3A_1023 = tpu.memref_slice %arg2[%multiple_of3A_1005] : memref<322560xi32, #tpu.memory_space<hbm>> -> memref<120xi32, #tpu.memory_space<hbm>>
        tpu.enqueue_dma source(%dma_start3A_1023 : memref<120xi32, #tpu.memory_space<hbm>>) target(%dma_start3A_1022 : memref<120xi32, #tpu.memory_space<vmem>>) target_semaphore(%arg24 : memref<!tpu.dma_semaphore, #tpu.memory_space<semaphore_mem>>)
      } else {
      }
      %mul3A_519 = arith.constant 12 : i32
      %mul3A_520 = arith.muli %scan3A_279, %mul3A_519 : i32
      %add3A_521 = arith.constant 4 : i32
      %add3A_522 = arith.addi %mul3A_520, %add3A_521 : i32
      %dma_wait3A_523 = arith.constant 0 : i32
      %dma_wait3A_524 = arith.constant 1 : i32
      %dma_wait3A_525 = arith.constant 0 : i32
      %dma_wait3A_526 = arith.constant 0 : i32
      %dma_wait3A_527 = tpu.memref_slice %arg11[%dma_wait3A_524, %dma_wait3A_525, %dma_wait3A_526] : memref<3x120x128xf32, #tpu.memory_space<vmem>> -> memref<1x120x128xf32, #tpu.memory_space<vmem>>
      %dma_wait3A_528 = tpu.memref_squeeze %dma_wait3A_527 : memref<1x120x128xf32, #tpu.memory_space<vmem>> -> memref<120x128xf32, #tpu.memory_space<vmem>>
      %dma_wait3A_529 = arith.constant 0 : i32
      %dma_wait3A_530 = tpu.memref_slice %arg9[%dma_wait3A_523, %dma_wait3A_529] : memref<4x120xi32, #tpu.memory_space<vmem>> -> memref<1x120xi32, #tpu.memory_space<vmem>>
      %dma_wait3A_531 = tpu.memref_squeeze %dma_wait3A_530 : memref<1x120xi32, #tpu.memory_space<vmem>> -> memref<120xi32, #tpu.memory_space<vmem>>
      %dma_wait3A_532 = arith.constant 0 : i32
      %dma_wait3A_533 = arith.constant 0 : i32
      %dma_wait3A_534 = tpu.memref_slice %arg4[%dma_wait3A_532, %dma_wait3A_533] : memref<10008x128xf32, #tpu.memory_space<hbm>> -> memref<10008x128xf32, #tpu.memory_space<hbm>>
      tpu.wait_indirect_dma semaphore(%arg17 : memref<!tpu.dma_semaphore, #tpu.memory_space<semaphore_mem>>) src(%dma_wait3A_534 : memref<10008x128xf32, #tpu.memory_space<hbm>>) dst(%dma_wait3A_528 : memref<120x128xf32, #tpu.memory_space<vmem>>)
      %dma_start3A_535 = arith.constant 1 : i32
      %dma_start3A_536 = arith.constant 0 : i32
      %dma_start3A_537 = arith.constant 0 : i32
      %dma_start3A_538 = arith.constant 0 : i32
      %dma_start3A_539 = tpu.memref_slice %arg11[%dma_start3A_535, %dma_start3A_537, %dma_start3A_538] : memref<3x120x128xf32, #tpu.memory_space<vmem>> -> memref<1x120x128xf32, #tpu.memory_space<vmem>>
      %dma_start3A_540 = tpu.memref_squeeze %dma_start3A_539 : memref<1x120x128xf32, #tpu.memory_space<vmem>> -> memref<120x128xf32, #tpu.memory_space<vmem>>
      %dma_start3A_541 = arith.constant 0 : i32
      %dma_start3A_542 = tpu.memref_slice %arg10[%dma_start3A_536, %dma_start3A_541] : memref<4x120xi32, #tpu.memory_space<vmem>> -> memref<1x120xi32, #tpu.memory_space<vmem>>
      %dma_start3A_543 = tpu.memref_squeeze %dma_start3A_542 : memref<1x120xi32, #tpu.memory_space<vmem>> -> memref<120xi32, #tpu.memory_space<vmem>>
      %dma_start3A_544 = arith.constant 0 : i32
      %dma_start3A_545 = arith.constant 0 : i32
      %dma_start3A_546 = tpu.memref_slice %arg14[%dma_start3A_544, %dma_start3A_545] : memref<10008x128xf32, #tpu.memory_space<vmem_shared>> -> memref<10008x128xf32, #tpu.memory_space<vmem_shared>>
      tpu.enqueue_indirect_dma source(%dma_start3A_540 : memref<120x128xf32, #tpu.memory_space<vmem>>) target(%dma_start3A_546 : memref<10008x128xf32, #tpu.memory_space<vmem_shared>>) offsets(%dma_start3A_543 : memref<120xi32, #tpu.memory_space<vmem>>) semaphore(%arg20 : memref<!tpu.dma_semaphore, #tpu.memory_space<semaphore_mem>>) {add = true}
      %ge3A_547 = arith.constant 1 : i32
      %ge3A_548 = arith.cmpi sge, %add3A_522, %ge3A_547 : i32
      %convert_element_type3A_549 = arith.extui %ge3A_548 : i1 to i32
      %cond3A_550 = arith.constant 0 : i32
      %cond3A_551 = arith.cmpi ne, %convert_element_type3A_549, %cond3A_550 : i32
      scf.if %cond3A_551 {
        %dma_wait3A_1000 = arith.constant 0 : i32
        %dma_wait3A_1001 = arith.constant 3 : i32
        %dma_wait3A_1002 = arith.constant 0 : i32
        %dma_wait3A_1003 = arith.constant 0 : i32
        %dma_wait3A_1004 = tpu.memref_slice %arg11[%dma_wait3A_1000, %dma_wait3A_1002, %dma_wait3A_1003] : memref<3x120x128xf32, #tpu.memory_space<vmem>> -> memref<1x120x128xf32, #tpu.memory_space<vmem>>
        %dma_wait3A_1005 = tpu.memref_squeeze %dma_wait3A_1004 : memref<1x120x128xf32, #tpu.memory_space<vmem>> -> memref<120x128xf32, #tpu.memory_space<vmem>>
        %dma_wait3A_1006 = arith.constant 0 : i32
        %dma_wait3A_1007 = tpu.memref_slice %arg10[%dma_wait3A_1001, %dma_wait3A_1006] : memref<4x120xi32, #tpu.memory_space<vmem>> -> memref<1x120xi32, #tpu.memory_space<vmem>>
        %dma_wait3A_1008 = tpu.memref_squeeze %dma_wait3A_1007 : memref<1x120xi32, #tpu.memory_space<vmem>> -> memref<120xi32, #tpu.memory_space<vmem>>
        %dma_wait3A_1009 = arith.constant 0 : i32
        %dma_wait3A_1010 = arith.constant 0 : i32
        %dma_wait3A_1011 = tpu.memref_slice %arg14[%dma_wait3A_1009, %dma_wait3A_1010] : memref<10008x128xf32, #tpu.memory_space<vmem_shared>> -> memref<10008x128xf32, #tpu.memory_space<vmem_shared>>
        tpu.wait_indirect_dma semaphore(%arg19 : memref<!tpu.dma_semaphore, #tpu.memory_space<semaphore_mem>>) src(%dma_wait3A_1005 : memref<120x128xf32, #tpu.memory_space<vmem>>) dst(%dma_wait3A_1011 : memref<10008x128xf32, #tpu.memory_space<vmem_shared>>)
      } else {
      }
      %add3A_552 = arith.constant 2 : i32
      %add3A_553 = arith.addi %add3A_522, %add3A_552 : i32
      %lt3A_554 = arith.constant 84 : i32
      %lt3A_555 = arith.cmpi slt, %add3A_553, %lt3A_554 : i32
      %convert_element_type3A_556 = arith.extui %lt3A_555 : i1 to i32
      %cond3A_557 = arith.constant 0 : i32
      %cond3A_558 = arith.cmpi ne, %convert_element_type3A_556, %cond3A_557 : i32
      scf.if %cond3A_558 {
        %add3A_1000 = arith.addi %mul3A_2, %add3A_522 : i32
        %add3A_1001 = arith.constant 2 : i32
        %add3A_1002 = arith.addi %add3A_1000, %add3A_1001 : i32
        %mul3A_1003 = arith.constant 120 : i32
        %mul3A_1004 = arith.muli %add3A_1002, %mul3A_1003 : i32
        %multiple_of3A_1005 = tpu.assume_multiple %mul3A_1004, 8 : i32
        %dma_wait3A_1006 = arith.constant 2 : i32
        %dma_wait3A_1007 = arith.constant 0 : i32
        %dma_wait3A_1008 = tpu.memref_slice %arg9[%dma_wait3A_1006, %dma_wait3A_1007] : memref<4x120xi32, #tpu.memory_space<vmem>> -> memref<1x120xi32, #tpu.memory_space<vmem>>
        %dma_wait3A_1009 = tpu.memref_squeeze %dma_wait3A_1008 : memref<1x120xi32, #tpu.memory_space<vmem>> -> memref<120xi32, #tpu.memory_space<vmem>>
        %dma_wait3A_1010 = tpu.memref_slice %arg3[%multiple_of3A_1005] : memref<322560xi32, #tpu.memory_space<hbm>> -> memref<120xi32, #tpu.memory_space<hbm>>
        %dma_wait3A_1011 = arith.constant 0 : i32
        %dma_wait3A_1012 = tpu.memref_slice %arg9[%dma_wait3A_1006, %dma_wait3A_1011] : memref<4x120xi32, #tpu.memory_space<vmem>> -> memref<1x120xi32, #tpu.memory_space<vmem>>
        %dma_wait3A_1013 = tpu.memref_squeeze %dma_wait3A_1012 : memref<1x120xi32, #tpu.memory_space<vmem>> -> memref<120xi32, #tpu.memory_space<vmem>>
        %dma_wait3A_1014 = tpu.memref_slice %arg3[%multiple_of3A_1005] : memref<322560xi32, #tpu.memory_space<hbm>> -> memref<120xi32, #tpu.memory_space<hbm>>
        tpu.wait_dma2 semaphore(%arg24 : memref<!tpu.dma_semaphore, #tpu.memory_space<semaphore_mem>>) src(%dma_wait3A_1014 : memref<120xi32, #tpu.memory_space<hbm>>) dst(%dma_wait3A_1013 : memref<120xi32, #tpu.memory_space<vmem>>)
        %dma_wait3A_1015 = arith.constant 2 : i32
        %dma_wait3A_1016 = arith.constant 0 : i32
        %dma_wait3A_1017 = tpu.memref_slice %arg10[%dma_wait3A_1015, %dma_wait3A_1016] : memref<4x120xi32, #tpu.memory_space<vmem>> -> memref<1x120xi32, #tpu.memory_space<vmem>>
        %dma_wait3A_1018 = tpu.memref_squeeze %dma_wait3A_1017 : memref<1x120xi32, #tpu.memory_space<vmem>> -> memref<120xi32, #tpu.memory_space<vmem>>
        %dma_wait3A_1019 = tpu.memref_slice %arg2[%multiple_of3A_1005] : memref<322560xi32, #tpu.memory_space<hbm>> -> memref<120xi32, #tpu.memory_space<hbm>>
        %dma_wait3A_1020 = arith.constant 0 : i32
        %dma_wait3A_1021 = tpu.memref_slice %arg10[%dma_wait3A_1015, %dma_wait3A_1020] : memref<4x120xi32, #tpu.memory_space<vmem>> -> memref<1x120xi32, #tpu.memory_space<vmem>>
        %dma_wait3A_1022 = tpu.memref_squeeze %dma_wait3A_1021 : memref<1x120xi32, #tpu.memory_space<vmem>> -> memref<120xi32, #tpu.memory_space<vmem>>
        %dma_wait3A_1023 = tpu.memref_slice %arg2[%multiple_of3A_1005] : memref<322560xi32, #tpu.memory_space<hbm>> -> memref<120xi32, #tpu.memory_space<hbm>>
        tpu.wait_dma2 semaphore(%arg24 : memref<!tpu.dma_semaphore, #tpu.memory_space<semaphore_mem>>) src(%dma_wait3A_1023 : memref<120xi32, #tpu.memory_space<hbm>>) dst(%dma_wait3A_1022 : memref<120xi32, #tpu.memory_space<vmem>>)
        %dma_start3A_1024 = arith.constant 2 : i32
        %dma_start3A_1025 = arith.constant 0 : i32
        %dma_start3A_1026 = arith.constant 0 : i32
        %dma_start3A_1027 = arith.constant 0 : i32
        %dma_start3A_1028 = tpu.memref_slice %arg11[%dma_start3A_1025, %dma_start3A_1026, %dma_start3A_1027] : memref<3x120x128xf32, #tpu.memory_space<vmem>> -> memref<1x120x128xf32, #tpu.memory_space<vmem>>
        %dma_start3A_1029 = tpu.memref_squeeze %dma_start3A_1028 : memref<1x120x128xf32, #tpu.memory_space<vmem>> -> memref<120x128xf32, #tpu.memory_space<vmem>>
        %dma_start3A_1030 = arith.constant 0 : i32
        %dma_start3A_1031 = tpu.memref_slice %arg9[%dma_start3A_1024, %dma_start3A_1030] : memref<4x120xi32, #tpu.memory_space<vmem>> -> memref<1x120xi32, #tpu.memory_space<vmem>>
        %dma_start3A_1032 = tpu.memref_squeeze %dma_start3A_1031 : memref<1x120xi32, #tpu.memory_space<vmem>> -> memref<120xi32, #tpu.memory_space<vmem>>
        %dma_start3A_1033 = arith.constant 0 : i32
        %dma_start3A_1034 = arith.constant 0 : i32
        %dma_start3A_1035 = tpu.memref_slice %arg4[%dma_start3A_1033, %dma_start3A_1034] : memref<10008x128xf32, #tpu.memory_space<hbm>> -> memref<10008x128xf32, #tpu.memory_space<hbm>>
        tpu.enqueue_indirect_dma source(%dma_start3A_1035 : memref<10008x128xf32, #tpu.memory_space<hbm>>) target(%dma_start3A_1029 : memref<120x128xf32, #tpu.memory_space<vmem>>) offsets(%dma_start3A_1032 : memref<120xi32, #tpu.memory_space<vmem>>) semaphore(%arg16 : memref<!tpu.dma_semaphore, #tpu.memory_space<semaphore_mem>>)
      } else {
      }
      %dma_start3A_559 = arith.constant 0 : i32
      %dma_start3A_560 = arith.constant 0 : i32
      %dma_start3A_561 = tpu.memref_slice %arg12[%dma_start3A_560] : memref<128xf32, #tpu.memory_space<vmem>> -> memref<120xf32, #tpu.memory_space<vmem>>
      %dma_start3A_562 = arith.constant 0 : i32
      %dma_start3A_563 = tpu.memref_slice %arg9[%dma_start3A_559, %dma_start3A_562] : memref<4x120xi32, #tpu.memory_space<vmem>> -> memref<1x120xi32, #tpu.memory_space<vmem>>
      %dma_start3A_564 = tpu.memref_squeeze %dma_start3A_563 : memref<1x120xi32, #tpu.memory_space<vmem>> -> memref<120xi32, #tpu.memory_space<vmem>>
      %dma_start3A_565 = arith.constant 0 : i32
      %dma_start3A_566 = tpu.memref_slice %arg15[%dma_start3A_565] : memref<10008xf32, #tpu.memory_space<vmem_shared>> -> memref<10008xf32, #tpu.memory_space<vmem_shared>>
      tpu.enqueue_indirect_dma source(%dma_start3A_561 : memref<120xf32, #tpu.memory_space<vmem>>) target(%dma_start3A_566 : memref<10008xf32, #tpu.memory_space<vmem_shared>>) offsets(%dma_start3A_564 : memref<120xi32, #tpu.memory_space<vmem>>) semaphore(%arg22 : memref<!tpu.dma_semaphore, #tpu.memory_space<semaphore_mem>>) {add = true}
      %ge3A_567 = arith.constant 1 : i32
      %ge3A_568 = arith.cmpi sge, %add3A_522, %ge3A_567 : i32
      %convert_element_type3A_569 = arith.extui %ge3A_568 : i1 to i32
      %cond3A_570 = arith.constant 0 : i32
      %cond3A_571 = arith.cmpi ne, %convert_element_type3A_569, %cond3A_570 : i32
      scf.if %cond3A_571 {
        %dma_wait3A_1000 = arith.constant 3 : i32
        %dma_wait3A_1001 = arith.constant 0 : i32
        %dma_wait3A_1002 = tpu.memref_slice %arg12[%dma_wait3A_1001] : memref<128xf32, #tpu.memory_space<vmem>> -> memref<120xf32, #tpu.memory_space<vmem>>
        %dma_wait3A_1003 = arith.constant 0 : i32
        %dma_wait3A_1004 = tpu.memref_slice %arg9[%dma_wait3A_1000, %dma_wait3A_1003] : memref<4x120xi32, #tpu.memory_space<vmem>> -> memref<1x120xi32, #tpu.memory_space<vmem>>
        %dma_wait3A_1005 = tpu.memref_squeeze %dma_wait3A_1004 : memref<1x120xi32, #tpu.memory_space<vmem>> -> memref<120xi32, #tpu.memory_space<vmem>>
        %dma_wait3A_1006 = arith.constant 0 : i32
        %dma_wait3A_1007 = tpu.memref_slice %arg15[%dma_wait3A_1006] : memref<10008xf32, #tpu.memory_space<vmem_shared>> -> memref<10008xf32, #tpu.memory_space<vmem_shared>>
        tpu.wait_indirect_dma semaphore(%arg23 : memref<!tpu.dma_semaphore, #tpu.memory_space<semaphore_mem>>) src(%dma_wait3A_1002 : memref<120xf32, #tpu.memory_space<vmem>>) dst(%dma_wait3A_1007 : memref<10008xf32, #tpu.memory_space<vmem_shared>>)
      } else {
      }
      %add3A_572 = arith.constant 3 : i32
      %add3A_573 = arith.addi %add3A_522, %add3A_572 : i32
      %lt3A_574 = arith.constant 84 : i32
      %lt3A_575 = arith.cmpi slt, %add3A_573, %lt3A_574 : i32
      %convert_element_type3A_576 = arith.extui %lt3A_575 : i1 to i32
      %cond3A_577 = arith.constant 0 : i32
      %cond3A_578 = arith.cmpi ne, %convert_element_type3A_576, %cond3A_577 : i32
      scf.if %cond3A_578 {
        %add3A_1000 = arith.addi %mul3A_2, %add3A_522 : i32
        %add3A_1001 = arith.constant 3 : i32
        %add3A_1002 = arith.addi %add3A_1000, %add3A_1001 : i32
        %mul3A_1003 = arith.constant 120 : i32
        %mul3A_1004 = arith.muli %add3A_1002, %mul3A_1003 : i32
        %multiple_of3A_1005 = tpu.assume_multiple %mul3A_1004, 8 : i32
        %dma_start3A_1006 = arith.constant 3 : i32
        %dma_start3A_1007 = arith.constant 0 : i32
        %dma_start3A_1008 = tpu.memref_slice %arg9[%dma_start3A_1006, %dma_start3A_1007] : memref<4x120xi32, #tpu.memory_space<vmem>> -> memref<1x120xi32, #tpu.memory_space<vmem>>
        %dma_start3A_1009 = tpu.memref_squeeze %dma_start3A_1008 : memref<1x120xi32, #tpu.memory_space<vmem>> -> memref<120xi32, #tpu.memory_space<vmem>>
        %dma_start3A_1010 = tpu.memref_slice %arg3[%multiple_of3A_1005] : memref<322560xi32, #tpu.memory_space<hbm>> -> memref<120xi32, #tpu.memory_space<hbm>>
        %dma_start3A_1011 = arith.constant 0 : i32
        %dma_start3A_1012 = tpu.memref_slice %arg9[%dma_start3A_1006, %dma_start3A_1011] : memref<4x120xi32, #tpu.memory_space<vmem>> -> memref<1x120xi32, #tpu.memory_space<vmem>>
        %dma_start3A_1013 = tpu.memref_squeeze %dma_start3A_1012 : memref<1x120xi32, #tpu.memory_space<vmem>> -> memref<120xi32, #tpu.memory_space<vmem>>
        %dma_start3A_1014 = tpu.memref_slice %arg3[%multiple_of3A_1005] : memref<322560xi32, #tpu.memory_space<hbm>> -> memref<120xi32, #tpu.memory_space<hbm>>
        tpu.enqueue_dma source(%dma_start3A_1014 : memref<120xi32, #tpu.memory_space<hbm>>) target(%dma_start3A_1013 : memref<120xi32, #tpu.memory_space<vmem>>) target_semaphore(%arg24 : memref<!tpu.dma_semaphore, #tpu.memory_space<semaphore_mem>>)
        %dma_start3A_1015 = arith.constant 3 : i32
        %dma_start3A_1016 = arith.constant 0 : i32
        %dma_start3A_1017 = tpu.memref_slice %arg10[%dma_start3A_1015, %dma_start3A_1016] : memref<4x120xi32, #tpu.memory_space<vmem>> -> memref<1x120xi32, #tpu.memory_space<vmem>>
        %dma_start3A_1018 = tpu.memref_squeeze %dma_start3A_1017 : memref<1x120xi32, #tpu.memory_space<vmem>> -> memref<120xi32, #tpu.memory_space<vmem>>
        %dma_start3A_1019 = tpu.memref_slice %arg2[%multiple_of3A_1005] : memref<322560xi32, #tpu.memory_space<hbm>> -> memref<120xi32, #tpu.memory_space<hbm>>
        %dma_start3A_1020 = arith.constant 0 : i32
        %dma_start3A_1021 = tpu.memref_slice %arg10[%dma_start3A_1015, %dma_start3A_1020] : memref<4x120xi32, #tpu.memory_space<vmem>> -> memref<1x120xi32, #tpu.memory_space<vmem>>
        %dma_start3A_1022 = tpu.memref_squeeze %dma_start3A_1021 : memref<1x120xi32, #tpu.memory_space<vmem>> -> memref<120xi32, #tpu.memory_space<vmem>>
        %dma_start3A_1023 = tpu.memref_slice %arg2[%multiple_of3A_1005] : memref<322560xi32, #tpu.memory_space<hbm>> -> memref<120xi32, #tpu.memory_space<hbm>>
        tpu.enqueue_dma source(%dma_start3A_1023 : memref<120xi32, #tpu.memory_space<hbm>>) target(%dma_start3A_1022 : memref<120xi32, #tpu.memory_space<vmem>>) target_semaphore(%arg24 : memref<!tpu.dma_semaphore, #tpu.memory_space<semaphore_mem>>)
      } else {
      }
      %mul3A_579 = arith.constant 12 : i32
      %mul3A_580 = arith.muli %scan3A_279, %mul3A_579 : i32
      %add3A_581 = arith.constant 5 : i32
      %add3A_582 = arith.addi %mul3A_580, %add3A_581 : i32
      %dma_wait3A_583 = arith.constant 1 : i32
      %dma_wait3A_584 = arith.constant 2 : i32
      %dma_wait3A_585 = arith.constant 0 : i32
      %dma_wait3A_586 = arith.constant 0 : i32
      %dma_wait3A_587 = tpu.memref_slice %arg11[%dma_wait3A_584, %dma_wait3A_585, %dma_wait3A_586] : memref<3x120x128xf32, #tpu.memory_space<vmem>> -> memref<1x120x128xf32, #tpu.memory_space<vmem>>
      %dma_wait3A_588 = tpu.memref_squeeze %dma_wait3A_587 : memref<1x120x128xf32, #tpu.memory_space<vmem>> -> memref<120x128xf32, #tpu.memory_space<vmem>>
      %dma_wait3A_589 = arith.constant 0 : i32
      %dma_wait3A_590 = tpu.memref_slice %arg9[%dma_wait3A_583, %dma_wait3A_589] : memref<4x120xi32, #tpu.memory_space<vmem>> -> memref<1x120xi32, #tpu.memory_space<vmem>>
      %dma_wait3A_591 = tpu.memref_squeeze %dma_wait3A_590 : memref<1x120xi32, #tpu.memory_space<vmem>> -> memref<120xi32, #tpu.memory_space<vmem>>
      %dma_wait3A_592 = arith.constant 0 : i32
      %dma_wait3A_593 = arith.constant 0 : i32
      %dma_wait3A_594 = tpu.memref_slice %arg4[%dma_wait3A_592, %dma_wait3A_593] : memref<10008x128xf32, #tpu.memory_space<hbm>> -> memref<10008x128xf32, #tpu.memory_space<hbm>>
      tpu.wait_indirect_dma semaphore(%arg18 : memref<!tpu.dma_semaphore, #tpu.memory_space<semaphore_mem>>) src(%dma_wait3A_594 : memref<10008x128xf32, #tpu.memory_space<hbm>>) dst(%dma_wait3A_588 : memref<120x128xf32, #tpu.memory_space<vmem>>)
      %dma_start3A_595 = arith.constant 2 : i32
      %dma_start3A_596 = arith.constant 1 : i32
      %dma_start3A_597 = arith.constant 0 : i32
      %dma_start3A_598 = arith.constant 0 : i32
      %dma_start3A_599 = tpu.memref_slice %arg11[%dma_start3A_595, %dma_start3A_597, %dma_start3A_598] : memref<3x120x128xf32, #tpu.memory_space<vmem>> -> memref<1x120x128xf32, #tpu.memory_space<vmem>>
      %dma_start3A_600 = tpu.memref_squeeze %dma_start3A_599 : memref<1x120x128xf32, #tpu.memory_space<vmem>> -> memref<120x128xf32, #tpu.memory_space<vmem>>
      %dma_start3A_601 = arith.constant 0 : i32
      %dma_start3A_602 = tpu.memref_slice %arg10[%dma_start3A_596, %dma_start3A_601] : memref<4x120xi32, #tpu.memory_space<vmem>> -> memref<1x120xi32, #tpu.memory_space<vmem>>
      %dma_start3A_603 = tpu.memref_squeeze %dma_start3A_602 : memref<1x120xi32, #tpu.memory_space<vmem>> -> memref<120xi32, #tpu.memory_space<vmem>>
      %dma_start3A_604 = arith.constant 0 : i32
      %dma_start3A_605 = arith.constant 0 : i32
      %dma_start3A_606 = tpu.memref_slice %arg14[%dma_start3A_604, %dma_start3A_605] : memref<10008x128xf32, #tpu.memory_space<vmem_shared>> -> memref<10008x128xf32, #tpu.memory_space<vmem_shared>>
      tpu.enqueue_indirect_dma source(%dma_start3A_600 : memref<120x128xf32, #tpu.memory_space<vmem>>) target(%dma_start3A_606 : memref<10008x128xf32, #tpu.memory_space<vmem_shared>>) offsets(%dma_start3A_603 : memref<120xi32, #tpu.memory_space<vmem>>) semaphore(%arg21 : memref<!tpu.dma_semaphore, #tpu.memory_space<semaphore_mem>>) {add = true}
      %ge3A_607 = arith.constant 1 : i32
      %ge3A_608 = arith.cmpi sge, %add3A_582, %ge3A_607 : i32
      %convert_element_type3A_609 = arith.extui %ge3A_608 : i1 to i32
      %cond3A_610 = arith.constant 0 : i32
      %cond3A_611 = arith.cmpi ne, %convert_element_type3A_609, %cond3A_610 : i32
      scf.if %cond3A_611 {
        %dma_wait3A_1000 = arith.constant 1 : i32
        %dma_wait3A_1001 = arith.constant 0 : i32
        %dma_wait3A_1002 = arith.constant 0 : i32
        %dma_wait3A_1003 = arith.constant 0 : i32
        %dma_wait3A_1004 = tpu.memref_slice %arg11[%dma_wait3A_1000, %dma_wait3A_1002, %dma_wait3A_1003] : memref<3x120x128xf32, #tpu.memory_space<vmem>> -> memref<1x120x128xf32, #tpu.memory_space<vmem>>
        %dma_wait3A_1005 = tpu.memref_squeeze %dma_wait3A_1004 : memref<1x120x128xf32, #tpu.memory_space<vmem>> -> memref<120x128xf32, #tpu.memory_space<vmem>>
        %dma_wait3A_1006 = arith.constant 0 : i32
        %dma_wait3A_1007 = tpu.memref_slice %arg10[%dma_wait3A_1001, %dma_wait3A_1006] : memref<4x120xi32, #tpu.memory_space<vmem>> -> memref<1x120xi32, #tpu.memory_space<vmem>>
        %dma_wait3A_1008 = tpu.memref_squeeze %dma_wait3A_1007 : memref<1x120xi32, #tpu.memory_space<vmem>> -> memref<120xi32, #tpu.memory_space<vmem>>
        %dma_wait3A_1009 = arith.constant 0 : i32
        %dma_wait3A_1010 = arith.constant 0 : i32
        %dma_wait3A_1011 = tpu.memref_slice %arg14[%dma_wait3A_1009, %dma_wait3A_1010] : memref<10008x128xf32, #tpu.memory_space<vmem_shared>> -> memref<10008x128xf32, #tpu.memory_space<vmem_shared>>
        tpu.wait_indirect_dma semaphore(%arg20 : memref<!tpu.dma_semaphore, #tpu.memory_space<semaphore_mem>>) src(%dma_wait3A_1005 : memref<120x128xf32, #tpu.memory_space<vmem>>) dst(%dma_wait3A_1011 : memref<10008x128xf32, #tpu.memory_space<vmem_shared>>)
      } else {
      }
      %add3A_612 = arith.constant 2 : i32
      %add3A_613 = arith.addi %add3A_582, %add3A_612 : i32
      %lt3A_614 = arith.constant 84 : i32
      %lt3A_615 = arith.cmpi slt, %add3A_613, %lt3A_614 : i32
      %convert_element_type3A_616 = arith.extui %lt3A_615 : i1 to i32
      %cond3A_617 = arith.constant 0 : i32
      %cond3A_618 = arith.cmpi ne, %convert_element_type3A_616, %cond3A_617 : i32
      scf.if %cond3A_618 {
        %add3A_1000 = arith.addi %mul3A_2, %add3A_582 : i32
        %add3A_1001 = arith.constant 2 : i32
        %add3A_1002 = arith.addi %add3A_1000, %add3A_1001 : i32
        %mul3A_1003 = arith.constant 120 : i32
        %mul3A_1004 = arith.muli %add3A_1002, %mul3A_1003 : i32
        %multiple_of3A_1005 = tpu.assume_multiple %mul3A_1004, 8 : i32
        %dma_wait3A_1006 = arith.constant 3 : i32
        %dma_wait3A_1007 = arith.constant 0 : i32
        %dma_wait3A_1008 = tpu.memref_slice %arg9[%dma_wait3A_1006, %dma_wait3A_1007] : memref<4x120xi32, #tpu.memory_space<vmem>> -> memref<1x120xi32, #tpu.memory_space<vmem>>
        %dma_wait3A_1009 = tpu.memref_squeeze %dma_wait3A_1008 : memref<1x120xi32, #tpu.memory_space<vmem>> -> memref<120xi32, #tpu.memory_space<vmem>>
        %dma_wait3A_1010 = tpu.memref_slice %arg3[%multiple_of3A_1005] : memref<322560xi32, #tpu.memory_space<hbm>> -> memref<120xi32, #tpu.memory_space<hbm>>
        %dma_wait3A_1011 = arith.constant 0 : i32
        %dma_wait3A_1012 = tpu.memref_slice %arg9[%dma_wait3A_1006, %dma_wait3A_1011] : memref<4x120xi32, #tpu.memory_space<vmem>> -> memref<1x120xi32, #tpu.memory_space<vmem>>
        %dma_wait3A_1013 = tpu.memref_squeeze %dma_wait3A_1012 : memref<1x120xi32, #tpu.memory_space<vmem>> -> memref<120xi32, #tpu.memory_space<vmem>>
        %dma_wait3A_1014 = tpu.memref_slice %arg3[%multiple_of3A_1005] : memref<322560xi32, #tpu.memory_space<hbm>> -> memref<120xi32, #tpu.memory_space<hbm>>
        tpu.wait_dma2 semaphore(%arg24 : memref<!tpu.dma_semaphore, #tpu.memory_space<semaphore_mem>>) src(%dma_wait3A_1014 : memref<120xi32, #tpu.memory_space<hbm>>) dst(%dma_wait3A_1013 : memref<120xi32, #tpu.memory_space<vmem>>)
        %dma_wait3A_1015 = arith.constant 3 : i32
        %dma_wait3A_1016 = arith.constant 0 : i32
        %dma_wait3A_1017 = tpu.memref_slice %arg10[%dma_wait3A_1015, %dma_wait3A_1016] : memref<4x120xi32, #tpu.memory_space<vmem>> -> memref<1x120xi32, #tpu.memory_space<vmem>>
        %dma_wait3A_1018 = tpu.memref_squeeze %dma_wait3A_1017 : memref<1x120xi32, #tpu.memory_space<vmem>> -> memref<120xi32, #tpu.memory_space<vmem>>
        %dma_wait3A_1019 = tpu.memref_slice %arg2[%multiple_of3A_1005] : memref<322560xi32, #tpu.memory_space<hbm>> -> memref<120xi32, #tpu.memory_space<hbm>>
        %dma_wait3A_1020 = arith.constant 0 : i32
        %dma_wait3A_1021 = tpu.memref_slice %arg10[%dma_wait3A_1015, %dma_wait3A_1020] : memref<4x120xi32, #tpu.memory_space<vmem>> -> memref<1x120xi32, #tpu.memory_space<vmem>>
        %dma_wait3A_1022 = tpu.memref_squeeze %dma_wait3A_1021 : memref<1x120xi32, #tpu.memory_space<vmem>> -> memref<120xi32, #tpu.memory_space<vmem>>
        %dma_wait3A_1023 = tpu.memref_slice %arg2[%multiple_of3A_1005] : memref<322560xi32, #tpu.memory_space<hbm>> -> memref<120xi32, #tpu.memory_space<hbm>>
        tpu.wait_dma2 semaphore(%arg24 : memref<!tpu.dma_semaphore, #tpu.memory_space<semaphore_mem>>) src(%dma_wait3A_1023 : memref<120xi32, #tpu.memory_space<hbm>>) dst(%dma_wait3A_1022 : memref<120xi32, #tpu.memory_space<vmem>>)
        %dma_start3A_1024 = arith.constant 3 : i32
        %dma_start3A_1025 = arith.constant 1 : i32
        %dma_start3A_1026 = arith.constant 0 : i32
        %dma_start3A_1027 = arith.constant 0 : i32
        %dma_start3A_1028 = tpu.memref_slice %arg11[%dma_start3A_1025, %dma_start3A_1026, %dma_start3A_1027] : memref<3x120x128xf32, #tpu.memory_space<vmem>> -> memref<1x120x128xf32, #tpu.memory_space<vmem>>
        %dma_start3A_1029 = tpu.memref_squeeze %dma_start3A_1028 : memref<1x120x128xf32, #tpu.memory_space<vmem>> -> memref<120x128xf32, #tpu.memory_space<vmem>>
        %dma_start3A_1030 = arith.constant 0 : i32
        %dma_start3A_1031 = tpu.memref_slice %arg9[%dma_start3A_1024, %dma_start3A_1030] : memref<4x120xi32, #tpu.memory_space<vmem>> -> memref<1x120xi32, #tpu.memory_space<vmem>>
        %dma_start3A_1032 = tpu.memref_squeeze %dma_start3A_1031 : memref<1x120xi32, #tpu.memory_space<vmem>> -> memref<120xi32, #tpu.memory_space<vmem>>
        %dma_start3A_1033 = arith.constant 0 : i32
        %dma_start3A_1034 = arith.constant 0 : i32
        %dma_start3A_1035 = tpu.memref_slice %arg4[%dma_start3A_1033, %dma_start3A_1034] : memref<10008x128xf32, #tpu.memory_space<hbm>> -> memref<10008x128xf32, #tpu.memory_space<hbm>>
        tpu.enqueue_indirect_dma source(%dma_start3A_1035 : memref<10008x128xf32, #tpu.memory_space<hbm>>) target(%dma_start3A_1029 : memref<120x128xf32, #tpu.memory_space<vmem>>) offsets(%dma_start3A_1032 : memref<120xi32, #tpu.memory_space<vmem>>) semaphore(%arg17 : memref<!tpu.dma_semaphore, #tpu.memory_space<semaphore_mem>>)
      } else {
      }
      %dma_start3A_619 = arith.constant 1 : i32
      %dma_start3A_620 = arith.constant 0 : i32
      %dma_start3A_621 = tpu.memref_slice %arg12[%dma_start3A_620] : memref<128xf32, #tpu.memory_space<vmem>> -> memref<120xf32, #tpu.memory_space<vmem>>
      %dma_start3A_622 = arith.constant 0 : i32
      %dma_start3A_623 = tpu.memref_slice %arg9[%dma_start3A_619, %dma_start3A_622] : memref<4x120xi32, #tpu.memory_space<vmem>> -> memref<1x120xi32, #tpu.memory_space<vmem>>
      %dma_start3A_624 = tpu.memref_squeeze %dma_start3A_623 : memref<1x120xi32, #tpu.memory_space<vmem>> -> memref<120xi32, #tpu.memory_space<vmem>>
      %dma_start3A_625 = arith.constant 0 : i32
      %dma_start3A_626 = tpu.memref_slice %arg15[%dma_start3A_625] : memref<10008xf32, #tpu.memory_space<vmem_shared>> -> memref<10008xf32, #tpu.memory_space<vmem_shared>>
      tpu.enqueue_indirect_dma source(%dma_start3A_621 : memref<120xf32, #tpu.memory_space<vmem>>) target(%dma_start3A_626 : memref<10008xf32, #tpu.memory_space<vmem_shared>>) offsets(%dma_start3A_624 : memref<120xi32, #tpu.memory_space<vmem>>) semaphore(%arg23 : memref<!tpu.dma_semaphore, #tpu.memory_space<semaphore_mem>>) {add = true}
      %ge3A_627 = arith.constant 1 : i32
      %ge3A_628 = arith.cmpi sge, %add3A_582, %ge3A_627 : i32
      %convert_element_type3A_629 = arith.extui %ge3A_628 : i1 to i32
      %cond3A_630 = arith.constant 0 : i32
      %cond3A_631 = arith.cmpi ne, %convert_element_type3A_629, %cond3A_630 : i32
      scf.if %cond3A_631 {
        %dma_wait3A_1000 = arith.constant 0 : i32
        %dma_wait3A_1001 = arith.constant 0 : i32
        %dma_wait3A_1002 = tpu.memref_slice %arg12[%dma_wait3A_1001] : memref<128xf32, #tpu.memory_space<vmem>> -> memref<120xf32, #tpu.memory_space<vmem>>
        %dma_wait3A_1003 = arith.constant 0 : i32
        %dma_wait3A_1004 = tpu.memref_slice %arg9[%dma_wait3A_1000, %dma_wait3A_1003] : memref<4x120xi32, #tpu.memory_space<vmem>> -> memref<1x120xi32, #tpu.memory_space<vmem>>
        %dma_wait3A_1005 = tpu.memref_squeeze %dma_wait3A_1004 : memref<1x120xi32, #tpu.memory_space<vmem>> -> memref<120xi32, #tpu.memory_space<vmem>>
        %dma_wait3A_1006 = arith.constant 0 : i32
        %dma_wait3A_1007 = tpu.memref_slice %arg15[%dma_wait3A_1006] : memref<10008xf32, #tpu.memory_space<vmem_shared>> -> memref<10008xf32, #tpu.memory_space<vmem_shared>>
        tpu.wait_indirect_dma semaphore(%arg22 : memref<!tpu.dma_semaphore, #tpu.memory_space<semaphore_mem>>) src(%dma_wait3A_1002 : memref<120xf32, #tpu.memory_space<vmem>>) dst(%dma_wait3A_1007 : memref<10008xf32, #tpu.memory_space<vmem_shared>>)
      } else {
      }
      %add3A_632 = arith.constant 3 : i32
      %add3A_633 = arith.addi %add3A_582, %add3A_632 : i32
      %lt3A_634 = arith.constant 84 : i32
      %lt3A_635 = arith.cmpi slt, %add3A_633, %lt3A_634 : i32
      %convert_element_type3A_636 = arith.extui %lt3A_635 : i1 to i32
      %cond3A_637 = arith.constant 0 : i32
      %cond3A_638 = arith.cmpi ne, %convert_element_type3A_636, %cond3A_637 : i32
      scf.if %cond3A_638 {
        %add3A_1000 = arith.addi %mul3A_2, %add3A_582 : i32
        %add3A_1001 = arith.constant 3 : i32
        %add3A_1002 = arith.addi %add3A_1000, %add3A_1001 : i32
        %mul3A_1003 = arith.constant 120 : i32
        %mul3A_1004 = arith.muli %add3A_1002, %mul3A_1003 : i32
        %multiple_of3A_1005 = tpu.assume_multiple %mul3A_1004, 8 : i32
        %dma_start3A_1006 = arith.constant 0 : i32
        %dma_start3A_1007 = arith.constant 0 : i32
        %dma_start3A_1008 = tpu.memref_slice %arg9[%dma_start3A_1006, %dma_start3A_1007] : memref<4x120xi32, #tpu.memory_space<vmem>> -> memref<1x120xi32, #tpu.memory_space<vmem>>
        %dma_start3A_1009 = tpu.memref_squeeze %dma_start3A_1008 : memref<1x120xi32, #tpu.memory_space<vmem>> -> memref<120xi32, #tpu.memory_space<vmem>>
        %dma_start3A_1010 = tpu.memref_slice %arg3[%multiple_of3A_1005] : memref<322560xi32, #tpu.memory_space<hbm>> -> memref<120xi32, #tpu.memory_space<hbm>>
        %dma_start3A_1011 = arith.constant 0 : i32
        %dma_start3A_1012 = tpu.memref_slice %arg9[%dma_start3A_1006, %dma_start3A_1011] : memref<4x120xi32, #tpu.memory_space<vmem>> -> memref<1x120xi32, #tpu.memory_space<vmem>>
        %dma_start3A_1013 = tpu.memref_squeeze %dma_start3A_1012 : memref<1x120xi32, #tpu.memory_space<vmem>> -> memref<120xi32, #tpu.memory_space<vmem>>
        %dma_start3A_1014 = tpu.memref_slice %arg3[%multiple_of3A_1005] : memref<322560xi32, #tpu.memory_space<hbm>> -> memref<120xi32, #tpu.memory_space<hbm>>
        tpu.enqueue_dma source(%dma_start3A_1014 : memref<120xi32, #tpu.memory_space<hbm>>) target(%dma_start3A_1013 : memref<120xi32, #tpu.memory_space<vmem>>) target_semaphore(%arg24 : memref<!tpu.dma_semaphore, #tpu.memory_space<semaphore_mem>>)
        %dma_start3A_1015 = arith.constant 0 : i32
        %dma_start3A_1016 = arith.constant 0 : i32
        %dma_start3A_1017 = tpu.memref_slice %arg10[%dma_start3A_1015, %dma_start3A_1016] : memref<4x120xi32, #tpu.memory_space<vmem>> -> memref<1x120xi32, #tpu.memory_space<vmem>>
        %dma_start3A_1018 = tpu.memref_squeeze %dma_start3A_1017 : memref<1x120xi32, #tpu.memory_space<vmem>> -> memref<120xi32, #tpu.memory_space<vmem>>
        %dma_start3A_1019 = tpu.memref_slice %arg2[%multiple_of3A_1005] : memref<322560xi32, #tpu.memory_space<hbm>> -> memref<120xi32, #tpu.memory_space<hbm>>
        %dma_start3A_1020 = arith.constant 0 : i32
        %dma_start3A_1021 = tpu.memref_slice %arg10[%dma_start3A_1015, %dma_start3A_1020] : memref<4x120xi32, #tpu.memory_space<vmem>> -> memref<1x120xi32, #tpu.memory_space<vmem>>
        %dma_start3A_1022 = tpu.memref_squeeze %dma_start3A_1021 : memref<1x120xi32, #tpu.memory_space<vmem>> -> memref<120xi32, #tpu.memory_space<vmem>>
        %dma_start3A_1023 = tpu.memref_slice %arg2[%multiple_of3A_1005] : memref<322560xi32, #tpu.memory_space<hbm>> -> memref<120xi32, #tpu.memory_space<hbm>>
        tpu.enqueue_dma source(%dma_start3A_1023 : memref<120xi32, #tpu.memory_space<hbm>>) target(%dma_start3A_1022 : memref<120xi32, #tpu.memory_space<vmem>>) target_semaphore(%arg24 : memref<!tpu.dma_semaphore, #tpu.memory_space<semaphore_mem>>)
      } else {
      }
      %mul3A_639 = arith.constant 12 : i32
      %mul3A_640 = arith.muli %scan3A_279, %mul3A_639 : i32
      %add3A_641 = arith.constant 6 : i32
      %add3A_642 = arith.addi %mul3A_640, %add3A_641 : i32
      %dma_wait3A_643 = arith.constant 2 : i32
      %dma_wait3A_644 = arith.constant 0 : i32
      %dma_wait3A_645 = arith.constant 0 : i32
      %dma_wait3A_646 = arith.constant 0 : i32
      %dma_wait3A_647 = tpu.memref_slice %arg11[%dma_wait3A_644, %dma_wait3A_645, %dma_wait3A_646] : memref<3x120x128xf32, #tpu.memory_space<vmem>> -> memref<1x120x128xf32, #tpu.memory_space<vmem>>
      %dma_wait3A_648 = tpu.memref_squeeze %dma_wait3A_647 : memref<1x120x128xf32, #tpu.memory_space<vmem>> -> memref<120x128xf32, #tpu.memory_space<vmem>>
      %dma_wait3A_649 = arith.constant 0 : i32
      %dma_wait3A_650 = tpu.memref_slice %arg9[%dma_wait3A_643, %dma_wait3A_649] : memref<4x120xi32, #tpu.memory_space<vmem>> -> memref<1x120xi32, #tpu.memory_space<vmem>>
      %dma_wait3A_651 = tpu.memref_squeeze %dma_wait3A_650 : memref<1x120xi32, #tpu.memory_space<vmem>> -> memref<120xi32, #tpu.memory_space<vmem>>
      %dma_wait3A_652 = arith.constant 0 : i32
      %dma_wait3A_653 = arith.constant 0 : i32
      %dma_wait3A_654 = tpu.memref_slice %arg4[%dma_wait3A_652, %dma_wait3A_653] : memref<10008x128xf32, #tpu.memory_space<hbm>> -> memref<10008x128xf32, #tpu.memory_space<hbm>>
      tpu.wait_indirect_dma semaphore(%arg16 : memref<!tpu.dma_semaphore, #tpu.memory_space<semaphore_mem>>) src(%dma_wait3A_654 : memref<10008x128xf32, #tpu.memory_space<hbm>>) dst(%dma_wait3A_648 : memref<120x128xf32, #tpu.memory_space<vmem>>)
      %dma_start3A_655 = arith.constant 0 : i32
      %dma_start3A_656 = arith.constant 2 : i32
      %dma_start3A_657 = arith.constant 0 : i32
      %dma_start3A_658 = arith.constant 0 : i32
      %dma_start3A_659 = tpu.memref_slice %arg11[%dma_start3A_655, %dma_start3A_657, %dma_start3A_658] : memref<3x120x128xf32, #tpu.memory_space<vmem>> -> memref<1x120x128xf32, #tpu.memory_space<vmem>>
      %dma_start3A_660 = tpu.memref_squeeze %dma_start3A_659 : memref<1x120x128xf32, #tpu.memory_space<vmem>> -> memref<120x128xf32, #tpu.memory_space<vmem>>
      %dma_start3A_661 = arith.constant 0 : i32
      %dma_start3A_662 = tpu.memref_slice %arg10[%dma_start3A_656, %dma_start3A_661] : memref<4x120xi32, #tpu.memory_space<vmem>> -> memref<1x120xi32, #tpu.memory_space<vmem>>
      %dma_start3A_663 = tpu.memref_squeeze %dma_start3A_662 : memref<1x120xi32, #tpu.memory_space<vmem>> -> memref<120xi32, #tpu.memory_space<vmem>>
      %dma_start3A_664 = arith.constant 0 : i32
      %dma_start3A_665 = arith.constant 0 : i32
      %dma_start3A_666 = tpu.memref_slice %arg14[%dma_start3A_664, %dma_start3A_665] : memref<10008x128xf32, #tpu.memory_space<vmem_shared>> -> memref<10008x128xf32, #tpu.memory_space<vmem_shared>>
      tpu.enqueue_indirect_dma source(%dma_start3A_660 : memref<120x128xf32, #tpu.memory_space<vmem>>) target(%dma_start3A_666 : memref<10008x128xf32, #tpu.memory_space<vmem_shared>>) offsets(%dma_start3A_663 : memref<120xi32, #tpu.memory_space<vmem>>) semaphore(%arg19 : memref<!tpu.dma_semaphore, #tpu.memory_space<semaphore_mem>>) {add = true}
      %ge3A_667 = arith.constant 1 : i32
      %ge3A_668 = arith.cmpi sge, %add3A_642, %ge3A_667 : i32
      %convert_element_type3A_669 = arith.extui %ge3A_668 : i1 to i32
      %cond3A_670 = arith.constant 0 : i32
      %cond3A_671 = arith.cmpi ne, %convert_element_type3A_669, %cond3A_670 : i32
      scf.if %cond3A_671 {
        %dma_wait3A_1000 = arith.constant 2 : i32
        %dma_wait3A_1001 = arith.constant 1 : i32
        %dma_wait3A_1002 = arith.constant 0 : i32
        %dma_wait3A_1003 = arith.constant 0 : i32
        %dma_wait3A_1004 = tpu.memref_slice %arg11[%dma_wait3A_1000, %dma_wait3A_1002, %dma_wait3A_1003] : memref<3x120x128xf32, #tpu.memory_space<vmem>> -> memref<1x120x128xf32, #tpu.memory_space<vmem>>
        %dma_wait3A_1005 = tpu.memref_squeeze %dma_wait3A_1004 : memref<1x120x128xf32, #tpu.memory_space<vmem>> -> memref<120x128xf32, #tpu.memory_space<vmem>>
        %dma_wait3A_1006 = arith.constant 0 : i32
        %dma_wait3A_1007 = tpu.memref_slice %arg10[%dma_wait3A_1001, %dma_wait3A_1006] : memref<4x120xi32, #tpu.memory_space<vmem>> -> memref<1x120xi32, #tpu.memory_space<vmem>>
        %dma_wait3A_1008 = tpu.memref_squeeze %dma_wait3A_1007 : memref<1x120xi32, #tpu.memory_space<vmem>> -> memref<120xi32, #tpu.memory_space<vmem>>
        %dma_wait3A_1009 = arith.constant 0 : i32
        %dma_wait3A_1010 = arith.constant 0 : i32
        %dma_wait3A_1011 = tpu.memref_slice %arg14[%dma_wait3A_1009, %dma_wait3A_1010] : memref<10008x128xf32, #tpu.memory_space<vmem_shared>> -> memref<10008x128xf32, #tpu.memory_space<vmem_shared>>
        tpu.wait_indirect_dma semaphore(%arg21 : memref<!tpu.dma_semaphore, #tpu.memory_space<semaphore_mem>>) src(%dma_wait3A_1005 : memref<120x128xf32, #tpu.memory_space<vmem>>) dst(%dma_wait3A_1011 : memref<10008x128xf32, #tpu.memory_space<vmem_shared>>)
      } else {
      }
      %add3A_672 = arith.constant 2 : i32
      %add3A_673 = arith.addi %add3A_642, %add3A_672 : i32
      %lt3A_674 = arith.constant 84 : i32
      %lt3A_675 = arith.cmpi slt, %add3A_673, %lt3A_674 : i32
      %convert_element_type3A_676 = arith.extui %lt3A_675 : i1 to i32
      %cond3A_677 = arith.constant 0 : i32
      %cond3A_678 = arith.cmpi ne, %convert_element_type3A_676, %cond3A_677 : i32
      scf.if %cond3A_678 {
        %add3A_1000 = arith.addi %mul3A_2, %add3A_642 : i32
        %add3A_1001 = arith.constant 2 : i32
        %add3A_1002 = arith.addi %add3A_1000, %add3A_1001 : i32
        %mul3A_1003 = arith.constant 120 : i32
        %mul3A_1004 = arith.muli %add3A_1002, %mul3A_1003 : i32
        %multiple_of3A_1005 = tpu.assume_multiple %mul3A_1004, 8 : i32
        %dma_wait3A_1006 = arith.constant 0 : i32
        %dma_wait3A_1007 = arith.constant 0 : i32
        %dma_wait3A_1008 = tpu.memref_slice %arg9[%dma_wait3A_1006, %dma_wait3A_1007] : memref<4x120xi32, #tpu.memory_space<vmem>> -> memref<1x120xi32, #tpu.memory_space<vmem>>
        %dma_wait3A_1009 = tpu.memref_squeeze %dma_wait3A_1008 : memref<1x120xi32, #tpu.memory_space<vmem>> -> memref<120xi32, #tpu.memory_space<vmem>>
        %dma_wait3A_1010 = tpu.memref_slice %arg3[%multiple_of3A_1005] : memref<322560xi32, #tpu.memory_space<hbm>> -> memref<120xi32, #tpu.memory_space<hbm>>
        %dma_wait3A_1011 = arith.constant 0 : i32
        %dma_wait3A_1012 = tpu.memref_slice %arg9[%dma_wait3A_1006, %dma_wait3A_1011] : memref<4x120xi32, #tpu.memory_space<vmem>> -> memref<1x120xi32, #tpu.memory_space<vmem>>
        %dma_wait3A_1013 = tpu.memref_squeeze %dma_wait3A_1012 : memref<1x120xi32, #tpu.memory_space<vmem>> -> memref<120xi32, #tpu.memory_space<vmem>>
        %dma_wait3A_1014 = tpu.memref_slice %arg3[%multiple_of3A_1005] : memref<322560xi32, #tpu.memory_space<hbm>> -> memref<120xi32, #tpu.memory_space<hbm>>
        tpu.wait_dma2 semaphore(%arg24 : memref<!tpu.dma_semaphore, #tpu.memory_space<semaphore_mem>>) src(%dma_wait3A_1014 : memref<120xi32, #tpu.memory_space<hbm>>) dst(%dma_wait3A_1013 : memref<120xi32, #tpu.memory_space<vmem>>)
        %dma_wait3A_1015 = arith.constant 0 : i32
        %dma_wait3A_1016 = arith.constant 0 : i32
        %dma_wait3A_1017 = tpu.memref_slice %arg10[%dma_wait3A_1015, %dma_wait3A_1016] : memref<4x120xi32, #tpu.memory_space<vmem>> -> memref<1x120xi32, #tpu.memory_space<vmem>>
        %dma_wait3A_1018 = tpu.memref_squeeze %dma_wait3A_1017 : memref<1x120xi32, #tpu.memory_space<vmem>> -> memref<120xi32, #tpu.memory_space<vmem>>
        %dma_wait3A_1019 = tpu.memref_slice %arg2[%multiple_of3A_1005] : memref<322560xi32, #tpu.memory_space<hbm>> -> memref<120xi32, #tpu.memory_space<hbm>>
        %dma_wait3A_1020 = arith.constant 0 : i32
        %dma_wait3A_1021 = tpu.memref_slice %arg10[%dma_wait3A_1015, %dma_wait3A_1020] : memref<4x120xi32, #tpu.memory_space<vmem>> -> memref<1x120xi32, #tpu.memory_space<vmem>>
        %dma_wait3A_1022 = tpu.memref_squeeze %dma_wait3A_1021 : memref<1x120xi32, #tpu.memory_space<vmem>> -> memref<120xi32, #tpu.memory_space<vmem>>
        %dma_wait3A_1023 = tpu.memref_slice %arg2[%multiple_of3A_1005] : memref<322560xi32, #tpu.memory_space<hbm>> -> memref<120xi32, #tpu.memory_space<hbm>>
        tpu.wait_dma2 semaphore(%arg24 : memref<!tpu.dma_semaphore, #tpu.memory_space<semaphore_mem>>) src(%dma_wait3A_1023 : memref<120xi32, #tpu.memory_space<hbm>>) dst(%dma_wait3A_1022 : memref<120xi32, #tpu.memory_space<vmem>>)
        %dma_start3A_1024 = arith.constant 0 : i32
        %dma_start3A_1025 = arith.constant 2 : i32
        %dma_start3A_1026 = arith.constant 0 : i32
        %dma_start3A_1027 = arith.constant 0 : i32
        %dma_start3A_1028 = tpu.memref_slice %arg11[%dma_start3A_1025, %dma_start3A_1026, %dma_start3A_1027] : memref<3x120x128xf32, #tpu.memory_space<vmem>> -> memref<1x120x128xf32, #tpu.memory_space<vmem>>
        %dma_start3A_1029 = tpu.memref_squeeze %dma_start3A_1028 : memref<1x120x128xf32, #tpu.memory_space<vmem>> -> memref<120x128xf32, #tpu.memory_space<vmem>>
        %dma_start3A_1030 = arith.constant 0 : i32
        %dma_start3A_1031 = tpu.memref_slice %arg9[%dma_start3A_1024, %dma_start3A_1030] : memref<4x120xi32, #tpu.memory_space<vmem>> -> memref<1x120xi32, #tpu.memory_space<vmem>>
        %dma_start3A_1032 = tpu.memref_squeeze %dma_start3A_1031 : memref<1x120xi32, #tpu.memory_space<vmem>> -> memref<120xi32, #tpu.memory_space<vmem>>
        %dma_start3A_1033 = arith.constant 0 : i32
        %dma_start3A_1034 = arith.constant 0 : i32
        %dma_start3A_1035 = tpu.memref_slice %arg4[%dma_start3A_1033, %dma_start3A_1034] : memref<10008x128xf32, #tpu.memory_space<hbm>> -> memref<10008x128xf32, #tpu.memory_space<hbm>>
        tpu.enqueue_indirect_dma source(%dma_start3A_1035 : memref<10008x128xf32, #tpu.memory_space<hbm>>) target(%dma_start3A_1029 : memref<120x128xf32, #tpu.memory_space<vmem>>) offsets(%dma_start3A_1032 : memref<120xi32, #tpu.memory_space<vmem>>) semaphore(%arg18 : memref<!tpu.dma_semaphore, #tpu.memory_space<semaphore_mem>>)
      } else {
      }
      %dma_start3A_679 = arith.constant 2 : i32
      %dma_start3A_680 = arith.constant 0 : i32
      %dma_start3A_681 = tpu.memref_slice %arg12[%dma_start3A_680] : memref<128xf32, #tpu.memory_space<vmem>> -> memref<120xf32, #tpu.memory_space<vmem>>
      %dma_start3A_682 = arith.constant 0 : i32
      %dma_start3A_683 = tpu.memref_slice %arg9[%dma_start3A_679, %dma_start3A_682] : memref<4x120xi32, #tpu.memory_space<vmem>> -> memref<1x120xi32, #tpu.memory_space<vmem>>
      %dma_start3A_684 = tpu.memref_squeeze %dma_start3A_683 : memref<1x120xi32, #tpu.memory_space<vmem>> -> memref<120xi32, #tpu.memory_space<vmem>>
      %dma_start3A_685 = arith.constant 0 : i32
      %dma_start3A_686 = tpu.memref_slice %arg15[%dma_start3A_685] : memref<10008xf32, #tpu.memory_space<vmem_shared>> -> memref<10008xf32, #tpu.memory_space<vmem_shared>>
      tpu.enqueue_indirect_dma source(%dma_start3A_681 : memref<120xf32, #tpu.memory_space<vmem>>) target(%dma_start3A_686 : memref<10008xf32, #tpu.memory_space<vmem_shared>>) offsets(%dma_start3A_684 : memref<120xi32, #tpu.memory_space<vmem>>) semaphore(%arg22 : memref<!tpu.dma_semaphore, #tpu.memory_space<semaphore_mem>>) {add = true}
      %ge3A_687 = arith.constant 1 : i32
      %ge3A_688 = arith.cmpi sge, %add3A_642, %ge3A_687 : i32
      %convert_element_type3A_689 = arith.extui %ge3A_688 : i1 to i32
      %cond3A_690 = arith.constant 0 : i32
      %cond3A_691 = arith.cmpi ne, %convert_element_type3A_689, %cond3A_690 : i32
      scf.if %cond3A_691 {
        %dma_wait3A_1000 = arith.constant 1 : i32
        %dma_wait3A_1001 = arith.constant 0 : i32
        %dma_wait3A_1002 = tpu.memref_slice %arg12[%dma_wait3A_1001] : memref<128xf32, #tpu.memory_space<vmem>> -> memref<120xf32, #tpu.memory_space<vmem>>
        %dma_wait3A_1003 = arith.constant 0 : i32
        %dma_wait3A_1004 = tpu.memref_slice %arg9[%dma_wait3A_1000, %dma_wait3A_1003] : memref<4x120xi32, #tpu.memory_space<vmem>> -> memref<1x120xi32, #tpu.memory_space<vmem>>
        %dma_wait3A_1005 = tpu.memref_squeeze %dma_wait3A_1004 : memref<1x120xi32, #tpu.memory_space<vmem>> -> memref<120xi32, #tpu.memory_space<vmem>>
        %dma_wait3A_1006 = arith.constant 0 : i32
        %dma_wait3A_1007 = tpu.memref_slice %arg15[%dma_wait3A_1006] : memref<10008xf32, #tpu.memory_space<vmem_shared>> -> memref<10008xf32, #tpu.memory_space<vmem_shared>>
        tpu.wait_indirect_dma semaphore(%arg23 : memref<!tpu.dma_semaphore, #tpu.memory_space<semaphore_mem>>) src(%dma_wait3A_1002 : memref<120xf32, #tpu.memory_space<vmem>>) dst(%dma_wait3A_1007 : memref<10008xf32, #tpu.memory_space<vmem_shared>>)
      } else {
      }
      %add3A_692 = arith.constant 3 : i32
      %add3A_693 = arith.addi %add3A_642, %add3A_692 : i32
      %lt3A_694 = arith.constant 84 : i32
      %lt3A_695 = arith.cmpi slt, %add3A_693, %lt3A_694 : i32
      %convert_element_type3A_696 = arith.extui %lt3A_695 : i1 to i32
      %cond3A_697 = arith.constant 0 : i32
      %cond3A_698 = arith.cmpi ne, %convert_element_type3A_696, %cond3A_697 : i32
      scf.if %cond3A_698 {
        %add3A_1000 = arith.addi %mul3A_2, %add3A_642 : i32
        %add3A_1001 = arith.constant 3 : i32
        %add3A_1002 = arith.addi %add3A_1000, %add3A_1001 : i32
        %mul3A_1003 = arith.constant 120 : i32
        %mul3A_1004 = arith.muli %add3A_1002, %mul3A_1003 : i32
        %multiple_of3A_1005 = tpu.assume_multiple %mul3A_1004, 8 : i32
        %dma_start3A_1006 = arith.constant 1 : i32
        %dma_start3A_1007 = arith.constant 0 : i32
        %dma_start3A_1008 = tpu.memref_slice %arg9[%dma_start3A_1006, %dma_start3A_1007] : memref<4x120xi32, #tpu.memory_space<vmem>> -> memref<1x120xi32, #tpu.memory_space<vmem>>
        %dma_start3A_1009 = tpu.memref_squeeze %dma_start3A_1008 : memref<1x120xi32, #tpu.memory_space<vmem>> -> memref<120xi32, #tpu.memory_space<vmem>>
        %dma_start3A_1010 = tpu.memref_slice %arg3[%multiple_of3A_1005] : memref<322560xi32, #tpu.memory_space<hbm>> -> memref<120xi32, #tpu.memory_space<hbm>>
        %dma_start3A_1011 = arith.constant 0 : i32
        %dma_start3A_1012 = tpu.memref_slice %arg9[%dma_start3A_1006, %dma_start3A_1011] : memref<4x120xi32, #tpu.memory_space<vmem>> -> memref<1x120xi32, #tpu.memory_space<vmem>>
        %dma_start3A_1013 = tpu.memref_squeeze %dma_start3A_1012 : memref<1x120xi32, #tpu.memory_space<vmem>> -> memref<120xi32, #tpu.memory_space<vmem>>
        %dma_start3A_1014 = tpu.memref_slice %arg3[%multiple_of3A_1005] : memref<322560xi32, #tpu.memory_space<hbm>> -> memref<120xi32, #tpu.memory_space<hbm>>
        tpu.enqueue_dma source(%dma_start3A_1014 : memref<120xi32, #tpu.memory_space<hbm>>) target(%dma_start3A_1013 : memref<120xi32, #tpu.memory_space<vmem>>) target_semaphore(%arg24 : memref<!tpu.dma_semaphore, #tpu.memory_space<semaphore_mem>>)
        %dma_start3A_1015 = arith.constant 1 : i32
        %dma_start3A_1016 = arith.constant 0 : i32
        %dma_start3A_1017 = tpu.memref_slice %arg10[%dma_start3A_1015, %dma_start3A_1016] : memref<4x120xi32, #tpu.memory_space<vmem>> -> memref<1x120xi32, #tpu.memory_space<vmem>>
        %dma_start3A_1018 = tpu.memref_squeeze %dma_start3A_1017 : memref<1x120xi32, #tpu.memory_space<vmem>> -> memref<120xi32, #tpu.memory_space<vmem>>
        %dma_start3A_1019 = tpu.memref_slice %arg2[%multiple_of3A_1005] : memref<322560xi32, #tpu.memory_space<hbm>> -> memref<120xi32, #tpu.memory_space<hbm>>
        %dma_start3A_1020 = arith.constant 0 : i32
        %dma_start3A_1021 = tpu.memref_slice %arg10[%dma_start3A_1015, %dma_start3A_1020] : memref<4x120xi32, #tpu.memory_space<vmem>> -> memref<1x120xi32, #tpu.memory_space<vmem>>
        %dma_start3A_1022 = tpu.memref_squeeze %dma_start3A_1021 : memref<1x120xi32, #tpu.memory_space<vmem>> -> memref<120xi32, #tpu.memory_space<vmem>>
        %dma_start3A_1023 = tpu.memref_slice %arg2[%multiple_of3A_1005] : memref<322560xi32, #tpu.memory_space<hbm>> -> memref<120xi32, #tpu.memory_space<hbm>>
        tpu.enqueue_dma source(%dma_start3A_1023 : memref<120xi32, #tpu.memory_space<hbm>>) target(%dma_start3A_1022 : memref<120xi32, #tpu.memory_space<vmem>>) target_semaphore(%arg24 : memref<!tpu.dma_semaphore, #tpu.memory_space<semaphore_mem>>)
      } else {
      }
      %mul3A_699 = arith.constant 12 : i32
      %mul3A_700 = arith.muli %scan3A_279, %mul3A_699 : i32
      %add3A_701 = arith.constant 7 : i32
      %add3A_702 = arith.addi %mul3A_700, %add3A_701 : i32
      %dma_wait3A_703 = arith.constant 3 : i32
      %dma_wait3A_704 = arith.constant 1 : i32
      %dma_wait3A_705 = arith.constant 0 : i32
      %dma_wait3A_706 = arith.constant 0 : i32
      %dma_wait3A_707 = tpu.memref_slice %arg11[%dma_wait3A_704, %dma_wait3A_705, %dma_wait3A_706] : memref<3x120x128xf32, #tpu.memory_space<vmem>> -> memref<1x120x128xf32, #tpu.memory_space<vmem>>
      %dma_wait3A_708 = tpu.memref_squeeze %dma_wait3A_707 : memref<1x120x128xf32, #tpu.memory_space<vmem>> -> memref<120x128xf32, #tpu.memory_space<vmem>>
      %dma_wait3A_709 = arith.constant 0 : i32
      %dma_wait3A_710 = tpu.memref_slice %arg9[%dma_wait3A_703, %dma_wait3A_709] : memref<4x120xi32, #tpu.memory_space<vmem>> -> memref<1x120xi32, #tpu.memory_space<vmem>>
      %dma_wait3A_711 = tpu.memref_squeeze %dma_wait3A_710 : memref<1x120xi32, #tpu.memory_space<vmem>> -> memref<120xi32, #tpu.memory_space<vmem>>
      %dma_wait3A_712 = arith.constant 0 : i32
      %dma_wait3A_713 = arith.constant 0 : i32
      %dma_wait3A_714 = tpu.memref_slice %arg4[%dma_wait3A_712, %dma_wait3A_713] : memref<10008x128xf32, #tpu.memory_space<hbm>> -> memref<10008x128xf32, #tpu.memory_space<hbm>>
      tpu.wait_indirect_dma semaphore(%arg17 : memref<!tpu.dma_semaphore, #tpu.memory_space<semaphore_mem>>) src(%dma_wait3A_714 : memref<10008x128xf32, #tpu.memory_space<hbm>>) dst(%dma_wait3A_708 : memref<120x128xf32, #tpu.memory_space<vmem>>)
      %dma_start3A_715 = arith.constant 1 : i32
      %dma_start3A_716 = arith.constant 3 : i32
      %dma_start3A_717 = arith.constant 0 : i32
      %dma_start3A_718 = arith.constant 0 : i32
      %dma_start3A_719 = tpu.memref_slice %arg11[%dma_start3A_715, %dma_start3A_717, %dma_start3A_718] : memref<3x120x128xf32, #tpu.memory_space<vmem>> -> memref<1x120x128xf32, #tpu.memory_space<vmem>>
      %dma_start3A_720 = tpu.memref_squeeze %dma_start3A_719 : memref<1x120x128xf32, #tpu.memory_space<vmem>> -> memref<120x128xf32, #tpu.memory_space<vmem>>
      %dma_start3A_721 = arith.constant 0 : i32
      %dma_start3A_722 = tpu.memref_slice %arg10[%dma_start3A_716, %dma_start3A_721] : memref<4x120xi32, #tpu.memory_space<vmem>> -> memref<1x120xi32, #tpu.memory_space<vmem>>
      %dma_start3A_723 = tpu.memref_squeeze %dma_start3A_722 : memref<1x120xi32, #tpu.memory_space<vmem>> -> memref<120xi32, #tpu.memory_space<vmem>>
      %dma_start3A_724 = arith.constant 0 : i32
      %dma_start3A_725 = arith.constant 0 : i32
      %dma_start3A_726 = tpu.memref_slice %arg14[%dma_start3A_724, %dma_start3A_725] : memref<10008x128xf32, #tpu.memory_space<vmem_shared>> -> memref<10008x128xf32, #tpu.memory_space<vmem_shared>>
      tpu.enqueue_indirect_dma source(%dma_start3A_720 : memref<120x128xf32, #tpu.memory_space<vmem>>) target(%dma_start3A_726 : memref<10008x128xf32, #tpu.memory_space<vmem_shared>>) offsets(%dma_start3A_723 : memref<120xi32, #tpu.memory_space<vmem>>) semaphore(%arg20 : memref<!tpu.dma_semaphore, #tpu.memory_space<semaphore_mem>>) {add = true}
      %ge3A_727 = arith.constant 1 : i32
      %ge3A_728 = arith.cmpi sge, %add3A_702, %ge3A_727 : i32
      %convert_element_type3A_729 = arith.extui %ge3A_728 : i1 to i32
      %cond3A_730 = arith.constant 0 : i32
      %cond3A_731 = arith.cmpi ne, %convert_element_type3A_729, %cond3A_730 : i32
      scf.if %cond3A_731 {
        %dma_wait3A_1000 = arith.constant 0 : i32
        %dma_wait3A_1001 = arith.constant 2 : i32
        %dma_wait3A_1002 = arith.constant 0 : i32
        %dma_wait3A_1003 = arith.constant 0 : i32
        %dma_wait3A_1004 = tpu.memref_slice %arg11[%dma_wait3A_1000, %dma_wait3A_1002, %dma_wait3A_1003] : memref<3x120x128xf32, #tpu.memory_space<vmem>> -> memref<1x120x128xf32, #tpu.memory_space<vmem>>
        %dma_wait3A_1005 = tpu.memref_squeeze %dma_wait3A_1004 : memref<1x120x128xf32, #tpu.memory_space<vmem>> -> memref<120x128xf32, #tpu.memory_space<vmem>>
        %dma_wait3A_1006 = arith.constant 0 : i32
        %dma_wait3A_1007 = tpu.memref_slice %arg10[%dma_wait3A_1001, %dma_wait3A_1006] : memref<4x120xi32, #tpu.memory_space<vmem>> -> memref<1x120xi32, #tpu.memory_space<vmem>>
        %dma_wait3A_1008 = tpu.memref_squeeze %dma_wait3A_1007 : memref<1x120xi32, #tpu.memory_space<vmem>> -> memref<120xi32, #tpu.memory_space<vmem>>
        %dma_wait3A_1009 = arith.constant 0 : i32
        %dma_wait3A_1010 = arith.constant 0 : i32
        %dma_wait3A_1011 = tpu.memref_slice %arg14[%dma_wait3A_1009, %dma_wait3A_1010] : memref<10008x128xf32, #tpu.memory_space<vmem_shared>> -> memref<10008x128xf32, #tpu.memory_space<vmem_shared>>
        tpu.wait_indirect_dma semaphore(%arg19 : memref<!tpu.dma_semaphore, #tpu.memory_space<semaphore_mem>>) src(%dma_wait3A_1005 : memref<120x128xf32, #tpu.memory_space<vmem>>) dst(%dma_wait3A_1011 : memref<10008x128xf32, #tpu.memory_space<vmem_shared>>)
      } else {
      }
      %add3A_732 = arith.constant 2 : i32
      %add3A_733 = arith.addi %add3A_702, %add3A_732 : i32
      %lt3A_734 = arith.constant 84 : i32
      %lt3A_735 = arith.cmpi slt, %add3A_733, %lt3A_734 : i32
      %convert_element_type3A_736 = arith.extui %lt3A_735 : i1 to i32
      %cond3A_737 = arith.constant 0 : i32
      %cond3A_738 = arith.cmpi ne, %convert_element_type3A_736, %cond3A_737 : i32
      scf.if %cond3A_738 {
        %add3A_1000 = arith.addi %mul3A_2, %add3A_702 : i32
        %add3A_1001 = arith.constant 2 : i32
        %add3A_1002 = arith.addi %add3A_1000, %add3A_1001 : i32
        %mul3A_1003 = arith.constant 120 : i32
        %mul3A_1004 = arith.muli %add3A_1002, %mul3A_1003 : i32
        %multiple_of3A_1005 = tpu.assume_multiple %mul3A_1004, 8 : i32
        %dma_wait3A_1006 = arith.constant 1 : i32
        %dma_wait3A_1007 = arith.constant 0 : i32
        %dma_wait3A_1008 = tpu.memref_slice %arg9[%dma_wait3A_1006, %dma_wait3A_1007] : memref<4x120xi32, #tpu.memory_space<vmem>> -> memref<1x120xi32, #tpu.memory_space<vmem>>
        %dma_wait3A_1009 = tpu.memref_squeeze %dma_wait3A_1008 : memref<1x120xi32, #tpu.memory_space<vmem>> -> memref<120xi32, #tpu.memory_space<vmem>>
        %dma_wait3A_1010 = tpu.memref_slice %arg3[%multiple_of3A_1005] : memref<322560xi32, #tpu.memory_space<hbm>> -> memref<120xi32, #tpu.memory_space<hbm>>
        %dma_wait3A_1011 = arith.constant 0 : i32
        %dma_wait3A_1012 = tpu.memref_slice %arg9[%dma_wait3A_1006, %dma_wait3A_1011] : memref<4x120xi32, #tpu.memory_space<vmem>> -> memref<1x120xi32, #tpu.memory_space<vmem>>
        %dma_wait3A_1013 = tpu.memref_squeeze %dma_wait3A_1012 : memref<1x120xi32, #tpu.memory_space<vmem>> -> memref<120xi32, #tpu.memory_space<vmem>>
        %dma_wait3A_1014 = tpu.memref_slice %arg3[%multiple_of3A_1005] : memref<322560xi32, #tpu.memory_space<hbm>> -> memref<120xi32, #tpu.memory_space<hbm>>
        tpu.wait_dma2 semaphore(%arg24 : memref<!tpu.dma_semaphore, #tpu.memory_space<semaphore_mem>>) src(%dma_wait3A_1014 : memref<120xi32, #tpu.memory_space<hbm>>) dst(%dma_wait3A_1013 : memref<120xi32, #tpu.memory_space<vmem>>)
        %dma_wait3A_1015 = arith.constant 1 : i32
        %dma_wait3A_1016 = arith.constant 0 : i32
        %dma_wait3A_1017 = tpu.memref_slice %arg10[%dma_wait3A_1015, %dma_wait3A_1016] : memref<4x120xi32, #tpu.memory_space<vmem>> -> memref<1x120xi32, #tpu.memory_space<vmem>>
        %dma_wait3A_1018 = tpu.memref_squeeze %dma_wait3A_1017 : memref<1x120xi32, #tpu.memory_space<vmem>> -> memref<120xi32, #tpu.memory_space<vmem>>
        %dma_wait3A_1019 = tpu.memref_slice %arg2[%multiple_of3A_1005] : memref<322560xi32, #tpu.memory_space<hbm>> -> memref<120xi32, #tpu.memory_space<hbm>>
        %dma_wait3A_1020 = arith.constant 0 : i32
        %dma_wait3A_1021 = tpu.memref_slice %arg10[%dma_wait3A_1015, %dma_wait3A_1020] : memref<4x120xi32, #tpu.memory_space<vmem>> -> memref<1x120xi32, #tpu.memory_space<vmem>>
        %dma_wait3A_1022 = tpu.memref_squeeze %dma_wait3A_1021 : memref<1x120xi32, #tpu.memory_space<vmem>> -> memref<120xi32, #tpu.memory_space<vmem>>
        %dma_wait3A_1023 = tpu.memref_slice %arg2[%multiple_of3A_1005] : memref<322560xi32, #tpu.memory_space<hbm>> -> memref<120xi32, #tpu.memory_space<hbm>>
        tpu.wait_dma2 semaphore(%arg24 : memref<!tpu.dma_semaphore, #tpu.memory_space<semaphore_mem>>) src(%dma_wait3A_1023 : memref<120xi32, #tpu.memory_space<hbm>>) dst(%dma_wait3A_1022 : memref<120xi32, #tpu.memory_space<vmem>>)
        %dma_start3A_1024 = arith.constant 1 : i32
        %dma_start3A_1025 = arith.constant 0 : i32
        %dma_start3A_1026 = arith.constant 0 : i32
        %dma_start3A_1027 = arith.constant 0 : i32
        %dma_start3A_1028 = tpu.memref_slice %arg11[%dma_start3A_1025, %dma_start3A_1026, %dma_start3A_1027] : memref<3x120x128xf32, #tpu.memory_space<vmem>> -> memref<1x120x128xf32, #tpu.memory_space<vmem>>
        %dma_start3A_1029 = tpu.memref_squeeze %dma_start3A_1028 : memref<1x120x128xf32, #tpu.memory_space<vmem>> -> memref<120x128xf32, #tpu.memory_space<vmem>>
        %dma_start3A_1030 = arith.constant 0 : i32
        %dma_start3A_1031 = tpu.memref_slice %arg9[%dma_start3A_1024, %dma_start3A_1030] : memref<4x120xi32, #tpu.memory_space<vmem>> -> memref<1x120xi32, #tpu.memory_space<vmem>>
        %dma_start3A_1032 = tpu.memref_squeeze %dma_start3A_1031 : memref<1x120xi32, #tpu.memory_space<vmem>> -> memref<120xi32, #tpu.memory_space<vmem>>
        %dma_start3A_1033 = arith.constant 0 : i32
        %dma_start3A_1034 = arith.constant 0 : i32
        %dma_start3A_1035 = tpu.memref_slice %arg4[%dma_start3A_1033, %dma_start3A_1034] : memref<10008x128xf32, #tpu.memory_space<hbm>> -> memref<10008x128xf32, #tpu.memory_space<hbm>>
        tpu.enqueue_indirect_dma source(%dma_start3A_1035 : memref<10008x128xf32, #tpu.memory_space<hbm>>) target(%dma_start3A_1029 : memref<120x128xf32, #tpu.memory_space<vmem>>) offsets(%dma_start3A_1032 : memref<120xi32, #tpu.memory_space<vmem>>) semaphore(%arg16 : memref<!tpu.dma_semaphore, #tpu.memory_space<semaphore_mem>>)
      } else {
      }
      %dma_start3A_739 = arith.constant 3 : i32
      %dma_start3A_740 = arith.constant 0 : i32
      %dma_start3A_741 = tpu.memref_slice %arg12[%dma_start3A_740] : memref<128xf32, #tpu.memory_space<vmem>> -> memref<120xf32, #tpu.memory_space<vmem>>
      %dma_start3A_742 = arith.constant 0 : i32
      %dma_start3A_743 = tpu.memref_slice %arg9[%dma_start3A_739, %dma_start3A_742] : memref<4x120xi32, #tpu.memory_space<vmem>> -> memref<1x120xi32, #tpu.memory_space<vmem>>
      %dma_start3A_744 = tpu.memref_squeeze %dma_start3A_743 : memref<1x120xi32, #tpu.memory_space<vmem>> -> memref<120xi32, #tpu.memory_space<vmem>>
      %dma_start3A_745 = arith.constant 0 : i32
      %dma_start3A_746 = tpu.memref_slice %arg15[%dma_start3A_745] : memref<10008xf32, #tpu.memory_space<vmem_shared>> -> memref<10008xf32, #tpu.memory_space<vmem_shared>>
      tpu.enqueue_indirect_dma source(%dma_start3A_741 : memref<120xf32, #tpu.memory_space<vmem>>) target(%dma_start3A_746 : memref<10008xf32, #tpu.memory_space<vmem_shared>>) offsets(%dma_start3A_744 : memref<120xi32, #tpu.memory_space<vmem>>) semaphore(%arg23 : memref<!tpu.dma_semaphore, #tpu.memory_space<semaphore_mem>>) {add = true}
      %ge3A_747 = arith.constant 1 : i32
      %ge3A_748 = arith.cmpi sge, %add3A_702, %ge3A_747 : i32
      %convert_element_type3A_749 = arith.extui %ge3A_748 : i1 to i32
      %cond3A_750 = arith.constant 0 : i32
      %cond3A_751 = arith.cmpi ne, %convert_element_type3A_749, %cond3A_750 : i32
      scf.if %cond3A_751 {
        %dma_wait3A_1000 = arith.constant 2 : i32
        %dma_wait3A_1001 = arith.constant 0 : i32
        %dma_wait3A_1002 = tpu.memref_slice %arg12[%dma_wait3A_1001] : memref<128xf32, #tpu.memory_space<vmem>> -> memref<120xf32, #tpu.memory_space<vmem>>
        %dma_wait3A_1003 = arith.constant 0 : i32
        %dma_wait3A_1004 = tpu.memref_slice %arg9[%dma_wait3A_1000, %dma_wait3A_1003] : memref<4x120xi32, #tpu.memory_space<vmem>> -> memref<1x120xi32, #tpu.memory_space<vmem>>
        %dma_wait3A_1005 = tpu.memref_squeeze %dma_wait3A_1004 : memref<1x120xi32, #tpu.memory_space<vmem>> -> memref<120xi32, #tpu.memory_space<vmem>>
        %dma_wait3A_1006 = arith.constant 0 : i32
        %dma_wait3A_1007 = tpu.memref_slice %arg15[%dma_wait3A_1006] : memref<10008xf32, #tpu.memory_space<vmem_shared>> -> memref<10008xf32, #tpu.memory_space<vmem_shared>>
        tpu.wait_indirect_dma semaphore(%arg22 : memref<!tpu.dma_semaphore, #tpu.memory_space<semaphore_mem>>) src(%dma_wait3A_1002 : memref<120xf32, #tpu.memory_space<vmem>>) dst(%dma_wait3A_1007 : memref<10008xf32, #tpu.memory_space<vmem_shared>>)
      } else {
      }
      %add3A_752 = arith.constant 3 : i32
      %add3A_753 = arith.addi %add3A_702, %add3A_752 : i32
      %lt3A_754 = arith.constant 84 : i32
      %lt3A_755 = arith.cmpi slt, %add3A_753, %lt3A_754 : i32
      %convert_element_type3A_756 = arith.extui %lt3A_755 : i1 to i32
      %cond3A_757 = arith.constant 0 : i32
      %cond3A_758 = arith.cmpi ne, %convert_element_type3A_756, %cond3A_757 : i32
      scf.if %cond3A_758 {
        %add3A_1000 = arith.addi %mul3A_2, %add3A_702 : i32
        %add3A_1001 = arith.constant 3 : i32
        %add3A_1002 = arith.addi %add3A_1000, %add3A_1001 : i32
        %mul3A_1003 = arith.constant 120 : i32
        %mul3A_1004 = arith.muli %add3A_1002, %mul3A_1003 : i32
        %multiple_of3A_1005 = tpu.assume_multiple %mul3A_1004, 8 : i32
        %dma_start3A_1006 = arith.constant 2 : i32
        %dma_start3A_1007 = arith.constant 0 : i32
        %dma_start3A_1008 = tpu.memref_slice %arg9[%dma_start3A_1006, %dma_start3A_1007] : memref<4x120xi32, #tpu.memory_space<vmem>> -> memref<1x120xi32, #tpu.memory_space<vmem>>
        %dma_start3A_1009 = tpu.memref_squeeze %dma_start3A_1008 : memref<1x120xi32, #tpu.memory_space<vmem>> -> memref<120xi32, #tpu.memory_space<vmem>>
        %dma_start3A_1010 = tpu.memref_slice %arg3[%multiple_of3A_1005] : memref<322560xi32, #tpu.memory_space<hbm>> -> memref<120xi32, #tpu.memory_space<hbm>>
        %dma_start3A_1011 = arith.constant 0 : i32
        %dma_start3A_1012 = tpu.memref_slice %arg9[%dma_start3A_1006, %dma_start3A_1011] : memref<4x120xi32, #tpu.memory_space<vmem>> -> memref<1x120xi32, #tpu.memory_space<vmem>>
        %dma_start3A_1013 = tpu.memref_squeeze %dma_start3A_1012 : memref<1x120xi32, #tpu.memory_space<vmem>> -> memref<120xi32, #tpu.memory_space<vmem>>
        %dma_start3A_1014 = tpu.memref_slice %arg3[%multiple_of3A_1005] : memref<322560xi32, #tpu.memory_space<hbm>> -> memref<120xi32, #tpu.memory_space<hbm>>
        tpu.enqueue_dma source(%dma_start3A_1014 : memref<120xi32, #tpu.memory_space<hbm>>) target(%dma_start3A_1013 : memref<120xi32, #tpu.memory_space<vmem>>) target_semaphore(%arg24 : memref<!tpu.dma_semaphore, #tpu.memory_space<semaphore_mem>>)
        %dma_start3A_1015 = arith.constant 2 : i32
        %dma_start3A_1016 = arith.constant 0 : i32
        %dma_start3A_1017 = tpu.memref_slice %arg10[%dma_start3A_1015, %dma_start3A_1016] : memref<4x120xi32, #tpu.memory_space<vmem>> -> memref<1x120xi32, #tpu.memory_space<vmem>>
        %dma_start3A_1018 = tpu.memref_squeeze %dma_start3A_1017 : memref<1x120xi32, #tpu.memory_space<vmem>> -> memref<120xi32, #tpu.memory_space<vmem>>
        %dma_start3A_1019 = tpu.memref_slice %arg2[%multiple_of3A_1005] : memref<322560xi32, #tpu.memory_space<hbm>> -> memref<120xi32, #tpu.memory_space<hbm>>
        %dma_start3A_1020 = arith.constant 0 : i32
        %dma_start3A_1021 = tpu.memref_slice %arg10[%dma_start3A_1015, %dma_start3A_1020] : memref<4x120xi32, #tpu.memory_space<vmem>> -> memref<1x120xi32, #tpu.memory_space<vmem>>
        %dma_start3A_1022 = tpu.memref_squeeze %dma_start3A_1021 : memref<1x120xi32, #tpu.memory_space<vmem>> -> memref<120xi32, #tpu.memory_space<vmem>>
        %dma_start3A_1023 = tpu.memref_slice %arg2[%multiple_of3A_1005] : memref<322560xi32, #tpu.memory_space<hbm>> -> memref<120xi32, #tpu.memory_space<hbm>>
        tpu.enqueue_dma source(%dma_start3A_1023 : memref<120xi32, #tpu.memory_space<hbm>>) target(%dma_start3A_1022 : memref<120xi32, #tpu.memory_space<vmem>>) target_semaphore(%arg24 : memref<!tpu.dma_semaphore, #tpu.memory_space<semaphore_mem>>)
      } else {
      }
      %mul3A_759 = arith.constant 12 : i32
      %mul3A_760 = arith.muli %scan3A_279, %mul3A_759 : i32
      %add3A_761 = arith.constant 8 : i32
      %add3A_762 = arith.addi %mul3A_760, %add3A_761 : i32
      %dma_wait3A_763 = arith.constant 0 : i32
      %dma_wait3A_764 = arith.constant 2 : i32
      %dma_wait3A_765 = arith.constant 0 : i32
      %dma_wait3A_766 = arith.constant 0 : i32
      %dma_wait3A_767 = tpu.memref_slice %arg11[%dma_wait3A_764, %dma_wait3A_765, %dma_wait3A_766] : memref<3x120x128xf32, #tpu.memory_space<vmem>> -> memref<1x120x128xf32, #tpu.memory_space<vmem>>
      %dma_wait3A_768 = tpu.memref_squeeze %dma_wait3A_767 : memref<1x120x128xf32, #tpu.memory_space<vmem>> -> memref<120x128xf32, #tpu.memory_space<vmem>>
      %dma_wait3A_769 = arith.constant 0 : i32
      %dma_wait3A_770 = tpu.memref_slice %arg9[%dma_wait3A_763, %dma_wait3A_769] : memref<4x120xi32, #tpu.memory_space<vmem>> -> memref<1x120xi32, #tpu.memory_space<vmem>>
      %dma_wait3A_771 = tpu.memref_squeeze %dma_wait3A_770 : memref<1x120xi32, #tpu.memory_space<vmem>> -> memref<120xi32, #tpu.memory_space<vmem>>
      %dma_wait3A_772 = arith.constant 0 : i32
      %dma_wait3A_773 = arith.constant 0 : i32
      %dma_wait3A_774 = tpu.memref_slice %arg4[%dma_wait3A_772, %dma_wait3A_773] : memref<10008x128xf32, #tpu.memory_space<hbm>> -> memref<10008x128xf32, #tpu.memory_space<hbm>>
      tpu.wait_indirect_dma semaphore(%arg18 : memref<!tpu.dma_semaphore, #tpu.memory_space<semaphore_mem>>) src(%dma_wait3A_774 : memref<10008x128xf32, #tpu.memory_space<hbm>>) dst(%dma_wait3A_768 : memref<120x128xf32, #tpu.memory_space<vmem>>)
      %dma_start3A_775 = arith.constant 2 : i32
      %dma_start3A_776 = arith.constant 0 : i32
      %dma_start3A_777 = arith.constant 0 : i32
      %dma_start3A_778 = arith.constant 0 : i32
      %dma_start3A_779 = tpu.memref_slice %arg11[%dma_start3A_775, %dma_start3A_777, %dma_start3A_778] : memref<3x120x128xf32, #tpu.memory_space<vmem>> -> memref<1x120x128xf32, #tpu.memory_space<vmem>>
      %dma_start3A_780 = tpu.memref_squeeze %dma_start3A_779 : memref<1x120x128xf32, #tpu.memory_space<vmem>> -> memref<120x128xf32, #tpu.memory_space<vmem>>
      %dma_start3A_781 = arith.constant 0 : i32
      %dma_start3A_782 = tpu.memref_slice %arg10[%dma_start3A_776, %dma_start3A_781] : memref<4x120xi32, #tpu.memory_space<vmem>> -> memref<1x120xi32, #tpu.memory_space<vmem>>
      %dma_start3A_783 = tpu.memref_squeeze %dma_start3A_782 : memref<1x120xi32, #tpu.memory_space<vmem>> -> memref<120xi32, #tpu.memory_space<vmem>>
      %dma_start3A_784 = arith.constant 0 : i32
      %dma_start3A_785 = arith.constant 0 : i32
      %dma_start3A_786 = tpu.memref_slice %arg14[%dma_start3A_784, %dma_start3A_785] : memref<10008x128xf32, #tpu.memory_space<vmem_shared>> -> memref<10008x128xf32, #tpu.memory_space<vmem_shared>>
      tpu.enqueue_indirect_dma source(%dma_start3A_780 : memref<120x128xf32, #tpu.memory_space<vmem>>) target(%dma_start3A_786 : memref<10008x128xf32, #tpu.memory_space<vmem_shared>>) offsets(%dma_start3A_783 : memref<120xi32, #tpu.memory_space<vmem>>) semaphore(%arg21 : memref<!tpu.dma_semaphore, #tpu.memory_space<semaphore_mem>>) {add = true}
      %ge3A_787 = arith.constant 1 : i32
      %ge3A_788 = arith.cmpi sge, %add3A_762, %ge3A_787 : i32
      %convert_element_type3A_789 = arith.extui %ge3A_788 : i1 to i32
      %cond3A_790 = arith.constant 0 : i32
      %cond3A_791 = arith.cmpi ne, %convert_element_type3A_789, %cond3A_790 : i32
      scf.if %cond3A_791 {
        %dma_wait3A_1000 = arith.constant 1 : i32
        %dma_wait3A_1001 = arith.constant 3 : i32
        %dma_wait3A_1002 = arith.constant 0 : i32
        %dma_wait3A_1003 = arith.constant 0 : i32
        %dma_wait3A_1004 = tpu.memref_slice %arg11[%dma_wait3A_1000, %dma_wait3A_1002, %dma_wait3A_1003] : memref<3x120x128xf32, #tpu.memory_space<vmem>> -> memref<1x120x128xf32, #tpu.memory_space<vmem>>
        %dma_wait3A_1005 = tpu.memref_squeeze %dma_wait3A_1004 : memref<1x120x128xf32, #tpu.memory_space<vmem>> -> memref<120x128xf32, #tpu.memory_space<vmem>>
        %dma_wait3A_1006 = arith.constant 0 : i32
        %dma_wait3A_1007 = tpu.memref_slice %arg10[%dma_wait3A_1001, %dma_wait3A_1006] : memref<4x120xi32, #tpu.memory_space<vmem>> -> memref<1x120xi32, #tpu.memory_space<vmem>>
        %dma_wait3A_1008 = tpu.memref_squeeze %dma_wait3A_1007 : memref<1x120xi32, #tpu.memory_space<vmem>> -> memref<120xi32, #tpu.memory_space<vmem>>
        %dma_wait3A_1009 = arith.constant 0 : i32
        %dma_wait3A_1010 = arith.constant 0 : i32
        %dma_wait3A_1011 = tpu.memref_slice %arg14[%dma_wait3A_1009, %dma_wait3A_1010] : memref<10008x128xf32, #tpu.memory_space<vmem_shared>> -> memref<10008x128xf32, #tpu.memory_space<vmem_shared>>
        tpu.wait_indirect_dma semaphore(%arg20 : memref<!tpu.dma_semaphore, #tpu.memory_space<semaphore_mem>>) src(%dma_wait3A_1005 : memref<120x128xf32, #tpu.memory_space<vmem>>) dst(%dma_wait3A_1011 : memref<10008x128xf32, #tpu.memory_space<vmem_shared>>)
      } else {
      }
      %add3A_792 = arith.constant 2 : i32
      %add3A_793 = arith.addi %add3A_762, %add3A_792 : i32
      %lt3A_794 = arith.constant 84 : i32
      %lt3A_795 = arith.cmpi slt, %add3A_793, %lt3A_794 : i32
      %convert_element_type3A_796 = arith.extui %lt3A_795 : i1 to i32
      %cond3A_797 = arith.constant 0 : i32
      %cond3A_798 = arith.cmpi ne, %convert_element_type3A_796, %cond3A_797 : i32
      scf.if %cond3A_798 {
        %add3A_1000 = arith.addi %mul3A_2, %add3A_762 : i32
        %add3A_1001 = arith.constant 2 : i32
        %add3A_1002 = arith.addi %add3A_1000, %add3A_1001 : i32
        %mul3A_1003 = arith.constant 120 : i32
        %mul3A_1004 = arith.muli %add3A_1002, %mul3A_1003 : i32
        %multiple_of3A_1005 = tpu.assume_multiple %mul3A_1004, 8 : i32
        %dma_wait3A_1006 = arith.constant 2 : i32
        %dma_wait3A_1007 = arith.constant 0 : i32
        %dma_wait3A_1008 = tpu.memref_slice %arg9[%dma_wait3A_1006, %dma_wait3A_1007] : memref<4x120xi32, #tpu.memory_space<vmem>> -> memref<1x120xi32, #tpu.memory_space<vmem>>
        %dma_wait3A_1009 = tpu.memref_squeeze %dma_wait3A_1008 : memref<1x120xi32, #tpu.memory_space<vmem>> -> memref<120xi32, #tpu.memory_space<vmem>>
        %dma_wait3A_1010 = tpu.memref_slice %arg3[%multiple_of3A_1005] : memref<322560xi32, #tpu.memory_space<hbm>> -> memref<120xi32, #tpu.memory_space<hbm>>
        %dma_wait3A_1011 = arith.constant 0 : i32
        %dma_wait3A_1012 = tpu.memref_slice %arg9[%dma_wait3A_1006, %dma_wait3A_1011] : memref<4x120xi32, #tpu.memory_space<vmem>> -> memref<1x120xi32, #tpu.memory_space<vmem>>
        %dma_wait3A_1013 = tpu.memref_squeeze %dma_wait3A_1012 : memref<1x120xi32, #tpu.memory_space<vmem>> -> memref<120xi32, #tpu.memory_space<vmem>>
        %dma_wait3A_1014 = tpu.memref_slice %arg3[%multiple_of3A_1005] : memref<322560xi32, #tpu.memory_space<hbm>> -> memref<120xi32, #tpu.memory_space<hbm>>
        tpu.wait_dma2 semaphore(%arg24 : memref<!tpu.dma_semaphore, #tpu.memory_space<semaphore_mem>>) src(%dma_wait3A_1014 : memref<120xi32, #tpu.memory_space<hbm>>) dst(%dma_wait3A_1013 : memref<120xi32, #tpu.memory_space<vmem>>)
        %dma_wait3A_1015 = arith.constant 2 : i32
        %dma_wait3A_1016 = arith.constant 0 : i32
        %dma_wait3A_1017 = tpu.memref_slice %arg10[%dma_wait3A_1015, %dma_wait3A_1016] : memref<4x120xi32, #tpu.memory_space<vmem>> -> memref<1x120xi32, #tpu.memory_space<vmem>>
        %dma_wait3A_1018 = tpu.memref_squeeze %dma_wait3A_1017 : memref<1x120xi32, #tpu.memory_space<vmem>> -> memref<120xi32, #tpu.memory_space<vmem>>
        %dma_wait3A_1019 = tpu.memref_slice %arg2[%multiple_of3A_1005] : memref<322560xi32, #tpu.memory_space<hbm>> -> memref<120xi32, #tpu.memory_space<hbm>>
        %dma_wait3A_1020 = arith.constant 0 : i32
        %dma_wait3A_1021 = tpu.memref_slice %arg10[%dma_wait3A_1015, %dma_wait3A_1020] : memref<4x120xi32, #tpu.memory_space<vmem>> -> memref<1x120xi32, #tpu.memory_space<vmem>>
        %dma_wait3A_1022 = tpu.memref_squeeze %dma_wait3A_1021 : memref<1x120xi32, #tpu.memory_space<vmem>> -> memref<120xi32, #tpu.memory_space<vmem>>
        %dma_wait3A_1023 = tpu.memref_slice %arg2[%multiple_of3A_1005] : memref<322560xi32, #tpu.memory_space<hbm>> -> memref<120xi32, #tpu.memory_space<hbm>>
        tpu.wait_dma2 semaphore(%arg24 : memref<!tpu.dma_semaphore, #tpu.memory_space<semaphore_mem>>) src(%dma_wait3A_1023 : memref<120xi32, #tpu.memory_space<hbm>>) dst(%dma_wait3A_1022 : memref<120xi32, #tpu.memory_space<vmem>>)
        %dma_start3A_1024 = arith.constant 2 : i32
        %dma_start3A_1025 = arith.constant 1 : i32
        %dma_start3A_1026 = arith.constant 0 : i32
        %dma_start3A_1027 = arith.constant 0 : i32
        %dma_start3A_1028 = tpu.memref_slice %arg11[%dma_start3A_1025, %dma_start3A_1026, %dma_start3A_1027] : memref<3x120x128xf32, #tpu.memory_space<vmem>> -> memref<1x120x128xf32, #tpu.memory_space<vmem>>
        %dma_start3A_1029 = tpu.memref_squeeze %dma_start3A_1028 : memref<1x120x128xf32, #tpu.memory_space<vmem>> -> memref<120x128xf32, #tpu.memory_space<vmem>>
        %dma_start3A_1030 = arith.constant 0 : i32
        %dma_start3A_1031 = tpu.memref_slice %arg9[%dma_start3A_1024, %dma_start3A_1030] : memref<4x120xi32, #tpu.memory_space<vmem>> -> memref<1x120xi32, #tpu.memory_space<vmem>>
        %dma_start3A_1032 = tpu.memref_squeeze %dma_start3A_1031 : memref<1x120xi32, #tpu.memory_space<vmem>> -> memref<120xi32, #tpu.memory_space<vmem>>
        %dma_start3A_1033 = arith.constant 0 : i32
        %dma_start3A_1034 = arith.constant 0 : i32
        %dma_start3A_1035 = tpu.memref_slice %arg4[%dma_start3A_1033, %dma_start3A_1034] : memref<10008x128xf32, #tpu.memory_space<hbm>> -> memref<10008x128xf32, #tpu.memory_space<hbm>>
        tpu.enqueue_indirect_dma source(%dma_start3A_1035 : memref<10008x128xf32, #tpu.memory_space<hbm>>) target(%dma_start3A_1029 : memref<120x128xf32, #tpu.memory_space<vmem>>) offsets(%dma_start3A_1032 : memref<120xi32, #tpu.memory_space<vmem>>) semaphore(%arg17 : memref<!tpu.dma_semaphore, #tpu.memory_space<semaphore_mem>>)
      } else {
      }
      %dma_start3A_799 = arith.constant 0 : i32
      %dma_start3A_800 = arith.constant 0 : i32
      %dma_start3A_801 = tpu.memref_slice %arg12[%dma_start3A_800] : memref<128xf32, #tpu.memory_space<vmem>> -> memref<120xf32, #tpu.memory_space<vmem>>
      %dma_start3A_802 = arith.constant 0 : i32
      %dma_start3A_803 = tpu.memref_slice %arg9[%dma_start3A_799, %dma_start3A_802] : memref<4x120xi32, #tpu.memory_space<vmem>> -> memref<1x120xi32, #tpu.memory_space<vmem>>
      %dma_start3A_804 = tpu.memref_squeeze %dma_start3A_803 : memref<1x120xi32, #tpu.memory_space<vmem>> -> memref<120xi32, #tpu.memory_space<vmem>>
      %dma_start3A_805 = arith.constant 0 : i32
      %dma_start3A_806 = tpu.memref_slice %arg15[%dma_start3A_805] : memref<10008xf32, #tpu.memory_space<vmem_shared>> -> memref<10008xf32, #tpu.memory_space<vmem_shared>>
      tpu.enqueue_indirect_dma source(%dma_start3A_801 : memref<120xf32, #tpu.memory_space<vmem>>) target(%dma_start3A_806 : memref<10008xf32, #tpu.memory_space<vmem_shared>>) offsets(%dma_start3A_804 : memref<120xi32, #tpu.memory_space<vmem>>) semaphore(%arg22 : memref<!tpu.dma_semaphore, #tpu.memory_space<semaphore_mem>>) {add = true}
      %ge3A_807 = arith.constant 1 : i32
      %ge3A_808 = arith.cmpi sge, %add3A_762, %ge3A_807 : i32
      %convert_element_type3A_809 = arith.extui %ge3A_808 : i1 to i32
      %cond3A_810 = arith.constant 0 : i32
      %cond3A_811 = arith.cmpi ne, %convert_element_type3A_809, %cond3A_810 : i32
      scf.if %cond3A_811 {
        %dma_wait3A_1000 = arith.constant 3 : i32
        %dma_wait3A_1001 = arith.constant 0 : i32
        %dma_wait3A_1002 = tpu.memref_slice %arg12[%dma_wait3A_1001] : memref<128xf32, #tpu.memory_space<vmem>> -> memref<120xf32, #tpu.memory_space<vmem>>
        %dma_wait3A_1003 = arith.constant 0 : i32
        %dma_wait3A_1004 = tpu.memref_slice %arg9[%dma_wait3A_1000, %dma_wait3A_1003] : memref<4x120xi32, #tpu.memory_space<vmem>> -> memref<1x120xi32, #tpu.memory_space<vmem>>
        %dma_wait3A_1005 = tpu.memref_squeeze %dma_wait3A_1004 : memref<1x120xi32, #tpu.memory_space<vmem>> -> memref<120xi32, #tpu.memory_space<vmem>>
        %dma_wait3A_1006 = arith.constant 0 : i32
        %dma_wait3A_1007 = tpu.memref_slice %arg15[%dma_wait3A_1006] : memref<10008xf32, #tpu.memory_space<vmem_shared>> -> memref<10008xf32, #tpu.memory_space<vmem_shared>>
        tpu.wait_indirect_dma semaphore(%arg23 : memref<!tpu.dma_semaphore, #tpu.memory_space<semaphore_mem>>) src(%dma_wait3A_1002 : memref<120xf32, #tpu.memory_space<vmem>>) dst(%dma_wait3A_1007 : memref<10008xf32, #tpu.memory_space<vmem_shared>>)
      } else {
      }
      %add3A_812 = arith.constant 3 : i32
      %add3A_813 = arith.addi %add3A_762, %add3A_812 : i32
      %lt3A_814 = arith.constant 84 : i32
      %lt3A_815 = arith.cmpi slt, %add3A_813, %lt3A_814 : i32
      %convert_element_type3A_816 = arith.extui %lt3A_815 : i1 to i32
      %cond3A_817 = arith.constant 0 : i32
      %cond3A_818 = arith.cmpi ne, %convert_element_type3A_816, %cond3A_817 : i32
      scf.if %cond3A_818 {
        %add3A_1000 = arith.addi %mul3A_2, %add3A_762 : i32
        %add3A_1001 = arith.constant 3 : i32
        %add3A_1002 = arith.addi %add3A_1000, %add3A_1001 : i32
        %mul3A_1003 = arith.constant 120 : i32
        %mul3A_1004 = arith.muli %add3A_1002, %mul3A_1003 : i32
        %multiple_of3A_1005 = tpu.assume_multiple %mul3A_1004, 8 : i32
        %dma_start3A_1006 = arith.constant 3 : i32
        %dma_start3A_1007 = arith.constant 0 : i32
        %dma_start3A_1008 = tpu.memref_slice %arg9[%dma_start3A_1006, %dma_start3A_1007] : memref<4x120xi32, #tpu.memory_space<vmem>> -> memref<1x120xi32, #tpu.memory_space<vmem>>
        %dma_start3A_1009 = tpu.memref_squeeze %dma_start3A_1008 : memref<1x120xi32, #tpu.memory_space<vmem>> -> memref<120xi32, #tpu.memory_space<vmem>>
        %dma_start3A_1010 = tpu.memref_slice %arg3[%multiple_of3A_1005] : memref<322560xi32, #tpu.memory_space<hbm>> -> memref<120xi32, #tpu.memory_space<hbm>>
        %dma_start3A_1011 = arith.constant 0 : i32
        %dma_start3A_1012 = tpu.memref_slice %arg9[%dma_start3A_1006, %dma_start3A_1011] : memref<4x120xi32, #tpu.memory_space<vmem>> -> memref<1x120xi32, #tpu.memory_space<vmem>>
        %dma_start3A_1013 = tpu.memref_squeeze %dma_start3A_1012 : memref<1x120xi32, #tpu.memory_space<vmem>> -> memref<120xi32, #tpu.memory_space<vmem>>
        %dma_start3A_1014 = tpu.memref_slice %arg3[%multiple_of3A_1005] : memref<322560xi32, #tpu.memory_space<hbm>> -> memref<120xi32, #tpu.memory_space<hbm>>
        tpu.enqueue_dma source(%dma_start3A_1014 : memref<120xi32, #tpu.memory_space<hbm>>) target(%dma_start3A_1013 : memref<120xi32, #tpu.memory_space<vmem>>) target_semaphore(%arg24 : memref<!tpu.dma_semaphore, #tpu.memory_space<semaphore_mem>>)
        %dma_start3A_1015 = arith.constant 3 : i32
        %dma_start3A_1016 = arith.constant 0 : i32
        %dma_start3A_1017 = tpu.memref_slice %arg10[%dma_start3A_1015, %dma_start3A_1016] : memref<4x120xi32, #tpu.memory_space<vmem>> -> memref<1x120xi32, #tpu.memory_space<vmem>>
        %dma_start3A_1018 = tpu.memref_squeeze %dma_start3A_1017 : memref<1x120xi32, #tpu.memory_space<vmem>> -> memref<120xi32, #tpu.memory_space<vmem>>
        %dma_start3A_1019 = tpu.memref_slice %arg2[%multiple_of3A_1005] : memref<322560xi32, #tpu.memory_space<hbm>> -> memref<120xi32, #tpu.memory_space<hbm>>
        %dma_start3A_1020 = arith.constant 0 : i32
        %dma_start3A_1021 = tpu.memref_slice %arg10[%dma_start3A_1015, %dma_start3A_1020] : memref<4x120xi32, #tpu.memory_space<vmem>> -> memref<1x120xi32, #tpu.memory_space<vmem>>
        %dma_start3A_1022 = tpu.memref_squeeze %dma_start3A_1021 : memref<1x120xi32, #tpu.memory_space<vmem>> -> memref<120xi32, #tpu.memory_space<vmem>>
        %dma_start3A_1023 = tpu.memref_slice %arg2[%multiple_of3A_1005] : memref<322560xi32, #tpu.memory_space<hbm>> -> memref<120xi32, #tpu.memory_space<hbm>>
        tpu.enqueue_dma source(%dma_start3A_1023 : memref<120xi32, #tpu.memory_space<hbm>>) target(%dma_start3A_1022 : memref<120xi32, #tpu.memory_space<vmem>>) target_semaphore(%arg24 : memref<!tpu.dma_semaphore, #tpu.memory_space<semaphore_mem>>)
      } else {
      }
      %mul3A_819 = arith.constant 12 : i32
      %mul3A_820 = arith.muli %scan3A_279, %mul3A_819 : i32
      %add3A_821 = arith.constant 9 : i32
      %add3A_822 = arith.addi %mul3A_820, %add3A_821 : i32
      %dma_wait3A_823 = arith.constant 1 : i32
      %dma_wait3A_824 = arith.constant 0 : i32
      %dma_wait3A_825 = arith.constant 0 : i32
      %dma_wait3A_826 = arith.constant 0 : i32
      %dma_wait3A_827 = tpu.memref_slice %arg11[%dma_wait3A_824, %dma_wait3A_825, %dma_wait3A_826] : memref<3x120x128xf32, #tpu.memory_space<vmem>> -> memref<1x120x128xf32, #tpu.memory_space<vmem>>
      %dma_wait3A_828 = tpu.memref_squeeze %dma_wait3A_827 : memref<1x120x128xf32, #tpu.memory_space<vmem>> -> memref<120x128xf32, #tpu.memory_space<vmem>>
      %dma_wait3A_829 = arith.constant 0 : i32
      %dma_wait3A_830 = tpu.memref_slice %arg9[%dma_wait3A_823, %dma_wait3A_829] : memref<4x120xi32, #tpu.memory_space<vmem>> -> memref<1x120xi32, #tpu.memory_space<vmem>>
      %dma_wait3A_831 = tpu.memref_squeeze %dma_wait3A_830 : memref<1x120xi32, #tpu.memory_space<vmem>> -> memref<120xi32, #tpu.memory_space<vmem>>
      %dma_wait3A_832 = arith.constant 0 : i32
      %dma_wait3A_833 = arith.constant 0 : i32
      %dma_wait3A_834 = tpu.memref_slice %arg4[%dma_wait3A_832, %dma_wait3A_833] : memref<10008x128xf32, #tpu.memory_space<hbm>> -> memref<10008x128xf32, #tpu.memory_space<hbm>>
      tpu.wait_indirect_dma semaphore(%arg16 : memref<!tpu.dma_semaphore, #tpu.memory_space<semaphore_mem>>) src(%dma_wait3A_834 : memref<10008x128xf32, #tpu.memory_space<hbm>>) dst(%dma_wait3A_828 : memref<120x128xf32, #tpu.memory_space<vmem>>)
      %dma_start3A_835 = arith.constant 0 : i32
      %dma_start3A_836 = arith.constant 1 : i32
      %dma_start3A_837 = arith.constant 0 : i32
      %dma_start3A_838 = arith.constant 0 : i32
      %dma_start3A_839 = tpu.memref_slice %arg11[%dma_start3A_835, %dma_start3A_837, %dma_start3A_838] : memref<3x120x128xf32, #tpu.memory_space<vmem>> -> memref<1x120x128xf32, #tpu.memory_space<vmem>>
      %dma_start3A_840 = tpu.memref_squeeze %dma_start3A_839 : memref<1x120x128xf32, #tpu.memory_space<vmem>> -> memref<120x128xf32, #tpu.memory_space<vmem>>
      %dma_start3A_841 = arith.constant 0 : i32
      %dma_start3A_842 = tpu.memref_slice %arg10[%dma_start3A_836, %dma_start3A_841] : memref<4x120xi32, #tpu.memory_space<vmem>> -> memref<1x120xi32, #tpu.memory_space<vmem>>
      %dma_start3A_843 = tpu.memref_squeeze %dma_start3A_842 : memref<1x120xi32, #tpu.memory_space<vmem>> -> memref<120xi32, #tpu.memory_space<vmem>>
      %dma_start3A_844 = arith.constant 0 : i32
      %dma_start3A_845 = arith.constant 0 : i32
      %dma_start3A_846 = tpu.memref_slice %arg14[%dma_start3A_844, %dma_start3A_845] : memref<10008x128xf32, #tpu.memory_space<vmem_shared>> -> memref<10008x128xf32, #tpu.memory_space<vmem_shared>>
      tpu.enqueue_indirect_dma source(%dma_start3A_840 : memref<120x128xf32, #tpu.memory_space<vmem>>) target(%dma_start3A_846 : memref<10008x128xf32, #tpu.memory_space<vmem_shared>>) offsets(%dma_start3A_843 : memref<120xi32, #tpu.memory_space<vmem>>) semaphore(%arg19 : memref<!tpu.dma_semaphore, #tpu.memory_space<semaphore_mem>>) {add = true}
      %ge3A_847 = arith.constant 1 : i32
      %ge3A_848 = arith.cmpi sge, %add3A_822, %ge3A_847 : i32
      %convert_element_type3A_849 = arith.extui %ge3A_848 : i1 to i32
      %cond3A_850 = arith.constant 0 : i32
      %cond3A_851 = arith.cmpi ne, %convert_element_type3A_849, %cond3A_850 : i32
      scf.if %cond3A_851 {
        %dma_wait3A_1000 = arith.constant 2 : i32
        %dma_wait3A_1001 = arith.constant 0 : i32
        %dma_wait3A_1002 = arith.constant 0 : i32
        %dma_wait3A_1003 = arith.constant 0 : i32
        %dma_wait3A_1004 = tpu.memref_slice %arg11[%dma_wait3A_1000, %dma_wait3A_1002, %dma_wait3A_1003] : memref<3x120x128xf32, #tpu.memory_space<vmem>> -> memref<1x120x128xf32, #tpu.memory_space<vmem>>
        %dma_wait3A_1005 = tpu.memref_squeeze %dma_wait3A_1004 : memref<1x120x128xf32, #tpu.memory_space<vmem>> -> memref<120x128xf32, #tpu.memory_space<vmem>>
        %dma_wait3A_1006 = arith.constant 0 : i32
        %dma_wait3A_1007 = tpu.memref_slice %arg10[%dma_wait3A_1001, %dma_wait3A_1006] : memref<4x120xi32, #tpu.memory_space<vmem>> -> memref<1x120xi32, #tpu.memory_space<vmem>>
        %dma_wait3A_1008 = tpu.memref_squeeze %dma_wait3A_1007 : memref<1x120xi32, #tpu.memory_space<vmem>> -> memref<120xi32, #tpu.memory_space<vmem>>
        %dma_wait3A_1009 = arith.constant 0 : i32
        %dma_wait3A_1010 = arith.constant 0 : i32
        %dma_wait3A_1011 = tpu.memref_slice %arg14[%dma_wait3A_1009, %dma_wait3A_1010] : memref<10008x128xf32, #tpu.memory_space<vmem_shared>> -> memref<10008x128xf32, #tpu.memory_space<vmem_shared>>
        tpu.wait_indirect_dma semaphore(%arg21 : memref<!tpu.dma_semaphore, #tpu.memory_space<semaphore_mem>>) src(%dma_wait3A_1005 : memref<120x128xf32, #tpu.memory_space<vmem>>) dst(%dma_wait3A_1011 : memref<10008x128xf32, #tpu.memory_space<vmem_shared>>)
      } else {
      }
      %add3A_852 = arith.constant 2 : i32
      %add3A_853 = arith.addi %add3A_822, %add3A_852 : i32
      %lt3A_854 = arith.constant 84 : i32
      %lt3A_855 = arith.cmpi slt, %add3A_853, %lt3A_854 : i32
      %convert_element_type3A_856 = arith.extui %lt3A_855 : i1 to i32
      %cond3A_857 = arith.constant 0 : i32
      %cond3A_858 = arith.cmpi ne, %convert_element_type3A_856, %cond3A_857 : i32
      scf.if %cond3A_858 {
        %add3A_1000 = arith.addi %mul3A_2, %add3A_822 : i32
        %add3A_1001 = arith.constant 2 : i32
        %add3A_1002 = arith.addi %add3A_1000, %add3A_1001 : i32
        %mul3A_1003 = arith.constant 120 : i32
        %mul3A_1004 = arith.muli %add3A_1002, %mul3A_1003 : i32
        %multiple_of3A_1005 = tpu.assume_multiple %mul3A_1004, 8 : i32
        %dma_wait3A_1006 = arith.constant 3 : i32
        %dma_wait3A_1007 = arith.constant 0 : i32
        %dma_wait3A_1008 = tpu.memref_slice %arg9[%dma_wait3A_1006, %dma_wait3A_1007] : memref<4x120xi32, #tpu.memory_space<vmem>> -> memref<1x120xi32, #tpu.memory_space<vmem>>
        %dma_wait3A_1009 = tpu.memref_squeeze %dma_wait3A_1008 : memref<1x120xi32, #tpu.memory_space<vmem>> -> memref<120xi32, #tpu.memory_space<vmem>>
        %dma_wait3A_1010 = tpu.memref_slice %arg3[%multiple_of3A_1005] : memref<322560xi32, #tpu.memory_space<hbm>> -> memref<120xi32, #tpu.memory_space<hbm>>
        %dma_wait3A_1011 = arith.constant 0 : i32
        %dma_wait3A_1012 = tpu.memref_slice %arg9[%dma_wait3A_1006, %dma_wait3A_1011] : memref<4x120xi32, #tpu.memory_space<vmem>> -> memref<1x120xi32, #tpu.memory_space<vmem>>
        %dma_wait3A_1013 = tpu.memref_squeeze %dma_wait3A_1012 : memref<1x120xi32, #tpu.memory_space<vmem>> -> memref<120xi32, #tpu.memory_space<vmem>>
        %dma_wait3A_1014 = tpu.memref_slice %arg3[%multiple_of3A_1005] : memref<322560xi32, #tpu.memory_space<hbm>> -> memref<120xi32, #tpu.memory_space<hbm>>
        tpu.wait_dma2 semaphore(%arg24 : memref<!tpu.dma_semaphore, #tpu.memory_space<semaphore_mem>>) src(%dma_wait3A_1014 : memref<120xi32, #tpu.memory_space<hbm>>) dst(%dma_wait3A_1013 : memref<120xi32, #tpu.memory_space<vmem>>)
        %dma_wait3A_1015 = arith.constant 3 : i32
        %dma_wait3A_1016 = arith.constant 0 : i32
        %dma_wait3A_1017 = tpu.memref_slice %arg10[%dma_wait3A_1015, %dma_wait3A_1016] : memref<4x120xi32, #tpu.memory_space<vmem>> -> memref<1x120xi32, #tpu.memory_space<vmem>>
        %dma_wait3A_1018 = tpu.memref_squeeze %dma_wait3A_1017 : memref<1x120xi32, #tpu.memory_space<vmem>> -> memref<120xi32, #tpu.memory_space<vmem>>
        %dma_wait3A_1019 = tpu.memref_slice %arg2[%multiple_of3A_1005] : memref<322560xi32, #tpu.memory_space<hbm>> -> memref<120xi32, #tpu.memory_space<hbm>>
        %dma_wait3A_1020 = arith.constant 0 : i32
        %dma_wait3A_1021 = tpu.memref_slice %arg10[%dma_wait3A_1015, %dma_wait3A_1020] : memref<4x120xi32, #tpu.memory_space<vmem>> -> memref<1x120xi32, #tpu.memory_space<vmem>>
        %dma_wait3A_1022 = tpu.memref_squeeze %dma_wait3A_1021 : memref<1x120xi32, #tpu.memory_space<vmem>> -> memref<120xi32, #tpu.memory_space<vmem>>
        %dma_wait3A_1023 = tpu.memref_slice %arg2[%multiple_of3A_1005] : memref<322560xi32, #tpu.memory_space<hbm>> -> memref<120xi32, #tpu.memory_space<hbm>>
        tpu.wait_dma2 semaphore(%arg24 : memref<!tpu.dma_semaphore, #tpu.memory_space<semaphore_mem>>) src(%dma_wait3A_1023 : memref<120xi32, #tpu.memory_space<hbm>>) dst(%dma_wait3A_1022 : memref<120xi32, #tpu.memory_space<vmem>>)
        %dma_start3A_1024 = arith.constant 3 : i32
        %dma_start3A_1025 = arith.constant 2 : i32
        %dma_start3A_1026 = arith.constant 0 : i32
        %dma_start3A_1027 = arith.constant 0 : i32
        %dma_start3A_1028 = tpu.memref_slice %arg11[%dma_start3A_1025, %dma_start3A_1026, %dma_start3A_1027] : memref<3x120x128xf32, #tpu.memory_space<vmem>> -> memref<1x120x128xf32, #tpu.memory_space<vmem>>
        %dma_start3A_1029 = tpu.memref_squeeze %dma_start3A_1028 : memref<1x120x128xf32, #tpu.memory_space<vmem>> -> memref<120x128xf32, #tpu.memory_space<vmem>>
        %dma_start3A_1030 = arith.constant 0 : i32
        %dma_start3A_1031 = tpu.memref_slice %arg9[%dma_start3A_1024, %dma_start3A_1030] : memref<4x120xi32, #tpu.memory_space<vmem>> -> memref<1x120xi32, #tpu.memory_space<vmem>>
        %dma_start3A_1032 = tpu.memref_squeeze %dma_start3A_1031 : memref<1x120xi32, #tpu.memory_space<vmem>> -> memref<120xi32, #tpu.memory_space<vmem>>
        %dma_start3A_1033 = arith.constant 0 : i32
        %dma_start3A_1034 = arith.constant 0 : i32
        %dma_start3A_1035 = tpu.memref_slice %arg4[%dma_start3A_1033, %dma_start3A_1034] : memref<10008x128xf32, #tpu.memory_space<hbm>> -> memref<10008x128xf32, #tpu.memory_space<hbm>>
        tpu.enqueue_indirect_dma source(%dma_start3A_1035 : memref<10008x128xf32, #tpu.memory_space<hbm>>) target(%dma_start3A_1029 : memref<120x128xf32, #tpu.memory_space<vmem>>) offsets(%dma_start3A_1032 : memref<120xi32, #tpu.memory_space<vmem>>) semaphore(%arg18 : memref<!tpu.dma_semaphore, #tpu.memory_space<semaphore_mem>>)
      } else {
      }
      %dma_start3A_859 = arith.constant 1 : i32
      %dma_start3A_860 = arith.constant 0 : i32
      %dma_start3A_861 = tpu.memref_slice %arg12[%dma_start3A_860] : memref<128xf32, #tpu.memory_space<vmem>> -> memref<120xf32, #tpu.memory_space<vmem>>
      %dma_start3A_862 = arith.constant 0 : i32
      %dma_start3A_863 = tpu.memref_slice %arg9[%dma_start3A_859, %dma_start3A_862] : memref<4x120xi32, #tpu.memory_space<vmem>> -> memref<1x120xi32, #tpu.memory_space<vmem>>
      %dma_start3A_864 = tpu.memref_squeeze %dma_start3A_863 : memref<1x120xi32, #tpu.memory_space<vmem>> -> memref<120xi32, #tpu.memory_space<vmem>>
      %dma_start3A_865 = arith.constant 0 : i32
      %dma_start3A_866 = tpu.memref_slice %arg15[%dma_start3A_865] : memref<10008xf32, #tpu.memory_space<vmem_shared>> -> memref<10008xf32, #tpu.memory_space<vmem_shared>>
      tpu.enqueue_indirect_dma source(%dma_start3A_861 : memref<120xf32, #tpu.memory_space<vmem>>) target(%dma_start3A_866 : memref<10008xf32, #tpu.memory_space<vmem_shared>>) offsets(%dma_start3A_864 : memref<120xi32, #tpu.memory_space<vmem>>) semaphore(%arg23 : memref<!tpu.dma_semaphore, #tpu.memory_space<semaphore_mem>>) {add = true}
      %ge3A_867 = arith.constant 1 : i32
      %ge3A_868 = arith.cmpi sge, %add3A_822, %ge3A_867 : i32
      %convert_element_type3A_869 = arith.extui %ge3A_868 : i1 to i32
      %cond3A_870 = arith.constant 0 : i32
      %cond3A_871 = arith.cmpi ne, %convert_element_type3A_869, %cond3A_870 : i32
      scf.if %cond3A_871 {
        %dma_wait3A_1000 = arith.constant 0 : i32
        %dma_wait3A_1001 = arith.constant 0 : i32
        %dma_wait3A_1002 = tpu.memref_slice %arg12[%dma_wait3A_1001] : memref<128xf32, #tpu.memory_space<vmem>> -> memref<120xf32, #tpu.memory_space<vmem>>
        %dma_wait3A_1003 = arith.constant 0 : i32
        %dma_wait3A_1004 = tpu.memref_slice %arg9[%dma_wait3A_1000, %dma_wait3A_1003] : memref<4x120xi32, #tpu.memory_space<vmem>> -> memref<1x120xi32, #tpu.memory_space<vmem>>
        %dma_wait3A_1005 = tpu.memref_squeeze %dma_wait3A_1004 : memref<1x120xi32, #tpu.memory_space<vmem>> -> memref<120xi32, #tpu.memory_space<vmem>>
        %dma_wait3A_1006 = arith.constant 0 : i32
        %dma_wait3A_1007 = tpu.memref_slice %arg15[%dma_wait3A_1006] : memref<10008xf32, #tpu.memory_space<vmem_shared>> -> memref<10008xf32, #tpu.memory_space<vmem_shared>>
        tpu.wait_indirect_dma semaphore(%arg22 : memref<!tpu.dma_semaphore, #tpu.memory_space<semaphore_mem>>) src(%dma_wait3A_1002 : memref<120xf32, #tpu.memory_space<vmem>>) dst(%dma_wait3A_1007 : memref<10008xf32, #tpu.memory_space<vmem_shared>>)
      } else {
      }
      %add3A_872 = arith.constant 3 : i32
      %add3A_873 = arith.addi %add3A_822, %add3A_872 : i32
      %lt3A_874 = arith.constant 84 : i32
      %lt3A_875 = arith.cmpi slt, %add3A_873, %lt3A_874 : i32
      %convert_element_type3A_876 = arith.extui %lt3A_875 : i1 to i32
      %cond3A_877 = arith.constant 0 : i32
      %cond3A_878 = arith.cmpi ne, %convert_element_type3A_876, %cond3A_877 : i32
      scf.if %cond3A_878 {
        %add3A_1000 = arith.addi %mul3A_2, %add3A_822 : i32
        %add3A_1001 = arith.constant 3 : i32
        %add3A_1002 = arith.addi %add3A_1000, %add3A_1001 : i32
        %mul3A_1003 = arith.constant 120 : i32
        %mul3A_1004 = arith.muli %add3A_1002, %mul3A_1003 : i32
        %multiple_of3A_1005 = tpu.assume_multiple %mul3A_1004, 8 : i32
        %dma_start3A_1006 = arith.constant 0 : i32
        %dma_start3A_1007 = arith.constant 0 : i32
        %dma_start3A_1008 = tpu.memref_slice %arg9[%dma_start3A_1006, %dma_start3A_1007] : memref<4x120xi32, #tpu.memory_space<vmem>> -> memref<1x120xi32, #tpu.memory_space<vmem>>
        %dma_start3A_1009 = tpu.memref_squeeze %dma_start3A_1008 : memref<1x120xi32, #tpu.memory_space<vmem>> -> memref<120xi32, #tpu.memory_space<vmem>>
        %dma_start3A_1010 = tpu.memref_slice %arg3[%multiple_of3A_1005] : memref<322560xi32, #tpu.memory_space<hbm>> -> memref<120xi32, #tpu.memory_space<hbm>>
        %dma_start3A_1011 = arith.constant 0 : i32
        %dma_start3A_1012 = tpu.memref_slice %arg9[%dma_start3A_1006, %dma_start3A_1011] : memref<4x120xi32, #tpu.memory_space<vmem>> -> memref<1x120xi32, #tpu.memory_space<vmem>>
        %dma_start3A_1013 = tpu.memref_squeeze %dma_start3A_1012 : memref<1x120xi32, #tpu.memory_space<vmem>> -> memref<120xi32, #tpu.memory_space<vmem>>
        %dma_start3A_1014 = tpu.memref_slice %arg3[%multiple_of3A_1005] : memref<322560xi32, #tpu.memory_space<hbm>> -> memref<120xi32, #tpu.memory_space<hbm>>
        tpu.enqueue_dma source(%dma_start3A_1014 : memref<120xi32, #tpu.memory_space<hbm>>) target(%dma_start3A_1013 : memref<120xi32, #tpu.memory_space<vmem>>) target_semaphore(%arg24 : memref<!tpu.dma_semaphore, #tpu.memory_space<semaphore_mem>>)
        %dma_start3A_1015 = arith.constant 0 : i32
        %dma_start3A_1016 = arith.constant 0 : i32
        %dma_start3A_1017 = tpu.memref_slice %arg10[%dma_start3A_1015, %dma_start3A_1016] : memref<4x120xi32, #tpu.memory_space<vmem>> -> memref<1x120xi32, #tpu.memory_space<vmem>>
        %dma_start3A_1018 = tpu.memref_squeeze %dma_start3A_1017 : memref<1x120xi32, #tpu.memory_space<vmem>> -> memref<120xi32, #tpu.memory_space<vmem>>
        %dma_start3A_1019 = tpu.memref_slice %arg2[%multiple_of3A_1005] : memref<322560xi32, #tpu.memory_space<hbm>> -> memref<120xi32, #tpu.memory_space<hbm>>
        %dma_start3A_1020 = arith.constant 0 : i32
        %dma_start3A_1021 = tpu.memref_slice %arg10[%dma_start3A_1015, %dma_start3A_1020] : memref<4x120xi32, #tpu.memory_space<vmem>> -> memref<1x120xi32, #tpu.memory_space<vmem>>
        %dma_start3A_1022 = tpu.memref_squeeze %dma_start3A_1021 : memref<1x120xi32, #tpu.memory_space<vmem>> -> memref<120xi32, #tpu.memory_space<vmem>>
        %dma_start3A_1023 = tpu.memref_slice %arg2[%multiple_of3A_1005] : memref<322560xi32, #tpu.memory_space<hbm>> -> memref<120xi32, #tpu.memory_space<hbm>>
        tpu.enqueue_dma source(%dma_start3A_1023 : memref<120xi32, #tpu.memory_space<hbm>>) target(%dma_start3A_1022 : memref<120xi32, #tpu.memory_space<vmem>>) target_semaphore(%arg24 : memref<!tpu.dma_semaphore, #tpu.memory_space<semaphore_mem>>)
      } else {
      }
      %mul3A_879 = arith.constant 12 : i32
      %mul3A_880 = arith.muli %scan3A_279, %mul3A_879 : i32
      %add3A_881 = arith.constant 10 : i32
      %add3A_882 = arith.addi %mul3A_880, %add3A_881 : i32
      %dma_wait3A_883 = arith.constant 2 : i32
      %dma_wait3A_884 = arith.constant 1 : i32
      %dma_wait3A_885 = arith.constant 0 : i32
      %dma_wait3A_886 = arith.constant 0 : i32
      %dma_wait3A_887 = tpu.memref_slice %arg11[%dma_wait3A_884, %dma_wait3A_885, %dma_wait3A_886] : memref<3x120x128xf32, #tpu.memory_space<vmem>> -> memref<1x120x128xf32, #tpu.memory_space<vmem>>
      %dma_wait3A_888 = tpu.memref_squeeze %dma_wait3A_887 : memref<1x120x128xf32, #tpu.memory_space<vmem>> -> memref<120x128xf32, #tpu.memory_space<vmem>>
      %dma_wait3A_889 = arith.constant 0 : i32
      %dma_wait3A_890 = tpu.memref_slice %arg9[%dma_wait3A_883, %dma_wait3A_889] : memref<4x120xi32, #tpu.memory_space<vmem>> -> memref<1x120xi32, #tpu.memory_space<vmem>>
      %dma_wait3A_891 = tpu.memref_squeeze %dma_wait3A_890 : memref<1x120xi32, #tpu.memory_space<vmem>> -> memref<120xi32, #tpu.memory_space<vmem>>
      %dma_wait3A_892 = arith.constant 0 : i32
      %dma_wait3A_893 = arith.constant 0 : i32
      %dma_wait3A_894 = tpu.memref_slice %arg4[%dma_wait3A_892, %dma_wait3A_893] : memref<10008x128xf32, #tpu.memory_space<hbm>> -> memref<10008x128xf32, #tpu.memory_space<hbm>>
      tpu.wait_indirect_dma semaphore(%arg17 : memref<!tpu.dma_semaphore, #tpu.memory_space<semaphore_mem>>) src(%dma_wait3A_894 : memref<10008x128xf32, #tpu.memory_space<hbm>>) dst(%dma_wait3A_888 : memref<120x128xf32, #tpu.memory_space<vmem>>)
      %dma_start3A_895 = arith.constant 1 : i32
      %dma_start3A_896 = arith.constant 2 : i32
      %dma_start3A_897 = arith.constant 0 : i32
      %dma_start3A_898 = arith.constant 0 : i32
      %dma_start3A_899 = tpu.memref_slice %arg11[%dma_start3A_895, %dma_start3A_897, %dma_start3A_898] : memref<3x120x128xf32, #tpu.memory_space<vmem>> -> memref<1x120x128xf32, #tpu.memory_space<vmem>>
      %dma_start3A_900 = tpu.memref_squeeze %dma_start3A_899 : memref<1x120x128xf32, #tpu.memory_space<vmem>> -> memref<120x128xf32, #tpu.memory_space<vmem>>
      %dma_start3A_901 = arith.constant 0 : i32
      %dma_start3A_902 = tpu.memref_slice %arg10[%dma_start3A_896, %dma_start3A_901] : memref<4x120xi32, #tpu.memory_space<vmem>> -> memref<1x120xi32, #tpu.memory_space<vmem>>
      %dma_start3A_903 = tpu.memref_squeeze %dma_start3A_902 : memref<1x120xi32, #tpu.memory_space<vmem>> -> memref<120xi32, #tpu.memory_space<vmem>>
      %dma_start3A_904 = arith.constant 0 : i32
      %dma_start3A_905 = arith.constant 0 : i32
      %dma_start3A_906 = tpu.memref_slice %arg14[%dma_start3A_904, %dma_start3A_905] : memref<10008x128xf32, #tpu.memory_space<vmem_shared>> -> memref<10008x128xf32, #tpu.memory_space<vmem_shared>>
      tpu.enqueue_indirect_dma source(%dma_start3A_900 : memref<120x128xf32, #tpu.memory_space<vmem>>) target(%dma_start3A_906 : memref<10008x128xf32, #tpu.memory_space<vmem_shared>>) offsets(%dma_start3A_903 : memref<120xi32, #tpu.memory_space<vmem>>) semaphore(%arg20 : memref<!tpu.dma_semaphore, #tpu.memory_space<semaphore_mem>>) {add = true}
      %ge3A_907 = arith.constant 1 : i32
      %ge3A_908 = arith.cmpi sge, %add3A_882, %ge3A_907 : i32
      %convert_element_type3A_909 = arith.extui %ge3A_908 : i1 to i32
      %cond3A_910 = arith.constant 0 : i32
      %cond3A_911 = arith.cmpi ne, %convert_element_type3A_909, %cond3A_910 : i32
      scf.if %cond3A_911 {
        %dma_wait3A_1000 = arith.constant 0 : i32
        %dma_wait3A_1001 = arith.constant 1 : i32
        %dma_wait3A_1002 = arith.constant 0 : i32
        %dma_wait3A_1003 = arith.constant 0 : i32
        %dma_wait3A_1004 = tpu.memref_slice %arg11[%dma_wait3A_1000, %dma_wait3A_1002, %dma_wait3A_1003] : memref<3x120x128xf32, #tpu.memory_space<vmem>> -> memref<1x120x128xf32, #tpu.memory_space<vmem>>
        %dma_wait3A_1005 = tpu.memref_squeeze %dma_wait3A_1004 : memref<1x120x128xf32, #tpu.memory_space<vmem>> -> memref<120x128xf32, #tpu.memory_space<vmem>>
        %dma_wait3A_1006 = arith.constant 0 : i32
        %dma_wait3A_1007 = tpu.memref_slice %arg10[%dma_wait3A_1001, %dma_wait3A_1006] : memref<4x120xi32, #tpu.memory_space<vmem>> -> memref<1x120xi32, #tpu.memory_space<vmem>>
        %dma_wait3A_1008 = tpu.memref_squeeze %dma_wait3A_1007 : memref<1x120xi32, #tpu.memory_space<vmem>> -> memref<120xi32, #tpu.memory_space<vmem>>
        %dma_wait3A_1009 = arith.constant 0 : i32
        %dma_wait3A_1010 = arith.constant 0 : i32
        %dma_wait3A_1011 = tpu.memref_slice %arg14[%dma_wait3A_1009, %dma_wait3A_1010] : memref<10008x128xf32, #tpu.memory_space<vmem_shared>> -> memref<10008x128xf32, #tpu.memory_space<vmem_shared>>
        tpu.wait_indirect_dma semaphore(%arg19 : memref<!tpu.dma_semaphore, #tpu.memory_space<semaphore_mem>>) src(%dma_wait3A_1005 : memref<120x128xf32, #tpu.memory_space<vmem>>) dst(%dma_wait3A_1011 : memref<10008x128xf32, #tpu.memory_space<vmem_shared>>)
      } else {
      }
      %add3A_912 = arith.constant 2 : i32
      %add3A_913 = arith.addi %add3A_882, %add3A_912 : i32
      %lt3A_914 = arith.constant 84 : i32
      %lt3A_915 = arith.cmpi slt, %add3A_913, %lt3A_914 : i32
      %convert_element_type3A_916 = arith.extui %lt3A_915 : i1 to i32
      %cond3A_917 = arith.constant 0 : i32
      %cond3A_918 = arith.cmpi ne, %convert_element_type3A_916, %cond3A_917 : i32
      scf.if %cond3A_918 {
        %add3A_1000 = arith.addi %mul3A_2, %add3A_882 : i32
        %add3A_1001 = arith.constant 2 : i32
        %add3A_1002 = arith.addi %add3A_1000, %add3A_1001 : i32
        %mul3A_1003 = arith.constant 120 : i32
        %mul3A_1004 = arith.muli %add3A_1002, %mul3A_1003 : i32
        %multiple_of3A_1005 = tpu.assume_multiple %mul3A_1004, 8 : i32
        %dma_wait3A_1006 = arith.constant 0 : i32
        %dma_wait3A_1007 = arith.constant 0 : i32
        %dma_wait3A_1008 = tpu.memref_slice %arg9[%dma_wait3A_1006, %dma_wait3A_1007] : memref<4x120xi32, #tpu.memory_space<vmem>> -> memref<1x120xi32, #tpu.memory_space<vmem>>
        %dma_wait3A_1009 = tpu.memref_squeeze %dma_wait3A_1008 : memref<1x120xi32, #tpu.memory_space<vmem>> -> memref<120xi32, #tpu.memory_space<vmem>>
        %dma_wait3A_1010 = tpu.memref_slice %arg3[%multiple_of3A_1005] : memref<322560xi32, #tpu.memory_space<hbm>> -> memref<120xi32, #tpu.memory_space<hbm>>
        %dma_wait3A_1011 = arith.constant 0 : i32
        %dma_wait3A_1012 = tpu.memref_slice %arg9[%dma_wait3A_1006, %dma_wait3A_1011] : memref<4x120xi32, #tpu.memory_space<vmem>> -> memref<1x120xi32, #tpu.memory_space<vmem>>
        %dma_wait3A_1013 = tpu.memref_squeeze %dma_wait3A_1012 : memref<1x120xi32, #tpu.memory_space<vmem>> -> memref<120xi32, #tpu.memory_space<vmem>>
        %dma_wait3A_1014 = tpu.memref_slice %arg3[%multiple_of3A_1005] : memref<322560xi32, #tpu.memory_space<hbm>> -> memref<120xi32, #tpu.memory_space<hbm>>
        tpu.wait_dma2 semaphore(%arg24 : memref<!tpu.dma_semaphore, #tpu.memory_space<semaphore_mem>>) src(%dma_wait3A_1014 : memref<120xi32, #tpu.memory_space<hbm>>) dst(%dma_wait3A_1013 : memref<120xi32, #tpu.memory_space<vmem>>)
        %dma_wait3A_1015 = arith.constant 0 : i32
        %dma_wait3A_1016 = arith.constant 0 : i32
        %dma_wait3A_1017 = tpu.memref_slice %arg10[%dma_wait3A_1015, %dma_wait3A_1016] : memref<4x120xi32, #tpu.memory_space<vmem>> -> memref<1x120xi32, #tpu.memory_space<vmem>>
        %dma_wait3A_1018 = tpu.memref_squeeze %dma_wait3A_1017 : memref<1x120xi32, #tpu.memory_space<vmem>> -> memref<120xi32, #tpu.memory_space<vmem>>
        %dma_wait3A_1019 = tpu.memref_slice %arg2[%multiple_of3A_1005] : memref<322560xi32, #tpu.memory_space<hbm>> -> memref<120xi32, #tpu.memory_space<hbm>>
        %dma_wait3A_1020 = arith.constant 0 : i32
        %dma_wait3A_1021 = tpu.memref_slice %arg10[%dma_wait3A_1015, %dma_wait3A_1020] : memref<4x120xi32, #tpu.memory_space<vmem>> -> memref<1x120xi32, #tpu.memory_space<vmem>>
        %dma_wait3A_1022 = tpu.memref_squeeze %dma_wait3A_1021 : memref<1x120xi32, #tpu.memory_space<vmem>> -> memref<120xi32, #tpu.memory_space<vmem>>
        %dma_wait3A_1023 = tpu.memref_slice %arg2[%multiple_of3A_1005] : memref<322560xi32, #tpu.memory_space<hbm>> -> memref<120xi32, #tpu.memory_space<hbm>>
        tpu.wait_dma2 semaphore(%arg24 : memref<!tpu.dma_semaphore, #tpu.memory_space<semaphore_mem>>) src(%dma_wait3A_1023 : memref<120xi32, #tpu.memory_space<hbm>>) dst(%dma_wait3A_1022 : memref<120xi32, #tpu.memory_space<vmem>>)
        %dma_start3A_1024 = arith.constant 0 : i32
        %dma_start3A_1025 = arith.constant 0 : i32
        %dma_start3A_1026 = arith.constant 0 : i32
        %dma_start3A_1027 = arith.constant 0 : i32
        %dma_start3A_1028 = tpu.memref_slice %arg11[%dma_start3A_1025, %dma_start3A_1026, %dma_start3A_1027] : memref<3x120x128xf32, #tpu.memory_space<vmem>> -> memref<1x120x128xf32, #tpu.memory_space<vmem>>
        %dma_start3A_1029 = tpu.memref_squeeze %dma_start3A_1028 : memref<1x120x128xf32, #tpu.memory_space<vmem>> -> memref<120x128xf32, #tpu.memory_space<vmem>>
        %dma_start3A_1030 = arith.constant 0 : i32
        %dma_start3A_1031 = tpu.memref_slice %arg9[%dma_start3A_1024, %dma_start3A_1030] : memref<4x120xi32, #tpu.memory_space<vmem>> -> memref<1x120xi32, #tpu.memory_space<vmem>>
        %dma_start3A_1032 = tpu.memref_squeeze %dma_start3A_1031 : memref<1x120xi32, #tpu.memory_space<vmem>> -> memref<120xi32, #tpu.memory_space<vmem>>
        %dma_start3A_1033 = arith.constant 0 : i32
        %dma_start3A_1034 = arith.constant 0 : i32
        %dma_start3A_1035 = tpu.memref_slice %arg4[%dma_start3A_1033, %dma_start3A_1034] : memref<10008x128xf32, #tpu.memory_space<hbm>> -> memref<10008x128xf32, #tpu.memory_space<hbm>>
        tpu.enqueue_indirect_dma source(%dma_start3A_1035 : memref<10008x128xf32, #tpu.memory_space<hbm>>) target(%dma_start3A_1029 : memref<120x128xf32, #tpu.memory_space<vmem>>) offsets(%dma_start3A_1032 : memref<120xi32, #tpu.memory_space<vmem>>) semaphore(%arg16 : memref<!tpu.dma_semaphore, #tpu.memory_space<semaphore_mem>>)
      } else {
      }
      %dma_start3A_919 = arith.constant 2 : i32
      %dma_start3A_920 = arith.constant 0 : i32
      %dma_start3A_921 = tpu.memref_slice %arg12[%dma_start3A_920] : memref<128xf32, #tpu.memory_space<vmem>> -> memref<120xf32, #tpu.memory_space<vmem>>
      %dma_start3A_922 = arith.constant 0 : i32
      %dma_start3A_923 = tpu.memref_slice %arg9[%dma_start3A_919, %dma_start3A_922] : memref<4x120xi32, #tpu.memory_space<vmem>> -> memref<1x120xi32, #tpu.memory_space<vmem>>
      %dma_start3A_924 = tpu.memref_squeeze %dma_start3A_923 : memref<1x120xi32, #tpu.memory_space<vmem>> -> memref<120xi32, #tpu.memory_space<vmem>>
      %dma_start3A_925 = arith.constant 0 : i32
      %dma_start3A_926 = tpu.memref_slice %arg15[%dma_start3A_925] : memref<10008xf32, #tpu.memory_space<vmem_shared>> -> memref<10008xf32, #tpu.memory_space<vmem_shared>>
      tpu.enqueue_indirect_dma source(%dma_start3A_921 : memref<120xf32, #tpu.memory_space<vmem>>) target(%dma_start3A_926 : memref<10008xf32, #tpu.memory_space<vmem_shared>>) offsets(%dma_start3A_924 : memref<120xi32, #tpu.memory_space<vmem>>) semaphore(%arg22 : memref<!tpu.dma_semaphore, #tpu.memory_space<semaphore_mem>>) {add = true}
      %ge3A_927 = arith.constant 1 : i32
      %ge3A_928 = arith.cmpi sge, %add3A_882, %ge3A_927 : i32
      %convert_element_type3A_929 = arith.extui %ge3A_928 : i1 to i32
      %cond3A_930 = arith.constant 0 : i32
      %cond3A_931 = arith.cmpi ne, %convert_element_type3A_929, %cond3A_930 : i32
      scf.if %cond3A_931 {
        %dma_wait3A_1000 = arith.constant 1 : i32
        %dma_wait3A_1001 = arith.constant 0 : i32
        %dma_wait3A_1002 = tpu.memref_slice %arg12[%dma_wait3A_1001] : memref<128xf32, #tpu.memory_space<vmem>> -> memref<120xf32, #tpu.memory_space<vmem>>
        %dma_wait3A_1003 = arith.constant 0 : i32
        %dma_wait3A_1004 = tpu.memref_slice %arg9[%dma_wait3A_1000, %dma_wait3A_1003] : memref<4x120xi32, #tpu.memory_space<vmem>> -> memref<1x120xi32, #tpu.memory_space<vmem>>
        %dma_wait3A_1005 = tpu.memref_squeeze %dma_wait3A_1004 : memref<1x120xi32, #tpu.memory_space<vmem>> -> memref<120xi32, #tpu.memory_space<vmem>>
        %dma_wait3A_1006 = arith.constant 0 : i32
        %dma_wait3A_1007 = tpu.memref_slice %arg15[%dma_wait3A_1006] : memref<10008xf32, #tpu.memory_space<vmem_shared>> -> memref<10008xf32, #tpu.memory_space<vmem_shared>>
        tpu.wait_indirect_dma semaphore(%arg23 : memref<!tpu.dma_semaphore, #tpu.memory_space<semaphore_mem>>) src(%dma_wait3A_1002 : memref<120xf32, #tpu.memory_space<vmem>>) dst(%dma_wait3A_1007 : memref<10008xf32, #tpu.memory_space<vmem_shared>>)
      } else {
      }
      %add3A_932 = arith.constant 3 : i32
      %add3A_933 = arith.addi %add3A_882, %add3A_932 : i32
      %lt3A_934 = arith.constant 84 : i32
      %lt3A_935 = arith.cmpi slt, %add3A_933, %lt3A_934 : i32
      %convert_element_type3A_936 = arith.extui %lt3A_935 : i1 to i32
      %cond3A_937 = arith.constant 0 : i32
      %cond3A_938 = arith.cmpi ne, %convert_element_type3A_936, %cond3A_937 : i32
      scf.if %cond3A_938 {
        %add3A_1000 = arith.addi %mul3A_2, %add3A_882 : i32
        %add3A_1001 = arith.constant 3 : i32
        %add3A_1002 = arith.addi %add3A_1000, %add3A_1001 : i32
        %mul3A_1003 = arith.constant 120 : i32
        %mul3A_1004 = arith.muli %add3A_1002, %mul3A_1003 : i32
        %multiple_of3A_1005 = tpu.assume_multiple %mul3A_1004, 8 : i32
        %dma_start3A_1006 = arith.constant 1 : i32
        %dma_start3A_1007 = arith.constant 0 : i32
        %dma_start3A_1008 = tpu.memref_slice %arg9[%dma_start3A_1006, %dma_start3A_1007] : memref<4x120xi32, #tpu.memory_space<vmem>> -> memref<1x120xi32, #tpu.memory_space<vmem>>
        %dma_start3A_1009 = tpu.memref_squeeze %dma_start3A_1008 : memref<1x120xi32, #tpu.memory_space<vmem>> -> memref<120xi32, #tpu.memory_space<vmem>>
        %dma_start3A_1010 = tpu.memref_slice %arg3[%multiple_of3A_1005] : memref<322560xi32, #tpu.memory_space<hbm>> -> memref<120xi32, #tpu.memory_space<hbm>>
        %dma_start3A_1011 = arith.constant 0 : i32
        %dma_start3A_1012 = tpu.memref_slice %arg9[%dma_start3A_1006, %dma_start3A_1011] : memref<4x120xi32, #tpu.memory_space<vmem>> -> memref<1x120xi32, #tpu.memory_space<vmem>>
        %dma_start3A_1013 = tpu.memref_squeeze %dma_start3A_1012 : memref<1x120xi32, #tpu.memory_space<vmem>> -> memref<120xi32, #tpu.memory_space<vmem>>
        %dma_start3A_1014 = tpu.memref_slice %arg3[%multiple_of3A_1005] : memref<322560xi32, #tpu.memory_space<hbm>> -> memref<120xi32, #tpu.memory_space<hbm>>
        tpu.enqueue_dma source(%dma_start3A_1014 : memref<120xi32, #tpu.memory_space<hbm>>) target(%dma_start3A_1013 : memref<120xi32, #tpu.memory_space<vmem>>) target_semaphore(%arg24 : memref<!tpu.dma_semaphore, #tpu.memory_space<semaphore_mem>>)
        %dma_start3A_1015 = arith.constant 1 : i32
        %dma_start3A_1016 = arith.constant 0 : i32
        %dma_start3A_1017 = tpu.memref_slice %arg10[%dma_start3A_1015, %dma_start3A_1016] : memref<4x120xi32, #tpu.memory_space<vmem>> -> memref<1x120xi32, #tpu.memory_space<vmem>>
        %dma_start3A_1018 = tpu.memref_squeeze %dma_start3A_1017 : memref<1x120xi32, #tpu.memory_space<vmem>> -> memref<120xi32, #tpu.memory_space<vmem>>
        %dma_start3A_1019 = tpu.memref_slice %arg2[%multiple_of3A_1005] : memref<322560xi32, #tpu.memory_space<hbm>> -> memref<120xi32, #tpu.memory_space<hbm>>
        %dma_start3A_1020 = arith.constant 0 : i32
        %dma_start3A_1021 = tpu.memref_slice %arg10[%dma_start3A_1015, %dma_start3A_1020] : memref<4x120xi32, #tpu.memory_space<vmem>> -> memref<1x120xi32, #tpu.memory_space<vmem>>
        %dma_start3A_1022 = tpu.memref_squeeze %dma_start3A_1021 : memref<1x120xi32, #tpu.memory_space<vmem>> -> memref<120xi32, #tpu.memory_space<vmem>>
        %dma_start3A_1023 = tpu.memref_slice %arg2[%multiple_of3A_1005] : memref<322560xi32, #tpu.memory_space<hbm>> -> memref<120xi32, #tpu.memory_space<hbm>>
        tpu.enqueue_dma source(%dma_start3A_1023 : memref<120xi32, #tpu.memory_space<hbm>>) target(%dma_start3A_1022 : memref<120xi32, #tpu.memory_space<vmem>>) target_semaphore(%arg24 : memref<!tpu.dma_semaphore, #tpu.memory_space<semaphore_mem>>)
      } else {
      }
      %mul3A_939 = arith.constant 12 : i32
      %mul3A_940 = arith.muli %scan3A_279, %mul3A_939 : i32
      %add3A_941 = arith.constant 11 : i32
      %add3A_942 = arith.addi %mul3A_940, %add3A_941 : i32
      %dma_wait3A_943 = arith.constant 3 : i32
      %dma_wait3A_944 = arith.constant 2 : i32
      %dma_wait3A_945 = arith.constant 0 : i32
      %dma_wait3A_946 = arith.constant 0 : i32
      %dma_wait3A_947 = tpu.memref_slice %arg11[%dma_wait3A_944, %dma_wait3A_945, %dma_wait3A_946] : memref<3x120x128xf32, #tpu.memory_space<vmem>> -> memref<1x120x128xf32, #tpu.memory_space<vmem>>
      %dma_wait3A_948 = tpu.memref_squeeze %dma_wait3A_947 : memref<1x120x128xf32, #tpu.memory_space<vmem>> -> memref<120x128xf32, #tpu.memory_space<vmem>>
      %dma_wait3A_949 = arith.constant 0 : i32
      %dma_wait3A_950 = tpu.memref_slice %arg9[%dma_wait3A_943, %dma_wait3A_949] : memref<4x120xi32, #tpu.memory_space<vmem>> -> memref<1x120xi32, #tpu.memory_space<vmem>>
      %dma_wait3A_951 = tpu.memref_squeeze %dma_wait3A_950 : memref<1x120xi32, #tpu.memory_space<vmem>> -> memref<120xi32, #tpu.memory_space<vmem>>
      %dma_wait3A_952 = arith.constant 0 : i32
      %dma_wait3A_953 = arith.constant 0 : i32
      %dma_wait3A_954 = tpu.memref_slice %arg4[%dma_wait3A_952, %dma_wait3A_953] : memref<10008x128xf32, #tpu.memory_space<hbm>> -> memref<10008x128xf32, #tpu.memory_space<hbm>>
      tpu.wait_indirect_dma semaphore(%arg18 : memref<!tpu.dma_semaphore, #tpu.memory_space<semaphore_mem>>) src(%dma_wait3A_954 : memref<10008x128xf32, #tpu.memory_space<hbm>>) dst(%dma_wait3A_948 : memref<120x128xf32, #tpu.memory_space<vmem>>)
      %dma_start3A_955 = arith.constant 2 : i32
      %dma_start3A_956 = arith.constant 3 : i32
      %dma_start3A_957 = arith.constant 0 : i32
      %dma_start3A_958 = arith.constant 0 : i32
      %dma_start3A_959 = tpu.memref_slice %arg11[%dma_start3A_955, %dma_start3A_957, %dma_start3A_958] : memref<3x120x128xf32, #tpu.memory_space<vmem>> -> memref<1x120x128xf32, #tpu.memory_space<vmem>>
      %dma_start3A_960 = tpu.memref_squeeze %dma_start3A_959 : memref<1x120x128xf32, #tpu.memory_space<vmem>> -> memref<120x128xf32, #tpu.memory_space<vmem>>
      %dma_start3A_961 = arith.constant 0 : i32
      %dma_start3A_962 = tpu.memref_slice %arg10[%dma_start3A_956, %dma_start3A_961] : memref<4x120xi32, #tpu.memory_space<vmem>> -> memref<1x120xi32, #tpu.memory_space<vmem>>
      %dma_start3A_963 = tpu.memref_squeeze %dma_start3A_962 : memref<1x120xi32, #tpu.memory_space<vmem>> -> memref<120xi32, #tpu.memory_space<vmem>>
      %dma_start3A_964 = arith.constant 0 : i32
      %dma_start3A_965 = arith.constant 0 : i32
      %dma_start3A_966 = tpu.memref_slice %arg14[%dma_start3A_964, %dma_start3A_965] : memref<10008x128xf32, #tpu.memory_space<vmem_shared>> -> memref<10008x128xf32, #tpu.memory_space<vmem_shared>>
      tpu.enqueue_indirect_dma source(%dma_start3A_960 : memref<120x128xf32, #tpu.memory_space<vmem>>) target(%dma_start3A_966 : memref<10008x128xf32, #tpu.memory_space<vmem_shared>>) offsets(%dma_start3A_963 : memref<120xi32, #tpu.memory_space<vmem>>) semaphore(%arg21 : memref<!tpu.dma_semaphore, #tpu.memory_space<semaphore_mem>>) {add = true}
      %ge3A_967 = arith.constant 1 : i32
      %ge3A_968 = arith.cmpi sge, %add3A_942, %ge3A_967 : i32
      %convert_element_type3A_969 = arith.extui %ge3A_968 : i1 to i32
      %cond3A_970 = arith.constant 0 : i32
      %cond3A_971 = arith.cmpi ne, %convert_element_type3A_969, %cond3A_970 : i32
      scf.if %cond3A_971 {
        %dma_wait3A_1000 = arith.constant 1 : i32
        %dma_wait3A_1001 = arith.constant 2 : i32
        %dma_wait3A_1002 = arith.constant 0 : i32
        %dma_wait3A_1003 = arith.constant 0 : i32
        %dma_wait3A_1004 = tpu.memref_slice %arg11[%dma_wait3A_1000, %dma_wait3A_1002, %dma_wait3A_1003] : memref<3x120x128xf32, #tpu.memory_space<vmem>> -> memref<1x120x128xf32, #tpu.memory_space<vmem>>
        %dma_wait3A_1005 = tpu.memref_squeeze %dma_wait3A_1004 : memref<1x120x128xf32, #tpu.memory_space<vmem>> -> memref<120x128xf32, #tpu.memory_space<vmem>>
        %dma_wait3A_1006 = arith.constant 0 : i32
        %dma_wait3A_1007 = tpu.memref_slice %arg10[%dma_wait3A_1001, %dma_wait3A_1006] : memref<4x120xi32, #tpu.memory_space<vmem>> -> memref<1x120xi32, #tpu.memory_space<vmem>>
        %dma_wait3A_1008 = tpu.memref_squeeze %dma_wait3A_1007 : memref<1x120xi32, #tpu.memory_space<vmem>> -> memref<120xi32, #tpu.memory_space<vmem>>
        %dma_wait3A_1009 = arith.constant 0 : i32
        %dma_wait3A_1010 = arith.constant 0 : i32
        %dma_wait3A_1011 = tpu.memref_slice %arg14[%dma_wait3A_1009, %dma_wait3A_1010] : memref<10008x128xf32, #tpu.memory_space<vmem_shared>> -> memref<10008x128xf32, #tpu.memory_space<vmem_shared>>
        tpu.wait_indirect_dma semaphore(%arg20 : memref<!tpu.dma_semaphore, #tpu.memory_space<semaphore_mem>>) src(%dma_wait3A_1005 : memref<120x128xf32, #tpu.memory_space<vmem>>) dst(%dma_wait3A_1011 : memref<10008x128xf32, #tpu.memory_space<vmem_shared>>)
      } else {
      }
      %add3A_972 = arith.constant 2 : i32
      %add3A_973 = arith.addi %add3A_942, %add3A_972 : i32
      %lt3A_974 = arith.constant 84 : i32
      %lt3A_975 = arith.cmpi slt, %add3A_973, %lt3A_974 : i32
      %convert_element_type3A_976 = arith.extui %lt3A_975 : i1 to i32
      %cond3A_977 = arith.constant 0 : i32
      %cond3A_978 = arith.cmpi ne, %convert_element_type3A_976, %cond3A_977 : i32
      scf.if %cond3A_978 {
        %add3A_1000 = arith.addi %mul3A_2, %add3A_942 : i32
        %add3A_1001 = arith.constant 2 : i32
        %add3A_1002 = arith.addi %add3A_1000, %add3A_1001 : i32
        %mul3A_1003 = arith.constant 120 : i32
        %mul3A_1004 = arith.muli %add3A_1002, %mul3A_1003 : i32
        %multiple_of3A_1005 = tpu.assume_multiple %mul3A_1004, 8 : i32
        %dma_wait3A_1006 = arith.constant 1 : i32
        %dma_wait3A_1007 = arith.constant 0 : i32
        %dma_wait3A_1008 = tpu.memref_slice %arg9[%dma_wait3A_1006, %dma_wait3A_1007] : memref<4x120xi32, #tpu.memory_space<vmem>> -> memref<1x120xi32, #tpu.memory_space<vmem>>
        %dma_wait3A_1009 = tpu.memref_squeeze %dma_wait3A_1008 : memref<1x120xi32, #tpu.memory_space<vmem>> -> memref<120xi32, #tpu.memory_space<vmem>>
        %dma_wait3A_1010 = tpu.memref_slice %arg3[%multiple_of3A_1005] : memref<322560xi32, #tpu.memory_space<hbm>> -> memref<120xi32, #tpu.memory_space<hbm>>
        %dma_wait3A_1011 = arith.constant 0 : i32
        %dma_wait3A_1012 = tpu.memref_slice %arg9[%dma_wait3A_1006, %dma_wait3A_1011] : memref<4x120xi32, #tpu.memory_space<vmem>> -> memref<1x120xi32, #tpu.memory_space<vmem>>
        %dma_wait3A_1013 = tpu.memref_squeeze %dma_wait3A_1012 : memref<1x120xi32, #tpu.memory_space<vmem>> -> memref<120xi32, #tpu.memory_space<vmem>>
        %dma_wait3A_1014 = tpu.memref_slice %arg3[%multiple_of3A_1005] : memref<322560xi32, #tpu.memory_space<hbm>> -> memref<120xi32, #tpu.memory_space<hbm>>
        tpu.wait_dma2 semaphore(%arg24 : memref<!tpu.dma_semaphore, #tpu.memory_space<semaphore_mem>>) src(%dma_wait3A_1014 : memref<120xi32, #tpu.memory_space<hbm>>) dst(%dma_wait3A_1013 : memref<120xi32, #tpu.memory_space<vmem>>)
        %dma_wait3A_1015 = arith.constant 1 : i32
        %dma_wait3A_1016 = arith.constant 0 : i32
        %dma_wait3A_1017 = tpu.memref_slice %arg10[%dma_wait3A_1015, %dma_wait3A_1016] : memref<4x120xi32, #tpu.memory_space<vmem>> -> memref<1x120xi32, #tpu.memory_space<vmem>>
        %dma_wait3A_1018 = tpu.memref_squeeze %dma_wait3A_1017 : memref<1x120xi32, #tpu.memory_space<vmem>> -> memref<120xi32, #tpu.memory_space<vmem>>
        %dma_wait3A_1019 = tpu.memref_slice %arg2[%multiple_of3A_1005] : memref<322560xi32, #tpu.memory_space<hbm>> -> memref<120xi32, #tpu.memory_space<hbm>>
        %dma_wait3A_1020 = arith.constant 0 : i32
        %dma_wait3A_1021 = tpu.memref_slice %arg10[%dma_wait3A_1015, %dma_wait3A_1020] : memref<4x120xi32, #tpu.memory_space<vmem>> -> memref<1x120xi32, #tpu.memory_space<vmem>>
        %dma_wait3A_1022 = tpu.memref_squeeze %dma_wait3A_1021 : memref<1x120xi32, #tpu.memory_space<vmem>> -> memref<120xi32, #tpu.memory_space<vmem>>
        %dma_wait3A_1023 = tpu.memref_slice %arg2[%multiple_of3A_1005] : memref<322560xi32, #tpu.memory_space<hbm>> -> memref<120xi32, #tpu.memory_space<hbm>>
        tpu.wait_dma2 semaphore(%arg24 : memref<!tpu.dma_semaphore, #tpu.memory_space<semaphore_mem>>) src(%dma_wait3A_1023 : memref<120xi32, #tpu.memory_space<hbm>>) dst(%dma_wait3A_1022 : memref<120xi32, #tpu.memory_space<vmem>>)
        %dma_start3A_1024 = arith.constant 1 : i32
        %dma_start3A_1025 = arith.constant 1 : i32
        %dma_start3A_1026 = arith.constant 0 : i32
        %dma_start3A_1027 = arith.constant 0 : i32
        %dma_start3A_1028 = tpu.memref_slice %arg11[%dma_start3A_1025, %dma_start3A_1026, %dma_start3A_1027] : memref<3x120x128xf32, #tpu.memory_space<vmem>> -> memref<1x120x128xf32, #tpu.memory_space<vmem>>
        %dma_start3A_1029 = tpu.memref_squeeze %dma_start3A_1028 : memref<1x120x128xf32, #tpu.memory_space<vmem>> -> memref<120x128xf32, #tpu.memory_space<vmem>>
        %dma_start3A_1030 = arith.constant 0 : i32
        %dma_start3A_1031 = tpu.memref_slice %arg9[%dma_start3A_1024, %dma_start3A_1030] : memref<4x120xi32, #tpu.memory_space<vmem>> -> memref<1x120xi32, #tpu.memory_space<vmem>>
        %dma_start3A_1032 = tpu.memref_squeeze %dma_start3A_1031 : memref<1x120xi32, #tpu.memory_space<vmem>> -> memref<120xi32, #tpu.memory_space<vmem>>
        %dma_start3A_1033 = arith.constant 0 : i32
        %dma_start3A_1034 = arith.constant 0 : i32
        %dma_start3A_1035 = tpu.memref_slice %arg4[%dma_start3A_1033, %dma_start3A_1034] : memref<10008x128xf32, #tpu.memory_space<hbm>> -> memref<10008x128xf32, #tpu.memory_space<hbm>>
        tpu.enqueue_indirect_dma source(%dma_start3A_1035 : memref<10008x128xf32, #tpu.memory_space<hbm>>) target(%dma_start3A_1029 : memref<120x128xf32, #tpu.memory_space<vmem>>) offsets(%dma_start3A_1032 : memref<120xi32, #tpu.memory_space<vmem>>) semaphore(%arg17 : memref<!tpu.dma_semaphore, #tpu.memory_space<semaphore_mem>>)
      } else {
      }
      %dma_start3A_979 = arith.constant 3 : i32
      %dma_start3A_980 = arith.constant 0 : i32
      %dma_start3A_981 = tpu.memref_slice %arg12[%dma_start3A_980] : memref<128xf32, #tpu.memory_space<vmem>> -> memref<120xf32, #tpu.memory_space<vmem>>
      %dma_start3A_982 = arith.constant 0 : i32
      %dma_start3A_983 = tpu.memref_slice %arg9[%dma_start3A_979, %dma_start3A_982] : memref<4x120xi32, #tpu.memory_space<vmem>> -> memref<1x120xi32, #tpu.memory_space<vmem>>
      %dma_start3A_984 = tpu.memref_squeeze %dma_start3A_983 : memref<1x120xi32, #tpu.memory_space<vmem>> -> memref<120xi32, #tpu.memory_space<vmem>>
      %dma_start3A_985 = arith.constant 0 : i32
      %dma_start3A_986 = tpu.memref_slice %arg15[%dma_start3A_985] : memref<10008xf32, #tpu.memory_space<vmem_shared>> -> memref<10008xf32, #tpu.memory_space<vmem_shared>>
      tpu.enqueue_indirect_dma source(%dma_start3A_981 : memref<120xf32, #tpu.memory_space<vmem>>) target(%dma_start3A_986 : memref<10008xf32, #tpu.memory_space<vmem_shared>>) offsets(%dma_start3A_984 : memref<120xi32, #tpu.memory_space<vmem>>) semaphore(%arg23 : memref<!tpu.dma_semaphore, #tpu.memory_space<semaphore_mem>>) {add = true}
      %ge3A_987 = arith.constant 1 : i32
      %ge3A_988 = arith.cmpi sge, %add3A_942, %ge3A_987 : i32
      %convert_element_type3A_989 = arith.extui %ge3A_988 : i1 to i32
      %cond3A_990 = arith.constant 0 : i32
      %cond3A_991 = arith.cmpi ne, %convert_element_type3A_989, %cond3A_990 : i32
      scf.if %cond3A_991 {
        %dma_wait3A_1000 = arith.constant 2 : i32
        %dma_wait3A_1001 = arith.constant 0 : i32
        %dma_wait3A_1002 = tpu.memref_slice %arg12[%dma_wait3A_1001] : memref<128xf32, #tpu.memory_space<vmem>> -> memref<120xf32, #tpu.memory_space<vmem>>
        %dma_wait3A_1003 = arith.constant 0 : i32
        %dma_wait3A_1004 = tpu.memref_slice %arg9[%dma_wait3A_1000, %dma_wait3A_1003] : memref<4x120xi32, #tpu.memory_space<vmem>> -> memref<1x120xi32, #tpu.memory_space<vmem>>
        %dma_wait3A_1005 = tpu.memref_squeeze %dma_wait3A_1004 : memref<1x120xi32, #tpu.memory_space<vmem>> -> memref<120xi32, #tpu.memory_space<vmem>>
        %dma_wait3A_1006 = arith.constant 0 : i32
        %dma_wait3A_1007 = tpu.memref_slice %arg15[%dma_wait3A_1006] : memref<10008xf32, #tpu.memory_space<vmem_shared>> -> memref<10008xf32, #tpu.memory_space<vmem_shared>>
        tpu.wait_indirect_dma semaphore(%arg22 : memref<!tpu.dma_semaphore, #tpu.memory_space<semaphore_mem>>) src(%dma_wait3A_1002 : memref<120xf32, #tpu.memory_space<vmem>>) dst(%dma_wait3A_1007 : memref<10008xf32, #tpu.memory_space<vmem_shared>>)
      } else {
      }
      %add3A_992 = arith.constant 3 : i32
      %add3A_993 = arith.addi %add3A_942, %add3A_992 : i32
      %lt3A_994 = arith.constant 84 : i32
      %lt3A_995 = arith.cmpi slt, %add3A_993, %lt3A_994 : i32
      %convert_element_type3A_996 = arith.extui %lt3A_995 : i1 to i32
      %cond3A_997 = arith.constant 0 : i32
      %cond3A_998 = arith.cmpi ne, %convert_element_type3A_996, %cond3A_997 : i32
      scf.if %cond3A_998 {
        %add3A_1000 = arith.addi %mul3A_2, %add3A_942 : i32
        %add3A_1001 = arith.constant 3 : i32
        %add3A_1002 = arith.addi %add3A_1000, %add3A_1001 : i32
        %mul3A_1003 = arith.constant 120 : i32
        %mul3A_1004 = arith.muli %add3A_1002, %mul3A_1003 : i32
        %multiple_of3A_1005 = tpu.assume_multiple %mul3A_1004, 8 : i32
        %dma_start3A_1006 = arith.constant 2 : i32
        %dma_start3A_1007 = arith.constant 0 : i32
        %dma_start3A_1008 = tpu.memref_slice %arg9[%dma_start3A_1006, %dma_start3A_1007] : memref<4x120xi32, #tpu.memory_space<vmem>> -> memref<1x120xi32, #tpu.memory_space<vmem>>
        %dma_start3A_1009 = tpu.memref_squeeze %dma_start3A_1008 : memref<1x120xi32, #tpu.memory_space<vmem>> -> memref<120xi32, #tpu.memory_space<vmem>>
        %dma_start3A_1010 = tpu.memref_slice %arg3[%multiple_of3A_1005] : memref<322560xi32, #tpu.memory_space<hbm>> -> memref<120xi32, #tpu.memory_space<hbm>>
        %dma_start3A_1011 = arith.constant 0 : i32
        %dma_start3A_1012 = tpu.memref_slice %arg9[%dma_start3A_1006, %dma_start3A_1011] : memref<4x120xi32, #tpu.memory_space<vmem>> -> memref<1x120xi32, #tpu.memory_space<vmem>>
        %dma_start3A_1013 = tpu.memref_squeeze %dma_start3A_1012 : memref<1x120xi32, #tpu.memory_space<vmem>> -> memref<120xi32, #tpu.memory_space<vmem>>
        %dma_start3A_1014 = tpu.memref_slice %arg3[%multiple_of3A_1005] : memref<322560xi32, #tpu.memory_space<hbm>> -> memref<120xi32, #tpu.memory_space<hbm>>
        tpu.enqueue_dma source(%dma_start3A_1014 : memref<120xi32, #tpu.memory_space<hbm>>) target(%dma_start3A_1013 : memref<120xi32, #tpu.memory_space<vmem>>) target_semaphore(%arg24 : memref<!tpu.dma_semaphore, #tpu.memory_space<semaphore_mem>>)
        %dma_start3A_1015 = arith.constant 2 : i32
        %dma_start3A_1016 = arith.constant 0 : i32
        %dma_start3A_1017 = tpu.memref_slice %arg10[%dma_start3A_1015, %dma_start3A_1016] : memref<4x120xi32, #tpu.memory_space<vmem>> -> memref<1x120xi32, #tpu.memory_space<vmem>>
        %dma_start3A_1018 = tpu.memref_squeeze %dma_start3A_1017 : memref<1x120xi32, #tpu.memory_space<vmem>> -> memref<120xi32, #tpu.memory_space<vmem>>
        %dma_start3A_1019 = tpu.memref_slice %arg2[%multiple_of3A_1005] : memref<322560xi32, #tpu.memory_space<hbm>> -> memref<120xi32, #tpu.memory_space<hbm>>
        %dma_start3A_1020 = arith.constant 0 : i32
        %dma_start3A_1021 = tpu.memref_slice %arg10[%dma_start3A_1015, %dma_start3A_1020] : memref<4x120xi32, #tpu.memory_space<vmem>> -> memref<1x120xi32, #tpu.memory_space<vmem>>
        %dma_start3A_1022 = tpu.memref_squeeze %dma_start3A_1021 : memref<1x120xi32, #tpu.memory_space<vmem>> -> memref<120xi32, #tpu.memory_space<vmem>>
        %dma_start3A_1023 = tpu.memref_slice %arg2[%multiple_of3A_1005] : memref<322560xi32, #tpu.memory_space<hbm>> -> memref<120xi32, #tpu.memory_space<hbm>>
        tpu.enqueue_dma source(%dma_start3A_1023 : memref<120xi32, #tpu.memory_space<hbm>>) target(%dma_start3A_1022 : memref<120xi32, #tpu.memory_space<vmem>>) target_semaphore(%arg24 : memref<!tpu.dma_semaphore, #tpu.memory_space<semaphore_mem>>)
      } else {
      }
      %scan3A_999 = arith.constant 0 : i32
      scf.yield %scan3A_999 : i32
    }
    %scan3A_247 = arith.constant 7 : i32
    %dma_wait3A_248 = arith.constant 2 : i32
    %dma_wait3A_249 = arith.constant 3 : i32
    %dma_wait3A_250 = arith.constant 0 : i32
    %dma_wait3A_251 = arith.constant 0 : i32
    %dma_wait3A_252 = tpu.memref_slice %arg11[%dma_wait3A_248, %dma_wait3A_250, %dma_wait3A_251] : memref<3x120x128xf32, #tpu.memory_space<vmem>> -> memref<1x120x128xf32, #tpu.memory_space<vmem>>
    %dma_wait3A_253 = tpu.memref_squeeze %dma_wait3A_252 : memref<1x120x128xf32, #tpu.memory_space<vmem>> -> memref<120x128xf32, #tpu.memory_space<vmem>>
    %dma_wait3A_254 = arith.constant 0 : i32
    %dma_wait3A_255 = tpu.memref_slice %arg10[%dma_wait3A_249, %dma_wait3A_254] : memref<4x120xi32, #tpu.memory_space<vmem>> -> memref<1x120xi32, #tpu.memory_space<vmem>>
    %dma_wait3A_256 = tpu.memref_squeeze %dma_wait3A_255 : memref<1x120xi32, #tpu.memory_space<vmem>> -> memref<120xi32, #tpu.memory_space<vmem>>
    %dma_wait3A_257 = arith.constant 0 : i32
    %dma_wait3A_258 = arith.constant 0 : i32
    %dma_wait3A_259 = tpu.memref_slice %arg14[%dma_wait3A_257, %dma_wait3A_258] : memref<10008x128xf32, #tpu.memory_space<vmem_shared>> -> memref<10008x128xf32, #tpu.memory_space<vmem_shared>>
    tpu.wait_indirect_dma semaphore(%arg21 : memref<!tpu.dma_semaphore, #tpu.memory_space<semaphore_mem>>) src(%dma_wait3A_253 : memref<120x128xf32, #tpu.memory_space<vmem>>) dst(%dma_wait3A_259 : memref<10008x128xf32, #tpu.memory_space<vmem_shared>>)
    %dma_wait3A_260 = arith.constant 3 : i32
    %dma_wait3A_261 = arith.constant 0 : i32
    %dma_wait3A_262 = tpu.memref_slice %arg12[%dma_wait3A_261] : memref<128xf32, #tpu.memory_space<vmem>> -> memref<120xf32, #tpu.memory_space<vmem>>
    %dma_wait3A_263 = arith.constant 0 : i32
    %dma_wait3A_264 = tpu.memref_slice %arg9[%dma_wait3A_260, %dma_wait3A_263] : memref<4x120xi32, #tpu.memory_space<vmem>> -> memref<1x120xi32, #tpu.memory_space<vmem>>
    %dma_wait3A_265 = tpu.memref_squeeze %dma_wait3A_264 : memref<1x120xi32, #tpu.memory_space<vmem>> -> memref<120xi32, #tpu.memory_space<vmem>>
    %dma_wait3A_266 = arith.constant 0 : i32
    %dma_wait3A_267 = tpu.memref_slice %arg15[%dma_wait3A_266] : memref<10008xf32, #tpu.memory_space<vmem_shared>> -> memref<10008xf32, #tpu.memory_space<vmem_shared>>
    tpu.wait_indirect_dma semaphore(%arg23 : memref<!tpu.dma_semaphore, #tpu.memory_space<semaphore_mem>>) src(%dma_wait3A_262 : memref<120xf32, #tpu.memory_space<vmem>>) dst(%dma_wait3A_267 : memref<10008xf32, #tpu.memory_space<vmem_shared>>)
    %barrier3A_268 = arith.constant 0 : index
    tpu.barrier barrier_id(%barrier3A_268)
    %eq3A_269 = arith.constant 0 : i32
    %eq3A_270 = arith.cmpi eq, %arg0, %eq3A_269 : i32
    %convert_element_type3A_271 = arith.extui %eq3A_270 : i1 to i32
    %cond3A_272 = arith.constant 0 : i32
    %cond3A_273 = arith.cmpi ne, %convert_element_type3A_271, %cond3A_272 : i32
    scf.if %cond3A_273 {
      %sub3A_279 = arith.constant 83 : i32
      %sub3A_280 = arith.subi %sub3A_279, %arg1 : i32
      %add3A_281 = arith.constant 16 : i32
      %add3A_282 = arith.addi %sub3A_280, %add3A_281 : i32
      %sub3A_283 = arith.constant 1 : i32
      %sub3A_284 = arith.subi %add3A_282, %sub3A_283 : i32
      %jit3A_285 = arith.constant 16 : i32
      %div3A_286 = arith.divsi %sub3A_284, %jit3A_285 : i32
      %sign3A_287 = arith.constant 0 : i32
      %sign3A_288 = arith.cmpi sgt, %sub3A_284, %sign3A_287 : i32
      %sign3A_289 = arith.extui %sign3A_288 : i1 to i32
      %sign3A_290 = arith.constant 0 : i32
      %sign3A_291 = arith.cmpi slt, %sub3A_284, %sign3A_290 : i32
      %sign3A_292 = arith.extui %sign3A_291 : i1 to i32
      %sign3A_293 = arith.subi %sign3A_289, %sign3A_292 : i32
      %sign3A_294 = arith.constant 0 : i32
      %sign3A_295 = arith.cmpi sgt, %jit3A_285, %sign3A_294 : i32
      %sign3A_296 = arith.extui %sign3A_295 : i1 to i32
      %sign3A_297 = arith.constant 0 : i32
      %sign3A_298 = arith.cmpi slt, %jit3A_285, %sign3A_297 : i32
      %sign3A_299 = arith.extui %sign3A_298 : i1 to i32
      %sign3A_300 = arith.subi %sign3A_296, %sign3A_299 : i32
      %ne3A_301 = arith.cmpi ne, %sign3A_293, %sign3A_300 : i32
      %rem3A_302 = arith.remsi %sub3A_284, %jit3A_285 : i32
      %ne3A_303 = arith.constant 0 : i32
      %ne3A_304 = arith.cmpi ne, %rem3A_302, %ne3A_303 : i32
      %and3A_305 = arith.andi %ne3A_301, %ne3A_304 : i1
      %sub3A_306 = arith.constant 1 : i32
      %sub3A_307 = arith.subi %div3A_286, %sub3A_306 : i32
      %select_n3A_308 = arith.select %and3A_305, %sub3A_307, %div3A_286 : i32
      %while3A_309 = arith.constant 0 : i32
      %while3A_310 = arith.constant 0 : i32
      %while3A_311 = arith.subi %select_n3A_308, %while3A_309 : i32
      %while3A_312 = arith.addi %while3A_309, %while3A_311 : i32
      %while3A_313 = arith.constant 1 : i32
      %while3A_314 = arith.divsi %while3A_311, %while3A_313 : i32
      %while3A_315 = arith.muli %while3A_314, %while3A_313 : i32
      %while3A_316 = arith.addi %while3A_309, %while3A_315 : i32
      %while3A_317 = arith.constant 1 : i32
      %while3A_318 = scf.for %while3A_331 = %while3A_309 to %while3A_316 step %while3A_317 iter_args(%while3A_332 = %while3A_310) -> (i32)  : i32 {
        %mul3A_333 = arith.constant 16 : i32
        %mul3A_334 = arith.muli %while3A_331, %mul3A_333 : i32
        %add3A_335 = arith.addi %mul3A_334, %arg1 : i32
        %mul3A_336 = arith.constant 120 : i32
        %mul3A_337 = arith.muli %add3A_335, %mul3A_336 : i32
        %multiple_of3A_338 = tpu.assume_multiple %mul3A_337, 8 : i32
        "tpu.region"() ({
          %run_scoped3A = tpu.sem_alloc : memref<!tpu.dma_semaphore, #tpu.memory_space<semaphore_mem>>
          %dma_start3A_340 = arith.constant 0 : i32
          %dma_start3A_341 = tpu.memref_slice %arg5[%multiple_of3A_338, %dma_start3A_340] : memref<10000x128xf32, #tpu.memory_space<hbm>> -> memref<120x128xf32, #tpu.memory_space<hbm>>
          %dma_start3A_342 = arith.constant 0 : i32
          %dma_start3A_343 = tpu.memref_slice %arg14[%multiple_of3A_338, %dma_start3A_342] : memref<10008x128xf32, #tpu.memory_space<vmem_shared>> -> memref<120x128xf32, #tpu.memory_space<vmem_shared>>
          tpu.enqueue_dma source(%dma_start3A_343 : memref<120x128xf32, #tpu.memory_space<vmem_shared>>) target(%dma_start3A_341 : memref<120x128xf32, #tpu.memory_space<hbm>>) target_semaphore(%run_scoped3A : memref<!tpu.dma_semaphore, #tpu.memory_space<semaphore_mem>>)
          %dma_wait3A_344 = arith.constant 0 : i32
          %dma_wait3A_345 = tpu.memref_slice %arg5[%multiple_of3A_338, %dma_wait3A_344] : memref<10000x128xf32, #tpu.memory_space<hbm>> -> memref<120x128xf32, #tpu.memory_space<hbm>>
          %dma_wait3A_346 = arith.constant 0 : i32
          %dma_wait3A_347 = tpu.memref_slice %arg14[%multiple_of3A_338, %dma_wait3A_346] : memref<10008x128xf32, #tpu.memory_space<vmem_shared>> -> memref<120x128xf32, #tpu.memory_space<vmem_shared>>
          tpu.wait_dma2 semaphore(%run_scoped3A : memref<!tpu.dma_semaphore, #tpu.memory_space<semaphore_mem>>) src(%dma_wait3A_347 : memref<120x128xf32, #tpu.memory_space<vmem_shared>>) dst(%dma_wait3A_345 : memref<120x128xf32, #tpu.memory_space<hbm>>)
          tpu.yield
        }) : () -> ()
        %while3A_339 = arith.constant 0 : i32
        scf.yield %while3A_339 : i32
      }
      %while3A_319 = arith.constant 1 : i32
      %while3A_320 = scf.for %while3A_331 = %while3A_316 to %while3A_312 step %while3A_319 iter_args(%while3A_332 = %while3A_318) -> (i32)  : i32 {
        %mul3A_333 = arith.constant 16 : i32
        %mul3A_334 = arith.muli %while3A_331, %mul3A_333 : i32
        %add3A_335 = arith.addi %mul3A_334, %arg1 : i32
        %mul3A_336 = arith.constant 120 : i32
        %mul3A_337 = arith.muli %add3A_335, %mul3A_336 : i32
        %multiple_of3A_338 = tpu.assume_multiple %mul3A_337, 8 : i32
        "tpu.region"() ({
          %run_scoped3A = tpu.sem_alloc : memref<!tpu.dma_semaphore, #tpu.memory_space<semaphore_mem>>
          %dma_start3A_340 = arith.constant 0 : i32
          %dma_start3A_341 = tpu.memref_slice %arg5[%multiple_of3A_338, %dma_start3A_340] : memref<10000x128xf32, #tpu.memory_space<hbm>> -> memref<120x128xf32, #tpu.memory_space<hbm>>
          %dma_start3A_342 = arith.constant 0 : i32
          %dma_start3A_343 = tpu.memref_slice %arg14[%multiple_of3A_338, %dma_start3A_342] : memref<10008x128xf32, #tpu.memory_space<vmem_shared>> -> memref<120x128xf32, #tpu.memory_space<vmem_shared>>
          tpu.enqueue_dma source(%dma_start3A_343 : memref<120x128xf32, #tpu.memory_space<vmem_shared>>) target(%dma_start3A_341 : memref<120x128xf32, #tpu.memory_space<hbm>>) target_semaphore(%run_scoped3A : memref<!tpu.dma_semaphore, #tpu.memory_space<semaphore_mem>>)
          %dma_wait3A_344 = arith.constant 0 : i32
          %dma_wait3A_345 = tpu.memref_slice %arg5[%multiple_of3A_338, %dma_wait3A_344] : memref<10000x128xf32, #tpu.memory_space<hbm>> -> memref<120x128xf32, #tpu.memory_space<hbm>>
          %dma_wait3A_346 = arith.constant 0 : i32
          %dma_wait3A_347 = tpu.memref_slice %arg14[%multiple_of3A_338, %dma_wait3A_346] : memref<10008x128xf32, #tpu.memory_space<vmem_shared>> -> memref<120x128xf32, #tpu.memory_space<vmem_shared>>
          tpu.wait_dma2 semaphore(%run_scoped3A : memref<!tpu.dma_semaphore, #tpu.memory_space<semaphore_mem>>) src(%dma_wait3A_347 : memref<120x128xf32, #tpu.memory_space<vmem_shared>>) dst(%dma_wait3A_345 : memref<120x128xf32, #tpu.memory_space<hbm>>)
          tpu.yield
        }) : () -> ()
        %while3A_339 = arith.constant 0 : i32
        scf.yield %while3A_339 : i32
      }
      %eq3A_321 = arith.constant 0 : i32
      %eq3A_322 = arith.cmpi eq, %arg1, %eq3A_321 : i32
      %convert_element_type3A_323 = arith.extui %eq3A_322 : i1 to i32
      %cond3A_324 = arith.constant 0 : i32
      %cond3A_325 = arith.cmpi ne, %convert_element_type3A_323, %cond3A_324 : i32
      scf.if %cond3A_325 {
        "tpu.region"() ({
          %run_scoped3A = tpu.sem_alloc : memref<!tpu.dma_semaphore, #tpu.memory_space<semaphore_mem>>
          %dma_start3A_331 = arith.constant 9960 : i32
          %dma_start3A_332 = arith.constant 0 : i32
          %dma_start3A_333 = tpu.memref_slice %arg5[%dma_start3A_331, %dma_start3A_332] : memref<10000x128xf32, #tpu.memory_space<hbm>> -> memref<40x128xf32, #tpu.memory_space<hbm>>
          %dma_start3A_334 = arith.constant 9960 : i32
          %dma_start3A_335 = arith.constant 0 : i32
          %dma_start3A_336 = tpu.memref_slice %arg14[%dma_start3A_334, %dma_start3A_335] : memref<10008x128xf32, #tpu.memory_space<vmem_shared>> -> memref<40x128xf32, #tpu.memory_space<vmem_shared>>
          tpu.enqueue_dma source(%dma_start3A_336 : memref<40x128xf32, #tpu.memory_space<vmem_shared>>) target(%dma_start3A_333 : memref<40x128xf32, #tpu.memory_space<hbm>>) target_semaphore(%run_scoped3A : memref<!tpu.dma_semaphore, #tpu.memory_space<semaphore_mem>>)
          %dma_wait3A_337 = arith.constant 9960 : i32
          %dma_wait3A_338 = arith.constant 0 : i32
          %dma_wait3A_339 = tpu.memref_slice %arg5[%dma_wait3A_337, %dma_wait3A_338] : memref<10000x128xf32, #tpu.memory_space<hbm>> -> memref<40x128xf32, #tpu.memory_space<hbm>>
          %dma_wait3A_340 = arith.constant 9960 : i32
          %dma_wait3A_341 = arith.constant 0 : i32
          %dma_wait3A_342 = tpu.memref_slice %arg14[%dma_wait3A_340, %dma_wait3A_341] : memref<10008x128xf32, #tpu.memory_space<vmem_shared>> -> memref<40x128xf32, #tpu.memory_space<vmem_shared>>
          tpu.wait_dma2 semaphore(%run_scoped3A : memref<!tpu.dma_semaphore, #tpu.memory_space<semaphore_mem>>) src(%dma_wait3A_342 : memref<40x128xf32, #tpu.memory_space<vmem_shared>>) dst(%dma_wait3A_339 : memref<40x128xf32, #tpu.memory_space<hbm>>)
          tpu.yield
        }) : () -> ()
      } else {
      }
      %eq3A_326 = arith.constant 1 : i32
      %eq3A_327 = arith.cmpi eq, %arg1, %eq3A_326 : i32
      %convert_element_type3A_328 = arith.extui %eq3A_327 : i1 to i32
      %cond3A_329 = arith.constant 0 : i32
      %cond3A_330 = arith.cmpi ne, %convert_element_type3A_328, %cond3A_329 : i32
      scf.if %cond3A_330 {
        "tpu.region"() ({
          %run_scoped3A = tpu.sem_alloc : memref<!tpu.dma_semaphore, #tpu.memory_space<semaphore_mem>>
          tpu.enqueue_dma source(%arg15 : memref<10008xf32, #tpu.memory_space<vmem_shared>>) target(%arg7 : memref<10008xf32, #tpu.memory_space<hbm>>) target_semaphore(%run_scoped3A : memref<!tpu.dma_semaphore, #tpu.memory_space<semaphore_mem>>)
          tpu.wait_dma2 semaphore(%run_scoped3A : memref<!tpu.dma_semaphore, #tpu.memory_space<semaphore_mem>>) src(%arg15 : memref<10008xf32, #tpu.memory_space<vmem_shared>>) dst(%arg7 : memref<10008xf32, #tpu.memory_space<hbm>>)
          tpu.yield
        }) : () -> ()
      } else {
      }
    } else {
    }
    %eq3A_274 = arith.constant 1 : i32
    %eq3A_275 = arith.cmpi eq, %arg0, %eq3A_274 : i32
    %convert_element_type3A_276 = arith.extui %eq3A_275 : i1 to i32
    %cond3A_277 = arith.constant 0 : i32
    %cond3A_278 = arith.cmpi ne, %convert_element_type3A_276, %cond3A_277 : i32
    scf.if %cond3A_278 {
      %sub3A_279 = arith.constant 83 : i32
      %sub3A_280 = arith.subi %sub3A_279, %arg1 : i32
      %add3A_281 = arith.constant 16 : i32
      %add3A_282 = arith.addi %sub3A_280, %add3A_281 : i32
      %sub3A_283 = arith.constant 1 : i32
      %sub3A_284 = arith.subi %add3A_282, %sub3A_283 : i32
      %jit3A_285 = arith.constant 16 : i32
      %div3A_286 = arith.divsi %sub3A_284, %jit3A_285 : i32
      %sign3A_287 = arith.constant 0 : i32
      %sign3A_288 = arith.cmpi sgt, %sub3A_284, %sign3A_287 : i32
      %sign3A_289 = arith.extui %sign3A_288 : i1 to i32
      %sign3A_290 = arith.constant 0 : i32
      %sign3A_291 = arith.cmpi slt, %sub3A_284, %sign3A_290 : i32
      %sign3A_292 = arith.extui %sign3A_291 : i1 to i32
      %sign3A_293 = arith.subi %sign3A_289, %sign3A_292 : i32
      %sign3A_294 = arith.constant 0 : i32
      %sign3A_295 = arith.cmpi sgt, %jit3A_285, %sign3A_294 : i32
      %sign3A_296 = arith.extui %sign3A_295 : i1 to i32
      %sign3A_297 = arith.constant 0 : i32
      %sign3A_298 = arith.cmpi slt, %jit3A_285, %sign3A_297 : i32
      %sign3A_299 = arith.extui %sign3A_298 : i1 to i32
      %sign3A_300 = arith.subi %sign3A_296, %sign3A_299 : i32
      %ne3A_301 = arith.cmpi ne, %sign3A_293, %sign3A_300 : i32
      %rem3A_302 = arith.remsi %sub3A_284, %jit3A_285 : i32
      %ne3A_303 = arith.constant 0 : i32
      %ne3A_304 = arith.cmpi ne, %rem3A_302, %ne3A_303 : i32
      %and3A_305 = arith.andi %ne3A_301, %ne3A_304 : i1
      %sub3A_306 = arith.constant 1 : i32
      %sub3A_307 = arith.subi %div3A_286, %sub3A_306 : i32
      %select_n3A_308 = arith.select %and3A_305, %sub3A_307, %div3A_286 : i32
      %while3A_309 = arith.constant 0 : i32
      %while3A_310 = arith.constant 0 : i32
      %while3A_311 = arith.subi %select_n3A_308, %while3A_309 : i32
      %while3A_312 = arith.addi %while3A_309, %while3A_311 : i32
      %while3A_313 = arith.constant 1 : i32
      %while3A_314 = arith.divsi %while3A_311, %while3A_313 : i32
      %while3A_315 = arith.muli %while3A_314, %while3A_313 : i32
      %while3A_316 = arith.addi %while3A_309, %while3A_315 : i32
      %while3A_317 = arith.constant 1 : i32
      %while3A_318 = scf.for %while3A_331 = %while3A_309 to %while3A_316 step %while3A_317 iter_args(%while3A_332 = %while3A_310) -> (i32)  : i32 {
        %mul3A_333 = arith.constant 16 : i32
        %mul3A_334 = arith.muli %while3A_331, %mul3A_333 : i32
        %add3A_335 = arith.addi %mul3A_334, %arg1 : i32
        %mul3A_336 = arith.constant 120 : i32
        %mul3A_337 = arith.muli %add3A_335, %mul3A_336 : i32
        %multiple_of3A_338 = tpu.assume_multiple %mul3A_337, 8 : i32
        "tpu.region"() ({
          %run_scoped3A = tpu.sem_alloc : memref<!tpu.dma_semaphore, #tpu.memory_space<semaphore_mem>>
          %dma_start3A_340 = arith.constant 0 : i32
          %dma_start3A_341 = tpu.memref_slice %arg6[%multiple_of3A_338, %dma_start3A_340] : memref<10000x128xf32, #tpu.memory_space<hbm>> -> memref<120x128xf32, #tpu.memory_space<hbm>>
          %dma_start3A_342 = arith.constant 0 : i32
          %dma_start3A_343 = tpu.memref_slice %arg14[%multiple_of3A_338, %dma_start3A_342] : memref<10008x128xf32, #tpu.memory_space<vmem_shared>> -> memref<120x128xf32, #tpu.memory_space<vmem_shared>>
          tpu.enqueue_dma source(%dma_start3A_343 : memref<120x128xf32, #tpu.memory_space<vmem_shared>>) target(%dma_start3A_341 : memref<120x128xf32, #tpu.memory_space<hbm>>) target_semaphore(%run_scoped3A : memref<!tpu.dma_semaphore, #tpu.memory_space<semaphore_mem>>)
          %dma_wait3A_344 = arith.constant 0 : i32
          %dma_wait3A_345 = tpu.memref_slice %arg6[%multiple_of3A_338, %dma_wait3A_344] : memref<10000x128xf32, #tpu.memory_space<hbm>> -> memref<120x128xf32, #tpu.memory_space<hbm>>
          %dma_wait3A_346 = arith.constant 0 : i32
          %dma_wait3A_347 = tpu.memref_slice %arg14[%multiple_of3A_338, %dma_wait3A_346] : memref<10008x128xf32, #tpu.memory_space<vmem_shared>> -> memref<120x128xf32, #tpu.memory_space<vmem_shared>>
          tpu.wait_dma2 semaphore(%run_scoped3A : memref<!tpu.dma_semaphore, #tpu.memory_space<semaphore_mem>>) src(%dma_wait3A_347 : memref<120x128xf32, #tpu.memory_space<vmem_shared>>) dst(%dma_wait3A_345 : memref<120x128xf32, #tpu.memory_space<hbm>>)
          tpu.yield
        }) : () -> ()
        %while3A_339 = arith.constant 0 : i32
        scf.yield %while3A_339 : i32
      }
      %while3A_319 = arith.constant 1 : i32
      %while3A_320 = scf.for %while3A_331 = %while3A_316 to %while3A_312 step %while3A_319 iter_args(%while3A_332 = %while3A_318) -> (i32)  : i32 {
        %mul3A_333 = arith.constant 16 : i32
        %mul3A_334 = arith.muli %while3A_331, %mul3A_333 : i32
        %add3A_335 = arith.addi %mul3A_334, %arg1 : i32
        %mul3A_336 = arith.constant 120 : i32
        %mul3A_337 = arith.muli %add3A_335, %mul3A_336 : i32
        %multiple_of3A_338 = tpu.assume_multiple %mul3A_337, 8 : i32
        "tpu.region"() ({
          %run_scoped3A = tpu.sem_alloc : memref<!tpu.dma_semaphore, #tpu.memory_space<semaphore_mem>>
          %dma_start3A_340 = arith.constant 0 : i32
          %dma_start3A_341 = tpu.memref_slice %arg6[%multiple_of3A_338, %dma_start3A_340] : memref<10000x128xf32, #tpu.memory_space<hbm>> -> memref<120x128xf32, #tpu.memory_space<hbm>>
          %dma_start3A_342 = arith.constant 0 : i32
          %dma_start3A_343 = tpu.memref_slice %arg14[%multiple_of3A_338, %dma_start3A_342] : memref<10008x128xf32, #tpu.memory_space<vmem_shared>> -> memref<120x128xf32, #tpu.memory_space<vmem_shared>>
          tpu.enqueue_dma source(%dma_start3A_343 : memref<120x128xf32, #tpu.memory_space<vmem_shared>>) target(%dma_start3A_341 : memref<120x128xf32, #tpu.memory_space<hbm>>) target_semaphore(%run_scoped3A : memref<!tpu.dma_semaphore, #tpu.memory_space<semaphore_mem>>)
          %dma_wait3A_344 = arith.constant 0 : i32
          %dma_wait3A_345 = tpu.memref_slice %arg6[%multiple_of3A_338, %dma_wait3A_344] : memref<10000x128xf32, #tpu.memory_space<hbm>> -> memref<120x128xf32, #tpu.memory_space<hbm>>
          %dma_wait3A_346 = arith.constant 0 : i32
          %dma_wait3A_347 = tpu.memref_slice %arg14[%multiple_of3A_338, %dma_wait3A_346] : memref<10008x128xf32, #tpu.memory_space<vmem_shared>> -> memref<120x128xf32, #tpu.memory_space<vmem_shared>>
          tpu.wait_dma2 semaphore(%run_scoped3A : memref<!tpu.dma_semaphore, #tpu.memory_space<semaphore_mem>>) src(%dma_wait3A_347 : memref<120x128xf32, #tpu.memory_space<vmem_shared>>) dst(%dma_wait3A_345 : memref<120x128xf32, #tpu.memory_space<hbm>>)
          tpu.yield
        }) : () -> ()
        %while3A_339 = arith.constant 0 : i32
        scf.yield %while3A_339 : i32
      }
      %eq3A_321 = arith.constant 0 : i32
      %eq3A_322 = arith.cmpi eq, %arg1, %eq3A_321 : i32
      %convert_element_type3A_323 = arith.extui %eq3A_322 : i1 to i32
      %cond3A_324 = arith.constant 0 : i32
      %cond3A_325 = arith.cmpi ne, %convert_element_type3A_323, %cond3A_324 : i32
      scf.if %cond3A_325 {
        "tpu.region"() ({
          %run_scoped3A = tpu.sem_alloc : memref<!tpu.dma_semaphore, #tpu.memory_space<semaphore_mem>>
          %dma_start3A_331 = arith.constant 9960 : i32
          %dma_start3A_332 = arith.constant 0 : i32
          %dma_start3A_333 = tpu.memref_slice %arg6[%dma_start3A_331, %dma_start3A_332] : memref<10000x128xf32, #tpu.memory_space<hbm>> -> memref<40x128xf32, #tpu.memory_space<hbm>>
          %dma_start3A_334 = arith.constant 9960 : i32
          %dma_start3A_335 = arith.constant 0 : i32
          %dma_start3A_336 = tpu.memref_slice %arg14[%dma_start3A_334, %dma_start3A_335] : memref<10008x128xf32, #tpu.memory_space<vmem_shared>> -> memref<40x128xf32, #tpu.memory_space<vmem_shared>>
          tpu.enqueue_dma source(%dma_start3A_336 : memref<40x128xf32, #tpu.memory_space<vmem_shared>>) target(%dma_start3A_333 : memref<40x128xf32, #tpu.memory_space<hbm>>) target_semaphore(%run_scoped3A : memref<!tpu.dma_semaphore, #tpu.memory_space<semaphore_mem>>)
          %dma_wait3A_337 = arith.constant 9960 : i32
          %dma_wait3A_338 = arith.constant 0 : i32
          %dma_wait3A_339 = tpu.memref_slice %arg6[%dma_wait3A_337, %dma_wait3A_338] : memref<10000x128xf32, #tpu.memory_space<hbm>> -> memref<40x128xf32, #tpu.memory_space<hbm>>
          %dma_wait3A_340 = arith.constant 9960 : i32
          %dma_wait3A_341 = arith.constant 0 : i32
          %dma_wait3A_342 = tpu.memref_slice %arg14[%dma_wait3A_340, %dma_wait3A_341] : memref<10008x128xf32, #tpu.memory_space<vmem_shared>> -> memref<40x128xf32, #tpu.memory_space<vmem_shared>>
          tpu.wait_dma2 semaphore(%run_scoped3A : memref<!tpu.dma_semaphore, #tpu.memory_space<semaphore_mem>>) src(%dma_wait3A_342 : memref<40x128xf32, #tpu.memory_space<vmem_shared>>) dst(%dma_wait3A_339 : memref<40x128xf32, #tpu.memory_space<hbm>>)
          tpu.yield
        }) : () -> ()
      } else {
      }
      %eq3A_326 = arith.constant 1 : i32
      %eq3A_327 = arith.cmpi eq, %arg1, %eq3A_326 : i32
      %convert_element_type3A_328 = arith.extui %eq3A_327 : i1 to i32
      %cond3A_329 = arith.constant 0 : i32
      %cond3A_330 = arith.cmpi ne, %convert_element_type3A_328, %cond3A_329 : i32
      scf.if %cond3A_330 {
        "tpu.region"() ({
          %run_scoped3A = tpu.sem_alloc : memref<!tpu.dma_semaphore, #tpu.memory_space<semaphore_mem>>
          tpu.enqueue_dma source(%arg15 : memref<10008xf32, #tpu.memory_space<vmem_shared>>) target(%arg8 : memref<10008xf32, #tpu.memory_space<hbm>>) target_semaphore(%run_scoped3A : memref<!tpu.dma_semaphore, #tpu.memory_space<semaphore_mem>>)
          tpu.wait_dma2 semaphore(%run_scoped3A : memref<!tpu.dma_semaphore, #tpu.memory_space<semaphore_mem>>) src(%arg15 : memref<10008xf32, #tpu.memory_space<vmem_shared>>) dst(%arg8 : memref<10008xf32, #tpu.memory_space<hbm>>)
          tpu.yield
        }) : () -> ()
      } else {
      }
    } else {
    }
    return
  }
}

module attributes {stable_mosaic.version = 14 : i64} {
  func.func @_proj_body(%arg0: memref<10000x128xf32, #tpu.memory_space<vmem>>, %arg1: memref<10000x128xf32, #tpu.memory_space<vmem>>, %arg2: memref<128x128xf32, #tpu.memory_space<vmem>>, %arg3: memref<1x128xf32, #tpu.memory_space<vmem>>, %arg4: memref<128x128xf32, #tpu.memory_space<vmem>>, %arg5: memref<1x128xf32, #tpu.memory_space<vmem>>, %arg6: memref<128x1xf32, #tpu.memory_space<vmem>>, %arg7: memref<128x1xf32, #tpu.memory_space<vmem>>, %arg8: memref<10008x128xf32, #tpu.memory_space<vmem>>, %arg9: memref<10000x1xf32, #tpu.memory_space<vmem>>) attributes {dimension_semantics = [], scalar_prefetch = 0 : i64, scratch_operands = 0 : i64, tpu.core_type = #tpu.core_type<tc>} {
    %get3A = arith.constant 0 : index
    %get3A_0 = arith.constant 0 : index
    %get3A_1 = vector.load %arg0[%get3A, %get3A_0] : memref<10000x128xf32, #tpu.memory_space<vmem>>, vector<10000x128xf32>
    %get3A_2 = arith.constant 0 : index
    %get3A_3 = arith.constant 0 : index
    %get3A_4 = vector.load %arg2[%get3A_2, %get3A_3] : memref<128x128xf32, #tpu.memory_space<vmem>>, vector<128x128xf32>
    %dot_general3A = arith.constant dense<0.000000e+00> : vector<10000x128xf32>
    %dot_general3A_5 = tpu.matmul %get3A_1, %get3A_4, %dot_general3A {dimension_numbers = #tpu.dot_dimension_numbers<[1], [0], [0], [1], [0, 0, 1, 1], [], []>, transpose_lhs_hint = false} : vector<10000x128xf32>, vector<128x128xf32>, vector<10000x128xf32> -> vector<10000x128xf32>
    %get3A_6 = arith.constant 0 : index
    %get3A_7 = arith.constant 0 : index
    %get3A_8 = vector.load %arg3[%get3A_6, %get3A_7] : memref<1x128xf32, #tpu.memory_space<vmem>>, vector<1x128xf32>
    %add3A = vector.broadcast %get3A_8 : vector<1x128xf32> to vector<10000x128xf32>
    %add3A_9 = arith.addf %dot_general3A_5, %add3A : vector<10000x128xf32>
    %get3A_10 = arith.constant 0 : index
    %get3A_11 = arith.constant 0 : index
    %get3A_12 = vector.load %arg1[%get3A_10, %get3A_11] : memref<10000x128xf32, #tpu.memory_space<vmem>>, vector<10000x128xf32>
    %get3A_13 = arith.constant 0 : index
    %get3A_14 = arith.constant 0 : index
    %get3A_15 = vector.load %arg4[%get3A_13, %get3A_14] : memref<128x128xf32, #tpu.memory_space<vmem>>, vector<128x128xf32>
    %dot_general3A_16 = arith.constant dense<0.000000e+00> : vector<10000x128xf32>
    %dot_general3A_17 = tpu.matmul %get3A_12, %get3A_15, %dot_general3A_16 {dimension_numbers = #tpu.dot_dimension_numbers<[1], [0], [0], [1], [0, 0, 1, 1], [], []>, transpose_lhs_hint = false} : vector<10000x128xf32>, vector<128x128xf32>, vector<10000x128xf32> -> vector<10000x128xf32>
    %get3A_18 = arith.constant 0 : index
    %get3A_19 = arith.constant 0 : index
    %get3A_20 = vector.load %arg5[%get3A_18, %get3A_19] : memref<1x128xf32, #tpu.memory_space<vmem>>, vector<1x128xf32>
    %add3A_21 = vector.broadcast %get3A_20 : vector<1x128xf32> to vector<10000x128xf32>
    %add3A_22 = arith.addf %dot_general3A_17, %add3A_21 : vector<10000x128xf32>
    %get3A_23 = arith.constant 0 : index
    %get3A_24 = arith.constant 0 : index
    %get3A_25 = vector.load %arg6[%get3A_23, %get3A_24] : memref<128x1xf32, #tpu.memory_space<vmem>>, vector<128x1xf32>
    %dot_general3A_26 = arith.constant dense<0.000000e+00> : vector<10000x1xf32>
    %dot_general3A_27 = tpu.matmul %add3A_9, %get3A_25, %dot_general3A_26 {dimension_numbers = #tpu.dot_dimension_numbers<[1], [0], [0], [1], [0, 0, 1, 1], [], []>, transpose_lhs_hint = false} : vector<10000x128xf32>, vector<128x1xf32>, vector<10000x1xf32> -> vector<10000x1xf32>
    %get3A_28 = arith.constant 0 : index
    %get3A_29 = arith.constant 0 : index
    %get3A_30 = vector.load %arg7[%get3A_28, %get3A_29] : memref<128x1xf32, #tpu.memory_space<vmem>>, vector<128x1xf32>
    %dot_general3A_31 = arith.constant dense<0.000000e+00> : vector<10000x1xf32>
    %dot_general3A_32 = tpu.matmul %add3A_22, %get3A_30, %dot_general3A_31 {dimension_numbers = #tpu.dot_dimension_numbers<[1], [0], [0], [1], [0, 0, 1, 1], [], []>, transpose_lhs_hint = false} : vector<10000x128xf32>, vector<128x1xf32>, vector<10000x1xf32> -> vector<10000x1xf32>
    %add3A_33 = arith.addf %dot_general3A_27, %dot_general3A_32 : vector<10000x1xf32>
    %ge3A = arith.constant 0.000000e+00 : f32
    %ge3A_34 = vector.broadcast %ge3A : f32 to vector<10000x1xf32>
    %ge3A_35 = arith.cmpf oge, %add3A_33, %ge3A_34 : vector<10000x1xf32>
    %mul3A = arith.constant 2.000000e-01 : f32
    %mul3A_36 = vector.broadcast %mul3A : f32 to vector<10000x1xf32>
    %mul3A_37 = arith.mulf %mul3A_36, %add3A_33 : vector<10000x1xf32>
    %select_n3A = arith.select %ge3A_35, %add3A_33, %mul3A_37 : vector<10000x1xi1>, vector<10000x1xf32>
    %reduce_max3A = vector.shape_cast %select_n3A : vector<10000x1xf32> to vector<1x10000x1xf32>
    %reduce_max3A_38 = arith.constant dense<0xFF800000> : vector<1xf32>
    %reduce_max3A_39 = vector.multi_reduction <maximumf>, %reduce_max3A, %reduce_max3A_38 [1, 2] : vector<1x10000x1xf32> to vector<1xf32>
    %reduce_max3A_40 = vector.shape_cast %reduce_max3A_39 : vector<1xf32> to vector<1x1x1xf32>
    %reduce_max3A_41 = vector.extract %reduce_max3A_40[0, 0, 0] : f32 from vector<1x1x1xf32>
    %sub3A = vector.broadcast %reduce_max3A_41 : f32 to vector<10000x1xf32>
    %sub3A_42 = arith.subf %select_n3A, %sub3A : vector<10000x1xf32>
    %exp3A = math.exp %sub3A_42 : vector<10000x1xf32>
    %mul3A_43 = vector.broadcast %exp3A : vector<10000x1xf32> to vector<10000x128xf32>
    %mul3A_44 = arith.mulf %add3A_9, %mul3A_43 : vector<10000x128xf32>
    %swap3A = arith.constant 0 : index
    %swap3A_45 = arith.constant 0 : index
    %swap3A_46 = vector.load %arg8[%swap3A, %swap3A_45] : memref<10008x128xf32, #tpu.memory_space<vmem>>, vector<10000x128xf32>
    tpu.vector_store %arg8[%swap3A, %swap3A_45], %mul3A_44 {strides = array<i32>} : memref<10008x128xf32, #tpu.memory_space<vmem>>, vector<10000x128xf32>,
    %broadcast_in_dim3A = arith.constant 0.000000e+00 : f32
    %broadcast_in_dim3A_47 = vector.broadcast %broadcast_in_dim3A : f32 to vector<8x128xf32>
    %swap3A_48 = arith.constant 10000 : index
    %swap3A_49 = arith.constant 0 : index
    %swap3A_50 = vector.load %arg8[%swap3A_48, %swap3A_49] : memref<10008x128xf32, #tpu.memory_space<vmem>>, vector<8x128xf32>
    tpu.vector_store %arg8[%swap3A_48, %swap3A_49], %broadcast_in_dim3A_47 {strides = array<i32>} : memref<10008x128xf32, #tpu.memory_space<vmem>>, vector<8x128xf32>,
    %swap3A_51 = arith.constant 0 : index
    %swap3A_52 = arith.constant 0 : index
    %swap3A_53 = vector.load %arg9[%swap3A_51, %swap3A_52] : memref<10000x1xf32, #tpu.memory_space<vmem>>, vector<10000x1xf32>
    tpu.vector_store %arg9[%swap3A_51, %swap3A_52], %exp3A {strides = array<i32>} : memref<10000x1xf32, #tpu.memory_space<vmem>>, vector<10000x1xf32>,
    return
  }
}

module attributes {stable_mosaic.version = 14 : i64} {
  func.func @_combine_body(%arg0: memref<10000x128xf32, #tpu.memory_space<vmem>>, %arg1: memref<10000x128xf32, #tpu.memory_space<vmem>>, %arg2: memref<1x10000xf32, #tpu.memory_space<vmem>>, %arg3: memref<1x10000xf32, #tpu.memory_space<vmem>>, %arg4: memref<10000x1xf32, #tpu.memory_space<vmem>>, %arg5: memref<1x128xf32, #tpu.memory_space<vmem>>, %arg6: memref<10000x128xf32, #tpu.memory_space<vmem>>) attributes {dimension_semantics = [], scalar_prefetch = 0 : i64, scratch_operands = 0 : i64, tpu.core_type = #tpu.core_type<tc>} {
    %get3A = arith.constant 0 : index
    %get3A_0 = arith.constant 0 : index
    %get3A_1 = vector.load %arg2[%get3A, %get3A_0] : memref<1x10000xf32, #tpu.memory_space<vmem>>, vector<1x10000xf32>
    %get3A_2 = arith.constant 0 : index
    %get3A_3 = arith.constant 0 : index
    %get3A_4 = vector.load %arg3[%get3A_2, %get3A_3] : memref<1x10000xf32, #tpu.memory_space<vmem>>, vector<1x10000xf32>
    %add3A = arith.addf %get3A_1, %get3A_4 : vector<1x10000xf32>
    %get3A_5 = arith.constant 0 : index
    %get3A_6 = arith.constant 0 : index
    %get3A_7 = vector.load %arg4[%get3A_5, %get3A_6] : memref<10000x1xf32, #tpu.memory_space<vmem>>, vector<10000x1xf32>
    %dot_general3A = arith.constant dense<0.000000e+00> : vector<1x1xf32>
    %dot_general3A_8 = tpu.matmul %add3A, %get3A_7, %dot_general3A {dimension_numbers = #tpu.dot_dimension_numbers<[1], [0], [0], [1], [0, 0, 1, 1], [], []>, transpose_lhs_hint = false} : vector<1x10000xf32>, vector<10000x1xf32>, vector<1x1xf32> -> vector<1x1xf32>
    %get3A_9 = arith.constant 0 : index
    %get3A_10 = arith.constant 0 : index
    %get3A_11 = vector.load %arg0[%get3A_9, %get3A_10] : memref<10000x128xf32, #tpu.memory_space<vmem>>, vector<10000x128xf32>
    %get3A_12 = arith.constant 0 : index
    %get3A_13 = arith.constant 0 : index
    %get3A_14 = vector.load %arg1[%get3A_12, %get3A_13] : memref<10000x128xf32, #tpu.memory_space<vmem>>, vector<10000x128xf32>
    %add3A_15 = arith.addf %get3A_11, %get3A_14 : vector<10000x128xf32>
    %div3A = arith.constant 1.000000e+00 : f32
    %div3A_16 = vector.broadcast %div3A : f32 to vector<1x1xf32>
    %div3A_17 = arith.divf %div3A_16, %dot_general3A_8 : vector<1x1xf32>
    %mul3A = vector.broadcast %div3A_17 : vector<1x1xf32> to vector<10000x128xf32>
    %mul3A_18 = arith.mulf %add3A_15, %mul3A : vector<10000x128xf32>
    %get3A_19 = arith.constant 0 : index
    %get3A_20 = arith.constant 0 : index
    %get3A_21 = vector.load %arg5[%get3A_19, %get3A_20] : memref<1x128xf32, #tpu.memory_space<vmem>>, vector<1x128xf32>
    %add3A_22 = vector.broadcast %get3A_21 : vector<1x128xf32> to vector<10000x128xf32>
    %add3A_23 = arith.addf %mul3A_18, %add3A_22 : vector<10000x128xf32>
    %swap3A = arith.constant 0 : index
    %swap3A_24 = arith.constant 0 : index
    %swap3A_25 = vector.load %arg6[%swap3A, %swap3A_24] : memref<10000x128xf32, #tpu.memory_space<vmem>>, vector<10000x128xf32>
    tpu.vector_store %arg6[%swap3A, %swap3A_24], %add3A_23 {strides = array<i32>} : memref<10000x128xf32, #tpu.memory_space<vmem>>, vector<10000x128xf32>,
    return
  }
}

</mosaic_0001>

<sc_bundles>
// kernel: kernel.5.cloned.1.call-start
scs
__scs_entry_jumppad:
0x0: {  	(pc) =	sbr.rel $0x88, $3  }
0x1: {  	(tag) =	ssettag $0x0;
	lr =	simm.s32 $0x1  }
0x2: {  	[smem:$0x3F97] =	sst lr;
	_ =	strace $0xD0000000  }
0x3: {  	_ = 	snop  }
0x4: {  	_ = 	snop  }
0x5: {  	_ = 	snop  }
0x6: {  	_ = 	snop  }
0x7: {  	_ = 	snop  }
__scs_overlays_trampoline_lowered:
0x8: {  	[smem:$0x3FA6] =	sst s0  }
0x9: {  	[smem:$0x3FA7] =	sst s1  }
0xa: {  	[smem:$0x3FA8] =	sst s2  }
0xb: {  	[smem:$0x3FA9] =	sst s3  }
0xc: {  	[smem:$0x3FAA] =	sst s4  }
0xd: {  	[smem:$0x3FAB] =	sst s5  }
0xe: {  	[smem:$0x3FAC] =	sst s6  }
0xf: {  	[smem:$0x3FAD] =	sst s7  }
0x10: {  	[smem:$0x3FAE] =	sst s8  }
0x11: {  	[smem:$0x3FAF] =	sst s9;
	s0 =	simm.s32 @!p0 $0x0  }
0x12: {  	s1 =	sld [smem:$0x3F95];
	s0 =	simm.s32 @p0 $0x1  }
0x13: {  	[smem:$0x3FB0] =	sst s0;
	s0 =	simm.s32 @!p1 $0x0  }
0x14: {  	s2 =	sld [smem:$0x3F94];
	s0 =	simm.s32 @p1 $0x1  }
0x15: {  	[smem:$0x3FB1] =	sst s0;
	s0 =	simm.s32 @!p2 $0x0  }
0x16: {  	s3 =	sld [smem:$0x3FDB];
	s0 =	simm.s32 @p2 $0x1  }
0x17: {  	s4 =	simm.s32 $0x1BF5;
	[smem:$0x3FB3] =	sst s0  }
0x18: {  	s0 =	sld [smem:$0x3F96];
	_ =	swait.ge [sflag:s4], $0x0  }
0x19: {  	s7 =	sld [smem:$0x3F97]  }
0x1a: {  	s8 =	sadd.s32 $0xFFFFE003, lr  }
0x1b: {  	s9 =	sadd.s32 $0xFFFFFEF7, lr;
	s5 =	simm.s32 $0xFFFFFFFF;
	p2 =	slt.u32 s8, $0xFFFFF086  }
0x1c: {  	p1 =	slt.u32 s9, $0xF7A;
	s5 =	simm.s32 @!p2 $0x0  }
0x1d: {  	s5 =	simm.s32 @p1 $0x1;
	p0 =	seq.s32 s7, s2  }
0x1e: {  	s7 =	smul.u32 @!p0 $0xF7A, s2;
	p2 =	seq.s32 @!p0 s5, $0x0  }
0x1f: {  	s9 =	smul.u32 $0xF7A, s1;
	s8 =	simm.s32 @!p0 $0x1BF5;
	p2 =	por !p2, p0  }
0x20: {  	[sflag:s8] =	ssyncset.s32 @!p0 $0xFFFFF086;
	s6 =	sadd.s32 @!p0 s3, s7;
	s7 =	simm.s32 @!p0 $0x108  }
0x21: {  	s3 =	sadd.s32 s3, s9;
	s6 =	sadd.s32 @!p0 $0x88, s6;
	s7 =	simm.s32 @p2 $0x1082  }
0x22: {  	[simem:s7], [sflag:s8] =	dma.local @!p0 [hbm:s6], $0xF7A  }
0x23: {  	s9 =	sor.u32 $0xD0000000, s2;
	s6 =	simm.s32 $0x108;
	_ =	swait.ge @!p0 [sflag:s8], $0x0  }
0x24: {  	s3 =	sadd.s32 $0x88, s3;
	s6 =	simm.s32 @!p1 $0x1082;
	[sflag:s4] =	ssyncset.s32 $0xFFFFF086  }
0x25: {  	[simem:s6], [sflag:s4] =	dma.local [hbm:s3], $0xF7A  }
0x26: {  	[smem:$0x3F97] =	sst s1;
	(tag) =	ssettag s2;
	_ =	strace s9  }
0x27: {  	s1 =	sld [smem:$0x3FA7]  }
0x28: {  	s2 =	sld [smem:$0x3FA8]  }
0x29: {  	s4 =	sld [smem:$0x3FAA]  }
0x2a: {  	p0 =	seq.s32 s5, $0x0;
	s5 =	sld [smem:$0x3FAB]  }
0x2b: {  	s6 =	sld [smem:$0x3FAC]  }
0x2c: {  	s7 =	sld [smem:$0x3FAD]  }
0x2d: {  	s3 =	simm.s32 $0x108;
	s8 =	sld [smem:$0x3FAE]  }
0x2e: {  	s3 =	simm.s32 @!p0 $0x1082;
	s9 =	sld [smem:$0x3FAF]  }
0x2f: {  	lr =	sadd.s32 s0, s3;
	s0 =	sld [smem:$0x3FA6]  }
0x30: {  	s3 =	sld [smem:$0x3FA9]  }
0x31: {  	[smem:$0x3FB2] =	sst s10  }
0x32: {  	s10 =	sld [smem:$0x3FB0];
	_ =	sdelay $0x3  }
0x33: {  	p0 =	seq.s32 s10, $0x1;
	s10 =	sld [smem:$0x3FB2];
	_ =	sdelay $0x3  }
0x34: {  	[smem:$0x3FB2] =	sst s10  }
0x35: {  	s10 =	sld [smem:$0x3FB1];
	_ =	sdelay $0x3  }
0x36: {  	p1 =	seq.s32 s10, $0x1;
	s10 =	sld [smem:$0x3FB2];
	_ =	sdelay $0x3  }
0x37: {  	[smem:$0x3FB2] =	sst s10  }
0x38: {  	s10 =	sld [smem:$0x3FB3]  }
0x39: {  	_ = 	snop;
	(pc) =	sbr.ind lr, $3  }
0x3a: {  	_ = 	snop  }
0x3b: {  	_ = 	snop  }
0x3c: {  	p2 =	seq.s32 s10, $0x1;
	s10 =	sld [smem:$0x3FB2]  }
0x3d: {  	_ =	shalt  }
0x3e: {  	_ =	shalt  }
0x3f: {  	_ =	shalt  }
0x40: {  	_ =	shalt  }
0x41: {  	_ =	shalt  }
0x42: {  	_ =	shalt  }
0x43: {  	_ =	shalt  }
0x44: {  	_ =	shalt  }
0x45: {  	_ =	shalt  }
0x46: {  	_ =	shalt  }
0x47: {  	_ =	shalt  }
0x48: {  	_ =	shalt  }
0x49: {  	_ =	shalt  }
0x4a: {  	_ =	shalt  }
0x4b: {  	_ =	shalt  }
0x4c: {  	_ =	shalt  }
0x4d: {  	_ =	shalt  }
0x4e: {  	_ =	shalt  }
0x4f: {  	_ =	shalt  }
0x50: {  	_ =	shalt  }
0x51: {  	_ =	shalt  }
0x52: {  	_ =	shalt  }
0x53: {  	_ =	shalt  }
0x54: {  	_ =	shalt  }
0x55: {  	_ =	shalt  }
0x56: {  	_ =	shalt  }
0x57: {  	_ =	shalt  }
0x58: {  	_ =	shalt  }
0x59: {  	_ =	shalt  }
0x5a: {  	_ =	shalt  }
0x5b: {  	_ =	shalt  }
0x5c: {  	_ =	shalt  }
0x5d: {  	_ =	shalt  }
0x5e: {  	_ =	shalt  }
0x5f: {  	_ =	shalt  }
0x60: {  	_ =	shalt  }
0x61: {  	_ =	shalt  }
0x62: {  	_ =	shalt  }
0x63: {  	_ =	shalt  }
0x64: {  	_ =	shalt  }
0x65: {  	_ =	shalt  }
0x66: {  	_ =	shalt  }
0x67: {  	_ =	shalt  }
0x68: {  	_ =	shalt  }
0x69: {  	_ =	shalt  }
0x6a: {  	_ =	shalt  }
0x6b: {  	_ =	shalt  }
0x6c: {  	_ =	shalt  }
0x6d: {  	_ =	shalt  }
0x6e: {  	_ =	shalt  }
0x6f: {  	_ =	shalt  }
0x70: {  	_ =	shalt  }
0x71: {  	_ =	shalt  }
0x72: {  	_ =	shalt  }
0x73: {  	_ =	shalt  }
0x74: {  	_ =	shalt  }
0x75: {  	_ =	shalt  }
0x76: {  	_ =	shalt  }
0x77: {  	_ =	shalt  }
0x78: {  	_ =	shalt  }
0x79: {  	_ =	shalt  }
0x7a: {  	_ =	shalt  }
0x7b: {  	_ =	shalt  }
0x7c: {  	_ =	shalt  }
0x7d: {  	_ =	shalt  }
0x7e: {  	_ =	shalt  }
0x7f: {  	_ =	shalt  }
0x80: {  	_ =	shalt  }
0x81: {  	_ =	shalt  }
0x82: {  	_ =	shalt  }
0x83: {  	_ =	shalt  }
0x84: {  	_ =	shalt  }
0x85: {  	_ =	shalt  }
0x86: {  	_ =	shalt  }
0x87: {  	_ =	shalt  }
.Lfunc_end0:
.L_simem_size_0:
called_computation_lowered:
.L_overlay_start_0:
0x88: {  	s2 =	sld [smem:$0x3FD9]  }
0x89: {  	s3 =	sld [smem:$0x3FFE];
	_ =	sdelay $0x1  }
0x8a: {  	s1 =	srdreg.scid  }
0x8b: {  	s0 =	sand.u32 $0x1, s1  }
0x8c: {  	s14 =	sshll.u32 s0, $0xA;
	s2 =	sadd.s32 s3, s2  }
0x8d: {  	s2 =	sadd.s32 s2, s14  }
0x8e: {  	[smem:$0x3FBE] =	sst s2  }
0x8f: {  	_ = 	snop  }
0x90: {  	s2 =	sld [smem:$0x3FD0];
	_ =	sdelay $0x2  }
0x91: {  	s15 =	simm.s32 $0xA;
	s4 =	simm.s32 $0x10  }
0x92: {  	[smem:s4], [sflag:s15] =	dma.local [hbm:s2], $0x1  }
0x93: {  	_ =	swait.eq [sflag:s15], $0x1  }
0x94: {  	[sflag:s15] =	ssyncset.done $0x0  }
0x95: {  	s16 =	sld [smem:$0x10];
	[sflag:s15] =	ssyncadd.s32 $0xFFFFFFFF  }
0x96: {  	s17 =	sld [smem:$0x11];
	(tm) =	ssettm $0x1  }
0x97: {  	s18 =	sld [smem:$0x3FFB];
	_ =	sdelay $0x3  }
0x98: {  	_ =	strace s18  }
0x99: {  	s4 =	sld [smem:$0x3FFC];
	_ =	sdelay $0x3  }
0x9a: {  	_ =	strace s4  }
0x9b: {  	s4 =	sld [smem:$0x3FFD];
	_ =	sdelay $0x3  }
0x9c: {  	_ =	strace s4  }
0x9d: {  	_ =	strace $0x8FFFFFFF  }
0x9e: {  	s19 =	sld [smem:$0x3FDB];
	_ =	sdelay $0x1  }
0x9f: {  	s5 =	simm.s32 $_scs_section_size  }
0xa0: {  	s6 =	simm.s32 $_size__tile_overlayer_lowered;
	s7 =	simm.s32 $_tile_overlayer_lowered  }
0xa1: {  	s22 =	simm.s32 $0x1BFF;
	s21 =	sshll.u32 s7, $0x1;
	s4 =	sadd.s32 s5, s19  }
0xa2: {  	s8 =	simm.s32 $0x0;
	s20 =	sshll.u32 s6, $0x1;
	s6 =	sadd.s32 s21, s4  }
0xa3: {  	[timem:s8], [sflag:s22] =	dma.local [hbm:s6], s20  }
0xa4: {  	_ =	swait.ge [sflag:s22], s20  }
0xa5: {  	s5 =	ssub.s32 $0x0, s20;
	[sflag:s22] =	ssyncset.done $0x0  }
0xa6: {  	[sflag:s22] =	ssyncadd.s32 s5;
	_ =	sdelay $0x1  }
0xa7: {  	s23 =	simm.s32 $0x1B8B  }
0xa8: {  	_ =	swait.ge [sflag:s23], $0x1  }
0xa9: {  	[sflag:s23] =	ssyncset.done $0x0  }
0xaa: {  	s25 =	simm.s32 $0x1B8E;
	s24 =	sld [smem:$0x3FFE];
	[sflag:s23] =	ssyncadd.s32 $0xFFFFFFFF  }
0xab: {  	s26 =	simm.s32 $execute0_lowered;
	[smem:$0x3FD2] =	sst s25  }
0xac: {  	s6 =	sshll.u32 s26, $0x1;
	_ =	strace $0x80000046;
	[dreg:$0x1] =	wrdreg $0xFFFFFFFF  }
0xad: {  	s28 =	simm.s32 $_size_execute0_lowered;
	s4 =	sadd.s32 s4, s6;
	[dreg:$0x0] =	wrdreg $0x0  }
0xae: {  	s6 =	sshll.u32 s28, $0x1;
	[dreg:$0x2] =	wrdreg s4  }
0xaf: {  	[dreg:$0x3] =	wrdreg s6  }
0xb0: {  	[dreg:$0x4] =	wrdreg $0xC0  }
0xb1: {  	_ =	task [dreg:s8], $0x5FFFF  }
0xb2: {  	[dreg:$0x1] =	wrdreg $0xFFFFFFFF  }
0xb3: {  	[dreg:$0x0] =	wrdreg $0x60  }
0xb4: {  	[dreg:$0x2] =	wrdreg s24  }
0xb5: {  	[dreg:$0x3] =	wrdreg s17  }
0xb6: {  	[dreg:$0x4] =	wrdreg s16  }
0xb7: {  	[dreg:$0x5] =	wrdreg $0xB9000  }
0xb8: {  	[dreg:$0x6] =	wrdreg $0x1F1C00  }
0xb9: {  	[dreg:$0x7] =	wrdreg $0x9  }
0xba: {  	_ =	task.clear_ibuf [dreg:s8], $0x8FFFF;
	_ =	strace $0x90000046  }
0xbb: {  	s29 =	simm.s32 $0x9;
	_ =	strace $0x80000048  }
0xbc: {  	_ =	swait.ge [sflag:s29], $0x1  }
0xbd: {  	[sflag:s29] =	ssyncadd.s32 $0xFFFFFFFF  }
0xbe: {  	_ =	strace $0x90000048  }
0xbf: {  	_ =	sfence  }
0xc0: {  	s30 =	sld [smem:$0x0];
	_ =	sdelay $0x2  }
0xc1: {  	s31 =	sshll.u32 s1, $0xD;
	s1 =	sshrl.u32 s1, $0x2  }
0xc2: {  	s3 =	sand.u32 $0x4000, s31;
	s1 =	sadd.s32 s1, s30  }
0xc3: {  	s0 =	sor.u32 s3, s0;
	s1 =	sshll.u32 s1, $0x11  }
0xc4: {  	s0 =	sor.u32 s1, s0  }
0xc5: {  	s0 =	sadd.s32 $0x8F2B, s0  }
0xc6: {  	[sflag:s0] =	ssyncadd.remote.s32 $0x1  }
0xc7: {  	_ =	sfence.sel $0xFFFF  }
0xc8: {  	[dreg:$0x0] =	wrdreg $0xFFFFFFFF;
	(pc) =	sbr.abs _section_cstart, $3  }
0xc9: {  	[dreg:$0x1] =	wrdreg $0xFFFFFFFF  }
0xca: {  	_ =	task.clear_ibuf [dreg:s8], $0x2FFFF;
	_ =	strace $0x9FFFFFFF  }
0xcb: {  	(tm) =	ssettm $0x7FFFFFFF  }
tec
execute0_lowered:
.L_overlay_start_1:
0x0: {  	(tag) =	ssettag $0x1  }
0x1: {  	s0 =	rddreg [dreg:$0x0]  }
0x2: {  	s4 =	rddreg [dreg:$0x1]  }
0x3: {  	s5 =	rddreg [dreg:$0x2]  }
0x4: {  	s1 =	rddreg [dreg:$0x3]  }
0x5: {  	s2 =	rddreg [dreg:$0x4];
	s3 =	simm.s32 $0x0  }
0x6: {  	s6 =	srdreg.scid;
	s12 =	stileid.u32;
	s28 =	simm.s32 $0xB880  }
0x7: {  	s29 =	simm.s32 $0x9;
	s30 =	simm.s32 $0x78;
	[smem:$0x7FF] =	sst s3  }
0x8: {  	s6 =	sand.u32 $0x1, s6;
	s7 =	sshll.u32 s12, $0x1;
	s13 =	sadd.s32 $0x2800, s0  }
0x9: {  	s14 =	sadd.s32 $0xC600, s0;
	s15 =	sadd.s32 $0x3D600, s0;
	s17 =	smul.u32 $0x4EC0, s12  }
0xa: {  	s16 =	ssub.s32 $0x62, s12;
	s19 =	ssub.s32 $0x5D, s12;
	s22 =	smul.u32 $0x780, s12  }
0xb: {  	s21 =	sshll.u32 s12, $0x7;
	s23 =	sadd.s32 $0x26E80, s4;
	s24 =	smul.u32 $0xF000, s12  }
0xc: {  	p2 =	seq.s32 s12, $0x1;
	p1 =	sne.s32 s12, $0x0;
	p3 =	sne.s32 s12, $0x1  }
0xd: {  	s31 =	sadd.s32 $0x137400, s1;
	_ =	strace $0x80000047;
	s8 =	sor.u32 s6, s7  }
0xe: {  	s9 =	ssub.s32 $0x2, s6;
	s7 =	sadd.s32 $0x16400, s0;
	[dreg:$0x8] =	wrdreg s15  }
0xf: {  	s0 =	sadd.s32 $0x3DC00, s0;
	s18 =	sshrl.u32 s16, $0x4;
	[dreg:$0x13] =	wrdreg s23  }
0x10: {  	s20 =	smul.u32 $0x2760, s6;
	p0 =	seq.s32 s6, $0x1;
	[dreg:$0x6] =	wrdreg s13  }
0x11: {  	[dreg:$0x7] =	wrdreg s14;
	p4 =	sne.s32 @!p2 s12, $0x0;
	s12 =	simm.s32 $0x200  }
0x12: {  	[smem:$0x7FD] =	sst s31;
	s10 =	smul.u32 $0x4EC, s8;
	s11 =	sshrl.u32 s9, $0x1  }
0x13: {  	s8 =	smul.u32 $0x2760, s8;
	[dreg:$0x9] =	wrdreg s0;
	s4 =	sadd.s32 s22, s4  }
0x14: {  	p4 =	por p4, p2;
	[dreg:$0x10] =	wrdreg s18;
	s0 =	ssub.s32 s9, s11  }
0x15: {  	s6 =	sadd.s32 s20, s17;
	[dreg:$0x14] =	wrdreg s4;
	s25 =	sadd.s32 s14, s10  }
0x16: {  	s26 =	sadd.s32 $0x78, s8;
	s8 =	sshrl.u32 s8, $0x3;
	s10 =	sadd.s32 s13, s10  }
0x17: {  	s0 =	smax.u32 s0, $0x1;
	s16 =	sadd.s32 $0x4B0, s6;
	[dreg:$0xa] =	wrdreg s25  }
0x18: {  	s23 =	sadd.s32 $0x3C0, s6;
	[dreg:$0xb] =	wrdreg s10;
	s9 =	sshrl.u32 s26, $0x3  }
0x19: {  	s8 =	sadd.s32 $0x1E, s8;
	s25 =	sadd.s32 s22, s5;
	[dreg:$0x17] =	wrdreg s0  }
0x1a: {  	s26 =	sadd.s32 $0x26E80, s5;
	s5 =	sadd.s32 $0x690, s6;
	[dreg:$0x15] =	wrdreg s25  }
0x1b: {  	s10 =	sadd.s32 $0x618, s6;
	s11 =	sadd.s32 s14, s9;
	[dreg:$0x16] =	wrdreg s26  }
0x1c: {  	s17 =	sshrl.u32 s16, $0x3;
	s9 =	sadd.s32 s13, s9;
	[dreg:$0xc] =	wrdreg s11  }
0x1d: {  	s16 =	sadd.s32 $0x258, s6;
	s15 =	sadd.s32 s14, s8;
	[dreg:$0xd] =	wrdreg s9  }
0x1e: {  	s8 =	sadd.s32 s13, s8;
	s4 =	sshrl.u32 s5, $0x3;
	[dreg:$0xe] =	wrdreg s15  }
0x1f: {  	s0 =	sshrl.u32 s10, $0x3;
	s20 =	sadd.s32 s17, s13;
	[dreg:$0xf] =	wrdreg s8  }
0x20: {  	s26 =	sadd.s32 $0x348, s6;
	s8 =	sshrl.u32 s19, $0x4;
	[dreg:$0x1f] =	wrdreg s20  }
0x21: {  	s5 =	simm.s32 $0x80;
	s9 =	sadd.s32 s4, s13;
	[dreg:$0x11] =	wrdreg s8  }
0x22: {  	s4 =	sadd.s32 s4, s14;
	s11 =	sadd.s32 $0x528, s6;
	[dreg:$0x19] =	wrdreg s9  }
0x23: {  	s15 =	sadd.s32 s0, s13;
	s0 =	sadd.s32 s0, s14;
	[dreg:$0x1a] =	wrdreg s4  }
0x24: {  	s20 =	sadd.s32 $0x1E0, s6;
	s8 =	sadd.s32 s21, s2;
	[dreg:$0x1b] =	wrdreg s15  }
0x25: {  	s4 =	sshrl.u32 s11, $0x3;
	[dreg:$0x1c] =	wrdreg s0;
	s21 =	sadd.s32 $0x438, s6  }
0x26: {  	s0 =	sadd.s32 s17, s14;
	s11 =	sadd.s32 $0x2D0, s6;
	[dreg:$0x12] =	wrdreg s8  }
0x27: {  	s8 =	sshrl.u32 s24, $0x2;
	s19 =	sadd.s32 s4, s13;
	[smem:$0x7EC] =	sst s0  }
0x28: {  	s4 =	sadd.s32 s4, s14;
	s22 =	sshrl.u32 s21, $0x3;
	[dreg:$0x1d] =	wrdreg s19  }
0x29: {  	s15 =	sshrl.u32 s11, $0x3;
	s21 =	sadd.s32 $0x5A0, s6;
	[dreg:$0x1e] =	wrdreg s4  }
0x2a: {  	s24 =	sadd.s32 s8, s1;
	s25 =	sadd.s32 s22, s13;
	[smem:$0x7F7] =	sst s21  }
0x2b: {  	s4 =	sshrl.u32 s23, $0x3;
	s0 =	sadd.s32 s22, s14;
	[smem:$0x7ED] =	sst s25  }
0x2c: {  	s8 =	sshrl.u32 s26, $0x3;
	s17 =	sadd.s32 s15, s13;
	[smem:$0x7EE] =	sst s0  }
0x2d: {  	s19 =	sshrl.u32 s16, $0x3;
	s26 =	sadd.s32 $0x2700, s2;
	[smem:$0x7F3] =	sst s17  }
0x2e: {  	s22 =	sadd.s32 $0x168, s6;
	s16 =	simm.s32 $0x280;
	[smem:$0x7FC] =	sst s26  }
0x2f: {  	s9 =	sadd.s32 s4, s13;
	s4 =	sadd.s32 s4, s14;
	[dreg:$0x18] =	wrdreg s24  }
0x30: {  	s10 =	sadd.s32 s8, s13;
	s0 =	sadd.s32 s8, s14;
	[smem:$0x7EF] =	sst s9  }
0x31: {  	s25 =	sshrl.u32 s22, $0x3;
	s26 =	simm.s32 $0xA;
	[smem:$0x7F0] =	sst s4  }
0x32: {  	s22 =	simm.s32 $0x4000;
	s8 =	simm.s32 $0x0;
	[smem:$0x7F1] =	sst s10  }
0x33: {  	[smem:$0x7F2] =	sst s0;
	s0 =	sadd.s32 s15, s14;
	s4 =	sadd.s32 s19, s13  }
0x34: {  	s10 =	simm.s32 $0x7;
	s15 =	simm.s32 $0x6;
	[smem:$0x7F4] =	sst s0  }
0x35: {  	[smem:$0x7F5] =	sst s4;
	s0 =	sadd.s32 s19, s14;
	s4 =	sadd.s32 s25, s13  }
.Ltmp0:
0x36: {  	[smem:$0x7F6] =	sst s0;
	s0 =	sshrl.u32 s20, $0x3;
	(pc) =	sbr.rel .LBB2_1-.Ltmp0, $4  }
0x37: {  	[smem:$0x7FA] =	sst s4;
	s4 =	simm.s32 $0xB800;
	s23 =	sadd.s32 s0, s13  }
0x38: {  	s0 =	sadd.s32 s0, s14;
	s13 =	simm.s32 $0x5;
	[smem:$0x7F8] =	sst s23  }
0x39: {  	[smem:$0x7F9] =	sst s0;
	s0 =	sadd.s32 s25, s14;
	s25 =	simm.s32 $0x400  }
0x3a: {  	v0 =	vimm.f32 $0.0e+00;
	v1 =	vimm.f32 $1.000000000e+00;
	s14 =	simm.s32 $0x8;
	[smem:$0x7FB] =	sst s0;
	s0 =	simm.s32 $0x1  }
.LBB2_16:
0x3b: {  	[sflag:s26] =	ssyncset.done $0x0  }
0x3c: {  	s6 =	simm.s32 @p2 $0x1C4A;
	s9 =	rddreg [dreg:$0x9];
	[sflag:s26] =	ssyncadd.s32 $0xFFFFF880  }
0x3d: {  	[hbm:s9], [sflag:s6] =	dma.local @p2 [spmem:s19], $0x4F0  }
0x3e: {  	s6 =	simm.s32 @p2 $0xA  }
0x3f: {  	_ =	swait.ge @p2 [sflag:s6], $0x4F0  }
0x40: {  	[sflag:s6] =	ssyncset.done @p2 $0x0  }
0x41: {  	s9 =	rddreg [dreg:$0x16];
	[sflag:s6] =	ssyncadd.s32 @p2 $0xFFFFFB10;
	s6 =	simm.s32 @!p4 $0x1C0A  }
0x42: {  	[hbm:s9], [sflag:s6] =	dma.local @!p4 [spmem:s11], $0x280  }
0x43: {  	s6 =	simm.s32 @!p4 $0xA  }
0x44: {  	_ =	swait.ge @!p4 [sflag:s6], $0x280  }
0x45: {  	[sflag:s6] =	ssyncset.done @!p4 $0x0  }
0x46: {  	[sflag:s6] =	ssyncadd.s32 @!p4 $0xFFFFFD80  }
.LBB2_17:
0x47: {  	s8 =	sadd.s32 $0x1, s8;
	s6 =	rddreg [dreg:$0x17]  }
0x48: {  	p5 =	sne.s32 s8, s6  }
.Ltmp1:
0x49: {  	_ = 	snop;
	(pc) =	sbr.rel @!p5 .LBB2_18-.Ltmp1, $1  }
0x4a: {  	_ =	sdelay $0x3  }
.LBB2_1:
0x4b: {  	[smem:$0x7EB] =	sst s8;
	s21 =	simm.s32 $0x0;
	s23 =	simm.s32 $0x200  }
.LBB2_2:
0x4c: {  	p5 =	sne.s32 s23, $0xEE00;
	[tilespmem:s21+$0x470] =	vst v0  }
0x4d: {  	[tilespmem:s21+$0x400] =	vst v0  }
0x4e: {  	[tilespmem:s21+$0x410] =	vst v0  }
.Ltmp2:
0x4f: {  	[tilespmem:s21+$0x420] =	vst v0;
	(pc) =	sbr.rel @p5 .LBB2_2-.Ltmp2, $4  }
0x50: {  	[tilespmem:s21+$0x430] =	vst v0  }
0x51: {  	[tilespmem:s21+$0x440] =	vst v0  }
0x52: {  	[tilespmem:s21+$0x450] =	vst v0  }
0x53: {  	[tilespmem:s21+$0x460] =	vst v0;
	s21 =	sshra.s32 s23, $0x2;
	s23 =	sadd.s32 $0x200, s23  }
0x54: {  	[tilespmem:s21+$0x470] =	vst v0  }
0x55: {  	[tilespmem:s21+$0x400] =	vst v0  }
0x56: {  	[tilespmem:s21+$0x410] =	vst v0  }
0x57: {  	[tilespmem:s21+$0x420] =	vst v0  }
0x58: {  	[tilespmem:s21+$0x430] =	vst v0  }
0x59: {  	[tilespmem:s21+$0x440] =	vst v0  }
0x5a: {  	[tilespmem:s21+$0x450] =	vst v0  }
0x5b: {  	[tilespmem:s21+$0x460] =	vst v0  }
0x5c: {  	[tilespmem:$0xB880] =	vst v0  }
0x5d: {  	[tilespmem:$0xB890] =	vst v0  }
0x5e: {  	[tilespmem:$0xB8A0] =	vst v0  }
0x5f: {  	[tilespmem:$0xB8B0] =	vst v0  }
0x60: {  	[tilespmem:$0xB8C0] =	vst v0  }
0x61: {  	[tilespmem:$0xB8D0] =	vst v0  }
0x62: {  	[tilespmem:$0xB8E0] =	vst v0  }
0x63: {  	[tilespmem:$0xB8F0] =	vst v0  }
0x64: {  	[tilespmem:$0xB800] =	vst v1  }
0x65: {  	[tilespmem:$0xB810] =	vst v1  }
0x66: {  	[tilespmem:$0xB820] =	vst v1  }
0x67: {  	[tilespmem:$0xB830] =	vst v1  }
0x68: {  	[tilespmem:$0xB840] =	vst v1  }
0x69: {  	[tilespmem:$0xB850] =	vst v1  }
0x6a: {  	[tilespmem:$0xB860] =	vst v1  }
0x6b: {  	s6 =	rddreg [dreg:$0xa];
	[tilespmem:$0xB870] =	vst v1  }
0x6c: {  	[tilespmem:s3], [sflag:$0x9] =	stream.linear.gather [hbm4b:s6+s3], $0x78, $0x38;
	[tilespmem:$0x1F438] =	vst v63  }
0x6d: {  	s17 =	rddreg [dreg:$0xb]  }
0x6e: {  	[tilespmem:s12], [sflag:$0x9] =	stream.linear.gather [hbm4b:s17+s3], $0x78, $0x38;
	[tilespmem:$0x1F438] =	vst v63  }
0x6f: {  	s19 =	rddreg [dreg:$0xc]  }
0x70: {  	[tilespmem:s5], [sflag:$0x9] =	stream.linear.gather [hbm4b:s19+s3], $0x78, $0x38;
	[tilespmem:$0x1F438] =	vst v63  }
0x71: {  	s20 =	rddreg [dreg:$0xd]  }
0x72: {  	[tilespmem:s16], [sflag:$0x9] =	stream.linear.gather [hbm4b:s20+s3], $0x78, $0x38;
	[tilespmem:$0x1F438] =	vst v63  }
0x73: {  	s21 =	rddreg [dreg:$0xe];
	s8 =	simm.s32 $0x100  }
0x74: {  	[tilespmem:s8], [sflag:$0x9] =	stream.linear.gather [hbm4b:s21+s3], $0x78, $0x38;
	[tilespmem:$0x1F438] =	vst v63  }
0x75: {  	s23 =	rddreg [dreg:$0xf];
	p5 =	sne.s32 s18, $0x1;
	s8 =	simm.s32 $0x300  }
0x76: {  	[tilespmem:s8], [sflag:$0x9] =	stream.linear.gather [hbm4b:s23+s3], $0x78, $0x38;
	[tilespmem:$0x1F438] =	vst v63  }
.Ltmp3:
0x77: {  	_ = 	snop;
	(pc) =	sbr.rel @!p5 .LBB2_5-.Ltmp3, $4  }
0x78: {  	_ = 	snop  }
0x79: {  	[spmem:s24] =	stream.linear.scatter [tilespmem:s25], [sflag:$0xA], $0x3C00, $0x38;
	[tilespmem:$0x1F438] =	vst v63  }
0x7a: {  	_ =	swait.ge [sflag:s26], $0x3C00  }
0x7b: {  	s17 =	smov.u32 s24;
	s20 =	sadd.s32 $0xFFFFFFFF, s18;
	[sflag:s26] =	ssyncset.done $0x0  }
.LBB2_4:
0x7c: {  	p5 =	sne.s32 s20, $0x1;
	[sflag:s26] =	ssyncadd.s32 $0xFFFFC400;
	s17 =	sadd.s32 $0x3C000, s17  }
.Ltmp4:
0x7d: {  	s20 =	sadd.s32 $0xFFFFFFFF, s20;
	(pc) =	sbr.rel @p5 .LBB2_4-.Ltmp4, $4  }
0x7e: {  	_ = 	snop  }
0x7f: {  	[spmem:s17] =	stream.linear.scatter [tilespmem:s25], [sflag:$0xA], $0x3C00, $0x38;
	[tilespmem:$0x1F438] =	vst v63  }
0x80: {  	_ =	swait.ge [sflag:s26], $0x3C00  }
0x81: {  	[sflag:s26] =	ssyncset.done $0x0  }
.LBB2_5:
0x82: {  	[sflag:s26] =	ssyncadd.s32 $0xFFFFC400;
	s17 =	simm.s32 @!p1 $0x400  }
0x83: {  	[spmem:s31] =	stream.linear.scatter @!p1 [tilespmem:s17], [sflag:$0xA], $0x1800, $0x38;
	[tilespmem:$0x1F438] =	vst v63  }
0x84: {  	s17 =	simm.s32 @!p1 $0xA  }
0x85: {  	_ =	swait.ge @!p1 [sflag:s17], $0x1800  }
0x86: {  	s6 =	rddreg [dreg:$0x11]  }
0x87: {  	p5 =	sne.s32 s6, $0x1  }
.Ltmp5:
0x88: {  	[sflag:s17] =	ssyncset.done @!p1 $0x0;
	(pc) =	sbr.rel @!p5 .LBB2_7-.Ltmp5, $4  }
0x89: {  	[sflag:s17] =	ssyncadd.s32 @!p1 $0xFFFFE800;
	s17 =	rddreg [dreg:$0x12]  }
0x8a: {  	[spmem:s17] =	stream.linear.scatter [tilespmem:s28], [sflag:$0xA], $0x80, $0x38;
	[tilespmem:$0x1F438] =	vst v63  }
0x8b: {  	_ =	swait.ge [sflag:s26], $0x80  }
0x8c: {  	s20 =	sadd.s32 $0xFFFFFFFF, s6;
	[sflag:s26] =	ssyncset.done $0x0  }
.LBB2_6:
0x8d: {  	p5 =	sne.s32 s20, $0x1;
	[sflag:s26] =	ssyncadd.s32 $0xFFFFFF80;
	s17 =	sadd.s32 $0x800, s17  }
.Ltmp6:
0x8e: {  	s20 =	sadd.s32 $0xFFFFFFFF, s20;
	(pc) =	sbr.rel @p5 .LBB2_6-.Ltmp6, $4  }
0x8f: {  	_ = 	snop  }
0x90: {  	[spmem:s17] =	stream.linear.scatter [tilespmem:s28], [sflag:$0xA], $0x80, $0x38;
	[tilespmem:$0x1F438] =	vst v63  }
0x91: {  	_ =	swait.ge [sflag:s26], $0x80  }
0x92: {  	[sflag:s26] =	ssyncset.done $0x0  }
.LBB2_7:
0x93: {  	s6 =	sld [smem:$0x7FC];
	_ =	sdelay $0x1  }
0x94: {  	[sflag:s26] =	ssyncadd.s32 $0xFFFFFF80;
	s17 =	simm.s32 @!p3 $0xB880  }
0x95: {  	[spmem:s6] =	stream.linear.scatter @!p3 [tilespmem:s17], [sflag:$0xA], $0x18, $0x38;
	[tilespmem:$0x1F438] =	vst v63  }
0x96: {  	s17 =	simm.s32 @!p3 $0xA  }
0x97: {  	_ =	swait.ge @!p3 [sflag:s17], $0x18  }
0x98: {  	[sflag:s17] =	ssyncset.done @!p3 $0x0  }
0x99: {  	[sflag:s17] =	ssyncadd.s32 @!p3 $0xFFFFFFE8  }
0x9a: {  	[bflag:$0x0] =	sbarrier.arrive $0xFFFF  }
0x9b: {  	_ =	swait.ge [sflag:s29], $0x78  }
0x9c: {  	[sflag:s29] =	ssyncset.done $0x0  }
0x9d: {  	[sflag:s29] =	ssyncadd.s32 $0xFFFFFF88  }
0x9e: {  	_ =	swait.ge [sflag:s29], $0x78  }
0x9f: {  	[sflag:s29] =	ssyncset.done $0x0  }
0xa0: {  	[sflag:s29] =	ssyncadd.s32 $0xFFFFFF88  }
0xa1: {  	_ =	swait.ge [sflag:s29], $0x78  }
0xa2: {  	[sflag:s29] =	ssyncset.done $0x0  }
0xa3: {  	[sflag:s29] =	ssyncadd.s32 $0xFFFFFF88  }
0xa4: {  	_ =	swait.ge [sflag:s29], $0x78  }
0xa5: {  	[sflag:s29] =	ssyncset.done $0x0  }
0xa6: {  	s21 =	simm.s32 $0x0;
	[sflag:s29] =	ssyncadd.s32 $0xFFFFFF88  }
0xa7: {  	[tilespmem:s25], [sflag:$0x1] =	stream.indirect.gather [hbm4b:s7+s30], $0x80, s21, s30, $0xb8;
	[tilespmem:$0x1F438] =	vst v63  }
0xa8: {  	s31 =	simm.s32 $0x100;
	s23 =	sld [smem:$0x7F7]  }
0xa9: {  	[tilespmem:s22], [sflag:$0x2] =	stream.indirect.gather [hbm4b:s7+s30], $0x80, s5, s30, $0xb8;
	[tilespmem:$0x1F438] =	vst v63  }
.LBB2_8:
0xaa: {  	_ =	swait.ge [sflag:s0], $0x3C00  }
0xab: {  	p5 =	seq.s32 s21, $0x0;
	[sflag:s0] =	ssyncset.done $0x0  }
0xac: {  	s9 =	simm.s32 $0x200;
	s17 =	simm.s32 @p5 $0x9;
	[sflag:s0] =	ssyncadd.s32 $0xFFFFC400  }
0xad: {  	[spmem:s1] =	stream.indirect.scatter.add.f32 [tilespmem:s25], [sflag:$0x4], $0x80, s9, s30, $0xb8;
	[tilespmem:$0x1F438] =	vst v63  }
0xae: {  	_ =	swait.ge @p5 [sflag:s17], $0x78  }
0xaf: {  	[sflag:s17] =	ssyncset.done @p5 $0x0  }
0xb0: {  	[sflag:s17] =	ssyncadd.s32 @p5 $0xFFFFFF88  }
0xb1: {  	_ =	swait.ge @p5 [sflag:s17], $0x78  }
0xb2: {  	s20 =	simm.s32 @p5 $0x100;
	[sflag:s17] =	ssyncset.done @p5 $0x0  }
0xb3: {  	s18 =	simm.s32 @p5 $0x7C00;
	[sflag:s17] =	ssyncadd.s32 @p5 $0xFFFFFF88;
	s17 =	simm.s32 @p5 $0x78  }
0xb4: {  	[tilespmem:s18], [sflag:$0x3] =	stream.indirect.gather @p5 [hbm4b:s7+s17], $0x80, s20, s17, $0xb8;
	[tilespmem:$0x1F438] =	vst v63  }
0xb5: {  	s18 =	simm.s32 @p5 $0x0;
	s20 =	simm.s32 @p5 $0xB800  }
0xb6: {  	[spmem:s2] =	stream.indirect.scatter.add.f32 @p5 [tilespmem:s20], [sflag:$0x7], $0x1, s18, s17, $0xb8;
	[tilespmem:$0x1F438] =	vst v63  }
0xb7: {  	s17 =	simm.s32 @!p5 $0x6  }
0xb8: {  	_ =	swait.ge @!p5 [sflag:s17], $0x3C00  }
0xb9: {  	[sflag:s17] =	ssyncset.done @!p5 $0x0  }
0xba: {  	[sflag:s17] =	ssyncadd.s32 @!p5 $0xFFFFC400;
	s17 =	simm.s32 @!p5 $0x9  }
0xbb: {  	_ =	swait.ge @!p5 [sflag:s17], $0x78  }
0xbc: {  	[sflag:s17] =	ssyncset.done @!p5 $0x0  }
0xbd: {  	[sflag:s17] =	ssyncadd.s32 @!p5 $0xFFFFFF88  }
0xbe: {  	_ =	swait.ge @!p5 [sflag:s17], $0x78  }
0xbf: {  	s18 =	simm.s32 @!p5 $0x100;
	[sflag:s17] =	ssyncset.done @!p5 $0x0  }
0xc0: {  	s20 =	simm.s32 @!p5 $0x7C00;
	[sflag:s17] =	ssyncadd.s32 @!p5 $0xFFFFFF88;
	s17 =	simm.s32 @!p5 $0x78  }
0xc1: {  	[tilespmem:s20], [sflag:$0x3] =	stream.indirect.gather @!p5 [hbm4b:s7+s17], $0x80, s18, s17, $0xb8;
	[tilespmem:$0x1F438] =	vst v63  }
0xc2: {  	s18 =	simm.s32 @!p5 $0x0;
	s20 =	simm.s32 @!p5 $0xB800  }
0xc3: {  	[spmem:s2] =	stream.indirect.scatter.add.f32 @!p5 [tilespmem:s20], [sflag:$0x7], $0x1, s18, s17, $0xb8;
	[tilespmem:$0x1F438] =	vst v63  }
0xc4: {  	s17 =	simm.s32 @!p5 $0x8  }
0xc5: {  	_ =	swait.ge @!p5 [sflag:s17], $0x78  }
0xc6: {  	s6 =	sld [smem:$0x7FB];
	_ =	sdelay $0x1  }
0xc7: {  	[sflag:s17] =	ssyncset.done @!p5 $0x0;
	s5 =	sld [smem:$0x7FA]  }
0xc8: {  	s11 =	simm.s32 $0x180;
	[sflag:s17] =	ssyncadd.s32 @!p5 $0xFFFFFF88;
	s24 =	sadd.s32 s21, s6  }
0xc9: {  	[tilespmem:s11], [sflag:$0x9] =	stream.linear.gather [hbm4b:s24+s3], $0x78, $0x38;
	[tilespmem:$0x1F438] =	vst v63  }
0xca: {  	s16 =	simm.s32 $0x380;
	s12 =	sadd.s32 s21, s5  }
0xcb: {  	[tilespmem:s16], [sflag:$0x9] =	stream.linear.gather [hbm4b:s12+s3], $0x78, $0x38;
	[tilespmem:$0x1F438] =	vst v63  }
0xcc: {  	s12 =	simm.s32 $0x2  }
0xcd: {  	_ =	swait.ge [sflag:s12], $0x3C00  }
0xce: {  	s19 =	simm.s32 $0x4;
	[sflag:s12] =	ssyncset.done $0x0  }
0xcf: {  	s18 =	simm.s32 $0x280;
	s5 =	simm.s32 $0x4000;
	[sflag:s12] =	ssyncadd.s32 $0xFFFFC400  }
0xd0: {  	[spmem:s1] =	stream.indirect.scatter.add.f32 [tilespmem:s5], [sflag:$0x5], $0x80, s18, s30, $0xb8;
	[tilespmem:$0x1F438] =	vst v63  }
0xd1: {  	_ =	swait.ge [sflag:s19], $0x3C00  }
0xd2: {  	[sflag:s19] =	ssyncset.done $0x0  }
0xd3: {  	[sflag:s19] =	ssyncadd.s32 $0xFFFFC400  }
0xd4: {  	_ =	swait.ge [sflag:s29], $0x78  }
0xd5: {  	[sflag:s29] =	ssyncset.done $0x0  }
0xd6: {  	[sflag:s29] =	ssyncadd.s32 $0xFFFFFF88  }
0xd7: {  	_ =	swait.ge [sflag:s29], $0x78  }
0xd8: {  	[sflag:s29] =	ssyncset.done $0x0  }
0xd9: {  	[sflag:s29] =	ssyncadd.s32 $0xFFFFFF88  }
0xda: {  	[tilespmem:s25], [sflag:$0x1] =	stream.indirect.gather [hbm4b:s7+s30], $0x80, s11, s30, $0xb8;
	[tilespmem:$0x1F438] =	vst v63  }
0xdb: {  	s20 =	simm.s32 $0x80  }
0xdc: {  	[spmem:s2] =	stream.indirect.scatter.add.f32 [tilespmem:s4], [sflag:$0x8], $0x1, s20, s30, $0xb8;
	[tilespmem:$0x1F438] =	vst v63  }
0xdd: {  	_ =	swait.ge [sflag:s10], $0x78  }
0xde: {  	s17 =	sld [smem:$0x7F9];
	_ =	sdelay $0x1  }
0xdf: {  	[sflag:s10] =	ssyncset.done $0x0;
	s24 =	sld [smem:$0x7F8]  }
0xe0: {  	[sflag:s10] =	ssyncadd.s32 $0xFFFFFF88;
	s22 =	sadd.s32 s21, s17  }
0xe1: {  	[tilespmem:s3], [sflag:$0x9] =	stream.linear.gather [hbm4b:s22+s3], $0x78, $0x38;
	[tilespmem:$0x1F438] =	vst v63  }
0xe2: {  	s6 =	sadd.s32 s21, s24;
	s22 =	simm.s32 $0x3  }
0xe3: {  	[tilespmem:s9], [sflag:$0x9] =	stream.linear.gather [hbm4b:s6+s3], $0x78, $0x38;
	[tilespmem:$0x1F438] =	vst v63  }
0xe4: {  	_ =	swait.ge [sflag:s22], $0x3C00  }
0xe5: {  	[sflag:s22] =	ssyncset.done $0x0  }
0xe6: {  	s24 =	simm.s32 $0x7C00;
	[sflag:s22] =	ssyncadd.s32 $0xFFFFC400  }
0xe7: {  	[spmem:s1] =	stream.indirect.scatter.add.f32 [tilespmem:s24], [sflag:$0x6], $0x80, s8, s30, $0xb8;
	[tilespmem:$0x1F438] =	vst v63  }
0xe8: {  	_ =	swait.ge [sflag:s13], $0x3C00  }
0xe9: {  	[sflag:s13] =	ssyncset.done $0x0  }
0xea: {  	[sflag:s13] =	ssyncadd.s32 $0xFFFFC400  }
0xeb: {  	_ =	swait.ge [sflag:s29], $0x78  }
0xec: {  	[sflag:s29] =	ssyncset.done $0x0  }
0xed: {  	[sflag:s29] =	ssyncadd.s32 $0xFFFFFF88  }
0xee: {  	_ =	swait.ge [sflag:s29], $0x78  }
0xef: {  	[sflag:s29] =	ssyncset.done $0x0  }
0xf0: {  	[sflag:s29] =	ssyncadd.s32 $0xFFFFFF88  }
0xf1: {  	[tilespmem:s5], [sflag:$0x2] =	stream.indirect.gather [hbm4b:s7+s30], $0x80, s3, s30, $0xb8;
	[tilespmem:$0x1F438] =	vst v63  }
0xf2: {  	_ = 	snop  }
0xf3: {  	[spmem:s2] =	stream.indirect.scatter.add.f32 [tilespmem:s4], [sflag:$0x7], $0x1, s31, s30, $0xb8;
	[tilespmem:$0x1F438] =	vst v63  }
0xf4: {  	_ =	swait.ge [sflag:s14], $0x78  }
0xf5: {  	s17 =	sld [smem:$0x7F6];
	_ =	sdelay $0x2  }
0xf6: {  	[sflag:s14] =	ssyncset.done $0x0;
	s6 =	sadd.s32 s21, s17;
	s17 =	sld [smem:$0x7F5]  }
0xf7: {  	[sflag:s14] =	ssyncadd.s32 $0xFFFFFF88  }
0xf8: {  	[tilespmem:s20], [sflag:$0x9] =	stream.linear.gather [hbm4b:s6+s3], $0x78, $0x38;
	[tilespmem:$0x1F438] =	vst v63  }
0xf9: {  	s6 =	sadd.s32 s21, s17  }
0xfa: {  	[tilespmem:s18], [sflag:$0x9] =	stream.linear.gather [hbm4b:s6+s3], $0x78, $0x38;
	[tilespmem:$0x1F438] =	vst v63  }
0xfb: {  	_ =	swait.ge [sflag:s0], $0x3C00  }
0xfc: {  	[sflag:s0] =	ssyncset.done $0x0  }
0xfd: {  	[sflag:s0] =	ssyncadd.s32 $0xFFFFC400  }
0xfe: {  	[spmem:s1] =	stream.indirect.scatter.add.f32 [tilespmem:s25], [sflag:$0x4], $0x80, s16, s30, $0xb8;
	[tilespmem:$0x1F438] =	vst v63  }
0xff: {  	_ =	swait.ge [sflag:s15], $0x3C00  }
0x100: {  	[sflag:s15] =	ssyncset.done $0x0  }
0x101: {  	[sflag:s15] =	ssyncadd.s32 $0xFFFFC400  }
0x102: {  	_ =	swait.ge [sflag:s29], $0x78  }
0x103: {  	[sflag:s29] =	ssyncset.done $0x0  }
0x104: {  	[sflag:s29] =	ssyncadd.s32 $0xFFFFFF88  }
0x105: {  	_ =	swait.ge [sflag:s29], $0x78  }
0x106: {  	[sflag:s29] =	ssyncset.done $0x0  }
0x107: {  	[sflag:s29] =	ssyncadd.s32 $0xFFFFFF88  }
0x108: {  	[tilespmem:s24], [sflag:$0x3] =	stream.indirect.gather [hbm4b:s7+s30], $0x80, s20, s30, $0xb8;
	[tilespmem:$0x1F438] =	vst v63  }
0x109: {  	_ = 	snop  }
0x10a: {  	[spmem:s2] =	stream.indirect.scatter.add.f32 [tilespmem:s4], [sflag:$0x8], $0x1, s11, s30, $0xb8;
	[tilespmem:$0x1F438] =	vst v63  }
0x10b: {  	_ =	swait.ge [sflag:s10], $0x78  }
0x10c: {  	s17 =	sld [smem:$0x7F4];
	_ =	sdelay $0x2  }
0x10d: {  	[sflag:s10] =	ssyncset.done $0x0;
	s6 =	sadd.s32 s21, s17;
	s17 =	sld [smem:$0x7F3]  }
0x10e: {  	[sflag:s10] =	ssyncadd.s32 $0xFFFFFF88  }
0x10f: {  	[tilespmem:s31], [sflag:$0x9] =	stream.linear.gather [hbm4b:s6+s3], $0x78, $0x38;
	[tilespmem:$0x1F438] =	vst v63  }
0x110: {  	s6 =	sadd.s32 s21, s17  }
0x111: {  	[tilespmem:s8], [sflag:$0x9] =	stream.linear.gather [hbm4b:s6+s3], $0x78, $0x38;
	[tilespmem:$0x1F438] =	vst v63  }
0x112: {  	_ =	swait.ge [sflag:s12], $0x3C00  }
0x113: {  	[sflag:s12] =	ssyncset.done $0x0  }
0x114: {  	[sflag:s12] =	ssyncadd.s32 $0xFFFFC400  }
0x115: {  	[spmem:s1] =	stream.indirect.scatter.add.f32 [tilespmem:s5], [sflag:$0x5], $0x80, s9, s30, $0xb8;
	[tilespmem:$0x1F438] =	vst v63  }
0x116: {  	_ =	swait.ge [sflag:s19], $0x3C00  }
0x117: {  	[sflag:s19] =	ssyncset.done $0x0  }
0x118: {  	[sflag:s19] =	ssyncadd.s32 $0xFFFFC400  }
0x119: {  	_ =	swait.ge [sflag:s29], $0x78  }
0x11a: {  	[sflag:s29] =	ssyncset.done $0x0  }
0x11b: {  	[sflag:s29] =	ssyncadd.s32 $0xFFFFFF88  }
0x11c: {  	_ =	swait.ge [sflag:s29], $0x78  }
0x11d: {  	[sflag:s29] =	ssyncset.done $0x0  }
0x11e: {  	[sflag:s29] =	ssyncadd.s32 $0xFFFFFF88  }
0x11f: {  	[tilespmem:s25], [sflag:$0x1] =	stream.indirect.gather [hbm4b:s7+s30], $0x80, s31, s30, $0xb8;
	[tilespmem:$0x1F438] =	vst v63  }
0x120: {  	_ = 	snop  }
0x121: {  	[spmem:s2] =	stream.indirect.scatter.add.f32 [tilespmem:s4], [sflag:$0x7], $0x1, s3, s30, $0xb8;
	[tilespmem:$0x1F438] =	vst v63  }
0x122: {  	_ =	swait.ge [sflag:s14], $0x78  }
0x123: {  	s17 =	sld [smem:$0x7F2];
	_ =	sdelay $0x2  }
0x124: {  	[sflag:s14] =	ssyncset.done $0x0;
	s6 =	sadd.s32 s21, s17;
	s17 =	sld [smem:$0x7F1]  }
0x125: {  	[sflag:s14] =	ssyncadd.s32 $0xFFFFFF88  }
0x126: {  	[tilespmem:s11], [sflag:$0x9] =	stream.linear.gather [hbm4b:s6+s3], $0x78, $0x38;
	[tilespmem:$0x1F438] =	vst v63  }
0x127: {  	s6 =	sadd.s32 s21, s17  }
0x128: {  	[tilespmem:s16], [sflag:$0x9] =	stream.linear.gather [hbm4b:s6+s3], $0x78, $0x38;
	[tilespmem:$0x1F438] =	vst v63  }
0x129: {  	_ =	swait.ge [sflag:s22], $0x3C00  }
0x12a: {  	[sflag:s22] =	ssyncset.done $0x0  }
0x12b: {  	[sflag:s22] =	ssyncadd.s32 $0xFFFFC400  }
0x12c: {  	[spmem:s1] =	stream.indirect.scatter.add.f32 [tilespmem:s24], [sflag:$0x6], $0x80, s18, s30, $0xb8;
	[tilespmem:$0x1F438] =	vst v63  }
0x12d: {  	_ =	swait.ge [sflag:s13], $0x3C00  }
0x12e: {  	[sflag:s13] =	ssyncset.done $0x0  }
0x12f: {  	[sflag:s13] =	ssyncadd.s32 $0xFFFFC400  }
0x130: {  	_ =	swait.ge [sflag:s29], $0x78  }
0x131: {  	[sflag:s29] =	ssyncset.done $0x0  }
0x132: {  	[sflag:s29] =	ssyncadd.s32 $0xFFFFFF88  }
0x133: {  	_ =	swait.ge [sflag:s29], $0x78  }
0x134: {  	[sflag:s29] =	ssyncset.done $0x0  }
0x135: {  	[sflag:s29] =	ssyncadd.s32 $0xFFFFFF88  }
0x136: {  	[tilespmem:s5], [sflag:$0x2] =	stream.indirect.gather [hbm4b:s7+s30], $0x80, s11, s30, $0xb8;
	[tilespmem:$0x1F438] =	vst v63  }
0x137: {  	_ = 	snop  }
0x138: {  	[spmem:s2] =	stream.indirect.scatter.add.f32 [tilespmem:s4], [sflag:$0x8], $0x1, s20, s30, $0xb8;
	[tilespmem:$0x1F438] =	vst v63  }
0x139: {  	_ =	swait.ge [sflag:s10], $0x78  }
0x13a: {  	s17 =	sld [smem:$0x7F0];
	_ =	sdelay $0x2  }
0x13b: {  	[sflag:s10] =	ssyncset.done $0x0;
	s6 =	sadd.s32 s21, s17;
	s17 =	sld [smem:$0x7EF]  }
0x13c: {  	[sflag:s10] =	ssyncadd.s32 $0xFFFFFF88  }
0x13d: {  	[tilespmem:s3], [sflag:$0x9] =	stream.linear.gather [hbm4b:s6+s3], $0x78, $0x38;
	[tilespmem:$0x1F438] =	vst v63  }
0x13e: {  	s6 =	sadd.s32 s21, s17  }
0x13f: {  	[tilespmem:s9], [sflag:$0x9] =	stream.linear.gather [hbm4b:s6+s3], $0x78, $0x38;
	[tilespmem:$0x1F438] =	vst v63  }
0x140: {  	_ =	swait.ge [sflag:s0], $0x3C00  }
0x141: {  	[sflag:s0] =	ssyncset.done $0x0  }
0x142: {  	[sflag:s0] =	ssyncadd.s32 $0xFFFFC400  }
0x143: {  	[spmem:s1] =	stream.indirect.scatter.add.f32 [tilespmem:s25], [sflag:$0x4], $0x80, s8, s30, $0xb8;
	[tilespmem:$0x1F438] =	vst v63  }
0x144: {  	_ =	swait.ge [sflag:s15], $0x3C00  }
0x145: {  	[sflag:s15] =	ssyncset.done $0x0  }
0x146: {  	[sflag:s15] =	ssyncadd.s32 $0xFFFFC400  }
0x147: {  	_ =	swait.ge [sflag:s29], $0x78  }
0x148: {  	[sflag:s29] =	ssyncset.done $0x0  }
0x149: {  	[sflag:s29] =	ssyncadd.s32 $0xFFFFFF88  }
0x14a: {  	_ =	swait.ge [sflag:s29], $0x78  }
0x14b: {  	[sflag:s29] =	ssyncset.done $0x0  }
0x14c: {  	[sflag:s29] =	ssyncadd.s32 $0xFFFFFF88  }
0x14d: {  	[tilespmem:s24], [sflag:$0x3] =	stream.indirect.gather [hbm4b:s7+s30], $0x80, s3, s30, $0xb8;
	[tilespmem:$0x1F438] =	vst v63  }
0x14e: {  	_ = 	snop  }
0x14f: {  	[spmem:s2] =	stream.indirect.scatter.add.f32 [tilespmem:s4], [sflag:$0x7], $0x1, s31, s30, $0xb8;
	[tilespmem:$0x1F438] =	vst v63  }
0x150: {  	_ =	swait.ge [sflag:s14], $0x78  }
0x151: {  	s17 =	sld [smem:$0x7EE];
	_ =	sdelay $0x2  }
0x152: {  	[sflag:s14] =	ssyncset.done $0x0;
	s6 =	sadd.s32 s21, s17;
	s17 =	sld [smem:$0x7ED]  }
0x153: {  	[sflag:s14] =	ssyncadd.s32 $0xFFFFFF88  }
0x154: {  	[tilespmem:s20], [sflag:$0x9] =	stream.linear.gather [hbm4b:s6+s3], $0x78, $0x38;
	[tilespmem:$0x1F438] =	vst v63  }
0x155: {  	s6 =	sadd.s32 s21, s17  }
0x156: {  	[tilespmem:s18], [sflag:$0x9] =	stream.linear.gather [hbm4b:s6+s3], $0x78, $0x38;
	[tilespmem:$0x1F438] =	vst v63  }
0x157: {  	_ =	swait.ge [sflag:s12], $0x3C00  }
0x158: {  	[sflag:s12] =	ssyncset.done $0x0  }
0x159: {  	[sflag:s12] =	ssyncadd.s32 $0xFFFFC400  }
0x15a: {  	[spmem:s1] =	stream.indirect.scatter.add.f32 [tilespmem:s5], [sflag:$0x5], $0x80, s16, s30, $0xb8;
	[tilespmem:$0x1F438] =	vst v63  }
0x15b: {  	_ =	swait.ge [sflag:s19], $0x3C00  }
0x15c: {  	[sflag:s19] =	ssyncset.done $0x0  }
0x15d: {  	[sflag:s19] =	ssyncadd.s32 $0xFFFFC400  }
0x15e: {  	_ =	swait.ge [sflag:s29], $0x78  }
0x15f: {  	[sflag:s29] =	ssyncset.done $0x0  }
0x160: {  	[sflag:s29] =	ssyncadd.s32 $0xFFFFFF88  }
0x161: {  	_ =	swait.ge [sflag:s29], $0x78  }
0x162: {  	[sflag:s29] =	ssyncset.done $0x0  }
0x163: {  	[sflag:s29] =	ssyncadd.s32 $0xFFFFFF88  }
0x164: {  	[tilespmem:s25], [sflag:$0x1] =	stream.indirect.gather [hbm4b:s7+s30], $0x80, s20, s30, $0xb8;
	[tilespmem:$0x1F438] =	vst v63  }
0x165: {  	_ = 	snop  }
0x166: {  	[spmem:s2] =	stream.indirect.scatter.add.f32 [tilespmem:s4], [sflag:$0x8], $0x1, s11, s30, $0xb8;
	[tilespmem:$0x1F438] =	vst v63  }
0x167: {  	_ =	swait.ge [sflag:s10], $0x78  }
0x168: {  	s19 =	sld [smem:$0x7EC];
	_ =	sdelay $0x1  }
0x169: {  	[sflag:s10] =	ssyncset.done $0x0  }
0x16a: {  	s17 =	rddreg [dreg:$0x1f];
	[sflag:s10] =	ssyncadd.s32 $0xFFFFFF88;
	s12 =	sadd.s32 s21, s19  }
0x16b: {  	[tilespmem:s31], [sflag:$0x9] =	stream.linear.gather [hbm4b:s12+s3], $0x78, $0x38;
	[tilespmem:$0x1F438] =	vst v63  }
0x16c: {  	s19 =	sadd.s32 s21, s17  }
0x16d: {  	[tilespmem:s8], [sflag:$0x9] =	stream.linear.gather [hbm4b:s19+s3], $0x78, $0x38;
	[tilespmem:$0x1F438] =	vst v63  }
0x16e: {  	_ =	swait.ge [sflag:s22], $0x3C00  }
0x16f: {  	[sflag:s22] =	ssyncset.done $0x0  }
0x170: {  	[sflag:s22] =	ssyncadd.s32 $0xFFFFC400  }
0x171: {  	[spmem:s1] =	stream.indirect.scatter.add.f32 [tilespmem:s24], [sflag:$0x6], $0x80, s9, s30, $0xb8;
	[tilespmem:$0x1F438] =	vst v63  }
0x172: {  	_ =	swait.ge [sflag:s13], $0x3C00  }
0x173: {  	[sflag:s13] =	ssyncset.done $0x0  }
0x174: {  	[sflag:s13] =	ssyncadd.s32 $0xFFFFC400  }
0x175: {  	_ =	swait.ge [sflag:s29], $0x78  }
0x176: {  	[sflag:s29] =	ssyncset.done $0x0  }
0x177: {  	[sflag:s29] =	ssyncadd.s32 $0xFFFFFF88  }
0x178: {  	_ =	swait.ge [sflag:s29], $0x78  }
0x179: {  	[sflag:s29] =	ssyncset.done $0x0  }
0x17a: {  	[sflag:s29] =	ssyncadd.s32 $0xFFFFFF88  }
0x17b: {  	[tilespmem:s5], [sflag:$0x2] =	stream.indirect.gather [hbm4b:s7+s30], $0x80, s31, s30, $0xb8;
	[tilespmem:$0x1F438] =	vst v63  }
0x17c: {  	_ = 	snop  }
0x17d: {  	[spmem:s2] =	stream.indirect.scatter.add.f32 [tilespmem:s4], [sflag:$0x7], $0x1, s3, s30, $0xb8;
	[tilespmem:$0x1F438] =	vst v63  }
0x17e: {  	_ =	swait.ge [sflag:s14], $0x78  }
0x17f: {  	[sflag:s14] =	ssyncset.done $0x0;
	s5 =	rddreg [dreg:$0x1e]  }
0x180: {  	s8 =	rddreg [dreg:$0x1d];
	[sflag:s14] =	ssyncadd.s32 $0xFFFFFF88;
	s6 =	sadd.s32 s21, s5  }
0x181: {  	[tilespmem:s11], [sflag:$0x9] =	stream.linear.gather [hbm4b:s6+s3], $0x78, $0x38;
	[tilespmem:$0x1F438] =	vst v63  }
0x182: {  	s9 =	sadd.s32 s21, s8  }
0x183: {  	[tilespmem:s16], [sflag:$0x9] =	stream.linear.gather [hbm4b:s9+s3], $0x78, $0x38;
	[tilespmem:$0x1F438] =	vst v63  }
0x184: {  	_ =	swait.ge [sflag:s0], $0x3C00  }
0x185: {  	[sflag:s0] =	ssyncset.done $0x0  }
0x186: {  	[sflag:s0] =	ssyncadd.s32 $0xFFFFC400  }
0x187: {  	[spmem:s1] =	stream.indirect.scatter.add.f32 [tilespmem:s25], [sflag:$0x4], $0x80, s18, s30, $0xb8;
	[tilespmem:$0x1F438] =	vst v63  }
0x188: {  	_ =	swait.ge [sflag:s15], $0x3C00  }
0x189: {  	[sflag:s15] =	ssyncset.done $0x0  }
0x18a: {  	[sflag:s15] =	ssyncadd.s32 $0xFFFFC400  }
0x18b: {  	_ =	swait.ge [sflag:s29], $0x78  }
0x18c: {  	[sflag:s29] =	ssyncset.done $0x0  }
0x18d: {  	[sflag:s29] =	ssyncadd.s32 $0xFFFFFF88  }
0x18e: {  	_ =	swait.ge [sflag:s29], $0x78  }
0x18f: {  	[sflag:s29] =	ssyncset.done $0x0  }
0x190: {  	[sflag:s29] =	ssyncadd.s32 $0xFFFFFF88  }
0x191: {  	[tilespmem:s24], [sflag:$0x3] =	stream.indirect.gather [hbm4b:s7+s30], $0x80, s11, s30, $0xb8;
	[tilespmem:$0x1F438] =	vst v63  }
0x192: {  	_ = 	snop  }
0x193: {  	[spmem:s2] =	stream.indirect.scatter.add.f32 [tilespmem:s4], [sflag:$0x8], $0x1, s20, s30, $0xb8;
	[tilespmem:$0x1F438] =	vst v63  }
0x194: {  	_ =	swait.ge [sflag:s10], $0x78  }
0x195: {  	p5 =	seq.s32 s21, $0x438;
	[sflag:s10] =	ssyncset.done $0x0  }
0x196: {  	s17 =	simm.s32 @p5 $0x2;
	[sflag:s10] =	ssyncadd.s32 $0xFFFFFF88  }
0x197: {  	_ =	swait.ge @p5 [sflag:s17], $0x3C00  }
0x198: {  	s18 =	simm.s32 @p5 $0x300;
	[sflag:s17] =	ssyncset.done @p5 $0x0  }
0x199: {  	s20 =	simm.s32 @p5 $0x4000;
	[sflag:s17] =	ssyncadd.s32 @p5 $0xFFFFC400;
	s17 =	simm.s32 @p5 $0x78  }
0x19a: {  	[spmem:s1] =	stream.indirect.scatter.add.f32 @p5 [tilespmem:s20], [sflag:$0x5], $0x80, s18, s17, $0xb8;
	[tilespmem:$0x1F438] =	vst v63  }
0x19b: {  	s18 =	simm.s32 @p5 $0x4  }
0x19c: {  	_ =	swait.ge @p5 [sflag:s18], $0x3C00  }
0x19d: {  	s6 =	rddreg [dreg:$0x7]  }
0x19e: {  	s20 =	sshrl.u32 @!p5 s23, $0x3;
	[sflag:s18] =	ssyncset.done @p5 $0x0;
	s9 =	rddreg [dreg:$0x6]  }
0x19f: {  	[sflag:s18] =	ssyncadd.s32 @p5 $0xFFFFC400;
	s18 =	sadd.s32 @!p5 s6, s20;
	s6 =	simm.s32 @!p5 $0x0  }
0x1a0: {  	[tilespmem:s6], [sflag:$0x9] =	stream.linear.gather @!p5 [hbm4b:s18+s6], $0x78, $0x38;
	[tilespmem:$0x1F438] =	vst v63  }
0x1a1: {  	s18 =	sadd.s32 @!p5 s9, s20;
	s20 =	simm.s32 @!p5 $0x200  }
0x1a2: {  	[tilespmem:s20], [sflag:$0x9] =	stream.linear.gather @!p5 [hbm4b:s18+s6], $0x78, $0x38;
	[tilespmem:$0x1F438] =	vst v63  }
0x1a3: {  	s18 =	simm.s32 @!p5 $0x2  }
0x1a4: {  	_ =	swait.ge @!p5 [sflag:s18], $0x3C00  }
0x1a5: {  	s24 =	simm.s32 @!p5 $0x4000;
	[sflag:s18] =	ssyncset.done @!p5 $0x0  }
0x1a6: {  	s20 =	simm.s32 @!p5 $0x300;
	[sflag:s18] =	ssyncadd.s32 @!p5 $0xFFFFC400;
	s18 =	simm.s32 @!p5 $0x78  }
0x1a7: {  	[spmem:s1] =	stream.indirect.scatter.add.f32 @!p5 [tilespmem:s24], [sflag:$0x5], $0x80, s20, s18, $0xb8;
	[tilespmem:$0x1F438] =	vst v63  }
0x1a8: {  	s20 =	simm.s32 @!p5 $0x4  }
0x1a9: {  	_ =	swait.ge @!p5 [sflag:s20], $0x3C00  }
0x1aa: {  	[sflag:s20] =	ssyncset.done @!p5 $0x0  }
0x1ab: {  	[sflag:s20] =	ssyncadd.s32 @!p5 $0xFFFFC400;
	s20 =	simm.s32 @!p5 $0x9  }
0x1ac: {  	_ =	swait.ge @!p5 [sflag:s20], $0x78  }
0x1ad: {  	[sflag:s20] =	ssyncset.done @!p5 $0x0  }
0x1ae: {  	[sflag:s20] =	ssyncadd.s32 @!p5 $0xFFFFFF88  }
0x1af: {  	_ =	swait.ge @!p5 [sflag:s20], $0x78  }
0x1b0: {  	[sflag:s20] =	ssyncset.done @!p5 $0x0  }
0x1b1: {  	s9 =	simm.s32 @!p5 $0x400;
	[sflag:s20] =	ssyncadd.s32 @!p5 $0xFFFFFF88  }
0x1b2: {  	[tilespmem:s9], [sflag:$0x1] =	stream.indirect.gather @!p5 [hbm4b:s7+s18], $0x80, s6, s18, $0xb8;
	[tilespmem:$0x1F438] =	vst v63  }
0x1b3: {  	_ = 	snop  }
0x1b4: {  	[spmem:s2] =	stream.indirect.scatter.add.f32 [tilespmem:s4], [sflag:$0x7], $0x1, s31, s30, $0xb8;
	[tilespmem:$0x1F438] =	vst v63  }
0x1b5: {  	_ =	swait.ge [sflag:s14], $0x78  }
0x1b6: {  	[sflag:s14] =	ssyncset.done $0x0  }
0x1b7: {  	s9 =	simm.s32 @p5 $0x3;
	[sflag:s14] =	ssyncadd.s32 $0xFFFFFF88  }
0x1b8: {  	_ =	swait.ge @p5 [sflag:s9], $0x3C00  }
0x1b9: {  	[sflag:s9] =	ssyncset.done @p5 $0x0  }
0x1ba: {  	s31 =	simm.s32 @p5 $0x7C00;
	[sflag:s9] =	ssyncadd.s32 @p5 $0xFFFFC400;
	s9 =	simm.s32 @p5 $0x380  }
0x1bb: {  	[spmem:s1] =	stream.indirect.scatter.add.f32 @p5 [tilespmem:s31], [sflag:$0x6], $0x80, s9, s17, $0xb8;
	[tilespmem:$0x1F438] =	vst v63  }
0x1bc: {  	s9 =	simm.s32 @p5 $0x5  }
0x1bd: {  	_ =	swait.ge @p5 [sflag:s9], $0x3C00  }
0x1be: {  	[sflag:s9] =	ssyncset.done @p5 $0x0  }
0x1bf: {  	[sflag:s9] =	ssyncadd.s32 @p5 $0xFFFFC400;
	s9 =	rddreg [dreg:$0x1c]  }
0x1c0: {  	s17 =	simm.s32 @!p5 $0x80;
	s9 =	sadd.s32 @!p5 s21, s9  }
0x1c1: {  	[tilespmem:s17], [sflag:$0x9] =	stream.linear.gather @!p5 [hbm4b:s9+s6], $0x78, $0x38;
	[tilespmem:$0x1F438] =	vst v63  }
0x1c2: {  	s9 =	rddreg [dreg:$0x1b]  }
0x1c3: {  	s31 =	simm.s32 @!p5 $0x280;
	s9 =	sadd.s32 @!p5 s21, s9  }
0x1c4: {  	[tilespmem:s31], [sflag:$0x9] =	stream.linear.gather @!p5 [hbm4b:s9+s6], $0x78, $0x38;
	[tilespmem:$0x1F438] =	vst v63  }
0x1c5: {  	s6 =	simm.s32 @!p5 $0x3  }
0x1c6: {  	_ =	swait.ge @!p5 [sflag:s6], $0x3C00  }
0x1c7: {  	[sflag:s6] =	ssyncset.done @!p5 $0x0  }
0x1c8: {  	s9 =	simm.s32 @!p5 $0x7C00;
	[sflag:s6] =	ssyncadd.s32 @!p5 $0xFFFFC400;
	s6 =	simm.s32 @!p5 $0x380  }
0x1c9: {  	[spmem:s1] =	stream.indirect.scatter.add.f32 @!p5 [tilespmem:s9], [sflag:$0x6], $0x80, s6, s18, $0xb8;
	[tilespmem:$0x1F438] =	vst v63  }
0x1ca: {  	s6 =	simm.s32 @!p5 $0x5  }
0x1cb: {  	_ =	swait.ge @!p5 [sflag:s6], $0x3C00  }
0x1cc: {  	[sflag:s6] =	ssyncset.done @!p5 $0x0  }
0x1cd: {  	[sflag:s6] =	ssyncadd.s32 @!p5 $0xFFFFC400  }
0x1ce: {  	_ =	swait.ge @!p5 [sflag:s20], $0x78  }
0x1cf: {  	[sflag:s20] =	ssyncset.done @!p5 $0x0  }
0x1d0: {  	[sflag:s20] =	ssyncadd.s32 @!p5 $0xFFFFFF88  }
0x1d1: {  	_ =	swait.ge @!p5 [sflag:s20], $0x78  }
0x1d2: {  	[sflag:s20] =	ssyncset.done @!p5 $0x0  }
0x1d3: {  	[sflag:s20] =	ssyncadd.s32 @!p5 $0xFFFFFF88  }
0x1d4: {  	[tilespmem:s24], [sflag:$0x2] =	stream.indirect.gather @!p5 [hbm4b:s7+s18], $0x80, s17, s18, $0xb8;
	[tilespmem:$0x1F438] =	vst v63  }
.Ltmp7:
0x1d5: {  	_ = 	snop;
	(pc) =	sbr.rel @p5 .LBB2_10-.Ltmp7, $4  }
0x1d6: {  	[spmem:s2] =	stream.indirect.scatter.add.f32 [tilespmem:s4], [sflag:$0x8], $0x1, s11, s30, $0xb8;
	[tilespmem:$0x1F438] =	vst v63  }
0x1d7: {  	s12 =	simm.s32 $0x200;
	s19 =	simm.s32 $0x300;
	_ =	swait.ge [sflag:s10], $0x78  }
0x1d8: {  	s22 =	simm.s32 $0x4000;
	s5 =	simm.s32 $0x80;
	[sflag:s10] =	ssyncset.done $0x0  }
0x1d9: {  	s8 =	simm.s32 $0x100;
	s16 =	simm.s32 $0x280;
	[sflag:s10] =	ssyncadd.s32 $0xFFFFFF88  }
0x1da: {  	s6 =	rddreg [dreg:$0x1a]  }
.Ltmp8:
0x1db: {  	s24 =	rddreg [dreg:$0x19];
	(pc) =	sbr.rel .LBB2_8-.Ltmp8, $4  }
0x1dc: {  	s23 =	sadd.s32 $0x5A0, s23;
	s31 =	simm.s32 $0x100;
	s6 =	sadd.s32 s21, s6  }
0x1dd: {  	[tilespmem:s8], [sflag:$0x9] =	stream.linear.gather [hbm4b:s6+s3], $0x78, $0x38;
	[tilespmem:$0x1F438] =	vst v63  }
0x1de: {  	s6 =	sadd.s32 s21, s24;
	s21 =	sadd.s32 $0xB4, s21;
	s8 =	simm.s32 $0x300  }
0x1df: {  	[tilespmem:s19], [sflag:$0x9] =	stream.linear.gather [hbm4b:s6+s3], $0x78, $0x38;
	[tilespmem:$0x1F438] =	vst v63  }
.LBB2_10:
0x1e0: {  	_ =	swait.ge [sflag:s15], $0x3C00  }
0x1e1: {  	[sflag:s15] =	ssyncset.done $0x0  }
0x1e2: {  	[sflag:s15] =	ssyncadd.s32 $0xFFFFC400  }
0x1e3: {  	_ =	swait.ge [sflag:s14], $0x78  }
0x1e4: {  	[sflag:s14] =	ssyncset.done $0x0  }
0x1e5: {  	[sflag:s14] =	ssyncadd.s32 $0xFFFFFF88  }
.Ltmp9:
0x1e6: {  	[bflag:$0x0] =	sbarrier.arrive $0xFFFF;
	(pc) =	sbr.rel @!p0 .LBB2_11-.Ltmp9, $4  }
0x1e7: {  	s31 =	sld [smem:$0x7FD]  }
0x1e8: {  	s6 =	stileid.u32  }
0x1e9: {  	s6 =	sshll.u32 s6, $0x6  }
0x1ea: {  	s19 =	sshrl.u32 @p2 s2, $0x3;
	s21 =	sor.u32 $0x1C0A, s6;
	s11 =	sshrl.u32 @!p4 s31, $0x3  }
0x1eb: {  	s24 =	rddreg [dreg:$0x18]  }
0x1ec: {  	s9 =	rddreg [dreg:$0x15];
	s6 =	sshrl.u32 s24, $0x3  }
0x1ed: {  	[hbm:s9], [sflag:s21] =	dma.local [spmem:s6], $0x780  }
0x1ee: {  	s18 =	rddreg [dreg:$0x10]  }
0x1ef: {  	p5 =	sne.s32 s18, $0x1  }
.Ltmp10:
0x1f0: {  	_ = 	snop;
	(pc) =	sbr.rel @!p5 .LBB2_16-.Ltmp10, $3  }
0x1f1: {  	_ =	sdelay $0x1  }
0x1f2: {  	s20 =	sadd.s32 $0x7800, s9;
	_ =	swait.ge [sflag:s26], $0x780  }
0x1f3: {  	s17 =	smov.u32 s24;
	s23 =	sadd.s32 $0xFFFFFFFF, s18;
	s8 =	sld [smem:$0x7EB]  }
.LBB2_15:
0x1f4: {  	[sflag:s26] =	ssyncset.done $0x0;
	s17 =	sadd.s32 $0x3C000, s17;
	p5 =	sne.s32 s23, $0x1  }
.Ltmp11:
0x1f5: {  	s6 =	sshrl.u32 s17, $0x3;
	[sflag:s26] =	ssyncadd.s32 $0xFFFFF880;
	(pc) =	sbr.rel @p5 .LBB2_15-.Ltmp11, $3  }
0x1f6: {  	[hbm:s20], [sflag:s21] =	dma.local [spmem:s6], $0x780  }
0x1f7: {  	s23 =	sadd.s32 $0xFFFFFFFF, s23;
	_ =	sdelay $0x1  }
0x1f8: {  	s20 =	sadd.s32 $0x7800, s20;
	_ =	swait.ge [sflag:s26], $0x780  }
.Ltmp12:
0x1f9: {  	_ = 	snop;
	(pc) =	sbr.rel .LBB2_16-.Ltmp12, $1  }
0x1fa: {  	_ =	sdelay $0x3  }
.LBB2_11:
0x1fb: {  	s24 =	rddreg [dreg:$0x18]  }
0x1fc: {  	s9 =	rddreg [dreg:$0x14];
	s6 =	sshrl.u32 s24, $0x3  }
0x1fd: {  	[hbm:s9], [sflag:s21] =	dma.local [spmem:s6], $0x780  }
0x1fe: {  	s18 =	rddreg [dreg:$0x10]  }
0x1ff: {  	p5 =	sne.s32 s18, $0x1  }
.Ltmp13:
0x200: {  	_ = 	snop;
	(pc) =	sbr.rel @!p5 .LBB2_13-.Ltmp13, $3  }
0x201: {  	_ =	sdelay $0x1  }
0x202: {  	s20 =	sadd.s32 $0x7800, s9;
	_ =	swait.ge [sflag:s26], $0x780  }
0x203: {  	s17 =	smov.u32 s24;
	s23 =	sadd.s32 $0xFFFFFFFF, s18;
	s8 =	sld [smem:$0x7EB]  }
.LBB2_12:
0x204: {  	[sflag:s26] =	ssyncset.done $0x0;
	s17 =	sadd.s32 $0x3C000, s17;
	p5 =	sne.s32 s23, $0x1  }
.Ltmp14:
0x205: {  	s6 =	sshrl.u32 s17, $0x3;
	[sflag:s26] =	ssyncadd.s32 $0xFFFFF880;
	(pc) =	sbr.rel @p5 .LBB2_12-.Ltmp14, $3  }
0x206: {  	[hbm:s20], [sflag:s21] =	dma.local [spmem:s6], $0x780  }
0x207: {  	s23 =	sadd.s32 $0xFFFFFFFF, s23;
	_ =	sdelay $0x1  }
0x208: {  	s20 =	sadd.s32 $0x7800, s20;
	_ =	swait.ge [sflag:s26], $0x780  }
.LBB2_13:
0x209: {  	[sflag:s26] =	ssyncset.done $0x0  }
0x20a: {  	s6 =	simm.s32 @p2 $0x1C4A;
	s9 =	rddreg [dreg:$0x8];
	[sflag:s26] =	ssyncadd.s32 $0xFFFFF880  }
0x20b: {  	[hbm:s9], [sflag:s6] =	dma.local @p2 [spmem:s19], $0x4F0  }
0x20c: {  	s6 =	simm.s32 @p2 $0xA  }
0x20d: {  	_ =	swait.ge @p2 [sflag:s6], $0x4F0  }
0x20e: {  	[sflag:s6] =	ssyncset.done @p2 $0x0  }
0x20f: {  	s9 =	rddreg [dreg:$0x13];
	[sflag:s6] =	ssyncadd.s32 @p2 $0xFFFFFB10;
	s6 =	simm.s32 @!p4 $0x1C0A  }
0x210: {  	[hbm:s9], [sflag:s6] =	dma.local @!p4 [spmem:s11], $0x280  }
.Ltmp15:
0x211: {  	_ = 	snop;
	(pc) =	sbr.rel .LBB2_17-.Ltmp15, $4  }
0x212: {  	s6 =	simm.s32 @!p4 $0xA  }
0x213: {  	_ =	swait.ge @!p4 [sflag:s6], $0x280  }
0x214: {  	[sflag:s6] =	ssyncset.done @!p4 $0x0  }
0x215: {  	[sflag:s6] =	ssyncadd.s32 @!p4 $0xFFFFFD80  }
.LBB2_18:
0x216: {  	_ =	sfence.sel $0x180000  }
0x217: {  	[bflag:$0x0] =	sbarrier.arrive $0xFFFF  }
0x218: {  	_ =	strace $0x90000047  }
0x219: {  	[bflag:$0x2] =	sbarrier.arrive $0xFFFF  }
0x21a: {  	s0 =	rddreg [dreg:$0x5]  }
0x21b: {  	s0 =	sadd.s32 @!p1 $0x100000, s0  }
0x21c: {  	[sflag:s0] =	ssyncadd.tile.s32 @!p1 $0x1;
	_ =	shalt  }
.Lfunc_end2:
_tile_overlayer_lowered:
.L_overlay_start_2:
0x21d: {  	(tag) =	ssettag $0x2  }
0x21e: {  	s0 =	rddreg [dreg:$0x0];
	s2 =	stileid.u32  }
0x21f: {  	s1 =	rddreg [dreg:$0x1];
	p0 =	sne.s32 s2, $0x0  }
0x220: {  	s3 =	rddreg [dreg:$0x2];
	[bflag:$0x3] =	sbarrier.arrive $0xFFFF;
	s2 =	simm.s32 @!p0 $0x1C0A  }
0x221: {  	[timem:s3], [sflag:s2] =	dma.local @!p0 [hbm:s0], s1  }
0x222: {  	s0 =	simm.s32 @!p0 $0xA  }
0x223: {  	_ =	swait.ge @!p0 [sflag:s0], s1  }
0x224: {  	s1 =	ssub.s32 @!p0 $0x0, s1;
	[sflag:s0] =	ssyncset.done @!p0 $0x0  }
0x225: {  	[sflag:s0] =	ssyncadd.s32 @!p0 s1  }
0x226: {  	[bflag:$0x3] =	sbarrier.arrive $0xFFFF  }
0x227: {  	_ =	shalt  }

</sc_bundles>
